<compile_context>
chip_gen: v7x
topology: tpu7x:2x2x1
jax: 0.10.2.dev20260603
libtpu: 0.0.44.dev20260713+nightly
codegen_flags: <defaults>
</compile_context>

<pallas_src>
import functools

import jax
import jax.numpy as jnp
from jax import lax
from jax.experimental import pallas as pl
from jax.experimental.pallas import tpu as pltpu
from jax.experimental.pallas import tpu_sc as plsc

_N, _D, _H, _L, _NG, _E = 10000, 128, 128, 64, 64, 320000
_NP = 10240
_NC, _NS = 2, 16
_NTILE = _NC * _NS
_EPT = _E // _NTILE
_K = 100
_NCHUNK = _EPT // _K
_W = 25
_NW = _NCHUNK // _W
_ROWS_PT = _NP // _NS


def _mp_round(h, src_r, dst_r, zeros_blk):
    mesh = plsc.VectorSubcoreMesh(
        core_axis_name="c", subcore_axis_name="s",
        num_cores=_NC, num_subcores=_NS)

    @functools.partial(
        pl.kernel,
        mesh=mesh,
        out_type=jax.ShapeDtypeStruct((_NC, _NP, _H), jnp.float32),
        scratch_types=[
            pltpu.VMEM((_W, _K), jnp.int32),
            pltpu.VMEM((_W, _K), jnp.int32),
            pltpu.VMEM((_W, _K), jnp.int32),
            pltpu.VMEM((_W, _K), jnp.int32),
            pltpu.VMEM((_K, _H), jnp.float32),
            pltpu.VMEM((_K, _H), jnp.float32),
            pltpu.VMEM_SHARED((_NP, _H), jnp.float32),
            pltpu.SemaphoreType.DMA,
            pltpu.SemaphoreType.DMA,
            pltpu.SemaphoreType.DMA,
            pltpu.SemaphoreType.DMA,
        ],
    )
    def body(h_hbm, src_hbm, dst_hbm, z_hbm, out_hbm,
             si0, si1, di0, di1, buf0, buf1, agg_sh,
             gsem0, gsem1, isem0, isem1):
        c = lax.axis_index("c")
        s = lax.axis_index("s")
        wid = s * _NC + c
        base = wid * _NW
        iwins = [(si0, di0, isem0), (si1, di1, isem1)]
        pltpu.async_copy(src_hbm.at[base], si0, isem0)
        pltpu.async_copy(dst_hbm.at[base], di0, isem0)
        pltpu.sync_copy(z_hbm, agg_sh.at[pl.ds(s * _ROWS_PT, _ROWS_PT)])
        plsc.subcore_barrier()

        for w in range(_NW):
            siw, diw, isw = iwins[w % 2]
            pltpu.make_async_copy(src_hbm.at[base], siw, isw).wait()
            pltpu.make_async_copy(dst_hbm.at[base], diw, isw).wait()
            if w + 1 < _NW:
                sin_, din_, isn = iwins[(w + 1) % 2]
                pltpu.async_copy(src_hbm.at[base + w + 1], sin_, isn)
                pltpu.async_copy(dst_hbm.at[base + w + 1], din_, isn)

            def gath(j, buf, sem):
                pltpu.async_copy(h_hbm.at[siw.at[j]], buf, sem)

            def gwait(buf, sem):
                pltpu.make_async_copy(h_hbm.at[siw.at[0]], buf, sem).wait()

            def scat(j, buf):
                pltpu.sync_copy(buf, agg_sh.at[diw.at[j]], add=True)

            gath(0, buf0, gsem0)

            def step(i, carry):
                j = 2 * i
                gath(j + 1, buf1, gsem1)
                gwait(buf0, gsem0)
                scat(j, buf0)
                gath(j + 2, buf0, gsem0)
                gwait(buf1, gsem1)
                scat(j + 1, buf1)
                return carry

            lax.fori_loop(0, (_W - 1) // 2, step, 0)
            gwait(buf0, gsem0)
            scat(_W - 1, buf0)
        plsc.subcore_barrier()
        pltpu.sync_copy(agg_sh.at[pl.ds(s * _ROWS_PT, _ROWS_PT)],
                        out_hbm.at[c, pl.ds(s * _ROWS_PT, _ROWS_PT)])

    return body(h, src_r, dst_r, zeros_blk)


_BLK = 2048


def _mm_relu(x, W, b, out_dtype=jnp.float32):
    def body(x_ref, w_ref, b_ref, o_ref):
        acc = lax.dot_general(x_ref[...], w_ref[...],
                              (((1,), (1,)), ((), ())),
                              preferred_element_type=jnp.float32)
        o_ref[...] = jnp.maximum(acc + b_ref[...], 0.0).astype(out_dtype)

    return pl.pallas_call(
        body,
        grid=(_NP // _BLK,),
        in_specs=[
            pl.BlockSpec((_BLK, _D), lambda i: (i, 0)),
            pl.BlockSpec((_H, _D), lambda i: (0, 0)),
            pl.BlockSpec((1, _H), lambda i: (0, 0)),
        ],
        out_specs=pl.BlockSpec((_BLK, _H), lambda i: (i, 0)),
        out_shape=jax.ShapeDtypeStruct((_NP, _H), out_dtype),
    )(x, W, b.reshape(1, _H))


def _mm_relu_sum(p, W, b, out_dtype=jnp.float32):
    def body(p_ref, w_ref, b_ref, o_ref):
        a = (p_ref[0].astype(jnp.float32) + p_ref[1].astype(jnp.float32))
        acc = lax.dot_general(a, w_ref[...],
                              (((1,), (1,)), ((), ())),
                              preferred_element_type=jnp.float32)
        o_ref[...] = jnp.maximum(acc + b_ref[...], 0.0).astype(out_dtype)

    return pl.pallas_call(
        body,
        grid=(_NP // _BLK,),
        in_specs=[
            pl.BlockSpec((2, _BLK, _H), lambda i: (0, i, 0)),
            pl.BlockSpec((_H, _H), lambda i: (0, 0)),
            pl.BlockSpec((1, _H), lambda i: (0, 0)),
        ],
        out_specs=pl.BlockSpec((_BLK, _H), lambda i: (i, 0)),
        out_shape=jax.ShapeDtypeStruct((_NP, _H), out_dtype),
    )(p, W, b.reshape(1, _H))


def _mm_relu_sum_pool_heads(p, W, b, batch_row, Wm, bm, Wl, bl):
    nblk = _NP // _BLK

    def body(p_ref, w_ref, b_ref, br_ref, wm_ref, bm_ref, wl_ref, bl_ref,
             om_ref, ol_ref, acc_ref):
        i = pl.program_id(0)
        a = p_ref[0] + p_ref[1]
        h = jnp.maximum(
            lax.dot_general(a, w_ref[...], (((1,), (1,)), ((), ())),
                            preferred_element_type=jnp.float32)
            + b_ref[...], 0.0)
        gids = lax.broadcasted_iota(jnp.int32, (_NG, _BLK), 0)
        mask = jnp.where(br_ref[...] == gids, 1.0, 0.0)
        part = lax.dot_general(mask, h, (((1,), (0,)), ((), ())),
                               preferred_element_type=jnp.float32)

        @pl.when(i == 0)
        def _():
            acc_ref[...] = part

        @pl.when(i > 0)
        def _():
            acc_ref[...] += part

        @pl.when(i == nblk - 1)
        def _():
            pooled = acc_ref[...]
            om_ref[...] = lax.dot_general(
                pooled, wm_ref[...], (((1,), (1,)), ((), ())),
                preferred_element_type=jnp.float32) + bm_ref[...]
            ol_ref[...] = lax.dot_general(
                pooled, wl_ref[...], (((1,), (1,)), ((), ())),
                preferred_element_type=jnp.float32) + bl_ref[...]

    return pl.pallas_call(
        body,
        grid=(nblk,),
        in_specs=[
            pl.BlockSpec((2, _BLK, _H), lambda i: (0, i, 0)),
            pl.BlockSpec((_H, _H), lambda i: (0, 0)),
            pl.BlockSpec((1, _H), lambda i: (0, 0)),
            pl.BlockSpec((1, _BLK), lambda i: (0, i)),
            pl.BlockSpec((_L, _H), lambda i: (0, 0)),
            pl.BlockSpec((1, _L), lambda i: (0, 0)),
            pl.BlockSpec((_L, _H), lambda i: (0, 0)),
            pl.BlockSpec((1, _L), lambda i: (0, 0)),
        ],
        out_specs=[pl.BlockSpec((_NG, _L), lambda i: (0, 0)),
                   pl.BlockSpec((_NG, _L), lambda i: (0, 0))],
        out_shape=[jax.ShapeDtypeStruct((_NG, _L), jnp.float32),
                   jax.ShapeDtypeStruct((_NG, _L), jnp.float32)],
        scratch_shapes=[pltpu.VMEM((_NG, _H), jnp.float32)],
    )(p, W, b.reshape(1, _H), batch_row, Wm, bm.reshape(1, _L),
      Wl, bl.reshape(1, _L))


def kernel(x, edge_index, batch, W_in, b_in, W1, b1, W2, b2, W3, b3,
           W_mean, b_mean, W_logvar, b_logvar):
    src_r = edge_index[0].reshape(_NTILE * _NW, _W, _K)
    dst_r = edge_index[1].reshape(_NTILE * _NW, _W, _K)
    zeros_blk = jnp.zeros((_ROWS_PT, _H), dtype=jnp.float32)
    x_pad = jnp.pad(x, ((0, _NP - _N), (0, 0)))
    batch_row = jnp.pad(batch.astype(jnp.int32), (0, _NP - _N),
                        constant_values=_NG).reshape(1, _NP)

    h = _mm_relu(x_pad, W_in, b_in)
    for W, b in ((W1, b1), (W2, b2)):
        p = _mp_round(h, src_r, dst_r, zeros_blk)
        h = _mm_relu_sum(p, W, b)
    p = _mp_round(h, src_r, dst_r, zeros_blk)
    z_mean, z_logvar = _mm_relu_sum_pool_heads(
        p, W3, b3, batch_row, W_mean, b_mean, W_logvar, b_logvar)
    return (z_mean, z_logvar)

# --- scband reference (transcript-rebuilt; emitter-appended) ---
"""Pipeline reference for scband-graph-encoder-82214263980519 (READ-ONLY COPY).

The authoritative reference and input builder live on the scoring server;
editing this copy changes nothing except your own understanding.
"""

import jax, jax.numpy as jnp
import numpy as np

N, D, H, L, NG, E = 10000, 128, 128, 64, 64, 320000

def setup_inputs(seed: int = 0) -> dict:
    key = jax.random.key(seed)
    ks = jax.random.split(key, 16)
    x = jax.random.normal(ks[0], (N, D), dtype=jnp.float32)
    edge_index = jax.random.randint(ks[1], (2, E), 0, N)
    batch = jnp.sort(jax.random.randint(ks[2], (N,), 0, NG))
    def lin(k, out_d, in_d):
        kw, kb = jax.random.split(k)
        W = jax.random.normal(kw, (out_d, in_d), dtype=jnp.float32) * (1.0 / np.sqrt(in_d))
        b = jax.random.normal(kb, (out_d,), dtype=jnp.float32) * 0.01
        return W, b
    W_in, b_in = lin(ks[3], H, D)
    W1, b1 = lin(ks[4], H, H)
    W2, b2 = lin(ks[5], H, H)
    W3, b3 = lin(ks[6], H, H)
    W_mean, b_mean = lin(ks[7], L, H)
    W_logvar, b_logvar = lin(ks[8], L, H)
    return {"x": x, "edge_index": edge_index, "batch": batch,
            "W_in": W_in, "b_in": b_in,
            "W1": W1, "b1": b1, "W2": W2, "b2": b2, "W3": W3, "b3": b3,
            "W_mean": W_mean, "b_mean": b_mean,
            "W_logvar": W_logvar, "b_logvar": b_logvar}

def _message_pass(h, src, dst, W, b):
    # GraphMessagePassing: gather source features along edges, scatter-add to dst,
    # then linear projection + ReLU
    msgs = h[src]
    agg = jnp.zeros_like(h).at[dst].add(msgs)
    return jax.nn.relu(agg @ W.T + b)

def reference(x, edge_index, batch, W_in, b_in, W1, b1, W2, b2, W3, b3, W_mean, b_mean, W_logvar, b_logvar):
    src, dst = edge_index[0], edge_index[1]
    h = jax.nn.relu(x @ W_in.T + b_in)
    for W, b in ((W1, b1), (W2, b2), (W3, b3)):
        h = _message_pass(h, src, dst, W, b)
    num_graphs = NG
    graph_embedding = jnp.zeros((num_graphs, h.shape[1]), dtype=h.dtype).at[batch].add(h)
    z_mean = graph_embedding @ W_mean.T + b_mean
    z_logvar = graph_embedding @ W_logvar.T + b_logvar
    return (z_mean, z_logvar)

if __name__ == "__main__":
    import jax
    _d = setup_inputs()
    print(jax.jit(kernel)(*tuple(_d.values())))

</pallas_src>

<mosaic_0001>
#map = affine_map<(d0, d1) -> (0, 0)>
#map1 = affine_map<(d0, d1) -> (0, 0, 0)>
module attributes {stable_mosaic.version = 14 : i64} {
  func.func @body(%arg0: i32, %arg1: i32, %arg2: memref<10240x128xf32, #tpu.memory_space<hbm>>, %arg3: memref<128x25x100xi32, #tpu.memory_space<hbm>>, %arg4: memref<128x25x100xi32, #tpu.memory_space<hbm>>, %arg5: memref<640x128xf32, #tpu.memory_space<hbm>>, %arg6: memref<2x10240x128xf32, #tpu.memory_space<hbm>>, %arg7: memref<25x100xi32, #tpu.memory_space<vmem>>, %arg8: memref<25x100xi32, #tpu.memory_space<vmem>>, %arg9: memref<25x100xi32, #tpu.memory_space<vmem>>, %arg10: memref<25x100xi32, #tpu.memory_space<vmem>>, %arg11: memref<100x128xf32, #tpu.memory_space<vmem>>, %arg12: memref<100x128xf32, #tpu.memory_space<vmem>>, %arg13: memref<10240x128xf32, #tpu.memory_space<vmem_shared>>, %arg14: memref<!tpu.dma_semaphore, #tpu.memory_space<semaphore_mem>>, %arg15: memref<!tpu.dma_semaphore, #tpu.memory_space<semaphore_mem>>, %arg16: memref<!tpu.dma_semaphore, #tpu.memory_space<semaphore_mem>>, %arg17: memref<!tpu.dma_semaphore, #tpu.memory_space<semaphore_mem>>) attributes {dimension_semantics = [#tpu.dimension_semantics<core_parallel>, #tpu.dimension_semantics<subcore_parallel>], iteration_bounds = array<i64: 2, 16>, scalar_prefetch = 0 : i64, scratch_operands = 11 : i64, tpu.core_type = #tpu.core_type<sc_vector_subcore>, window_params = [{transform_indices = #map}, {transform_indices = #map1}, {transform_indices = #map1}, {transform_indices = #map}, {transform_indices = #map1}]} {
    %mul3A = arith.constant 2 : i32
    %mul3A_0 = arith.muli %arg1, %mul3A : i32
    %add3A = arith.addi %mul3A_0, %arg0 : i32
    %mul3A_1 = arith.constant 4 : i32
    %mul3A_2 = arith.muli %add3A, %mul3A_1 : i32
    %dma_start3A = arith.constant 0 : i32
    %dma_start3A_3 = arith.constant 0 : i32
    %dma_start3A_4 = tpu.memref_slice %arg3[%mul3A_2, %dma_start3A, %dma_start3A_3] : memref<128x25x100xi32, #tpu.memory_space<hbm>> -> memref<1x25x100xi32, #tpu.memory_space<hbm>>
    %dma_start3A_5 = tpu.memref_squeeze %dma_start3A_4 : memref<1x25x100xi32, #tpu.memory_space<hbm>> -> memref<25x100xi32, #tpu.memory_space<hbm>>
    %dma_start3A_6 = arith.constant 0 : i32
    %dma_start3A_7 = arith.constant 0 : i32
    %dma_start3A_8 = tpu.memref_slice %arg3[%mul3A_2, %dma_start3A_6, %dma_start3A_7] : memref<128x25x100xi32, #tpu.memory_space<hbm>> -> memref<1x25x100xi32, #tpu.memory_space<hbm>>
    %dma_start3A_9 = tpu.memref_squeeze %dma_start3A_8 : memref<1x25x100xi32, #tpu.memory_space<hbm>> -> memref<25x100xi32, #tpu.memory_space<hbm>>
    tpu.enqueue_dma source(%dma_start3A_9 : memref<25x100xi32, #tpu.memory_space<hbm>>) target(%arg7 : memref<25x100xi32, #tpu.memory_space<vmem>>) target_semaphore(%arg16 : memref<!tpu.dma_semaphore, #tpu.memory_space<semaphore_mem>>)
    %dma_start3A_10 = arith.constant 0 : i32
    %dma_start3A_11 = arith.constant 0 : i32
    %dma_start3A_12 = tpu.memref_slice %arg4[%mul3A_2, %dma_start3A_10, %dma_start3A_11] : memref<128x25x100xi32, #tpu.memory_space<hbm>> -> memref<1x25x100xi32, #tpu.memory_space<hbm>>
    %dma_start3A_13 = tpu.memref_squeeze %dma_start3A_12 : memref<1x25x100xi32, #tpu.memory_space<hbm>> -> memref<25x100xi32, #tpu.memory_space<hbm>>
    %dma_start3A_14 = arith.constant 0 : i32
    %dma_start3A_15 = arith.constant 0 : i32
    %dma_start3A_16 = tpu.memref_slice %arg4[%mul3A_2, %dma_start3A_14, %dma_start3A_15] : memref<128x25x100xi32, #tpu.memory_space<hbm>> -> memref<1x25x100xi32, #tpu.memory_space<hbm>>
    %dma_start3A_17 = tpu.memref_squeeze %dma_start3A_16 : memref<1x25x100xi32, #tpu.memory_space<hbm>> -> memref<25x100xi32, #tpu.memory_space<hbm>>
    tpu.enqueue_dma source(%dma_start3A_17 : memref<25x100xi32, #tpu.memory_space<hbm>>) target(%arg9 : memref<25x100xi32, #tpu.memory_space<vmem>>) target_semaphore(%arg16 : memref<!tpu.dma_semaphore, #tpu.memory_space<semaphore_mem>>)
    %mul3A_18 = arith.constant 640 : i32
    %mul3A_19 = arith.muli %arg1, %mul3A_18 : i32
    "tpu.region"() ({
      %run_scoped3A_242 = tpu.sem_alloc : memref<!tpu.dma_semaphore, #tpu.memory_space<semaphore_mem>>
      %dma_start3A_243 = arith.constant 0 : i32
      %dma_start3A_244 = tpu.memref_slice %arg13[%mul3A_19, %dma_start3A_243] : memref<10240x128xf32, #tpu.memory_space<vmem_shared>> -> memref<640x128xf32, #tpu.memory_space<vmem_shared>>
      tpu.enqueue_dma source(%arg5 : memref<640x128xf32, #tpu.memory_space<hbm>>) target(%dma_start3A_244 : memref<640x128xf32, #tpu.memory_space<vmem_shared>>) target_semaphore(%run_scoped3A_242 : memref<!tpu.dma_semaphore, #tpu.memory_space<semaphore_mem>>)
      %dma_wait3A_245 = arith.constant 0 : i32
      %dma_wait3A_246 = tpu.memref_slice %arg13[%mul3A_19, %dma_wait3A_245] : memref<10240x128xf32, #tpu.memory_space<vmem_shared>> -> memref<640x128xf32, #tpu.memory_space<vmem_shared>>
      tpu.wait_dma2 semaphore(%run_scoped3A_242 : memref<!tpu.dma_semaphore, #tpu.memory_space<semaphore_mem>>) src(%arg5 : memref<640x128xf32, #tpu.memory_space<hbm>>) dst(%dma_wait3A_246 : memref<640x128xf32, #tpu.memory_space<vmem_shared>>)
      tpu.yield
    }) : () -> ()
    %barrier3A = arith.constant 0 : index
    tpu.barrier barrier_id(%barrier3A)
    %dma_wait3A = arith.constant 0 : i32
    %dma_wait3A_20 = arith.constant 0 : i32
    %dma_wait3A_21 = tpu.memref_slice %arg3[%mul3A_2, %dma_wait3A, %dma_wait3A_20] : memref<128x25x100xi32, #tpu.memory_space<hbm>> -> memref<1x25x100xi32, #tpu.memory_space<hbm>>
    %dma_wait3A_22 = tpu.memref_squeeze %dma_wait3A_21 : memref<1x25x100xi32, #tpu.memory_space<hbm>> -> memref<25x100xi32, #tpu.memory_space<hbm>>
    %dma_wait3A_23 = arith.constant 0 : i32
    %dma_wait3A_24 = arith.constant 0 : i32
    %dma_wait3A_25 = tpu.memref_slice %arg3[%mul3A_2, %dma_wait3A_23, %dma_wait3A_24] : memref<128x25x100xi32, #tpu.memory_space<hbm>> -> memref<1x25x100xi32, #tpu.memory_space<hbm>>
    %dma_wait3A_26 = tpu.memref_squeeze %dma_wait3A_25 : memref<1x25x100xi32, #tpu.memory_space<hbm>> -> memref<25x100xi32, #tpu.memory_space<hbm>>
    tpu.wait_dma2 semaphore(%arg16 : memref<!tpu.dma_semaphore, #tpu.memory_space<semaphore_mem>>) src(%dma_wait3A_26 : memref<25x100xi32, #tpu.memory_space<hbm>>) dst(%arg7 : memref<25x100xi32, #tpu.memory_space<vmem>>)
    %dma_wait3A_27 = arith.constant 0 : i32
    %dma_wait3A_28 = arith.constant 0 : i32
    %dma_wait3A_29 = tpu.memref_slice %arg4[%mul3A_2, %dma_wait3A_27, %dma_wait3A_28] : memref<128x25x100xi32, #tpu.memory_space<hbm>> -> memref<1x25x100xi32, #tpu.memory_space<hbm>>
    %dma_wait3A_30 = tpu.memref_squeeze %dma_wait3A_29 : memref<1x25x100xi32, #tpu.memory_space<hbm>> -> memref<25x100xi32, #tpu.memory_space<hbm>>
    %dma_wait3A_31 = arith.constant 0 : i32
    %dma_wait3A_32 = arith.constant 0 : i32
    %dma_wait3A_33 = tpu.memref_slice %arg4[%mul3A_2, %dma_wait3A_31, %dma_wait3A_32] : memref<128x25x100xi32, #tpu.memory_space<hbm>> -> memref<1x25x100xi32, #tpu.memory_space<hbm>>
    %dma_wait3A_34 = tpu.memref_squeeze %dma_wait3A_33 : memref<1x25x100xi32, #tpu.memory_space<hbm>> -> memref<25x100xi32, #tpu.memory_space<hbm>>
    tpu.wait_dma2 semaphore(%arg16 : memref<!tpu.dma_semaphore, #tpu.memory_space<semaphore_mem>>) src(%dma_wait3A_34 : memref<25x100xi32, #tpu.memory_space<hbm>>) dst(%arg9 : memref<25x100xi32, #tpu.memory_space<vmem>>)
    %add3A_35 = arith.constant 0 : i32
    %add3A_36 = arith.addi %mul3A_2, %add3A_35 : i32
    %add3A_37 = arith.constant 1 : i32
    %add3A_38 = arith.addi %add3A_36, %add3A_37 : i32
    %dma_start3A_39 = arith.constant 0 : i32
    %dma_start3A_40 = arith.constant 0 : i32
    %dma_start3A_41 = tpu.memref_slice %arg3[%add3A_38, %dma_start3A_39, %dma_start3A_40] : memref<128x25x100xi32, #tpu.memory_space<hbm>> -> memref<1x25x100xi32, #tpu.memory_space<hbm>>
    %dma_start3A_42 = tpu.memref_squeeze %dma_start3A_41 : memref<1x25x100xi32, #tpu.memory_space<hbm>> -> memref<25x100xi32, #tpu.memory_space<hbm>>
    %dma_start3A_43 = arith.constant 0 : i32
    %dma_start3A_44 = arith.constant 0 : i32
    %dma_start3A_45 = tpu.memref_slice %arg3[%add3A_38, %dma_start3A_43, %dma_start3A_44] : memref<128x25x100xi32, #tpu.memory_space<hbm>> -> memref<1x25x100xi32, #tpu.memory_space<hbm>>
    %dma_start3A_46 = tpu.memref_squeeze %dma_start3A_45 : memref<1x25x100xi32, #tpu.memory_space<hbm>> -> memref<25x100xi32, #tpu.memory_space<hbm>>
    tpu.enqueue_dma source(%dma_start3A_46 : memref<25x100xi32, #tpu.memory_space<hbm>>) target(%arg8 : memref<25x100xi32, #tpu.memory_space<vmem>>) target_semaphore(%arg17 : memref<!tpu.dma_semaphore, #tpu.memory_space<semaphore_mem>>)
    %add3A_47 = arith.constant 0 : i32
    %add3A_48 = arith.addi %mul3A_2, %add3A_47 : i32
    %add3A_49 = arith.constant 1 : i32
    %add3A_50 = arith.addi %add3A_48, %add3A_49 : i32
    %dma_start3A_51 = arith.constant 0 : i32
    %dma_start3A_52 = arith.constant 0 : i32
    %dma_start3A_53 = tpu.memref_slice %arg4[%add3A_50, %dma_start3A_51, %dma_start3A_52] : memref<128x25x100xi32, #tpu.memory_space<hbm>> -> memref<1x25x100xi32, #tpu.memory_space<hbm>>
    %dma_start3A_54 = tpu.memref_squeeze %dma_start3A_53 : memref<1x25x100xi32, #tpu.memory_space<hbm>> -> memref<25x100xi32, #tpu.memory_space<hbm>>
    %dma_start3A_55 = arith.constant 0 : i32
    %dma_start3A_56 = arith.constant 0 : i32
    %dma_start3A_57 = tpu.memref_slice %arg4[%add3A_50, %dma_start3A_55, %dma_start3A_56] : memref<128x25x100xi32, #tpu.memory_space<hbm>> -> memref<1x25x100xi32, #tpu.memory_space<hbm>>
    %dma_start3A_58 = tpu.memref_squeeze %dma_start3A_57 : memref<1x25x100xi32, #tpu.memory_space<hbm>> -> memref<25x100xi32, #tpu.memory_space<hbm>>
    tpu.enqueue_dma source(%dma_start3A_58 : memref<25x100xi32, #tpu.memory_space<hbm>>) target(%arg10 : memref<25x100xi32, #tpu.memory_space<vmem>>) target_semaphore(%arg17 : memref<!tpu.dma_semaphore, #tpu.memory_space<semaphore_mem>>)
    %dma_start3A_59 = arith.constant 0 : i32
    %dma_start3A_60 = arith.constant 0 : i32
    %dma_start3A_61 = tpu.memref_slice %arg7[%dma_start3A_59, %dma_start3A_60] : memref<25x100xi32, #tpu.memory_space<vmem>> -> memref<1x100xi32, #tpu.memory_space<vmem>>
    %dma_start3A_62 = tpu.memref_squeeze %dma_start3A_61 : memref<1x100xi32, #tpu.memory_space<vmem>> -> memref<100xi32, #tpu.memory_space<vmem>>
    %dma_start3A_63 = arith.constant 0 : i32
    %dma_start3A_64 = arith.constant 0 : i32
    %dma_start3A_65 = tpu.memref_slice %arg2[%dma_start3A_63, %dma_start3A_64] : memref<10240x128xf32, #tpu.memory_space<hbm>> -> memref<10240x128xf32, #tpu.memory_space<hbm>>
    tpu.enqueue_indirect_dma source(%dma_start3A_65 : memref<10240x128xf32, #tpu.memory_space<hbm>>) target(%arg11 : memref<100x128xf32, #tpu.memory_space<vmem>>) offsets(%dma_start3A_62 : memref<100xi32, #tpu.memory_space<vmem>>) semaphore(%arg14 : memref<!tpu.dma_semaphore, #tpu.memory_space<semaphore_mem>>)
    %scan3A = arith.constant 0 : i32
    %scan3A_66 = arith.constant 0 : i32
    %scan3A_67 = arith.constant 12 : i32
    %scan3A_68 = arith.addi %scan3A_66, %scan3A_67 : i32
    %scan3A_69 = arith.constant 1 : i32
    scf.for %scan3A_242 = %scan3A_66 to %scan3A_68 step %scan3A_69  : i32 {
      %mul3A_243 = arith.constant 2 : i32
      %mul3A_244 = arith.muli %mul3A_243, %scan3A_242 : i32
      %add3A_245 = arith.constant 1 : i32
      %add3A_246 = arith.addi %mul3A_244, %add3A_245 : i32
      %dma_start3A_247 = arith.constant 0 : i32
      %dma_start3A_248 = tpu.memref_slice %arg7[%add3A_246, %dma_start3A_247] : memref<25x100xi32, #tpu.memory_space<vmem>> -> memref<1x100xi32, #tpu.memory_space<vmem>>
      %dma_start3A_249 = tpu.memref_squeeze %dma_start3A_248 : memref<1x100xi32, #tpu.memory_space<vmem>> -> memref<100xi32, #tpu.memory_space<vmem>>
      %dma_start3A_250 = arith.constant 0 : i32
      %dma_start3A_251 = arith.constant 0 : i32
      %dma_start3A_252 = tpu.memref_slice %arg2[%dma_start3A_250, %dma_start3A_251] : memref<10240x128xf32, #tpu.memory_space<hbm>> -> memref<10240x128xf32, #tpu.memory_space<hbm>>
      tpu.enqueue_indirect_dma source(%dma_start3A_252 : memref<10240x128xf32, #tpu.memory_space<hbm>>) target(%arg12 : memref<100x128xf32, #tpu.memory_space<vmem>>) offsets(%dma_start3A_249 : memref<100xi32, #tpu.memory_space<vmem>>) semaphore(%arg15 : memref<!tpu.dma_semaphore, #tpu.memory_space<semaphore_mem>>)
      %dma_wait3A_253 = arith.constant 0 : i32
      %dma_wait3A_254 = arith.constant 0 : i32
      %dma_wait3A_255 = tpu.memref_slice %arg7[%dma_wait3A_253, %dma_wait3A_254] : memref<25x100xi32, #tpu.memory_space<vmem>> -> memref<1x100xi32, #tpu.memory_space<vmem>>
      %dma_wait3A_256 = tpu.memref_squeeze %dma_wait3A_255 : memref<1x100xi32, #tpu.memory_space<vmem>> -> memref<100xi32, #tpu.memory_space<vmem>>
      %dma_wait3A_257 = arith.constant 0 : i32
      %dma_wait3A_258 = arith.constant 0 : i32
      %dma_wait3A_259 = tpu.memref_slice %arg2[%dma_wait3A_257, %dma_wait3A_258] : memref<10240x128xf32, #tpu.memory_space<hbm>> -> memref<10240x128xf32, #tpu.memory_space<hbm>>
      tpu.wait_indirect_dma semaphore(%arg14 : memref<!tpu.dma_semaphore, #tpu.memory_space<semaphore_mem>>) src(%dma_wait3A_259 : memref<10240x128xf32, #tpu.memory_space<hbm>>) dst(%arg11 : memref<100x128xf32, #tpu.memory_space<vmem>>)
      "tpu.region"() ({
        %run_scoped3A_277 = tpu.sem_alloc : memref<!tpu.dma_semaphore, #tpu.memory_space<semaphore_mem>>
        %dma_start3A_278 = arith.constant 0 : i32
        %dma_start3A_279 = tpu.memref_slice %arg9[%mul3A_244, %dma_start3A_278] : memref<25x100xi32, #tpu.memory_space<vmem>> -> memref<1x100xi32, #tpu.memory_space<vmem>>
        %dma_start3A_280 = tpu.memref_squeeze %dma_start3A_279 : memref<1x100xi32, #tpu.memory_space<vmem>> -> memref<100xi32, #tpu.memory_space<vmem>>
        %dma_start3A_281 = arith.constant 0 : i32
        %dma_start3A_282 = arith.constant 0 : i32
        %dma_start3A_283 = tpu.memref_slice %arg13[%dma_start3A_281, %dma_start3A_282] : memref<10240x128xf32, #tpu.memory_space<vmem_shared>> -> memref<10240x128xf32, #tpu.memory_space<vmem_shared>>
        tpu.enqueue_indirect_dma source(%arg11 : memref<100x128xf32, #tpu.memory_space<vmem>>) target(%dma_start3A_283 : memref<10240x128xf32, #tpu.memory_space<vmem_shared>>) offsets(%dma_start3A_280 : memref<100xi32, #tpu.memory_space<vmem>>) semaphore(%run_scoped3A_277 : memref<!tpu.dma_semaphore, #tpu.memory_space<semaphore_mem>>) {add = true}
        %dma_wait3A_284 = arith.constant 0 : i32
        %dma_wait3A_285 = tpu.memref_slice %arg9[%mul3A_244, %dma_wait3A_284] : memref<25x100xi32, #tpu.memory_space<vmem>> -> memref<1x100xi32, #tpu.memory_space<vmem>>
        %dma_wait3A_286 = tpu.memref_squeeze %dma_wait3A_285 : memref<1x100xi32, #tpu.memory_space<vmem>> -> memref<100xi32, #tpu.memory_space<vmem>>
        %dma_wait3A_287 = arith.constant 0 : i32
        %dma_wait3A_288 = arith.constant 0 : i32
        %dma_wait3A_289 = tpu.memref_slice %arg13[%dma_wait3A_287, %dma_wait3A_288] : memref<10240x128xf32, #tpu.memory_space<vmem_shared>> -> memref<10240x128xf32, #tpu.memory_space<vmem_shared>>
        tpu.wait_indirect_dma semaphore(%run_scoped3A_277 : memref<!tpu.dma_semaphore, #tpu.memory_space<semaphore_mem>>) src(%arg11 : memref<100x128xf32, #tpu.memory_space<vmem>>) dst(%dma_wait3A_289 : memref<10240x128xf32, #tpu.memory_space<vmem_shared>>)
        tpu.yield
      }) : () -> ()
      %add3A_260 = arith.constant 2 : i32
      %add3A_261 = arith.addi %mul3A_244, %add3A_260 : i32
      %dma_start3A_262 = arith.constant 0 : i32
      %dma_start3A_263 = tpu.memref_slice %arg7[%add3A_261, %dma_start3A_262] : memref<25x100xi32, #tpu.memory_space<vmem>> -> memref<1x100xi32, #tpu.memory_space<vmem>>
      %dma_start3A_264 = tpu.memref_squeeze %dma_start3A_263 : memref<1x100xi32, #tpu.memory_space<vmem>> -> memref<100xi32, #tpu.memory_space<vmem>>
      %dma_start3A_265 = arith.constant 0 : i32
      %dma_start3A_266 = arith.constant 0 : i32
      %dma_start3A_267 = tpu.memref_slice %arg2[%dma_start3A_265, %dma_start3A_266] : memref<10240x128xf32, #tpu.memory_space<hbm>> -> memref<10240x128xf32, #tpu.memory_space<hbm>>
      tpu.enqueue_indirect_dma source(%dma_start3A_267 : memref<10240x128xf32, #tpu.memory_space<hbm>>) target(%arg11 : memref<100x128xf32, #tpu.memory_space<vmem>>) offsets(%dma_start3A_264 : memref<100xi32, #tpu.memory_space<vmem>>) semaphore(%arg14 : memref<!tpu.dma_semaphore, #tpu.memory_space<semaphore_mem>>)
      %dma_wait3A_268 = arith.constant 0 : i32
      %dma_wait3A_269 = arith.constant 0 : i32
      %dma_wait3A_270 = tpu.memref_slice %arg7[%dma_wait3A_268, %dma_wait3A_269] : memref<25x100xi32, #tpu.memory_space<vmem>> -> memref<1x100xi32, #tpu.memory_space<vmem>>
      %dma_wait3A_271 = tpu.memref_squeeze %dma_wait3A_270 : memref<1x100xi32, #tpu.memory_space<vmem>> -> memref<100xi32, #tpu.memory_space<vmem>>
      %dma_wait3A_272 = arith.constant 0 : i32
      %dma_wait3A_273 = arith.constant 0 : i32
      %dma_wait3A_274 = tpu.memref_slice %arg2[%dma_wait3A_272, %dma_wait3A_273] : memref<10240x128xf32, #tpu.memory_space<hbm>> -> memref<10240x128xf32, #tpu.memory_space<hbm>>
      tpu.wait_indirect_dma semaphore(%arg15 : memref<!tpu.dma_semaphore, #tpu.memory_space<semaphore_mem>>) src(%dma_wait3A_274 : memref<10240x128xf32, #tpu.memory_space<hbm>>) dst(%arg12 : memref<100x128xf32, #tpu.memory_space<vmem>>)
      %add3A_275 = arith.constant 1 : i32
      %add3A_276 = arith.addi %mul3A_244, %add3A_275 : i32
      "tpu.region"() ({
        %run_scoped3A_277 = tpu.sem_alloc : memref<!tpu.dma_semaphore, #tpu.memory_space<semaphore_mem>>
        %dma_start3A_278 = arith.constant 0 : i32
        %dma_start3A_279 = tpu.memref_slice %arg9[%add3A_276, %dma_start3A_278] : memref<25x100xi32, #tpu.memory_space<vmem>> -> memref<1x100xi32, #tpu.memory_space<vmem>>
        %dma_start3A_280 = tpu.memref_squeeze %dma_start3A_279 : memref<1x100xi32, #tpu.memory_space<vmem>> -> memref<100xi32, #tpu.memory_space<vmem>>
        %dma_start3A_281 = arith.constant 0 : i32
        %dma_start3A_282 = arith.constant 0 : i32
        %dma_start3A_283 = tpu.memref_slice %arg13[%dma_start3A_281, %dma_start3A_282] : memref<10240x128xf32, #tpu.memory_space<vmem_shared>> -> memref<10240x128xf32, #tpu.memory_space<vmem_shared>>
        tpu.enqueue_indirect_dma source(%arg12 : memref<100x128xf32, #tpu.memory_space<vmem>>) target(%dma_start3A_283 : memref<10240x128xf32, #tpu.memory_space<vmem_shared>>) offsets(%dma_start3A_280 : memref<100xi32, #tpu.memory_space<vmem>>) semaphore(%run_scoped3A_277 : memref<!tpu.dma_semaphore, #tpu.memory_space<semaphore_mem>>) {add = true}
        %dma_wait3A_284 = arith.constant 0 : i32
        %dma_wait3A_285 = tpu.memref_slice %arg9[%add3A_276, %dma_wait3A_284] : memref<25x100xi32, #tpu.memory_space<vmem>> -> memref<1x100xi32, #tpu.memory_space<vmem>>
        %dma_wait3A_286 = tpu.memref_squeeze %dma_wait3A_285 : memref<1x100xi32, #tpu.memory_space<vmem>> -> memref<100xi32, #tpu.memory_space<vmem>>
        %dma_wait3A_287 = arith.constant 0 : i32
        %dma_wait3A_288 = arith.constant 0 : i32
        %dma_wait3A_289 = tpu.memref_slice %arg13[%dma_wait3A_287, %dma_wait3A_288] : memref<10240x128xf32, #tpu.memory_space<vmem_shared>> -> memref<10240x128xf32, #tpu.memory_space<vmem_shared>>
        tpu.wait_indirect_dma semaphore(%run_scoped3A_277 : memref<!tpu.dma_semaphore, #tpu.memory_space<semaphore_mem>>) src(%arg12 : memref<100x128xf32, #tpu.memory_space<vmem>>) dst(%dma_wait3A_289 : memref<10240x128xf32, #tpu.memory_space<vmem_shared>>)
        tpu.yield
      }) : () -> ()
    }
    %scan3A_70 = arith.constant 12 : i32
    %dma_wait3A_71 = arith.constant 0 : i32
    %dma_wait3A_72 = arith.constant 0 : i32
    %dma_wait3A_73 = tpu.memref_slice %arg7[%dma_wait3A_71, %dma_wait3A_72] : memref<25x100xi32, #tpu.memory_space<vmem>> -> memref<1x100xi32, #tpu.memory_space<vmem>>
    %dma_wait3A_74 = tpu.memref_squeeze %dma_wait3A_73 : memref<1x100xi32, #tpu.memory_space<vmem>> -> memref<100xi32, #tpu.memory_space<vmem>>
    %dma_wait3A_75 = arith.constant 0 : i32
    %dma_wait3A_76 = arith.constant 0 : i32
    %dma_wait3A_77 = tpu.memref_slice %arg2[%dma_wait3A_75, %dma_wait3A_76] : memref<10240x128xf32, #tpu.memory_space<hbm>> -> memref<10240x128xf32, #tpu.memory_space<hbm>>
    tpu.wait_indirect_dma semaphore(%arg14 : memref<!tpu.dma_semaphore, #tpu.memory_space<semaphore_mem>>) src(%dma_wait3A_77 : memref<10240x128xf32, #tpu.memory_space<hbm>>) dst(%arg11 : memref<100x128xf32, #tpu.memory_space<vmem>>)
    %run_scoped3A = arith.constant 24 : i32
    "tpu.region"() ({
      %run_scoped3A_242 = tpu.sem_alloc : memref<!tpu.dma_semaphore, #tpu.memory_space<semaphore_mem>>
      %dma_start3A_243 = arith.constant 0 : i32
      %dma_start3A_244 = tpu.memref_slice %arg9[%run_scoped3A, %dma_start3A_243] : memref<25x100xi32, #tpu.memory_space<vmem>> -> memref<1x100xi32, #tpu.memory_space<vmem>>
      %dma_start3A_245 = tpu.memref_squeeze %dma_start3A_244 : memref<1x100xi32, #tpu.memory_space<vmem>> -> memref<100xi32, #tpu.memory_space<vmem>>
      %dma_start3A_246 = arith.constant 0 : i32
      %dma_start3A_247 = arith.constant 0 : i32
      %dma_start3A_248 = tpu.memref_slice %arg13[%dma_start3A_246, %dma_start3A_247] : memref<10240x128xf32, #tpu.memory_space<vmem_shared>> -> memref<10240x128xf32, #tpu.memory_space<vmem_shared>>
      tpu.enqueue_indirect_dma source(%arg11 : memref<100x128xf32, #tpu.memory_space<vmem>>) target(%dma_start3A_248 : memref<10240x128xf32, #tpu.memory_space<vmem_shared>>) offsets(%dma_start3A_245 : memref<100xi32, #tpu.memory_space<vmem>>) semaphore(%run_scoped3A_242 : memref<!tpu.dma_semaphore, #tpu.memory_space<semaphore_mem>>) {add = true}
      %dma_wait3A_249 = arith.constant 0 : i32
      %dma_wait3A_250 = tpu.memref_slice %arg9[%run_scoped3A, %dma_wait3A_249] : memref<25x100xi32, #tpu.memory_space<vmem>> -> memref<1x100xi32, #tpu.memory_space<vmem>>
      %dma_wait3A_251 = tpu.memref_squeeze %dma_wait3A_250 : memref<1x100xi32, #tpu.memory_space<vmem>> -> memref<100xi32, #tpu.memory_space<vmem>>
      %dma_wait3A_252 = arith.constant 0 : i32
      %dma_wait3A_253 = arith.constant 0 : i32
      %dma_wait3A_254 = tpu.memref_slice %arg13[%dma_wait3A_252, %dma_wait3A_253] : memref<10240x128xf32, #tpu.memory_space<vmem_shared>> -> memref<10240x128xf32, #tpu.memory_space<vmem_shared>>
      tpu.wait_indirect_dma semaphore(%run_scoped3A_242 : memref<!tpu.dma_semaphore, #tpu.memory_space<semaphore_mem>>) src(%arg11 : memref<100x128xf32, #tpu.memory_space<vmem>>) dst(%dma_wait3A_254 : memref<10240x128xf32, #tpu.memory_space<vmem_shared>>)
      tpu.yield
    }) : () -> ()
    %dma_wait3A_78 = arith.constant 0 : i32
    %dma_wait3A_79 = arith.constant 0 : i32
    %dma_wait3A_80 = tpu.memref_slice %arg3[%mul3A_2, %dma_wait3A_78, %dma_wait3A_79] : memref<128x25x100xi32, #tpu.memory_space<hbm>> -> memref<1x25x100xi32, #tpu.memory_space<hbm>>
    %dma_wait3A_81 = tpu.memref_squeeze %dma_wait3A_80 : memref<1x25x100xi32, #tpu.memory_space<hbm>> -> memref<25x100xi32, #tpu.memory_space<hbm>>
    %dma_wait3A_82 = arith.constant 0 : i32
    %dma_wait3A_83 = arith.constant 0 : i32
    %dma_wait3A_84 = tpu.memref_slice %arg3[%mul3A_2, %dma_wait3A_82, %dma_wait3A_83] : memref<128x25x100xi32, #tpu.memory_space<hbm>> -> memref<1x25x100xi32, #tpu.memory_space<hbm>>
    %dma_wait3A_85 = tpu.memref_squeeze %dma_wait3A_84 : memref<1x25x100xi32, #tpu.memory_space<hbm>> -> memref<25x100xi32, #tpu.memory_space<hbm>>
    tpu.wait_dma2 semaphore(%arg17 : memref<!tpu.dma_semaphore, #tpu.memory_space<semaphore_mem>>) src(%dma_wait3A_85 : memref<25x100xi32, #tpu.memory_space<hbm>>) dst(%arg8 : memref<25x100xi32, #tpu.memory_space<vmem>>)
    %dma_wait3A_86 = arith.constant 0 : i32
    %dma_wait3A_87 = arith.constant 0 : i32
    %dma_wait3A_88 = tpu.memref_slice %arg4[%mul3A_2, %dma_wait3A_86, %dma_wait3A_87] : memref<128x25x100xi32, #tpu.memory_space<hbm>> -> memref<1x25x100xi32, #tpu.memory_space<hbm>>
    %dma_wait3A_89 = tpu.memref_squeeze %dma_wait3A_88 : memref<1x25x100xi32, #tpu.memory_space<hbm>> -> memref<25x100xi32, #tpu.memory_space<hbm>>
    %dma_wait3A_90 = arith.constant 0 : i32
    %dma_wait3A_91 = arith.constant 0 : i32
    %dma_wait3A_92 = tpu.memref_slice %arg4[%mul3A_2, %dma_wait3A_90, %dma_wait3A_91] : memref<128x25x100xi32, #tpu.memory_space<hbm>> -> memref<1x25x100xi32, #tpu.memory_space<hbm>>
    %dma_wait3A_93 = tpu.memref_squeeze %dma_wait3A_92 : memref<1x25x100xi32, #tpu.memory_space<hbm>> -> memref<25x100xi32, #tpu.memory_space<hbm>>
    tpu.wait_dma2 semaphore(%arg17 : memref<!tpu.dma_semaphore, #tpu.memory_space<semaphore_mem>>) src(%dma_wait3A_93 : memref<25x100xi32, #tpu.memory_space<hbm>>) dst(%arg10 : memref<25x100xi32, #tpu.memory_space<vmem>>)
    %add3A_94 = arith.constant 1 : i32
    %add3A_95 = arith.addi %mul3A_2, %add3A_94 : i32
    %add3A_96 = arith.constant 1 : i32
    %add3A_97 = arith.addi %add3A_95, %add3A_96 : i32
    %dma_start3A_98 = arith.constant 0 : i32
    %dma_start3A_99 = arith.constant 0 : i32
    %dma_start3A_100 = tpu.memref_slice %arg3[%add3A_97, %dma_start3A_98, %dma_start3A_99] : memref<128x25x100xi32, #tpu.memory_space<hbm>> -> memref<1x25x100xi32, #tpu.memory_space<hbm>>
    %dma_start3A_101 = tpu.memref_squeeze %dma_start3A_100 : memref<1x25x100xi32, #tpu.memory_space<hbm>> -> memref<25x100xi32, #tpu.memory_space<hbm>>
    %dma_start3A_102 = arith.constant 0 : i32
    %dma_start3A_103 = arith.constant 0 : i32
    %dma_start3A_104 = tpu.memref_slice %arg3[%add3A_97, %dma_start3A_102, %dma_start3A_103] : memref<128x25x100xi32, #tpu.memory_space<hbm>> -> memref<1x25x100xi32, #tpu.memory_space<hbm>>
    %dma_start3A_105 = tpu.memref_squeeze %dma_start3A_104 : memref<1x25x100xi32, #tpu.memory_space<hbm>> -> memref<25x100xi32, #tpu.memory_space<hbm>>
    tpu.enqueue_dma source(%dma_start3A_105 : memref<25x100xi32, #tpu.memory_space<hbm>>) target(%arg7 : memref<25x100xi32, #tpu.memory_space<vmem>>) target_semaphore(%arg16 : memref<!tpu.dma_semaphore, #tpu.memory_space<semaphore_mem>>)
    %add3A_106 = arith.constant 1 : i32
    %add3A_107 = arith.addi %mul3A_2, %add3A_106 : i32
    %add3A_108 = arith.constant 1 : i32
    %add3A_109 = arith.addi %add3A_107, %add3A_108 : i32
    %dma_start3A_110 = arith.constant 0 : i32
    %dma_start3A_111 = arith.constant 0 : i32
    %dma_start3A_112 = tpu.memref_slice %arg4[%add3A_109, %dma_start3A_110, %dma_start3A_111] : memref<128x25x100xi32, #tpu.memory_space<hbm>> -> memref<1x25x100xi32, #tpu.memory_space<hbm>>
    %dma_start3A_113 = tpu.memref_squeeze %dma_start3A_112 : memref<1x25x100xi32, #tpu.memory_space<hbm>> -> memref<25x100xi32, #tpu.memory_space<hbm>>
    %dma_start3A_114 = arith.constant 0 : i32
    %dma_start3A_115 = arith.constant 0 : i32
    %dma_start3A_116 = tpu.memref_slice %arg4[%add3A_109, %dma_start3A_114, %dma_start3A_115] : memref<128x25x100xi32, #tpu.memory_space<hbm>> -> memref<1x25x100xi32, #tpu.memory_space<hbm>>
    %dma_start3A_117 = tpu.memref_squeeze %dma_start3A_116 : memref<1x25x100xi32, #tpu.memory_space<hbm>> -> memref<25x100xi32, #tpu.memory_space<hbm>>
    tpu.enqueue_dma source(%dma_start3A_117 : memref<25x100xi32, #tpu.memory_space<hbm>>) target(%arg9 : memref<25x100xi32, #tpu.memory_space<vmem>>) target_semaphore(%arg16 : memref<!tpu.dma_semaphore, #tpu.memory_space<semaphore_mem>>)
    %dma_start3A_118 = arith.constant 0 : i32
    %dma_start3A_119 = arith.constant 0 : i32
    %dma_start3A_120 = tpu.memref_slice %arg8[%dma_start3A_118, %dma_start3A_119] : memref<25x100xi32, #tpu.memory_space<vmem>> -> memref<1x100xi32, #tpu.memory_space<vmem>>
    %dma_start3A_121 = tpu.memref_squeeze %dma_start3A_120 : memref<1x100xi32, #tpu.memory_space<vmem>> -> memref<100xi32, #tpu.memory_space<vmem>>
    %dma_start3A_122 = arith.constant 0 : i32
    %dma_start3A_123 = arith.constant 0 : i32
    %dma_start3A_124 = tpu.memref_slice %arg2[%dma_start3A_122, %dma_start3A_123] : memref<10240x128xf32, #tpu.memory_space<hbm>> -> memref<10240x128xf32, #tpu.memory_space<hbm>>
    tpu.enqueue_indirect_dma source(%dma_start3A_124 : memref<10240x128xf32, #tpu.memory_space<hbm>>) target(%arg11 : memref<100x128xf32, #tpu.memory_space<vmem>>) offsets(%dma_start3A_121 : memref<100xi32, #tpu.memory_space<vmem>>) semaphore(%arg14 : memref<!tpu.dma_semaphore, #tpu.memory_space<semaphore_mem>>)
    %scan3A_125 = arith.constant 0 : i32
    %scan3A_126 = arith.constant 0 : i32
    %scan3A_127 = arith.constant 12 : i32
    %scan3A_128 = arith.addi %scan3A_126, %scan3A_127 : i32
    %scan3A_129 = arith.constant 1 : i32
    scf.for %scan3A_242 = %scan3A_126 to %scan3A_128 step %scan3A_129  : i32 {
      %mul3A_243 = arith.constant 2 : i32
      %mul3A_244 = arith.muli %mul3A_243, %scan3A_242 : i32
      %add3A_245 = arith.constant 1 : i32
      %add3A_246 = arith.addi %mul3A_244, %add3A_245 : i32
      %dma_start3A_247 = arith.constant 0 : i32
      %dma_start3A_248 = tpu.memref_slice %arg8[%add3A_246, %dma_start3A_247] : memref<25x100xi32, #tpu.memory_space<vmem>> -> memref<1x100xi32, #tpu.memory_space<vmem>>
      %dma_start3A_249 = tpu.memref_squeeze %dma_start3A_248 : memref<1x100xi32, #tpu.memory_space<vmem>> -> memref<100xi32, #tpu.memory_space<vmem>>
      %dma_start3A_250 = arith.constant 0 : i32
      %dma_start3A_251 = arith.constant 0 : i32
      %dma_start3A_252 = tpu.memref_slice %arg2[%dma_start3A_250, %dma_start3A_251] : memref<10240x128xf32, #tpu.memory_space<hbm>> -> memref<10240x128xf32, #tpu.memory_space<hbm>>
      tpu.enqueue_indirect_dma source(%dma_start3A_252 : memref<10240x128xf32, #tpu.memory_space<hbm>>) target(%arg12 : memref<100x128xf32, #tpu.memory_space<vmem>>) offsets(%dma_start3A_249 : memref<100xi32, #tpu.memory_space<vmem>>) semaphore(%arg15 : memref<!tpu.dma_semaphore, #tpu.memory_space<semaphore_mem>>)
      %dma_wait3A_253 = arith.constant 0 : i32
      %dma_wait3A_254 = arith.constant 0 : i32
      %dma_wait3A_255 = tpu.memref_slice %arg8[%dma_wait3A_253, %dma_wait3A_254] : memref<25x100xi32, #tpu.memory_space<vmem>> -> memref<1x100xi32, #tpu.memory_space<vmem>>
      %dma_wait3A_256 = tpu.memref_squeeze %dma_wait3A_255 : memref<1x100xi32, #tpu.memory_space<vmem>> -> memref<100xi32, #tpu.memory_space<vmem>>
      %dma_wait3A_257 = arith.constant 0 : i32
      %dma_wait3A_258 = arith.constant 0 : i32
      %dma_wait3A_259 = tpu.memref_slice %arg2[%dma_wait3A_257, %dma_wait3A_258] : memref<10240x128xf32, #tpu.memory_space<hbm>> -> memref<10240x128xf32, #tpu.memory_space<hbm>>
      tpu.wait_indirect_dma semaphore(%arg14 : memref<!tpu.dma_semaphore, #tpu.memory_space<semaphore_mem>>) src(%dma_wait3A_259 : memref<10240x128xf32, #tpu.memory_space<hbm>>) dst(%arg11 : memref<100x128xf32, #tpu.memory_space<vmem>>)
      "tpu.region"() ({
        %run_scoped3A_277 = tpu.sem_alloc : memref<!tpu.dma_semaphore, #tpu.memory_space<semaphore_mem>>
        %dma_start3A_278 = arith.constant 0 : i32
        %dma_start3A_279 = tpu.memref_slice %arg10[%mul3A_244, %dma_start3A_278] : memref<25x100xi32, #tpu.memory_space<vmem>> -> memref<1x100xi32, #tpu.memory_space<vmem>>
        %dma_start3A_280 = tpu.memref_squeeze %dma_start3A_279 : memref<1x100xi32, #tpu.memory_space<vmem>> -> memref<100xi32, #tpu.memory_space<vmem>>
        %dma_start3A_281 = arith.constant 0 : i32
        %dma_start3A_282 = arith.constant 0 : i32
        %dma_start3A_283 = tpu.memref_slice %arg13[%dma_start3A_281, %dma_start3A_282] : memref<10240x128xf32, #tpu.memory_space<vmem_shared>> -> memref<10240x128xf32, #tpu.memory_space<vmem_shared>>
        tpu.enqueue_indirect_dma source(%arg11 : memref<100x128xf32, #tpu.memory_space<vmem>>) target(%dma_start3A_283 : memref<10240x128xf32, #tpu.memory_space<vmem_shared>>) offsets(%dma_start3A_280 : memref<100xi32, #tpu.memory_space<vmem>>) semaphore(%run_scoped3A_277 : memref<!tpu.dma_semaphore, #tpu.memory_space<semaphore_mem>>) {add = true}
        %dma_wait3A_284 = arith.constant 0 : i32
        %dma_wait3A_285 = tpu.memref_slice %arg10[%mul3A_244, %dma_wait3A_284] : memref<25x100xi32, #tpu.memory_space<vmem>> -> memref<1x100xi32, #tpu.memory_space<vmem>>
        %dma_wait3A_286 = tpu.memref_squeeze %dma_wait3A_285 : memref<1x100xi32, #tpu.memory_space<vmem>> -> memref<100xi32, #tpu.memory_space<vmem>>
        %dma_wait3A_287 = arith.constant 0 : i32
        %dma_wait3A_288 = arith.constant 0 : i32
        %dma_wait3A_289 = tpu.memref_slice %arg13[%dma_wait3A_287, %dma_wait3A_288] : memref<10240x128xf32, #tpu.memory_space<vmem_shared>> -> memref<10240x128xf32, #tpu.memory_space<vmem_shared>>
        tpu.wait_indirect_dma semaphore(%run_scoped3A_277 : memref<!tpu.dma_semaphore, #tpu.memory_space<semaphore_mem>>) src(%arg11 : memref<100x128xf32, #tpu.memory_space<vmem>>) dst(%dma_wait3A_289 : memref<10240x128xf32, #tpu.memory_space<vmem_shared>>)
        tpu.yield
      }) : () -> ()
      %add3A_260 = arith.constant 2 : i32
      %add3A_261 = arith.addi %mul3A_244, %add3A_260 : i32
      %dma_start3A_262 = arith.constant 0 : i32
      %dma_start3A_263 = tpu.memref_slice %arg8[%add3A_261, %dma_start3A_262] : memref<25x100xi32, #tpu.memory_space<vmem>> -> memref<1x100xi32, #tpu.memory_space<vmem>>
      %dma_start3A_264 = tpu.memref_squeeze %dma_start3A_263 : memref<1x100xi32, #tpu.memory_space<vmem>> -> memref<100xi32, #tpu.memory_space<vmem>>
      %dma_start3A_265 = arith.constant 0 : i32
      %dma_start3A_266 = arith.constant 0 : i32
      %dma_start3A_267 = tpu.memref_slice %arg2[%dma_start3A_265, %dma_start3A_266] : memref<10240x128xf32, #tpu.memory_space<hbm>> -> memref<10240x128xf32, #tpu.memory_space<hbm>>
      tpu.enqueue_indirect_dma source(%dma_start3A_267 : memref<10240x128xf32, #tpu.memory_space<hbm>>) target(%arg11 : memref<100x128xf32, #tpu.memory_space<vmem>>) offsets(%dma_start3A_264 : memref<100xi32, #tpu.memory_space<vmem>>) semaphore(%arg14 : memref<!tpu.dma_semaphore, #tpu.memory_space<semaphore_mem>>)
      %dma_wait3A_268 = arith.constant 0 : i32
      %dma_wait3A_269 = arith.constant 0 : i32
      %dma_wait3A_270 = tpu.memref_slice %arg8[%dma_wait3A_268, %dma_wait3A_269] : memref<25x100xi32, #tpu.memory_space<vmem>> -> memref<1x100xi32, #tpu.memory_space<vmem>>
      %dma_wait3A_271 = tpu.memref_squeeze %dma_wait3A_270 : memref<1x100xi32, #tpu.memory_space<vmem>> -> memref<100xi32, #tpu.memory_space<vmem>>
      %dma_wait3A_272 = arith.constant 0 : i32
      %dma_wait3A_273 = arith.constant 0 : i32
      %dma_wait3A_274 = tpu.memref_slice %arg2[%dma_wait3A_272, %dma_wait3A_273] : memref<10240x128xf32, #tpu.memory_space<hbm>> -> memref<10240x128xf32, #tpu.memory_space<hbm>>
      tpu.wait_indirect_dma semaphore(%arg15 : memref<!tpu.dma_semaphore, #tpu.memory_space<semaphore_mem>>) src(%dma_wait3A_274 : memref<10240x128xf32, #tpu.memory_space<hbm>>) dst(%arg12 : memref<100x128xf32, #tpu.memory_space<vmem>>)
      %add3A_275 = arith.constant 1 : i32
      %add3A_276 = arith.addi %mul3A_244, %add3A_275 : i32
      "tpu.region"() ({
        %run_scoped3A_277 = tpu.sem_alloc : memref<!tpu.dma_semaphore, #tpu.memory_space<semaphore_mem>>
        %dma_start3A_278 = arith.constant 0 : i32
        %dma_start3A_279 = tpu.memref_slice %arg10[%add3A_276, %dma_start3A_278] : memref<25x100xi32, #tpu.memory_space<vmem>> -> memref<1x100xi32, #tpu.memory_space<vmem>>
        %dma_start3A_280 = tpu.memref_squeeze %dma_start3A_279 : memref<1x100xi32, #tpu.memory_space<vmem>> -> memref<100xi32, #tpu.memory_space<vmem>>
        %dma_start3A_281 = arith.constant 0 : i32
        %dma_start3A_282 = arith.constant 0 : i32
        %dma_start3A_283 = tpu.memref_slice %arg13[%dma_start3A_281, %dma_start3A_282] : memref<10240x128xf32, #tpu.memory_space<vmem_shared>> -> memref<10240x128xf32, #tpu.memory_space<vmem_shared>>
        tpu.enqueue_indirect_dma source(%arg12 : memref<100x128xf32, #tpu.memory_space<vmem>>) target(%dma_start3A_283 : memref<10240x128xf32, #tpu.memory_space<vmem_shared>>) offsets(%dma_start3A_280 : memref<100xi32, #tpu.memory_space<vmem>>) semaphore(%run_scoped3A_277 : memref<!tpu.dma_semaphore, #tpu.memory_space<semaphore_mem>>) {add = true}
        %dma_wait3A_284 = arith.constant 0 : i32
        %dma_wait3A_285 = tpu.memref_slice %arg10[%add3A_276, %dma_wait3A_284] : memref<25x100xi32, #tpu.memory_space<vmem>> -> memref<1x100xi32, #tpu.memory_space<vmem>>
        %dma_wait3A_286 = tpu.memref_squeeze %dma_wait3A_285 : memref<1x100xi32, #tpu.memory_space<vmem>> -> memref<100xi32, #tpu.memory_space<vmem>>
        %dma_wait3A_287 = arith.constant 0 : i32
        %dma_wait3A_288 = arith.constant 0 : i32
        %dma_wait3A_289 = tpu.memref_slice %arg13[%dma_wait3A_287, %dma_wait3A_288] : memref<10240x128xf32, #tpu.memory_space<vmem_shared>> -> memref<10240x128xf32, #tpu.memory_space<vmem_shared>>
        tpu.wait_indirect_dma semaphore(%run_scoped3A_277 : memref<!tpu.dma_semaphore, #tpu.memory_space<semaphore_mem>>) src(%arg12 : memref<100x128xf32, #tpu.memory_space<vmem>>) dst(%dma_wait3A_289 : memref<10240x128xf32, #tpu.memory_space<vmem_shared>>)
        tpu.yield
      }) : () -> ()
    }
    %scan3A_130 = arith.constant 12 : i32
    %dma_wait3A_131 = arith.constant 0 : i32
    %dma_wait3A_132 = arith.constant 0 : i32
    %dma_wait3A_133 = tpu.memref_slice %arg8[%dma_wait3A_131, %dma_wait3A_132] : memref<25x100xi32, #tpu.memory_space<vmem>> -> memref<1x100xi32, #tpu.memory_space<vmem>>
    %dma_wait3A_134 = tpu.memref_squeeze %dma_wait3A_133 : memref<1x100xi32, #tpu.memory_space<vmem>> -> memref<100xi32, #tpu.memory_space<vmem>>
    %dma_wait3A_135 = arith.constant 0 : i32
    %dma_wait3A_136 = arith.constant 0 : i32
    %dma_wait3A_137 = tpu.memref_slice %arg2[%dma_wait3A_135, %dma_wait3A_136] : memref<10240x128xf32, #tpu.memory_space<hbm>> -> memref<10240x128xf32, #tpu.memory_space<hbm>>
    tpu.wait_indirect_dma semaphore(%arg14 : memref<!tpu.dma_semaphore, #tpu.memory_space<semaphore_mem>>) src(%dma_wait3A_137 : memref<10240x128xf32, #tpu.memory_space<hbm>>) dst(%arg11 : memref<100x128xf32, #tpu.memory_space<vmem>>)
    %run_scoped3A_138 = arith.constant 24 : i32
    "tpu.region"() ({
      %run_scoped3A_242 = tpu.sem_alloc : memref<!tpu.dma_semaphore, #tpu.memory_space<semaphore_mem>>
      %dma_start3A_243 = arith.constant 0 : i32
      %dma_start3A_244 = tpu.memref_slice %arg10[%run_scoped3A_138, %dma_start3A_243] : memref<25x100xi32, #tpu.memory_space<vmem>> -> memref<1x100xi32, #tpu.memory_space<vmem>>
      %dma_start3A_245 = tpu.memref_squeeze %dma_start3A_244 : memref<1x100xi32, #tpu.memory_space<vmem>> -> memref<100xi32, #tpu.memory_space<vmem>>
      %dma_start3A_246 = arith.constant 0 : i32
      %dma_start3A_247 = arith.constant 0 : i32
      %dma_start3A_248 = tpu.memref_slice %arg13[%dma_start3A_246, %dma_start3A_247] : memref<10240x128xf32, #tpu.memory_space<vmem_shared>> -> memref<10240x128xf32, #tpu.memory_space<vmem_shared>>
      tpu.enqueue_indirect_dma source(%arg11 : memref<100x128xf32, #tpu.memory_space<vmem>>) target(%dma_start3A_248 : memref<10240x128xf32, #tpu.memory_space<vmem_shared>>) offsets(%dma_start3A_245 : memref<100xi32, #tpu.memory_space<vmem>>) semaphore(%run_scoped3A_242 : memref<!tpu.dma_semaphore, #tpu.memory_space<semaphore_mem>>) {add = true}
      %dma_wait3A_249 = arith.constant 0 : i32
      %dma_wait3A_250 = tpu.memref_slice %arg10[%run_scoped3A_138, %dma_wait3A_249] : memref<25x100xi32, #tpu.memory_space<vmem>> -> memref<1x100xi32, #tpu.memory_space<vmem>>
      %dma_wait3A_251 = tpu.memref_squeeze %dma_wait3A_250 : memref<1x100xi32, #tpu.memory_space<vmem>> -> memref<100xi32, #tpu.memory_space<vmem>>
      %dma_wait3A_252 = arith.constant 0 : i32
      %dma_wait3A_253 = arith.constant 0 : i32
      %dma_wait3A_254 = tpu.memref_slice %arg13[%dma_wait3A_252, %dma_wait3A_253] : memref<10240x128xf32, #tpu.memory_space<vmem_shared>> -> memref<10240x128xf32, #tpu.memory_space<vmem_shared>>
      tpu.wait_indirect_dma semaphore(%run_scoped3A_242 : memref<!tpu.dma_semaphore, #tpu.memory_space<semaphore_mem>>) src(%arg11 : memref<100x128xf32, #tpu.memory_space<vmem>>) dst(%dma_wait3A_254 : memref<10240x128xf32, #tpu.memory_space<vmem_shared>>)
      tpu.yield
    }) : () -> ()
    %dma_wait3A_139 = arith.constant 0 : i32
    %dma_wait3A_140 = arith.constant 0 : i32
    %dma_wait3A_141 = tpu.memref_slice %arg3[%mul3A_2, %dma_wait3A_139, %dma_wait3A_140] : memref<128x25x100xi32, #tpu.memory_space<hbm>> -> memref<1x25x100xi32, #tpu.memory_space<hbm>>
    %dma_wait3A_142 = tpu.memref_squeeze %dma_wait3A_141 : memref<1x25x100xi32, #tpu.memory_space<hbm>> -> memref<25x100xi32, #tpu.memory_space<hbm>>
    %dma_wait3A_143 = arith.constant 0 : i32
    %dma_wait3A_144 = arith.constant 0 : i32
    %dma_wait3A_145 = tpu.memref_slice %arg3[%mul3A_2, %dma_wait3A_143, %dma_wait3A_144] : memref<128x25x100xi32, #tpu.memory_space<hbm>> -> memref<1x25x100xi32, #tpu.memory_space<hbm>>
    %dma_wait3A_146 = tpu.memref_squeeze %dma_wait3A_145 : memref<1x25x100xi32, #tpu.memory_space<hbm>> -> memref<25x100xi32, #tpu.memory_space<hbm>>
    tpu.wait_dma2 semaphore(%arg16 : memref<!tpu.dma_semaphore, #tpu.memory_space<semaphore_mem>>) src(%dma_wait3A_146 : memref<25x100xi32, #tpu.memory_space<hbm>>) dst(%arg7 : memref<25x100xi32, #tpu.memory_space<vmem>>)
    %dma_wait3A_147 = arith.constant 0 : i32
    %dma_wait3A_148 = arith.constant 0 : i32
    %dma_wait3A_149 = tpu.memref_slice %arg4[%mul3A_2, %dma_wait3A_147, %dma_wait3A_148] : memref<128x25x100xi32, #tpu.memory_space<hbm>> -> memref<1x25x100xi32, #tpu.memory_space<hbm>>
    %dma_wait3A_150 = tpu.memref_squeeze %dma_wait3A_149 : memref<1x25x100xi32, #tpu.memory_space<hbm>> -> memref<25x100xi32, #tpu.memory_space<hbm>>
    %dma_wait3A_151 = arith.constant 0 : i32
    %dma_wait3A_152 = arith.constant 0 : i32
    %dma_wait3A_153 = tpu.memref_slice %arg4[%mul3A_2, %dma_wait3A_151, %dma_wait3A_152] : memref<128x25x100xi32, #tpu.memory_space<hbm>> -> memref<1x25x100xi32, #tpu.memory_space<hbm>>
    %dma_wait3A_154 = tpu.memref_squeeze %dma_wait3A_153 : memref<1x25x100xi32, #tpu.memory_space<hbm>> -> memref<25x100xi32, #tpu.memory_space<hbm>>
    tpu.wait_dma2 semaphore(%arg16 : memref<!tpu.dma_semaphore, #tpu.memory_space<semaphore_mem>>) src(%dma_wait3A_154 : memref<25x100xi32, #tpu.memory_space<hbm>>) dst(%arg9 : memref<25x100xi32, #tpu.memory_space<vmem>>)
    %add3A_155 = arith.constant 2 : i32
    %add3A_156 = arith.addi %mul3A_2, %add3A_155 : i32
    %add3A_157 = arith.constant 1 : i32
    %add3A_158 = arith.addi %add3A_156, %add3A_157 : i32
    %dma_start3A_159 = arith.constant 0 : i32
    %dma_start3A_160 = arith.constant 0 : i32
    %dma_start3A_161 = tpu.memref_slice %arg3[%add3A_158, %dma_start3A_159, %dma_start3A_160] : memref<128x25x100xi32, #tpu.memory_space<hbm>> -> memref<1x25x100xi32, #tpu.memory_space<hbm>>
    %dma_start3A_162 = tpu.memref_squeeze %dma_start3A_161 : memref<1x25x100xi32, #tpu.memory_space<hbm>> -> memref<25x100xi32, #tpu.memory_space<hbm>>
    %dma_start3A_163 = arith.constant 0 : i32
    %dma_start3A_164 = arith.constant 0 : i32
    %dma_start3A_165 = tpu.memref_slice %arg3[%add3A_158, %dma_start3A_163, %dma_start3A_164] : memref<128x25x100xi32, #tpu.memory_space<hbm>> -> memref<1x25x100xi32, #tpu.memory_space<hbm>>
    %dma_start3A_166 = tpu.memref_squeeze %dma_start3A_165 : memref<1x25x100xi32, #tpu.memory_space<hbm>> -> memref<25x100xi32, #tpu.memory_space<hbm>>
    tpu.enqueue_dma source(%dma_start3A_166 : memref<25x100xi32, #tpu.memory_space<hbm>>) target(%arg8 : memref<25x100xi32, #tpu.memory_space<vmem>>) target_semaphore(%arg17 : memref<!tpu.dma_semaphore, #tpu.memory_space<semaphore_mem>>)
    %add3A_167 = arith.constant 2 : i32
    %add3A_168 = arith.addi %mul3A_2, %add3A_167 : i32
    %add3A_169 = arith.constant 1 : i32
    %add3A_170 = arith.addi %add3A_168, %add3A_169 : i32
    %dma_start3A_171 = arith.constant 0 : i32
    %dma_start3A_172 = arith.constant 0 : i32
    %dma_start3A_173 = tpu.memref_slice %arg4[%add3A_170, %dma_start3A_171, %dma_start3A_172] : memref<128x25x100xi32, #tpu.memory_space<hbm>> -> memref<1x25x100xi32, #tpu.memory_space<hbm>>
    %dma_start3A_174 = tpu.memref_squeeze %dma_start3A_173 : memref<1x25x100xi32, #tpu.memory_space<hbm>> -> memref<25x100xi32, #tpu.memory_space<hbm>>
    %dma_start3A_175 = arith.constant 0 : i32
    %dma_start3A_176 = arith.constant 0 : i32
    %dma_start3A_177 = tpu.memref_slice %arg4[%add3A_170, %dma_start3A_175, %dma_start3A_176] : memref<128x25x100xi32, #tpu.memory_space<hbm>> -> memref<1x25x100xi32, #tpu.memory_space<hbm>>
    %dma_start3A_178 = tpu.memref_squeeze %dma_start3A_177 : memref<1x25x100xi32, #tpu.memory_space<hbm>> -> memref<25x100xi32, #tpu.memory_space<hbm>>
    tpu.enqueue_dma source(%dma_start3A_178 : memref<25x100xi32, #tpu.memory_space<hbm>>) target(%arg10 : memref<25x100xi32, #tpu.memory_space<vmem>>) target_semaphore(%arg17 : memref<!tpu.dma_semaphore, #tpu.memory_space<semaphore_mem>>)
    %dma_start3A_179 = arith.constant 0 : i32
    %dma_start3A_180 = arith.constant 0 : i32
    %dma_start3A_181 = tpu.memref_slice %arg7[%dma_start3A_179, %dma_start3A_180] : memref<25x100xi32, #tpu.memory_space<vmem>> -> memref<1x100xi32, #tpu.memory_space<vmem>>
    %dma_start3A_182 = tpu.memref_squeeze %dma_start3A_181 : memref<1x100xi32, #tpu.memory_space<vmem>> -> memref<100xi32, #tpu.memory_space<vmem>>
    %dma_start3A_183 = arith.constant 0 : i32
    %dma_start3A_184 = arith.constant 0 : i32
    %dma_start3A_185 = tpu.memref_slice %arg2[%dma_start3A_183, %dma_start3A_184] : memref<10240x128xf32, #tpu.memory_space<hbm>> -> memref<10240x128xf32, #tpu.memory_space<hbm>>
    tpu.enqueue_indirect_dma source(%dma_start3A_185 : memref<10240x128xf32, #tpu.memory_space<hbm>>) target(%arg11 : memref<100x128xf32, #tpu.memory_space<vmem>>) offsets(%dma_start3A_182 : memref<100xi32, #tpu.memory_space<vmem>>) semaphore(%arg14 : memref<!tpu.dma_semaphore, #tpu.memory_space<semaphore_mem>>)
    %scan3A_186 = arith.constant 0 : i32
    %scan3A_187 = arith.constant 0 : i32
    %scan3A_188 = arith.constant 12 : i32
    %scan3A_189 = arith.addi %scan3A_187, %scan3A_188 : i32
    %scan3A_190 = arith.constant 1 : i32
    scf.for %scan3A_242 = %scan3A_187 to %scan3A_189 step %scan3A_190  : i32 {
      %mul3A_243 = arith.constant 2 : i32
      %mul3A_244 = arith.muli %mul3A_243, %scan3A_242 : i32
      %add3A_245 = arith.constant 1 : i32
      %add3A_246 = arith.addi %mul3A_244, %add3A_245 : i32
      %dma_start3A_247 = arith.constant 0 : i32
      %dma_start3A_248 = tpu.memref_slice %arg7[%add3A_246, %dma_start3A_247] : memref<25x100xi32, #tpu.memory_space<vmem>> -> memref<1x100xi32, #tpu.memory_space<vmem>>
      %dma_start3A_249 = tpu.memref_squeeze %dma_start3A_248 : memref<1x100xi32, #tpu.memory_space<vmem>> -> memref<100xi32, #tpu.memory_space<vmem>>
      %dma_start3A_250 = arith.constant 0 : i32
      %dma_start3A_251 = arith.constant 0 : i32
      %dma_start3A_252 = tpu.memref_slice %arg2[%dma_start3A_250, %dma_start3A_251] : memref<10240x128xf32, #tpu.memory_space<hbm>> -> memref<10240x128xf32, #tpu.memory_space<hbm>>
      tpu.enqueue_indirect_dma source(%dma_start3A_252 : memref<10240x128xf32, #tpu.memory_space<hbm>>) target(%arg12 : memref<100x128xf32, #tpu.memory_space<vmem>>) offsets(%dma_start3A_249 : memref<100xi32, #tpu.memory_space<vmem>>) semaphore(%arg15 : memref<!tpu.dma_semaphore, #tpu.memory_space<semaphore_mem>>)
      %dma_wait3A_253 = arith.constant 0 : i32
      %dma_wait3A_254 = arith.constant 0 : i32
      %dma_wait3A_255 = tpu.memref_slice %arg7[%dma_wait3A_253, %dma_wait3A_254] : memref<25x100xi32, #tpu.memory_space<vmem>> -> memref<1x100xi32, #tpu.memory_space<vmem>>
      %dma_wait3A_256 = tpu.memref_squeeze %dma_wait3A_255 : memref<1x100xi32, #tpu.memory_space<vmem>> -> memref<100xi32, #tpu.memory_space<vmem>>
      %dma_wait3A_257 = arith.constant 0 : i32
      %dma_wait3A_258 = arith.constant 0 : i32
      %dma_wait3A_259 = tpu.memref_slice %arg2[%dma_wait3A_257, %dma_wait3A_258] : memref<10240x128xf32, #tpu.memory_space<hbm>> -> memref<10240x128xf32, #tpu.memory_space<hbm>>
      tpu.wait_indirect_dma semaphore(%arg14 : memref<!tpu.dma_semaphore, #tpu.memory_space<semaphore_mem>>) src(%dma_wait3A_259 : memref<10240x128xf32, #tpu.memory_space<hbm>>) dst(%arg11 : memref<100x128xf32, #tpu.memory_space<vmem>>)
      "tpu.region"() ({
        %run_scoped3A_277 = tpu.sem_alloc : memref<!tpu.dma_semaphore, #tpu.memory_space<semaphore_mem>>
        %dma_start3A_278 = arith.constant 0 : i32
        %dma_start3A_279 = tpu.memref_slice %arg9[%mul3A_244, %dma_start3A_278] : memref<25x100xi32, #tpu.memory_space<vmem>> -> memref<1x100xi32, #tpu.memory_space<vmem>>
        %dma_start3A_280 = tpu.memref_squeeze %dma_start3A_279 : memref<1x100xi32, #tpu.memory_space<vmem>> -> memref<100xi32, #tpu.memory_space<vmem>>
        %dma_start3A_281 = arith.constant 0 : i32
        %dma_start3A_282 = arith.constant 0 : i32
        %dma_start3A_283 = tpu.memref_slice %arg13[%dma_start3A_281, %dma_start3A_282] : memref<10240x128xf32, #tpu.memory_space<vmem_shared>> -> memref<10240x128xf32, #tpu.memory_space<vmem_shared>>
        tpu.enqueue_indirect_dma source(%arg11 : memref<100x128xf32, #tpu.memory_space<vmem>>) target(%dma_start3A_283 : memref<10240x128xf32, #tpu.memory_space<vmem_shared>>) offsets(%dma_start3A_280 : memref<100xi32, #tpu.memory_space<vmem>>) semaphore(%run_scoped3A_277 : memref<!tpu.dma_semaphore, #tpu.memory_space<semaphore_mem>>) {add = true}
        %dma_wait3A_284 = arith.constant 0 : i32
        %dma_wait3A_285 = tpu.memref_slice %arg9[%mul3A_244, %dma_wait3A_284] : memref<25x100xi32, #tpu.memory_space<vmem>> -> memref<1x100xi32, #tpu.memory_space<vmem>>
        %dma_wait3A_286 = tpu.memref_squeeze %dma_wait3A_285 : memref<1x100xi32, #tpu.memory_space<vmem>> -> memref<100xi32, #tpu.memory_space<vmem>>
        %dma_wait3A_287 = arith.constant 0 : i32
        %dma_wait3A_288 = arith.constant 0 : i32
        %dma_wait3A_289 = tpu.memref_slice %arg13[%dma_wait3A_287, %dma_wait3A_288] : memref<10240x128xf32, #tpu.memory_space<vmem_shared>> -> memref<10240x128xf32, #tpu.memory_space<vmem_shared>>
        tpu.wait_indirect_dma semaphore(%run_scoped3A_277 : memref<!tpu.dma_semaphore, #tpu.memory_space<semaphore_mem>>) src(%arg11 : memref<100x128xf32, #tpu.memory_space<vmem>>) dst(%dma_wait3A_289 : memref<10240x128xf32, #tpu.memory_space<vmem_shared>>)
        tpu.yield
      }) : () -> ()
      %add3A_260 = arith.constant 2 : i32
      %add3A_261 = arith.addi %mul3A_244, %add3A_260 : i32
      %dma_start3A_262 = arith.constant 0 : i32
      %dma_start3A_263 = tpu.memref_slice %arg7[%add3A_261, %dma_start3A_262] : memref<25x100xi32, #tpu.memory_space<vmem>> -> memref<1x100xi32, #tpu.memory_space<vmem>>
      %dma_start3A_264 = tpu.memref_squeeze %dma_start3A_263 : memref<1x100xi32, #tpu.memory_space<vmem>> -> memref<100xi32, #tpu.memory_space<vmem>>
      %dma_start3A_265 = arith.constant 0 : i32
      %dma_start3A_266 = arith.constant 0 : i32
      %dma_start3A_267 = tpu.memref_slice %arg2[%dma_start3A_265, %dma_start3A_266] : memref<10240x128xf32, #tpu.memory_space<hbm>> -> memref<10240x128xf32, #tpu.memory_space<hbm>>
      tpu.enqueue_indirect_dma source(%dma_start3A_267 : memref<10240x128xf32, #tpu.memory_space<hbm>>) target(%arg11 : memref<100x128xf32, #tpu.memory_space<vmem>>) offsets(%dma_start3A_264 : memref<100xi32, #tpu.memory_space<vmem>>) semaphore(%arg14 : memref<!tpu.dma_semaphore, #tpu.memory_space<semaphore_mem>>)
      %dma_wait3A_268 = arith.constant 0 : i32
      %dma_wait3A_269 = arith.constant 0 : i32
      %dma_wait3A_270 = tpu.memref_slice %arg7[%dma_wait3A_268, %dma_wait3A_269] : memref<25x100xi32, #tpu.memory_space<vmem>> -> memref<1x100xi32, #tpu.memory_space<vmem>>
      %dma_wait3A_271 = tpu.memref_squeeze %dma_wait3A_270 : memref<1x100xi32, #tpu.memory_space<vmem>> -> memref<100xi32, #tpu.memory_space<vmem>>
      %dma_wait3A_272 = arith.constant 0 : i32
      %dma_wait3A_273 = arith.constant 0 : i32
      %dma_wait3A_274 = tpu.memref_slice %arg2[%dma_wait3A_272, %dma_wait3A_273] : memref<10240x128xf32, #tpu.memory_space<hbm>> -> memref<10240x128xf32, #tpu.memory_space<hbm>>
      tpu.wait_indirect_dma semaphore(%arg15 : memref<!tpu.dma_semaphore, #tpu.memory_space<semaphore_mem>>) src(%dma_wait3A_274 : memref<10240x128xf32, #tpu.memory_space<hbm>>) dst(%arg12 : memref<100x128xf32, #tpu.memory_space<vmem>>)
      %add3A_275 = arith.constant 1 : i32
      %add3A_276 = arith.addi %mul3A_244, %add3A_275 : i32
      "tpu.region"() ({
        %run_scoped3A_277 = tpu.sem_alloc : memref<!tpu.dma_semaphore, #tpu.memory_space<semaphore_mem>>
        %dma_start3A_278 = arith.constant 0 : i32
        %dma_start3A_279 = tpu.memref_slice %arg9[%add3A_276, %dma_start3A_278] : memref<25x100xi32, #tpu.memory_space<vmem>> -> memref<1x100xi32, #tpu.memory_space<vmem>>
        %dma_start3A_280 = tpu.memref_squeeze %dma_start3A_279 : memref<1x100xi32, #tpu.memory_space<vmem>> -> memref<100xi32, #tpu.memory_space<vmem>>
        %dma_start3A_281 = arith.constant 0 : i32
        %dma_start3A_282 = arith.constant 0 : i32
        %dma_start3A_283 = tpu.memref_slice %arg13[%dma_start3A_281, %dma_start3A_282] : memref<10240x128xf32, #tpu.memory_space<vmem_shared>> -> memref<10240x128xf32, #tpu.memory_space<vmem_shared>>
        tpu.enqueue_indirect_dma source(%arg12 : memref<100x128xf32, #tpu.memory_space<vmem>>) target(%dma_start3A_283 : memref<10240x128xf32, #tpu.memory_space<vmem_shared>>) offsets(%dma_start3A_280 : memref<100xi32, #tpu.memory_space<vmem>>) semaphore(%run_scoped3A_277 : memref<!tpu.dma_semaphore, #tpu.memory_space<semaphore_mem>>) {add = true}
        %dma_wait3A_284 = arith.constant 0 : i32
        %dma_wait3A_285 = tpu.memref_slice %arg9[%add3A_276, %dma_wait3A_284] : memref<25x100xi32, #tpu.memory_space<vmem>> -> memref<1x100xi32, #tpu.memory_space<vmem>>
        %dma_wait3A_286 = tpu.memref_squeeze %dma_wait3A_285 : memref<1x100xi32, #tpu.memory_space<vmem>> -> memref<100xi32, #tpu.memory_space<vmem>>
        %dma_wait3A_287 = arith.constant 0 : i32
        %dma_wait3A_288 = arith.constant 0 : i32
        %dma_wait3A_289 = tpu.memref_slice %arg13[%dma_wait3A_287, %dma_wait3A_288] : memref<10240x128xf32, #tpu.memory_space<vmem_shared>> -> memref<10240x128xf32, #tpu.memory_space<vmem_shared>>
        tpu.wait_indirect_dma semaphore(%run_scoped3A_277 : memref<!tpu.dma_semaphore, #tpu.memory_space<semaphore_mem>>) src(%arg12 : memref<100x128xf32, #tpu.memory_space<vmem>>) dst(%dma_wait3A_289 : memref<10240x128xf32, #tpu.memory_space<vmem_shared>>)
        tpu.yield
      }) : () -> ()
    }
    %scan3A_191 = arith.constant 12 : i32
    %dma_wait3A_192 = arith.constant 0 : i32
    %dma_wait3A_193 = arith.constant 0 : i32
    %dma_wait3A_194 = tpu.memref_slice %arg7[%dma_wait3A_192, %dma_wait3A_193] : memref<25x100xi32, #tpu.memory_space<vmem>> -> memref<1x100xi32, #tpu.memory_space<vmem>>
    %dma_wait3A_195 = tpu.memref_squeeze %dma_wait3A_194 : memref<1x100xi32, #tpu.memory_space<vmem>> -> memref<100xi32, #tpu.memory_space<vmem>>
    %dma_wait3A_196 = arith.constant 0 : i32
    %dma_wait3A_197 = arith.constant 0 : i32
    %dma_wait3A_198 = tpu.memref_slice %arg2[%dma_wait3A_196, %dma_wait3A_197] : memref<10240x128xf32, #tpu.memory_space<hbm>> -> memref<10240x128xf32, #tpu.memory_space<hbm>>
    tpu.wait_indirect_dma semaphore(%arg14 : memref<!tpu.dma_semaphore, #tpu.memory_space<semaphore_mem>>) src(%dma_wait3A_198 : memref<10240x128xf32, #tpu.memory_space<hbm>>) dst(%arg11 : memref<100x128xf32, #tpu.memory_space<vmem>>)
    %run_scoped3A_199 = arith.constant 24 : i32
    "tpu.region"() ({
      %run_scoped3A_242 = tpu.sem_alloc : memref<!tpu.dma_semaphore, #tpu.memory_space<semaphore_mem>>
      %dma_start3A_243 = arith.constant 0 : i32
      %dma_start3A_244 = tpu.memref_slice %arg9[%run_scoped3A_199, %dma_start3A_243] : memref<25x100xi32, #tpu.memory_space<vmem>> -> memref<1x100xi32, #tpu.memory_space<vmem>>
      %dma_start3A_245 = tpu.memref_squeeze %dma_start3A_244 : memref<1x100xi32, #tpu.memory_space<vmem>> -> memref<100xi32, #tpu.memory_space<vmem>>
      %dma_start3A_246 = arith.constant 0 : i32
      %dma_start3A_247 = arith.constant 0 : i32
      %dma_start3A_248 = tpu.memref_slice %arg13[%dma_start3A_246, %dma_start3A_247] : memref<10240x128xf32, #tpu.memory_space<vmem_shared>> -> memref<10240x128xf32, #tpu.memory_space<vmem_shared>>
      tpu.enqueue_indirect_dma source(%arg11 : memref<100x128xf32, #tpu.memory_space<vmem>>) target(%dma_start3A_248 : memref<10240x128xf32, #tpu.memory_space<vmem_shared>>) offsets(%dma_start3A_245 : memref<100xi32, #tpu.memory_space<vmem>>) semaphore(%run_scoped3A_242 : memref<!tpu.dma_semaphore, #tpu.memory_space<semaphore_mem>>) {add = true}
      %dma_wait3A_249 = arith.constant 0 : i32
      %dma_wait3A_250 = tpu.memref_slice %arg9[%run_scoped3A_199, %dma_wait3A_249] : memref<25x100xi32, #tpu.memory_space<vmem>> -> memref<1x100xi32, #tpu.memory_space<vmem>>
      %dma_wait3A_251 = tpu.memref_squeeze %dma_wait3A_250 : memref<1x100xi32, #tpu.memory_space<vmem>> -> memref<100xi32, #tpu.memory_space<vmem>>
      %dma_wait3A_252 = arith.constant 0 : i32
      %dma_wait3A_253 = arith.constant 0 : i32
      %dma_wait3A_254 = tpu.memref_slice %arg13[%dma_wait3A_252, %dma_wait3A_253] : memref<10240x128xf32, #tpu.memory_space<vmem_shared>> -> memref<10240x128xf32, #tpu.memory_space<vmem_shared>>
      tpu.wait_indirect_dma semaphore(%run_scoped3A_242 : memref<!tpu.dma_semaphore, #tpu.memory_space<semaphore_mem>>) src(%arg11 : memref<100x128xf32, #tpu.memory_space<vmem>>) dst(%dma_wait3A_254 : memref<10240x128xf32, #tpu.memory_space<vmem_shared>>)
      tpu.yield
    }) : () -> ()
    %dma_wait3A_200 = arith.constant 0 : i32
    %dma_wait3A_201 = arith.constant 0 : i32
    %dma_wait3A_202 = tpu.memref_slice %arg3[%mul3A_2, %dma_wait3A_200, %dma_wait3A_201] : memref<128x25x100xi32, #tpu.memory_space<hbm>> -> memref<1x25x100xi32, #tpu.memory_space<hbm>>
    %dma_wait3A_203 = tpu.memref_squeeze %dma_wait3A_202 : memref<1x25x100xi32, #tpu.memory_space<hbm>> -> memref<25x100xi32, #tpu.memory_space<hbm>>
    %dma_wait3A_204 = arith.constant 0 : i32
    %dma_wait3A_205 = arith.constant 0 : i32
    %dma_wait3A_206 = tpu.memref_slice %arg3[%mul3A_2, %dma_wait3A_204, %dma_wait3A_205] : memref<128x25x100xi32, #tpu.memory_space<hbm>> -> memref<1x25x100xi32, #tpu.memory_space<hbm>>
    %dma_wait3A_207 = tpu.memref_squeeze %dma_wait3A_206 : memref<1x25x100xi32, #tpu.memory_space<hbm>> -> memref<25x100xi32, #tpu.memory_space<hbm>>
    tpu.wait_dma2 semaphore(%arg17 : memref<!tpu.dma_semaphore, #tpu.memory_space<semaphore_mem>>) src(%dma_wait3A_207 : memref<25x100xi32, #tpu.memory_space<hbm>>) dst(%arg8 : memref<25x100xi32, #tpu.memory_space<vmem>>)
    %dma_wait3A_208 = arith.constant 0 : i32
    %dma_wait3A_209 = arith.constant 0 : i32
    %dma_wait3A_210 = tpu.memref_slice %arg4[%mul3A_2, %dma_wait3A_208, %dma_wait3A_209] : memref<128x25x100xi32, #tpu.memory_space<hbm>> -> memref<1x25x100xi32, #tpu.memory_space<hbm>>
    %dma_wait3A_211 = tpu.memref_squeeze %dma_wait3A_210 : memref<1x25x100xi32, #tpu.memory_space<hbm>> -> memref<25x100xi32, #tpu.memory_space<hbm>>
    %dma_wait3A_212 = arith.constant 0 : i32
    %dma_wait3A_213 = arith.constant 0 : i32
    %dma_wait3A_214 = tpu.memref_slice %arg4[%mul3A_2, %dma_wait3A_212, %dma_wait3A_213] : memref<128x25x100xi32, #tpu.memory_space<hbm>> -> memref<1x25x100xi32, #tpu.memory_space<hbm>>
    %dma_wait3A_215 = tpu.memref_squeeze %dma_wait3A_214 : memref<1x25x100xi32, #tpu.memory_space<hbm>> -> memref<25x100xi32, #tpu.memory_space<hbm>>
    tpu.wait_dma2 semaphore(%arg17 : memref<!tpu.dma_semaphore, #tpu.memory_space<semaphore_mem>>) src(%dma_wait3A_215 : memref<25x100xi32, #tpu.memory_space<hbm>>) dst(%arg10 : memref<25x100xi32, #tpu.memory_space<vmem>>)
    %dma_start3A_216 = arith.constant 0 : i32
    %dma_start3A_217 = arith.constant 0 : i32
    %dma_start3A_218 = tpu.memref_slice %arg8[%dma_start3A_216, %dma_start3A_217] : memref<25x100xi32, #tpu.memory_space<vmem>> -> memref<1x100xi32, #tpu.memory_space<vmem>>
    %dma_start3A_219 = tpu.memref_squeeze %dma_start3A_218 : memref<1x100xi32, #tpu.memory_space<vmem>> -> memref<100xi32, #tpu.memory_space<vmem>>
    %dma_start3A_220 = arith.constant 0 : i32
    %dma_start3A_221 = arith.constant 0 : i32
    %dma_start3A_222 = tpu.memref_slice %arg2[%dma_start3A_220, %dma_start3A_221] : memref<10240x128xf32, #tpu.memory_space<hbm>> -> memref<10240x128xf32, #tpu.memory_space<hbm>>
    tpu.enqueue_indirect_dma source(%dma_start3A_222 : memref<10240x128xf32, #tpu.memory_space<hbm>>) target(%arg11 : memref<100x128xf32, #tpu.memory_space<vmem>>) offsets(%dma_start3A_219 : memref<100xi32, #tpu.memory_space<vmem>>) semaphore(%arg14 : memref<!tpu.dma_semaphore, #tpu.memory_space<semaphore_mem>>)
    %scan3A_223 = arith.constant 0 : i32
    %scan3A_224 = arith.constant 0 : i32
    %scan3A_225 = arith.constant 12 : i32
    %scan3A_226 = arith.addi %scan3A_224, %scan3A_225 : i32
    %scan3A_227 = arith.constant 1 : i32
    scf.for %scan3A_242 = %scan3A_224 to %scan3A_226 step %scan3A_227  : i32 {
      %mul3A_243 = arith.constant 2 : i32
      %mul3A_244 = arith.muli %mul3A_243, %scan3A_242 : i32
      %add3A_245 = arith.constant 1 : i32
      %add3A_246 = arith.addi %mul3A_244, %add3A_245 : i32
      %dma_start3A_247 = arith.constant 0 : i32
      %dma_start3A_248 = tpu.memref_slice %arg8[%add3A_246, %dma_start3A_247] : memref<25x100xi32, #tpu.memory_space<vmem>> -> memref<1x100xi32, #tpu.memory_space<vmem>>
      %dma_start3A_249 = tpu.memref_squeeze %dma_start3A_248 : memref<1x100xi32, #tpu.memory_space<vmem>> -> memref<100xi32, #tpu.memory_space<vmem>>
      %dma_start3A_250 = arith.constant 0 : i32
      %dma_start3A_251 = arith.constant 0 : i32
      %dma_start3A_252 = tpu.memref_slice %arg2[%dma_start3A_250, %dma_start3A_251] : memref<10240x128xf32, #tpu.memory_space<hbm>> -> memref<10240x128xf32, #tpu.memory_space<hbm>>
      tpu.enqueue_indirect_dma source(%dma_start3A_252 : memref<10240x128xf32, #tpu.memory_space<hbm>>) target(%arg12 : memref<100x128xf32, #tpu.memory_space<vmem>>) offsets(%dma_start3A_249 : memref<100xi32, #tpu.memory_space<vmem>>) semaphore(%arg15 : memref<!tpu.dma_semaphore, #tpu.memory_space<semaphore_mem>>)
      %dma_wait3A_253 = arith.constant 0 : i32
      %dma_wait3A_254 = arith.constant 0 : i32
      %dma_wait3A_255 = tpu.memref_slice %arg8[%dma_wait3A_253, %dma_wait3A_254] : memref<25x100xi32, #tpu.memory_space<vmem>> -> memref<1x100xi32, #tpu.memory_space<vmem>>
      %dma_wait3A_256 = tpu.memref_squeeze %dma_wait3A_255 : memref<1x100xi32, #tpu.memory_space<vmem>> -> memref<100xi32, #tpu.memory_space<vmem>>
      %dma_wait3A_257 = arith.constant 0 : i32
      %dma_wait3A_258 = arith.constant 0 : i32
      %dma_wait3A_259 = tpu.memref_slice %arg2[%dma_wait3A_257, %dma_wait3A_258] : memref<10240x128xf32, #tpu.memory_space<hbm>> -> memref<10240x128xf32, #tpu.memory_space<hbm>>
      tpu.wait_indirect_dma semaphore(%arg14 : memref<!tpu.dma_semaphore, #tpu.memory_space<semaphore_mem>>) src(%dma_wait3A_259 : memref<10240x128xf32, #tpu.memory_space<hbm>>) dst(%arg11 : memref<100x128xf32, #tpu.memory_space<vmem>>)
      "tpu.region"() ({
        %run_scoped3A_277 = tpu.sem_alloc : memref<!tpu.dma_semaphore, #tpu.memory_space<semaphore_mem>>
        %dma_start3A_278 = arith.constant 0 : i32
        %dma_start3A_279 = tpu.memref_slice %arg10[%mul3A_244, %dma_start3A_278] : memref<25x100xi32, #tpu.memory_space<vmem>> -> memref<1x100xi32, #tpu.memory_space<vmem>>
        %dma_start3A_280 = tpu.memref_squeeze %dma_start3A_279 : memref<1x100xi32, #tpu.memory_space<vmem>> -> memref<100xi32, #tpu.memory_space<vmem>>
        %dma_start3A_281 = arith.constant 0 : i32
        %dma_start3A_282 = arith.constant 0 : i32
        %dma_start3A_283 = tpu.memref_slice %arg13[%dma_start3A_281, %dma_start3A_282] : memref<10240x128xf32, #tpu.memory_space<vmem_shared>> -> memref<10240x128xf32, #tpu.memory_space<vmem_shared>>
        tpu.enqueue_indirect_dma source(%arg11 : memref<100x128xf32, #tpu.memory_space<vmem>>) target(%dma_start3A_283 : memref<10240x128xf32, #tpu.memory_space<vmem_shared>>) offsets(%dma_start3A_280 : memref<100xi32, #tpu.memory_space<vmem>>) semaphore(%run_scoped3A_277 : memref<!tpu.dma_semaphore, #tpu.memory_space<semaphore_mem>>) {add = true}
        %dma_wait3A_284 = arith.constant 0 : i32
        %dma_wait3A_285 = tpu.memref_slice %arg10[%mul3A_244, %dma_wait3A_284] : memref<25x100xi32, #tpu.memory_space<vmem>> -> memref<1x100xi32, #tpu.memory_space<vmem>>
        %dma_wait3A_286 = tpu.memref_squeeze %dma_wait3A_285 : memref<1x100xi32, #tpu.memory_space<vmem>> -> memref<100xi32, #tpu.memory_space<vmem>>
        %dma_wait3A_287 = arith.constant 0 : i32
        %dma_wait3A_288 = arith.constant 0 : i32
        %dma_wait3A_289 = tpu.memref_slice %arg13[%dma_wait3A_287, %dma_wait3A_288] : memref<10240x128xf32, #tpu.memory_space<vmem_shared>> -> memref<10240x128xf32, #tpu.memory_space<vmem_shared>>
        tpu.wait_indirect_dma semaphore(%run_scoped3A_277 : memref<!tpu.dma_semaphore, #tpu.memory_space<semaphore_mem>>) src(%arg11 : memref<100x128xf32, #tpu.memory_space<vmem>>) dst(%dma_wait3A_289 : memref<10240x128xf32, #tpu.memory_space<vmem_shared>>)
        tpu.yield
      }) : () -> ()
      %add3A_260 = arith.constant 2 : i32
      %add3A_261 = arith.addi %mul3A_244, %add3A_260 : i32
      %dma_start3A_262 = arith.constant 0 : i32
      %dma_start3A_263 = tpu.memref_slice %arg8[%add3A_261, %dma_start3A_262] : memref<25x100xi32, #tpu.memory_space<vmem>> -> memref<1x100xi32, #tpu.memory_space<vmem>>
      %dma_start3A_264 = tpu.memref_squeeze %dma_start3A_263 : memref<1x100xi32, #tpu.memory_space<vmem>> -> memref<100xi32, #tpu.memory_space<vmem>>
      %dma_start3A_265 = arith.constant 0 : i32
      %dma_start3A_266 = arith.constant 0 : i32
      %dma_start3A_267 = tpu.memref_slice %arg2[%dma_start3A_265, %dma_start3A_266] : memref<10240x128xf32, #tpu.memory_space<hbm>> -> memref<10240x128xf32, #tpu.memory_space<hbm>>
      tpu.enqueue_indirect_dma source(%dma_start3A_267 : memref<10240x128xf32, #tpu.memory_space<hbm>>) target(%arg11 : memref<100x128xf32, #tpu.memory_space<vmem>>) offsets(%dma_start3A_264 : memref<100xi32, #tpu.memory_space<vmem>>) semaphore(%arg14 : memref<!tpu.dma_semaphore, #tpu.memory_space<semaphore_mem>>)
      %dma_wait3A_268 = arith.constant 0 : i32
      %dma_wait3A_269 = arith.constant 0 : i32
      %dma_wait3A_270 = tpu.memref_slice %arg8[%dma_wait3A_268, %dma_wait3A_269] : memref<25x100xi32, #tpu.memory_space<vmem>> -> memref<1x100xi32, #tpu.memory_space<vmem>>
      %dma_wait3A_271 = tpu.memref_squeeze %dma_wait3A_270 : memref<1x100xi32, #tpu.memory_space<vmem>> -> memref<100xi32, #tpu.memory_space<vmem>>
      %dma_wait3A_272 = arith.constant 0 : i32
      %dma_wait3A_273 = arith.constant 0 : i32
      %dma_wait3A_274 = tpu.memref_slice %arg2[%dma_wait3A_272, %dma_wait3A_273] : memref<10240x128xf32, #tpu.memory_space<hbm>> -> memref<10240x128xf32, #tpu.memory_space<hbm>>
      tpu.wait_indirect_dma semaphore(%arg15 : memref<!tpu.dma_semaphore, #tpu.memory_space<semaphore_mem>>) src(%dma_wait3A_274 : memref<10240x128xf32, #tpu.memory_space<hbm>>) dst(%arg12 : memref<100x128xf32, #tpu.memory_space<vmem>>)
      %add3A_275 = arith.constant 1 : i32
      %add3A_276 = arith.addi %mul3A_244, %add3A_275 : i32
      "tpu.region"() ({
        %run_scoped3A_277 = tpu.sem_alloc : memref<!tpu.dma_semaphore, #tpu.memory_space<semaphore_mem>>
        %dma_start3A_278 = arith.constant 0 : i32
        %dma_start3A_279 = tpu.memref_slice %arg10[%add3A_276, %dma_start3A_278] : memref<25x100xi32, #tpu.memory_space<vmem>> -> memref<1x100xi32, #tpu.memory_space<vmem>>
        %dma_start3A_280 = tpu.memref_squeeze %dma_start3A_279 : memref<1x100xi32, #tpu.memory_space<vmem>> -> memref<100xi32, #tpu.memory_space<vmem>>
        %dma_start3A_281 = arith.constant 0 : i32
        %dma_start3A_282 = arith.constant 0 : i32
        %dma_start3A_283 = tpu.memref_slice %arg13[%dma_start3A_281, %dma_start3A_282] : memref<10240x128xf32, #tpu.memory_space<vmem_shared>> -> memref<10240x128xf32, #tpu.memory_space<vmem_shared>>
        tpu.enqueue_indirect_dma source(%arg12 : memref<100x128xf32, #tpu.memory_space<vmem>>) target(%dma_start3A_283 : memref<10240x128xf32, #tpu.memory_space<vmem_shared>>) offsets(%dma_start3A_280 : memref<100xi32, #tpu.memory_space<vmem>>) semaphore(%run_scoped3A_277 : memref<!tpu.dma_semaphore, #tpu.memory_space<semaphore_mem>>) {add = true}
        %dma_wait3A_284 = arith.constant 0 : i32
        %dma_wait3A_285 = tpu.memref_slice %arg10[%add3A_276, %dma_wait3A_284] : memref<25x100xi32, #tpu.memory_space<vmem>> -> memref<1x100xi32, #tpu.memory_space<vmem>>
        %dma_wait3A_286 = tpu.memref_squeeze %dma_wait3A_285 : memref<1x100xi32, #tpu.memory_space<vmem>> -> memref<100xi32, #tpu.memory_space<vmem>>
        %dma_wait3A_287 = arith.constant 0 : i32
        %dma_wait3A_288 = arith.constant 0 : i32
        %dma_wait3A_289 = tpu.memref_slice %arg13[%dma_wait3A_287, %dma_wait3A_288] : memref<10240x128xf32, #tpu.memory_space<vmem_shared>> -> memref<10240x128xf32, #tpu.memory_space<vmem_shared>>
        tpu.wait_indirect_dma semaphore(%run_scoped3A_277 : memref<!tpu.dma_semaphore, #tpu.memory_space<semaphore_mem>>) src(%arg12 : memref<100x128xf32, #tpu.memory_space<vmem>>) dst(%dma_wait3A_289 : memref<10240x128xf32, #tpu.memory_space<vmem_shared>>)
        tpu.yield
      }) : () -> ()
    }
    %scan3A_228 = arith.constant 12 : i32
    %dma_wait3A_229 = arith.constant 0 : i32
    %dma_wait3A_230 = arith.constant 0 : i32
    %dma_wait3A_231 = tpu.memref_slice %arg8[%dma_wait3A_229, %dma_wait3A_230] : memref<25x100xi32, #tpu.memory_space<vmem>> -> memref<1x100xi32, #tpu.memory_space<vmem>>
    %dma_wait3A_232 = tpu.memref_squeeze %dma_wait3A_231 : memref<1x100xi32, #tpu.memory_space<vmem>> -> memref<100xi32, #tpu.memory_space<vmem>>
    %dma_wait3A_233 = arith.constant 0 : i32
    %dma_wait3A_234 = arith.constant 0 : i32
    %dma_wait3A_235 = tpu.memref_slice %arg2[%dma_wait3A_233, %dma_wait3A_234] : memref<10240x128xf32, #tpu.memory_space<hbm>> -> memref<10240x128xf32, #tpu.memory_space<hbm>>
    tpu.wait_indirect_dma semaphore(%arg14 : memref<!tpu.dma_semaphore, #tpu.memory_space<semaphore_mem>>) src(%dma_wait3A_235 : memref<10240x128xf32, #tpu.memory_space<hbm>>) dst(%arg11 : memref<100x128xf32, #tpu.memory_space<vmem>>)
    %run_scoped3A_236 = arith.constant 24 : i32
    "tpu.region"() ({
      %run_scoped3A_242 = tpu.sem_alloc : memref<!tpu.dma_semaphore, #tpu.memory_space<semaphore_mem>>
      %dma_start3A_243 = arith.constant 0 : i32
      %dma_start3A_244 = tpu.memref_slice %arg10[%run_scoped3A_236, %dma_start3A_243] : memref<25x100xi32, #tpu.memory_space<vmem>> -> memref<1x100xi32, #tpu.memory_space<vmem>>
      %dma_start3A_245 = tpu.memref_squeeze %dma_start3A_244 : memref<1x100xi32, #tpu.memory_space<vmem>> -> memref<100xi32, #tpu.memory_space<vmem>>
      %dma_start3A_246 = arith.constant 0 : i32
      %dma_start3A_247 = arith.constant 0 : i32
      %dma_start3A_248 = tpu.memref_slice %arg13[%dma_start3A_246, %dma_start3A_247] : memref<10240x128xf32, #tpu.memory_space<vmem_shared>> -> memref<10240x128xf32, #tpu.memory_space<vmem_shared>>
      tpu.enqueue_indirect_dma source(%arg11 : memref<100x128xf32, #tpu.memory_space<vmem>>) target(%dma_start3A_248 : memref<10240x128xf32, #tpu.memory_space<vmem_shared>>) offsets(%dma_start3A_245 : memref<100xi32, #tpu.memory_space<vmem>>) semaphore(%run_scoped3A_242 : memref<!tpu.dma_semaphore, #tpu.memory_space<semaphore_mem>>) {add = true}
      %dma_wait3A_249 = arith.constant 0 : i32
      %dma_wait3A_250 = tpu.memref_slice %arg10[%run_scoped3A_236, %dma_wait3A_249] : memref<25x100xi32, #tpu.memory_space<vmem>> -> memref<1x100xi32, #tpu.memory_space<vmem>>
      %dma_wait3A_251 = tpu.memref_squeeze %dma_wait3A_250 : memref<1x100xi32, #tpu.memory_space<vmem>> -> memref<100xi32, #tpu.memory_space<vmem>>
      %dma_wait3A_252 = arith.constant 0 : i32
      %dma_wait3A_253 = arith.constant 0 : i32
      %dma_wait3A_254 = tpu.memref_slice %arg13[%dma_wait3A_252, %dma_wait3A_253] : memref<10240x128xf32, #tpu.memory_space<vmem_shared>> -> memref<10240x128xf32, #tpu.memory_space<vmem_shared>>
      tpu.wait_indirect_dma semaphore(%run_scoped3A_242 : memref<!tpu.dma_semaphore, #tpu.memory_space<semaphore_mem>>) src(%arg11 : memref<100x128xf32, #tpu.memory_space<vmem>>) dst(%dma_wait3A_254 : memref<10240x128xf32, #tpu.memory_space<vmem_shared>>)
      tpu.yield
    }) : () -> ()
    %barrier3A_237 = arith.constant 0 : index
    tpu.barrier barrier_id(%barrier3A_237)
    %mul3A_238 = arith.constant 640 : i32
    %mul3A_239 = arith.muli %arg1, %mul3A_238 : i32
    %mul3A_240 = arith.constant 640 : i32
    %mul3A_241 = arith.muli %arg1, %mul3A_240 : i32
    "tpu.region"() ({
      %run_scoped3A_242 = tpu.sem_alloc : memref<!tpu.dma_semaphore, #tpu.memory_space<semaphore_mem>>
      %dma_start3A_243 = arith.constant 0 : i32
      %dma_start3A_244 = tpu.memref_slice %arg6[%arg0, %mul3A_241, %dma_start3A_243] : memref<2x10240x128xf32, #tpu.memory_space<hbm>> -> memref<1x640x128xf32, #tpu.memory_space<hbm>>
      %dma_start3A_245 = tpu.memref_squeeze %dma_start3A_244 : memref<1x640x128xf32, #tpu.memory_space<hbm>> -> memref<640x128xf32, #tpu.memory_space<hbm>>
      %dma_start3A_246 = arith.constant 0 : i32
      %dma_start3A_247 = tpu.memref_slice %arg13[%mul3A_239, %dma_start3A_246] : memref<10240x128xf32, #tpu.memory_space<vmem_shared>> -> memref<640x128xf32, #tpu.memory_space<vmem_shared>>
      tpu.enqueue_dma source(%dma_start3A_247 : memref<640x128xf32, #tpu.memory_space<vmem_shared>>) target(%dma_start3A_245 : memref<640x128xf32, #tpu.memory_space<hbm>>) target_semaphore(%run_scoped3A_242 : memref<!tpu.dma_semaphore, #tpu.memory_space<semaphore_mem>>)
      %dma_wait3A_248 = arith.constant 0 : i32
      %dma_wait3A_249 = tpu.memref_slice %arg6[%arg0, %mul3A_241, %dma_wait3A_248] : memref<2x10240x128xf32, #tpu.memory_space<hbm>> -> memref<1x640x128xf32, #tpu.memory_space<hbm>>
      %dma_wait3A_250 = tpu.memref_squeeze %dma_wait3A_249 : memref<1x640x128xf32, #tpu.memory_space<hbm>> -> memref<640x128xf32, #tpu.memory_space<hbm>>
      %dma_wait3A_251 = arith.constant 0 : i32
      %dma_wait3A_252 = tpu.memref_slice %arg13[%mul3A_239, %dma_wait3A_251] : memref<10240x128xf32, #tpu.memory_space<vmem_shared>> -> memref<640x128xf32, #tpu.memory_space<vmem_shared>>
      tpu.wait_dma2 semaphore(%run_scoped3A_242 : memref<!tpu.dma_semaphore, #tpu.memory_space<semaphore_mem>>) src(%dma_wait3A_252 : memref<640x128xf32, #tpu.memory_space<vmem_shared>>) dst(%dma_wait3A_250 : memref<640x128xf32, #tpu.memory_space<hbm>>)
      tpu.yield
    }) : () -> ()
    return
  }
}

#map = affine_map<(d0, d1) -> (0, 0)>
#map1 = affine_map<(d0, d1) -> (0, 0, 0)>
module attributes {stable_mosaic.version = 14 : i64} {
  func.func @body(%arg0: i32, %arg1: i32, %arg2: memref<10240x128xf32, #tpu.memory_space<hbm>>, %arg3: memref<128x25x100xi32, #tpu.memory_space<hbm>>, %arg4: memref<128x25x100xi32, #tpu.memory_space<hbm>>, %arg5: memref<640x128xf32, #tpu.memory_space<hbm>>, %arg6: memref<2x10240x128xf32, #tpu.memory_space<hbm>>, %arg7: memref<25x100xi32, #tpu.memory_space<vmem>>, %arg8: memref<25x100xi32, #tpu.memory_space<vmem>>, %arg9: memref<25x100xi32, #tpu.memory_space<vmem>>, %arg10: memref<25x100xi32, #tpu.memory_space<vmem>>, %arg11: memref<100x128xf32, #tpu.memory_space<vmem>>, %arg12: memref<100x128xf32, #tpu.memory_space<vmem>>, %arg13: memref<10240x128xf32, #tpu.memory_space<vmem_shared>>, %arg14: memref<!tpu.dma_semaphore, #tpu.memory_space<semaphore_mem>>, %arg15: memref<!tpu.dma_semaphore, #tpu.memory_space<semaphore_mem>>, %arg16: memref<!tpu.dma_semaphore, #tpu.memory_space<semaphore_mem>>, %arg17: memref<!tpu.dma_semaphore, #tpu.memory_space<semaphore_mem>>) attributes {dimension_semantics = [#tpu.dimension_semantics<core_parallel>, #tpu.dimension_semantics<subcore_parallel>], iteration_bounds = array<i64: 2, 16>, scalar_prefetch = 0 : i64, scratch_operands = 11 : i64, tpu.core_type = #tpu.core_type<sc_vector_subcore>, window_params = [{transform_indices = #map}, {transform_indices = #map1}, {transform_indices = #map1}, {transform_indices = #map}, {transform_indices = #map1}]} {
    %mul3A = arith.constant 2 : i32
    %mul3A_0 = arith.muli %arg1, %mul3A : i32
    %add3A = arith.addi %mul3A_0, %arg0 : i32
    %mul3A_1 = arith.constant 4 : i32
    %mul3A_2 = arith.muli %add3A, %mul3A_1 : i32
    %dma_start3A = arith.constant 0 : i32
    %dma_start3A_3 = arith.constant 0 : i32
    %dma_start3A_4 = tpu.memref_slice %arg3[%mul3A_2, %dma_start3A, %dma_start3A_3] : memref<128x25x100xi32, #tpu.memory_space<hbm>> -> memref<1x25x100xi32, #tpu.memory_space<hbm>>
    %dma_start3A_5 = tpu.memref_squeeze %dma_start3A_4 : memref<1x25x100xi32, #tpu.memory_space<hbm>> -> memref<25x100xi32, #tpu.memory_space<hbm>>
    %dma_start3A_6 = arith.constant 0 : i32
    %dma_start3A_7 = arith.constant 0 : i32
    %dma_start3A_8 = tpu.memref_slice %arg3[%mul3A_2, %dma_start3A_6, %dma_start3A_7] : memref<128x25x100xi32, #tpu.memory_space<hbm>> -> memref<1x25x100xi32, #tpu.memory_space<hbm>>
    %dma_start3A_9 = tpu.memref_squeeze %dma_start3A_8 : memref<1x25x100xi32, #tpu.memory_space<hbm>> -> memref<25x100xi32, #tpu.memory_space<hbm>>
    tpu.enqueue_dma source(%dma_start3A_9 : memref<25x100xi32, #tpu.memory_space<hbm>>) target(%arg7 : memref<25x100xi32, #tpu.memory_space<vmem>>) target_semaphore(%arg16 : memref<!tpu.dma_semaphore, #tpu.memory_space<semaphore_mem>>)
    %dma_start3A_10 = arith.constant 0 : i32
    %dma_start3A_11 = arith.constant 0 : i32
    %dma_start3A_12 = tpu.memref_slice %arg4[%mul3A_2, %dma_start3A_10, %dma_start3A_11] : memref<128x25x100xi32, #tpu.memory_space<hbm>> -> memref<1x25x100xi32, #tpu.memory_space<hbm>>
    %dma_start3A_13 = tpu.memref_squeeze %dma_start3A_12 : memref<1x25x100xi32, #tpu.memory_space<hbm>> -> memref<25x100xi32, #tpu.memory_space<hbm>>
    %dma_start3A_14 = arith.constant 0 : i32
    %dma_start3A_15 = arith.constant 0 : i32
    %dma_start3A_16 = tpu.memref_slice %arg4[%mul3A_2, %dma_start3A_14, %dma_start3A_15] : memref<128x25x100xi32, #tpu.memory_space<hbm>> -> memref<1x25x100xi32, #tpu.memory_space<hbm>>
    %dma_start3A_17 = tpu.memref_squeeze %dma_start3A_16 : memref<1x25x100xi32, #tpu.memory_space<hbm>> -> memref<25x100xi32, #tpu.memory_space<hbm>>
    tpu.enqueue_dma source(%dma_start3A_17 : memref<25x100xi32, #tpu.memory_space<hbm>>) target(%arg9 : memref<25x100xi32, #tpu.memory_space<vmem>>) target_semaphore(%arg16 : memref<!tpu.dma_semaphore, #tpu.memory_space<semaphore_mem>>)
    %mul3A_18 = arith.constant 640 : i32
    %mul3A_19 = arith.muli %arg1, %mul3A_18 : i32
    "tpu.region"() ({
      %run_scoped3A_242 = tpu.sem_alloc : memref<!tpu.dma_semaphore, #tpu.memory_space<semaphore_mem>>
      %dma_start3A_243 = arith.constant 0 : i32
      %dma_start3A_244 = tpu.memref_slice %arg13[%mul3A_19, %dma_start3A_243] : memref<10240x128xf32, #tpu.memory_space<vmem_shared>> -> memref<640x128xf32, #tpu.memory_space<vmem_shared>>
      tpu.enqueue_dma source(%arg5 : memref<640x128xf32, #tpu.memory_space<hbm>>) target(%dma_start3A_244 : memref<640x128xf32, #tpu.memory_space<vmem_shared>>) target_semaphore(%run_scoped3A_242 : memref<!tpu.dma_semaphore, #tpu.memory_space<semaphore_mem>>)
      %dma_wait3A_245 = arith.constant 0 : i32
      %dma_wait3A_246 = tpu.memref_slice %arg13[%mul3A_19, %dma_wait3A_245] : memref<10240x128xf32, #tpu.memory_space<vmem_shared>> -> memref<640x128xf32, #tpu.memory_space<vmem_shared>>
      tpu.wait_dma2 semaphore(%run_scoped3A_242 : memref<!tpu.dma_semaphore, #tpu.memory_space<semaphore_mem>>) src(%arg5 : memref<640x128xf32, #tpu.memory_space<hbm>>) dst(%dma_wait3A_246 : memref<640x128xf32, #tpu.memory_space<vmem_shared>>)
      tpu.yield
    }) : () -> ()
    %barrier3A = arith.constant 0 : index
    tpu.barrier barrier_id(%barrier3A)
    %dma_wait3A = arith.constant 0 : i32
    %dma_wait3A_20 = arith.constant 0 : i32
    %dma_wait3A_21 = tpu.memref_slice %arg3[%mul3A_2, %dma_wait3A, %dma_wait3A_20] : memref<128x25x100xi32, #tpu.memory_space<hbm>> -> memref<1x25x100xi32, #tpu.memory_space<hbm>>
    %dma_wait3A_22 = tpu.memref_squeeze %dma_wait3A_21 : memref<1x25x100xi32, #tpu.memory_space<hbm>> -> memref<25x100xi32, #tpu.memory_space<hbm>>
    %dma_wait3A_23 = arith.constant 0 : i32
    %dma_wait3A_24 = arith.constant 0 : i32
    %dma_wait3A_25 = tpu.memref_slice %arg3[%mul3A_2, %dma_wait3A_23, %dma_wait3A_24] : memref<128x25x100xi32, #tpu.memory_space<hbm>> -> memref<1x25x100xi32, #tpu.memory_space<hbm>>
    %dma_wait3A_26 = tpu.memref_squeeze %dma_wait3A_25 : memref<1x25x100xi32, #tpu.memory_space<hbm>> -> memref<25x100xi32, #tpu.memory_space<hbm>>
    tpu.wait_dma2 semaphore(%arg16 : memref<!tpu.dma_semaphore, #tpu.memory_space<semaphore_mem>>) src(%dma_wait3A_26 : memref<25x100xi32, #tpu.memory_space<hbm>>) dst(%arg7 : memref<25x100xi32, #tpu.memory_space<vmem>>)
    %dma_wait3A_27 = arith.constant 0 : i32
    %dma_wait3A_28 = arith.constant 0 : i32
    %dma_wait3A_29 = tpu.memref_slice %arg4[%mul3A_2, %dma_wait3A_27, %dma_wait3A_28] : memref<128x25x100xi32, #tpu.memory_space<hbm>> -> memref<1x25x100xi32, #tpu.memory_space<hbm>>
    %dma_wait3A_30 = tpu.memref_squeeze %dma_wait3A_29 : memref<1x25x100xi32, #tpu.memory_space<hbm>> -> memref<25x100xi32, #tpu.memory_space<hbm>>
    %dma_wait3A_31 = arith.constant 0 : i32
    %dma_wait3A_32 = arith.constant 0 : i32
    %dma_wait3A_33 = tpu.memref_slice %arg4[%mul3A_2, %dma_wait3A_31, %dma_wait3A_32] : memref<128x25x100xi32, #tpu.memory_space<hbm>> -> memref<1x25x100xi32, #tpu.memory_space<hbm>>
    %dma_wait3A_34 = tpu.memref_squeeze %dma_wait3A_33 : memref<1x25x100xi32, #tpu.memory_space<hbm>> -> memref<25x100xi32, #tpu.memory_space<hbm>>
    tpu.wait_dma2 semaphore(%arg16 : memref<!tpu.dma_semaphore, #tpu.memory_space<semaphore_mem>>) src(%dma_wait3A_34 : memref<25x100xi32, #tpu.memory_space<hbm>>) dst(%arg9 : memref<25x100xi32, #tpu.memory_space<vmem>>)
    %add3A_35 = arith.constant 0 : i32
    %add3A_36 = arith.addi %mul3A_2, %add3A_35 : i32
    %add3A_37 = arith.constant 1 : i32
    %add3A_38 = arith.addi %add3A_36, %add3A_37 : i32
    %dma_start3A_39 = arith.constant 0 : i32
    %dma_start3A_40 = arith.constant 0 : i32
    %dma_start3A_41 = tpu.memref_slice %arg3[%add3A_38, %dma_start3A_39, %dma_start3A_40] : memref<128x25x100xi32, #tpu.memory_space<hbm>> -> memref<1x25x100xi32, #tpu.memory_space<hbm>>
    %dma_start3A_42 = tpu.memref_squeeze %dma_start3A_41 : memref<1x25x100xi32, #tpu.memory_space<hbm>> -> memref<25x100xi32, #tpu.memory_space<hbm>>
    %dma_start3A_43 = arith.constant 0 : i32
    %dma_start3A_44 = arith.constant 0 : i32
    %dma_start3A_45 = tpu.memref_slice %arg3[%add3A_38, %dma_start3A_43, %dma_start3A_44] : memref<128x25x100xi32, #tpu.memory_space<hbm>> -> memref<1x25x100xi32, #tpu.memory_space<hbm>>
    %dma_start3A_46 = tpu.memref_squeeze %dma_start3A_45 : memref<1x25x100xi32, #tpu.memory_space<hbm>> -> memref<25x100xi32, #tpu.memory_space<hbm>>
    tpu.enqueue_dma source(%dma_start3A_46 : memref<25x100xi32, #tpu.memory_space<hbm>>) target(%arg8 : memref<25x100xi32, #tpu.memory_space<vmem>>) target_semaphore(%arg17 : memref<!tpu.dma_semaphore, #tpu.memory_space<semaphore_mem>>)
    %add3A_47 = arith.constant 0 : i32
    %add3A_48 = arith.addi %mul3A_2, %add3A_47 : i32
    %add3A_49 = arith.constant 1 : i32
    %add3A_50 = arith.addi %add3A_48, %add3A_49 : i32
    %dma_start3A_51 = arith.constant 0 : i32
    %dma_start3A_52 = arith.constant 0 : i32
    %dma_start3A_53 = tpu.memref_slice %arg4[%add3A_50, %dma_start3A_51, %dma_start3A_52] : memref<128x25x100xi32, #tpu.memory_space<hbm>> -> memref<1x25x100xi32, #tpu.memory_space<hbm>>
    %dma_start3A_54 = tpu.memref_squeeze %dma_start3A_53 : memref<1x25x100xi32, #tpu.memory_space<hbm>> -> memref<25x100xi32, #tpu.memory_space<hbm>>
    %dma_start3A_55 = arith.constant 0 : i32
    %dma_start3A_56 = arith.constant 0 : i32
    %dma_start3A_57 = tpu.memref_slice %arg4[%add3A_50, %dma_start3A_55, %dma_start3A_56] : memref<128x25x100xi32, #tpu.memory_space<hbm>> -> memref<1x25x100xi32, #tpu.memory_space<hbm>>
    %dma_start3A_58 = tpu.memref_squeeze %dma_start3A_57 : memref<1x25x100xi32, #tpu.memory_space<hbm>> -> memref<25x100xi32, #tpu.memory_space<hbm>>
    tpu.enqueue_dma source(%dma_start3A_58 : memref<25x100xi32, #tpu.memory_space<hbm>>) target(%arg10 : memref<25x100xi32, #tpu.memory_space<vmem>>) target_semaphore(%arg17 : memref<!tpu.dma_semaphore, #tpu.memory_space<semaphore_mem>>)
    %dma_start3A_59 = arith.constant 0 : i32
    %dma_start3A_60 = arith.constant 0 : i32
    %dma_start3A_61 = tpu.memref_slice %arg7[%dma_start3A_59, %dma_start3A_60] : memref<25x100xi32, #tpu.memory_space<vmem>> -> memref<1x100xi32, #tpu.memory_space<vmem>>
    %dma_start3A_62 = tpu.memref_squeeze %dma_start3A_61 : memref<1x100xi32, #tpu.memory_space<vmem>> -> memref<100xi32, #tpu.memory_space<vmem>>
    %dma_start3A_63 = arith.constant 0 : i32
    %dma_start3A_64 = arith.constant 0 : i32
    %dma_start3A_65 = tpu.memref_slice %arg2[%dma_start3A_63, %dma_start3A_64] : memref<10240x128xf32, #tpu.memory_space<hbm>> -> memref<10240x128xf32, #tpu.memory_space<hbm>>
    tpu.enqueue_indirect_dma source(%dma_start3A_65 : memref<10240x128xf32, #tpu.memory_space<hbm>>) target(%arg11 : memref<100x128xf32, #tpu.memory_space<vmem>>) offsets(%dma_start3A_62 : memref<100xi32, #tpu.memory_space<vmem>>) semaphore(%arg14 : memref<!tpu.dma_semaphore, #tpu.memory_space<semaphore_mem>>)
    %scan3A = arith.constant 0 : i32
    %scan3A_66 = arith.constant 0 : i32
    %scan3A_67 = arith.constant 12 : i32
    %scan3A_68 = arith.addi %scan3A_66, %scan3A_67 : i32
    %scan3A_69 = arith.constant 1 : i32
    scf.for %scan3A_242 = %scan3A_66 to %scan3A_68 step %scan3A_69  : i32 {
      %mul3A_243 = arith.constant 2 : i32
      %mul3A_244 = arith.muli %mul3A_243, %scan3A_242 : i32
      %add3A_245 = arith.constant 1 : i32
      %add3A_246 = arith.addi %mul3A_244, %add3A_245 : i32
      %dma_start3A_247 = arith.constant 0 : i32
      %dma_start3A_248 = tpu.memref_slice %arg7[%add3A_246, %dma_start3A_247] : memref<25x100xi32, #tpu.memory_space<vmem>> -> memref<1x100xi32, #tpu.memory_space<vmem>>
      %dma_start3A_249 = tpu.memref_squeeze %dma_start3A_248 : memref<1x100xi32, #tpu.memory_space<vmem>> -> memref<100xi32, #tpu.memory_space<vmem>>
      %dma_start3A_250 = arith.constant 0 : i32
      %dma_start3A_251 = arith.constant 0 : i32
      %dma_start3A_252 = tpu.memref_slice %arg2[%dma_start3A_250, %dma_start3A_251] : memref<10240x128xf32, #tpu.memory_space<hbm>> -> memref<10240x128xf32, #tpu.memory_space<hbm>>
      tpu.enqueue_indirect_dma source(%dma_start3A_252 : memref<10240x128xf32, #tpu.memory_space<hbm>>) target(%arg12 : memref<100x128xf32, #tpu.memory_space<vmem>>) offsets(%dma_start3A_249 : memref<100xi32, #tpu.memory_space<vmem>>) semaphore(%arg15 : memref<!tpu.dma_semaphore, #tpu.memory_space<semaphore_mem>>)
      %dma_wait3A_253 = arith.constant 0 : i32
      %dma_wait3A_254 = arith.constant 0 : i32
      %dma_wait3A_255 = tpu.memref_slice %arg7[%dma_wait3A_253, %dma_wait3A_254] : memref<25x100xi32, #tpu.memory_space<vmem>> -> memref<1x100xi32, #tpu.memory_space<vmem>>
      %dma_wait3A_256 = tpu.memref_squeeze %dma_wait3A_255 : memref<1x100xi32, #tpu.memory_space<vmem>> -> memref<100xi32, #tpu.memory_space<vmem>>
      %dma_wait3A_257 = arith.constant 0 : i32
      %dma_wait3A_258 = arith.constant 0 : i32
      %dma_wait3A_259 = tpu.memref_slice %arg2[%dma_wait3A_257, %dma_wait3A_258] : memref<10240x128xf32, #tpu.memory_space<hbm>> -> memref<10240x128xf32, #tpu.memory_space<hbm>>
      tpu.wait_indirect_dma semaphore(%arg14 : memref<!tpu.dma_semaphore, #tpu.memory_space<semaphore_mem>>) src(%dma_wait3A_259 : memref<10240x128xf32, #tpu.memory_space<hbm>>) dst(%arg11 : memref<100x128xf32, #tpu.memory_space<vmem>>)
      "tpu.region"() ({
        %run_scoped3A_277 = tpu.sem_alloc : memref<!tpu.dma_semaphore, #tpu.memory_space<semaphore_mem>>
        %dma_start3A_278 = arith.constant 0 : i32
        %dma_start3A_279 = tpu.memref_slice %arg9[%mul3A_244, %dma_start3A_278] : memref<25x100xi32, #tpu.memory_space<vmem>> -> memref<1x100xi32, #tpu.memory_space<vmem>>
        %dma_start3A_280 = tpu.memref_squeeze %dma_start3A_279 : memref<1x100xi32, #tpu.memory_space<vmem>> -> memref<100xi32, #tpu.memory_space<vmem>>
        %dma_start3A_281 = arith.constant 0 : i32
        %dma_start3A_282 = arith.constant 0 : i32
        %dma_start3A_283 = tpu.memref_slice %arg13[%dma_start3A_281, %dma_start3A_282] : memref<10240x128xf32, #tpu.memory_space<vmem_shared>> -> memref<10240x128xf32, #tpu.memory_space<vmem_shared>>
        tpu.enqueue_indirect_dma source(%arg11 : memref<100x128xf32, #tpu.memory_space<vmem>>) target(%dma_start3A_283 : memref<10240x128xf32, #tpu.memory_space<vmem_shared>>) offsets(%dma_start3A_280 : memref<100xi32, #tpu.memory_space<vmem>>) semaphore(%run_scoped3A_277 : memref<!tpu.dma_semaphore, #tpu.memory_space<semaphore_mem>>) {add = true}
        %dma_wait3A_284 = arith.constant 0 : i32
        %dma_wait3A_285 = tpu.memref_slice %arg9[%mul3A_244, %dma_wait3A_284] : memref<25x100xi32, #tpu.memory_space<vmem>> -> memref<1x100xi32, #tpu.memory_space<vmem>>
        %dma_wait3A_286 = tpu.memref_squeeze %dma_wait3A_285 : memref<1x100xi32, #tpu.memory_space<vmem>> -> memref<100xi32, #tpu.memory_space<vmem>>
        %dma_wait3A_287 = arith.constant 0 : i32
        %dma_wait3A_288 = arith.constant 0 : i32
        %dma_wait3A_289 = tpu.memref_slice %arg13[%dma_wait3A_287, %dma_wait3A_288] : memref<10240x128xf32, #tpu.memory_space<vmem_shared>> -> memref<10240x128xf32, #tpu.memory_space<vmem_shared>>
        tpu.wait_indirect_dma semaphore(%run_scoped3A_277 : memref<!tpu.dma_semaphore, #tpu.memory_space<semaphore_mem>>) src(%arg11 : memref<100x128xf32, #tpu.memory_space<vmem>>) dst(%dma_wait3A_289 : memref<10240x128xf32, #tpu.memory_space<vmem_shared>>)
        tpu.yield
      }) : () -> ()
      %add3A_260 = arith.constant 2 : i32
      %add3A_261 = arith.addi %mul3A_244, %add3A_260 : i32
      %dma_start3A_262 = arith.constant 0 : i32
      %dma_start3A_263 = tpu.memref_slice %arg7[%add3A_261, %dma_start3A_262] : memref<25x100xi32, #tpu.memory_space<vmem>> -> memref<1x100xi32, #tpu.memory_space<vmem>>
      %dma_start3A_264 = tpu.memref_squeeze %dma_start3A_263 : memref<1x100xi32, #tpu.memory_space<vmem>> -> memref<100xi32, #tpu.memory_space<vmem>>
      %dma_start3A_265 = arith.constant 0 : i32
      %dma_start3A_266 = arith.constant 0 : i32
      %dma_start3A_267 = tpu.memref_slice %arg2[%dma_start3A_265, %dma_start3A_266] : memref<10240x128xf32, #tpu.memory_space<hbm>> -> memref<10240x128xf32, #tpu.memory_space<hbm>>
      tpu.enqueue_indirect_dma source(%dma_start3A_267 : memref<10240x128xf32, #tpu.memory_space<hbm>>) target(%arg11 : memref<100x128xf32, #tpu.memory_space<vmem>>) offsets(%dma_start3A_264 : memref<100xi32, #tpu.memory_space<vmem>>) semaphore(%arg14 : memref<!tpu.dma_semaphore, #tpu.memory_space<semaphore_mem>>)
      %dma_wait3A_268 = arith.constant 0 : i32
      %dma_wait3A_269 = arith.constant 0 : i32
      %dma_wait3A_270 = tpu.memref_slice %arg7[%dma_wait3A_268, %dma_wait3A_269] : memref<25x100xi32, #tpu.memory_space<vmem>> -> memref<1x100xi32, #tpu.memory_space<vmem>>
      %dma_wait3A_271 = tpu.memref_squeeze %dma_wait3A_270 : memref<1x100xi32, #tpu.memory_space<vmem>> -> memref<100xi32, #tpu.memory_space<vmem>>
      %dma_wait3A_272 = arith.constant 0 : i32
      %dma_wait3A_273 = arith.constant 0 : i32
      %dma_wait3A_274 = tpu.memref_slice %arg2[%dma_wait3A_272, %dma_wait3A_273] : memref<10240x128xf32, #tpu.memory_space<hbm>> -> memref<10240x128xf32, #tpu.memory_space<hbm>>
      tpu.wait_indirect_dma semaphore(%arg15 : memref<!tpu.dma_semaphore, #tpu.memory_space<semaphore_mem>>) src(%dma_wait3A_274 : memref<10240x128xf32, #tpu.memory_space<hbm>>) dst(%arg12 : memref<100x128xf32, #tpu.memory_space<vmem>>)
      %add3A_275 = arith.constant 1 : i32
      %add3A_276 = arith.addi %mul3A_244, %add3A_275 : i32
      "tpu.region"() ({
        %run_scoped3A_277 = tpu.sem_alloc : memref<!tpu.dma_semaphore, #tpu.memory_space<semaphore_mem>>
        %dma_start3A_278 = arith.constant 0 : i32
        %dma_start3A_279 = tpu.memref_slice %arg9[%add3A_276, %dma_start3A_278] : memref<25x100xi32, #tpu.memory_space<vmem>> -> memref<1x100xi32, #tpu.memory_space<vmem>>
        %dma_start3A_280 = tpu.memref_squeeze %dma_start3A_279 : memref<1x100xi32, #tpu.memory_space<vmem>> -> memref<100xi32, #tpu.memory_space<vmem>>
        %dma_start3A_281 = arith.constant 0 : i32
        %dma_start3A_282 = arith.constant 0 : i32
        %dma_start3A_283 = tpu.memref_slice %arg13[%dma_start3A_281, %dma_start3A_282] : memref<10240x128xf32, #tpu.memory_space<vmem_shared>> -> memref<10240x128xf32, #tpu.memory_space<vmem_shared>>
        tpu.enqueue_indirect_dma source(%arg12 : memref<100x128xf32, #tpu.memory_space<vmem>>) target(%dma_start3A_283 : memref<10240x128xf32, #tpu.memory_space<vmem_shared>>) offsets(%dma_start3A_280 : memref<100xi32, #tpu.memory_space<vmem>>) semaphore(%run_scoped3A_277 : memref<!tpu.dma_semaphore, #tpu.memory_space<semaphore_mem>>) {add = true}
        %dma_wait3A_284 = arith.constant 0 : i32
        %dma_wait3A_285 = tpu.memref_slice %arg9[%add3A_276, %dma_wait3A_284] : memref<25x100xi32, #tpu.memory_space<vmem>> -> memref<1x100xi32, #tpu.memory_space<vmem>>
        %dma_wait3A_286 = tpu.memref_squeeze %dma_wait3A_285 : memref<1x100xi32, #tpu.memory_space<vmem>> -> memref<100xi32, #tpu.memory_space<vmem>>
        %dma_wait3A_287 = arith.constant 0 : i32
        %dma_wait3A_288 = arith.constant 0 : i32
        %dma_wait3A_289 = tpu.memref_slice %arg13[%dma_wait3A_287, %dma_wait3A_288] : memref<10240x128xf32, #tpu.memory_space<vmem_shared>> -> memref<10240x128xf32, #tpu.memory_space<vmem_shared>>
        tpu.wait_indirect_dma semaphore(%run_scoped3A_277 : memref<!tpu.dma_semaphore, #tpu.memory_space<semaphore_mem>>) src(%arg12 : memref<100x128xf32, #tpu.memory_space<vmem>>) dst(%dma_wait3A_289 : memref<10240x128xf32, #tpu.memory_space<vmem_shared>>)
        tpu.yield
      }) : () -> ()
    }
    %scan3A_70 = arith.constant 12 : i32
    %dma_wait3A_71 = arith.constant 0 : i32
    %dma_wait3A_72 = arith.constant 0 : i32
    %dma_wait3A_73 = tpu.memref_slice %arg7[%dma_wait3A_71, %dma_wait3A_72] : memref<25x100xi32, #tpu.memory_space<vmem>> -> memref<1x100xi32, #tpu.memory_space<vmem>>
    %dma_wait3A_74 = tpu.memref_squeeze %dma_wait3A_73 : memref<1x100xi32, #tpu.memory_space<vmem>> -> memref<100xi32, #tpu.memory_space<vmem>>
    %dma_wait3A_75 = arith.constant 0 : i32
    %dma_wait3A_76 = arith.constant 0 : i32
    %dma_wait3A_77 = tpu.memref_slice %arg2[%dma_wait3A_75, %dma_wait3A_76] : memref<10240x128xf32, #tpu.memory_space<hbm>> -> memref<10240x128xf32, #tpu.memory_space<hbm>>
    tpu.wait_indirect_dma semaphore(%arg14 : memref<!tpu.dma_semaphore, #tpu.memory_space<semaphore_mem>>) src(%dma_wait3A_77 : memref<10240x128xf32, #tpu.memory_space<hbm>>) dst(%arg11 : memref<100x128xf32, #tpu.memory_space<vmem>>)
    %run_scoped3A = arith.constant 24 : i32
    "tpu.region"() ({
      %run_scoped3A_242 = tpu.sem_alloc : memref<!tpu.dma_semaphore, #tpu.memory_space<semaphore_mem>>
      %dma_start3A_243 = arith.constant 0 : i32
      %dma_start3A_244 = tpu.memref_slice %arg9[%run_scoped3A, %dma_start3A_243] : memref<25x100xi32, #tpu.memory_space<vmem>> -> memref<1x100xi32, #tpu.memory_space<vmem>>
      %dma_start3A_245 = tpu.memref_squeeze %dma_start3A_244 : memref<1x100xi32, #tpu.memory_space<vmem>> -> memref<100xi32, #tpu.memory_space<vmem>>
      %dma_start3A_246 = arith.constant 0 : i32
      %dma_start3A_247 = arith.constant 0 : i32
      %dma_start3A_248 = tpu.memref_slice %arg13[%dma_start3A_246, %dma_start3A_247] : memref<10240x128xf32, #tpu.memory_space<vmem_shared>> -> memref<10240x128xf32, #tpu.memory_space<vmem_shared>>
      tpu.enqueue_indirect_dma source(%arg11 : memref<100x128xf32, #tpu.memory_space<vmem>>) target(%dma_start3A_248 : memref<10240x128xf32, #tpu.memory_space<vmem_shared>>) offsets(%dma_start3A_245 : memref<100xi32, #tpu.memory_space<vmem>>) semaphore(%run_scoped3A_242 : memref<!tpu.dma_semaphore, #tpu.memory_space<semaphore_mem>>) {add = true}
      %dma_wait3A_249 = arith.constant 0 : i32
      %dma_wait3A_250 = tpu.memref_slice %arg9[%run_scoped3A, %dma_wait3A_249] : memref<25x100xi32, #tpu.memory_space<vmem>> -> memref<1x100xi32, #tpu.memory_space<vmem>>
      %dma_wait3A_251 = tpu.memref_squeeze %dma_wait3A_250 : memref<1x100xi32, #tpu.memory_space<vmem>> -> memref<100xi32, #tpu.memory_space<vmem>>
      %dma_wait3A_252 = arith.constant 0 : i32
      %dma_wait3A_253 = arith.constant 0 : i32
      %dma_wait3A_254 = tpu.memref_slice %arg13[%dma_wait3A_252, %dma_wait3A_253] : memref<10240x128xf32, #tpu.memory_space<vmem_shared>> -> memref<10240x128xf32, #tpu.memory_space<vmem_shared>>
      tpu.wait_indirect_dma semaphore(%run_scoped3A_242 : memref<!tpu.dma_semaphore, #tpu.memory_space<semaphore_mem>>) src(%arg11 : memref<100x128xf32, #tpu.memory_space<vmem>>) dst(%dma_wait3A_254 : memref<10240x128xf32, #tpu.memory_space<vmem_shared>>)
      tpu.yield
    }) : () -> ()
    %dma_wait3A_78 = arith.constant 0 : i32
    %dma_wait3A_79 = arith.constant 0 : i32
    %dma_wait3A_80 = tpu.memref_slice %arg3[%mul3A_2, %dma_wait3A_78, %dma_wait3A_79] : memref<128x25x100xi32, #tpu.memory_space<hbm>> -> memref<1x25x100xi32, #tpu.memory_space<hbm>>
    %dma_wait3A_81 = tpu.memref_squeeze %dma_wait3A_80 : memref<1x25x100xi32, #tpu.memory_space<hbm>> -> memref<25x100xi32, #tpu.memory_space<hbm>>
    %dma_wait3A_82 = arith.constant 0 : i32
    %dma_wait3A_83 = arith.constant 0 : i32
    %dma_wait3A_84 = tpu.memref_slice %arg3[%mul3A_2, %dma_wait3A_82, %dma_wait3A_83] : memref<128x25x100xi32, #tpu.memory_space<hbm>> -> memref<1x25x100xi32, #tpu.memory_space<hbm>>
    %dma_wait3A_85 = tpu.memref_squeeze %dma_wait3A_84 : memref<1x25x100xi32, #tpu.memory_space<hbm>> -> memref<25x100xi32, #tpu.memory_space<hbm>>
    tpu.wait_dma2 semaphore(%arg17 : memref<!tpu.dma_semaphore, #tpu.memory_space<semaphore_mem>>) src(%dma_wait3A_85 : memref<25x100xi32, #tpu.memory_space<hbm>>) dst(%arg8 : memref<25x100xi32, #tpu.memory_space<vmem>>)
    %dma_wait3A_86 = arith.constant 0 : i32
    %dma_wait3A_87 = arith.constant 0 : i32
    %dma_wait3A_88 = tpu.memref_slice %arg4[%mul3A_2, %dma_wait3A_86, %dma_wait3A_87] : memref<128x25x100xi32, #tpu.memory_space<hbm>> -> memref<1x25x100xi32, #tpu.memory_space<hbm>>
    %dma_wait3A_89 = tpu.memref_squeeze %dma_wait3A_88 : memref<1x25x100xi32, #tpu.memory_space<hbm>> -> memref<25x100xi32, #tpu.memory_space<hbm>>
    %dma_wait3A_90 = arith.constant 0 : i32
    %dma_wait3A_91 = arith.constant 0 : i32
    %dma_wait3A_92 = tpu.memref_slice %arg4[%mul3A_2, %dma_wait3A_90, %dma_wait3A_91] : memref<128x25x100xi32, #tpu.memory_space<hbm>> -> memref<1x25x100xi32, #tpu.memory_space<hbm>>
    %dma_wait3A_93 = tpu.memref_squeeze %dma_wait3A_92 : memref<1x25x100xi32, #tpu.memory_space<hbm>> -> memref<25x100xi32, #tpu.memory_space<hbm>>
    tpu.wait_dma2 semaphore(%arg17 : memref<!tpu.dma_semaphore, #tpu.memory_space<semaphore_mem>>) src(%dma_wait3A_93 : memref<25x100xi32, #tpu.memory_space<hbm>>) dst(%arg10 : memref<25x100xi32, #tpu.memory_space<vmem>>)
    %add3A_94 = arith.constant 1 : i32
    %add3A_95 = arith.addi %mul3A_2, %add3A_94 : i32
    %add3A_96 = arith.constant 1 : i32
    %add3A_97 = arith.addi %add3A_95, %add3A_96 : i32
    %dma_start3A_98 = arith.constant 0 : i32
    %dma_start3A_99 = arith.constant 0 : i32
    %dma_start3A_100 = tpu.memref_slice %arg3[%add3A_97, %dma_start3A_98, %dma_start3A_99] : memref<128x25x100xi32, #tpu.memory_space<hbm>> -> memref<1x25x100xi32, #tpu.memory_space<hbm>>
    %dma_start3A_101 = tpu.memref_squeeze %dma_start3A_100 : memref<1x25x100xi32, #tpu.memory_space<hbm>> -> memref<25x100xi32, #tpu.memory_space<hbm>>
    %dma_start3A_102 = arith.constant 0 : i32
    %dma_start3A_103 = arith.constant 0 : i32
    %dma_start3A_104 = tpu.memref_slice %arg3[%add3A_97, %dma_start3A_102, %dma_start3A_103] : memref<128x25x100xi32, #tpu.memory_space<hbm>> -> memref<1x25x100xi32, #tpu.memory_space<hbm>>
    %dma_start3A_105 = tpu.memref_squeeze %dma_start3A_104 : memref<1x25x100xi32, #tpu.memory_space<hbm>> -> memref<25x100xi32, #tpu.memory_space<hbm>>
    tpu.enqueue_dma source(%dma_start3A_105 : memref<25x100xi32, #tpu.memory_space<hbm>>) target(%arg7 : memref<25x100xi32, #tpu.memory_space<vmem>>) target_semaphore(%arg16 : memref<!tpu.dma_semaphore, #tpu.memory_space<semaphore_mem>>)
    %add3A_106 = arith.constant 1 : i32
    %add3A_107 = arith.addi %mul3A_2, %add3A_106 : i32
    %add3A_108 = arith.constant 1 : i32
    %add3A_109 = arith.addi %add3A_107, %add3A_108 : i32
    %dma_start3A_110 = arith.constant 0 : i32
    %dma_start3A_111 = arith.constant 0 : i32
    %dma_start3A_112 = tpu.memref_slice %arg4[%add3A_109, %dma_start3A_110, %dma_start3A_111] : memref<128x25x100xi32, #tpu.memory_space<hbm>> -> memref<1x25x100xi32, #tpu.memory_space<hbm>>
    %dma_start3A_113 = tpu.memref_squeeze %dma_start3A_112 : memref<1x25x100xi32, #tpu.memory_space<hbm>> -> memref<25x100xi32, #tpu.memory_space<hbm>>
    %dma_start3A_114 = arith.constant 0 : i32
    %dma_start3A_115 = arith.constant 0 : i32
    %dma_start3A_116 = tpu.memref_slice %arg4[%add3A_109, %dma_start3A_114, %dma_start3A_115] : memref<128x25x100xi32, #tpu.memory_space<hbm>> -> memref<1x25x100xi32, #tpu.memory_space<hbm>>
    %dma_start3A_117 = tpu.memref_squeeze %dma_start3A_116 : memref<1x25x100xi32, #tpu.memory_space<hbm>> -> memref<25x100xi32, #tpu.memory_space<hbm>>
    tpu.enqueue_dma source(%dma_start3A_117 : memref<25x100xi32, #tpu.memory_space<hbm>>) target(%arg9 : memref<25x100xi32, #tpu.memory_space<vmem>>) target_semaphore(%arg16 : memref<!tpu.dma_semaphore, #tpu.memory_space<semaphore_mem>>)
    %dma_start3A_118 = arith.constant 0 : i32
    %dma_start3A_119 = arith.constant 0 : i32
    %dma_start3A_120 = tpu.memref_slice %arg8[%dma_start3A_118, %dma_start3A_119] : memref<25x100xi32, #tpu.memory_space<vmem>> -> memref<1x100xi32, #tpu.memory_space<vmem>>
    %dma_start3A_121 = tpu.memref_squeeze %dma_start3A_120 : memref<1x100xi32, #tpu.memory_space<vmem>> -> memref<100xi32, #tpu.memory_space<vmem>>
    %dma_start3A_122 = arith.constant 0 : i32
    %dma_start3A_123 = arith.constant 0 : i32
    %dma_start3A_124 = tpu.memref_slice %arg2[%dma_start3A_122, %dma_start3A_123] : memref<10240x128xf32, #tpu.memory_space<hbm>> -> memref<10240x128xf32, #tpu.memory_space<hbm>>
    tpu.enqueue_indirect_dma source(%dma_start3A_124 : memref<10240x128xf32, #tpu.memory_space<hbm>>) target(%arg11 : memref<100x128xf32, #tpu.memory_space<vmem>>) offsets(%dma_start3A_121 : memref<100xi32, #tpu.memory_space<vmem>>) semaphore(%arg14 : memref<!tpu.dma_semaphore, #tpu.memory_space<semaphore_mem>>)
    %scan3A_125 = arith.constant 0 : i32
    %scan3A_126 = arith.constant 0 : i32
    %scan3A_127 = arith.constant 12 : i32
    %scan3A_128 = arith.addi %scan3A_126, %scan3A_127 : i32
    %scan3A_129 = arith.constant 1 : i32
    scf.for %scan3A_242 = %scan3A_126 to %scan3A_128 step %scan3A_129  : i32 {
      %mul3A_243 = arith.constant 2 : i32
      %mul3A_244 = arith.muli %mul3A_243, %scan3A_242 : i32
      %add3A_245 = arith.constant 1 : i32
      %add3A_246 = arith.addi %mul3A_244, %add3A_245 : i32
      %dma_start3A_247 = arith.constant 0 : i32
      %dma_start3A_248 = tpu.memref_slice %arg8[%add3A_246, %dma_start3A_247] : memref<25x100xi32, #tpu.memory_space<vmem>> -> memref<1x100xi32, #tpu.memory_space<vmem>>
      %dma_start3A_249 = tpu.memref_squeeze %dma_start3A_248 : memref<1x100xi32, #tpu.memory_space<vmem>> -> memref<100xi32, #tpu.memory_space<vmem>>
      %dma_start3A_250 = arith.constant 0 : i32
      %dma_start3A_251 = arith.constant 0 : i32
      %dma_start3A_252 = tpu.memref_slice %arg2[%dma_start3A_250, %dma_start3A_251] : memref<10240x128xf32, #tpu.memory_space<hbm>> -> memref<10240x128xf32, #tpu.memory_space<hbm>>
      tpu.enqueue_indirect_dma source(%dma_start3A_252 : memref<10240x128xf32, #tpu.memory_space<hbm>>) target(%arg12 : memref<100x128xf32, #tpu.memory_space<vmem>>) offsets(%dma_start3A_249 : memref<100xi32, #tpu.memory_space<vmem>>) semaphore(%arg15 : memref<!tpu.dma_semaphore, #tpu.memory_space<semaphore_mem>>)
      %dma_wait3A_253 = arith.constant 0 : i32
      %dma_wait3A_254 = arith.constant 0 : i32
      %dma_wait3A_255 = tpu.memref_slice %arg8[%dma_wait3A_253, %dma_wait3A_254] : memref<25x100xi32, #tpu.memory_space<vmem>> -> memref<1x100xi32, #tpu.memory_space<vmem>>
      %dma_wait3A_256 = tpu.memref_squeeze %dma_wait3A_255 : memref<1x100xi32, #tpu.memory_space<vmem>> -> memref<100xi32, #tpu.memory_space<vmem>>
      %dma_wait3A_257 = arith.constant 0 : i32
      %dma_wait3A_258 = arith.constant 0 : i32
      %dma_wait3A_259 = tpu.memref_slice %arg2[%dma_wait3A_257, %dma_wait3A_258] : memref<10240x128xf32, #tpu.memory_space<hbm>> -> memref<10240x128xf32, #tpu.memory_space<hbm>>
      tpu.wait_indirect_dma semaphore(%arg14 : memref<!tpu.dma_semaphore, #tpu.memory_space<semaphore_mem>>) src(%dma_wait3A_259 : memref<10240x128xf32, #tpu.memory_space<hbm>>) dst(%arg11 : memref<100x128xf32, #tpu.memory_space<vmem>>)
      "tpu.region"() ({
        %run_scoped3A_277 = tpu.sem_alloc : memref<!tpu.dma_semaphore, #tpu.memory_space<semaphore_mem>>
        %dma_start3A_278 = arith.constant 0 : i32
        %dma_start3A_279 = tpu.memref_slice %arg10[%mul3A_244, %dma_start3A_278] : memref<25x100xi32, #tpu.memory_space<vmem>> -> memref<1x100xi32, #tpu.memory_space<vmem>>
        %dma_start3A_280 = tpu.memref_squeeze %dma_start3A_279 : memref<1x100xi32, #tpu.memory_space<vmem>> -> memref<100xi32, #tpu.memory_space<vmem>>
        %dma_start3A_281 = arith.constant 0 : i32
        %dma_start3A_282 = arith.constant 0 : i32
        %dma_start3A_283 = tpu.memref_slice %arg13[%dma_start3A_281, %dma_start3A_282] : memref<10240x128xf32, #tpu.memory_space<vmem_shared>> -> memref<10240x128xf32, #tpu.memory_space<vmem_shared>>
        tpu.enqueue_indirect_dma source(%arg11 : memref<100x128xf32, #tpu.memory_space<vmem>>) target(%dma_start3A_283 : memref<10240x128xf32, #tpu.memory_space<vmem_shared>>) offsets(%dma_start3A_280 : memref<100xi32, #tpu.memory_space<vmem>>) semaphore(%run_scoped3A_277 : memref<!tpu.dma_semaphore, #tpu.memory_space<semaphore_mem>>) {add = true}
        %dma_wait3A_284 = arith.constant 0 : i32
        %dma_wait3A_285 = tpu.memref_slice %arg10[%mul3A_244, %dma_wait3A_284] : memref<25x100xi32, #tpu.memory_space<vmem>> -> memref<1x100xi32, #tpu.memory_space<vmem>>
        %dma_wait3A_286 = tpu.memref_squeeze %dma_wait3A_285 : memref<1x100xi32, #tpu.memory_space<vmem>> -> memref<100xi32, #tpu.memory_space<vmem>>
        %dma_wait3A_287 = arith.constant 0 : i32
        %dma_wait3A_288 = arith.constant 0 : i32
        %dma_wait3A_289 = tpu.memref_slice %arg13[%dma_wait3A_287, %dma_wait3A_288] : memref<10240x128xf32, #tpu.memory_space<vmem_shared>> -> memref<10240x128xf32, #tpu.memory_space<vmem_shared>>
        tpu.wait_indirect_dma semaphore(%run_scoped3A_277 : memref<!tpu.dma_semaphore, #tpu.memory_space<semaphore_mem>>) src(%arg11 : memref<100x128xf32, #tpu.memory_space<vmem>>) dst(%dma_wait3A_289 : memref<10240x128xf32, #tpu.memory_space<vmem_shared>>)
        tpu.yield
      }) : () -> ()
      %add3A_260 = arith.constant 2 : i32
      %add3A_261 = arith.addi %mul3A_244, %add3A_260 : i32
      %dma_start3A_262 = arith.constant 0 : i32
      %dma_start3A_263 = tpu.memref_slice %arg8[%add3A_261, %dma_start3A_262] : memref<25x100xi32, #tpu.memory_space<vmem>> -> memref<1x100xi32, #tpu.memory_space<vmem>>
      %dma_start3A_264 = tpu.memref_squeeze %dma_start3A_263 : memref<1x100xi32, #tpu.memory_space<vmem>> -> memref<100xi32, #tpu.memory_space<vmem>>
      %dma_start3A_265 = arith.constant 0 : i32
      %dma_start3A_266 = arith.constant 0 : i32
      %dma_start3A_267 = tpu.memref_slice %arg2[%dma_start3A_265, %dma_start3A_266] : memref<10240x128xf32, #tpu.memory_space<hbm>> -> memref<10240x128xf32, #tpu.memory_space<hbm>>
      tpu.enqueue_indirect_dma source(%dma_start3A_267 : memref<10240x128xf32, #tpu.memory_space<hbm>>) target(%arg11 : memref<100x128xf32, #tpu.memory_space<vmem>>) offsets(%dma_start3A_264 : memref<100xi32, #tpu.memory_space<vmem>>) semaphore(%arg14 : memref<!tpu.dma_semaphore, #tpu.memory_space<semaphore_mem>>)
      %dma_wait3A_268 = arith.constant 0 : i32
      %dma_wait3A_269 = arith.constant 0 : i32
      %dma_wait3A_270 = tpu.memref_slice %arg8[%dma_wait3A_268, %dma_wait3A_269] : memref<25x100xi32, #tpu.memory_space<vmem>> -> memref<1x100xi32, #tpu.memory_space<vmem>>
      %dma_wait3A_271 = tpu.memref_squeeze %dma_wait3A_270 : memref<1x100xi32, #tpu.memory_space<vmem>> -> memref<100xi32, #tpu.memory_space<vmem>>
      %dma_wait3A_272 = arith.constant 0 : i32
      %dma_wait3A_273 = arith.constant 0 : i32
      %dma_wait3A_274 = tpu.memref_slice %arg2[%dma_wait3A_272, %dma_wait3A_273] : memref<10240x128xf32, #tpu.memory_space<hbm>> -> memref<10240x128xf32, #tpu.memory_space<hbm>>
      tpu.wait_indirect_dma semaphore(%arg15 : memref<!tpu.dma_semaphore, #tpu.memory_space<semaphore_mem>>) src(%dma_wait3A_274 : memref<10240x128xf32, #tpu.memory_space<hbm>>) dst(%arg12 : memref<100x128xf32, #tpu.memory_space<vmem>>)
      %add3A_275 = arith.constant 1 : i32
      %add3A_276 = arith.addi %mul3A_244, %add3A_275 : i32
      "tpu.region"() ({
        %run_scoped3A_277 = tpu.sem_alloc : memref<!tpu.dma_semaphore, #tpu.memory_space<semaphore_mem>>
        %dma_start3A_278 = arith.constant 0 : i32
        %dma_start3A_279 = tpu.memref_slice %arg10[%add3A_276, %dma_start3A_278] : memref<25x100xi32, #tpu.memory_space<vmem>> -> memref<1x100xi32, #tpu.memory_space<vmem>>
        %dma_start3A_280 = tpu.memref_squeeze %dma_start3A_279 : memref<1x100xi32, #tpu.memory_space<vmem>> -> memref<100xi32, #tpu.memory_space<vmem>>
        %dma_start3A_281 = arith.constant 0 : i32
        %dma_start3A_282 = arith.constant 0 : i32
        %dma_start3A_283 = tpu.memref_slice %arg13[%dma_start3A_281, %dma_start3A_282] : memref<10240x128xf32, #tpu.memory_space<vmem_shared>> -> memref<10240x128xf32, #tpu.memory_space<vmem_shared>>
        tpu.enqueue_indirect_dma source(%arg12 : memref<100x128xf32, #tpu.memory_space<vmem>>) target(%dma_start3A_283 : memref<10240x128xf32, #tpu.memory_space<vmem_shared>>) offsets(%dma_start3A_280 : memref<100xi32, #tpu.memory_space<vmem>>) semaphore(%run_scoped3A_277 : memref<!tpu.dma_semaphore, #tpu.memory_space<semaphore_mem>>) {add = true}
        %dma_wait3A_284 = arith.constant 0 : i32
        %dma_wait3A_285 = tpu.memref_slice %arg10[%add3A_276, %dma_wait3A_284] : memref<25x100xi32, #tpu.memory_space<vmem>> -> memref<1x100xi32, #tpu.memory_space<vmem>>
        %dma_wait3A_286 = tpu.memref_squeeze %dma_wait3A_285 : memref<1x100xi32, #tpu.memory_space<vmem>> -> memref<100xi32, #tpu.memory_space<vmem>>
        %dma_wait3A_287 = arith.constant 0 : i32
        %dma_wait3A_288 = arith.constant 0 : i32
        %dma_wait3A_289 = tpu.memref_slice %arg13[%dma_wait3A_287, %dma_wait3A_288] : memref<10240x128xf32, #tpu.memory_space<vmem_shared>> -> memref<10240x128xf32, #tpu.memory_space<vmem_shared>>
        tpu.wait_indirect_dma semaphore(%run_scoped3A_277 : memref<!tpu.dma_semaphore, #tpu.memory_space<semaphore_mem>>) src(%arg12 : memref<100x128xf32, #tpu.memory_space<vmem>>) dst(%dma_wait3A_289 : memref<10240x128xf32, #tpu.memory_space<vmem_shared>>)
        tpu.yield
      }) : () -> ()
    }
    %scan3A_130 = arith.constant 12 : i32
    %dma_wait3A_131 = arith.constant 0 : i32
    %dma_wait3A_132 = arith.constant 0 : i32
    %dma_wait3A_133 = tpu.memref_slice %arg8[%dma_wait3A_131, %dma_wait3A_132] : memref<25x100xi32, #tpu.memory_space<vmem>> -> memref<1x100xi32, #tpu.memory_space<vmem>>
    %dma_wait3A_134 = tpu.memref_squeeze %dma_wait3A_133 : memref<1x100xi32, #tpu.memory_space<vmem>> -> memref<100xi32, #tpu.memory_space<vmem>>
    %dma_wait3A_135 = arith.constant 0 : i32
    %dma_wait3A_136 = arith.constant 0 : i32
    %dma_wait3A_137 = tpu.memref_slice %arg2[%dma_wait3A_135, %dma_wait3A_136] : memref<10240x128xf32, #tpu.memory_space<hbm>> -> memref<10240x128xf32, #tpu.memory_space<hbm>>
    tpu.wait_indirect_dma semaphore(%arg14 : memref<!tpu.dma_semaphore, #tpu.memory_space<semaphore_mem>>) src(%dma_wait3A_137 : memref<10240x128xf32, #tpu.memory_space<hbm>>) dst(%arg11 : memref<100x128xf32, #tpu.memory_space<vmem>>)
    %run_scoped3A_138 = arith.constant 24 : i32
    "tpu.region"() ({
      %run_scoped3A_242 = tpu.sem_alloc : memref<!tpu.dma_semaphore, #tpu.memory_space<semaphore_mem>>
      %dma_start3A_243 = arith.constant 0 : i32
      %dma_start3A_244 = tpu.memref_slice %arg10[%run_scoped3A_138, %dma_start3A_243] : memref<25x100xi32, #tpu.memory_space<vmem>> -> memref<1x100xi32, #tpu.memory_space<vmem>>
      %dma_start3A_245 = tpu.memref_squeeze %dma_start3A_244 : memref<1x100xi32, #tpu.memory_space<vmem>> -> memref<100xi32, #tpu.memory_space<vmem>>
      %dma_start3A_246 = arith.constant 0 : i32
      %dma_start3A_247 = arith.constant 0 : i32
      %dma_start3A_248 = tpu.memref_slice %arg13[%dma_start3A_246, %dma_start3A_247] : memref<10240x128xf32, #tpu.memory_space<vmem_shared>> -> memref<10240x128xf32, #tpu.memory_space<vmem_shared>>
      tpu.enqueue_indirect_dma source(%arg11 : memref<100x128xf32, #tpu.memory_space<vmem>>) target(%dma_start3A_248 : memref<10240x128xf32, #tpu.memory_space<vmem_shared>>) offsets(%dma_start3A_245 : memref<100xi32, #tpu.memory_space<vmem>>) semaphore(%run_scoped3A_242 : memref<!tpu.dma_semaphore, #tpu.memory_space<semaphore_mem>>) {add = true}
      %dma_wait3A_249 = arith.constant 0 : i32
      %dma_wait3A_250 = tpu.memref_slice %arg10[%run_scoped3A_138, %dma_wait3A_249] : memref<25x100xi32, #tpu.memory_space<vmem>> -> memref<1x100xi32, #tpu.memory_space<vmem>>
      %dma_wait3A_251 = tpu.memref_squeeze %dma_wait3A_250 : memref<1x100xi32, #tpu.memory_space<vmem>> -> memref<100xi32, #tpu.memory_space<vmem>>
      %dma_wait3A_252 = arith.constant 0 : i32
      %dma_wait3A_253 = arith.constant 0 : i32
      %dma_wait3A_254 = tpu.memref_slice %arg13[%dma_wait3A_252, %dma_wait3A_253] : memref<10240x128xf32, #tpu.memory_space<vmem_shared>> -> memref<10240x128xf32, #tpu.memory_space<vmem_shared>>
      tpu.wait_indirect_dma semaphore(%run_scoped3A_242 : memref<!tpu.dma_semaphore, #tpu.memory_space<semaphore_mem>>) src(%arg11 : memref<100x128xf32, #tpu.memory_space<vmem>>) dst(%dma_wait3A_254 : memref<10240x128xf32, #tpu.memory_space<vmem_shared>>)
      tpu.yield
    }) : () -> ()
    %dma_wait3A_139 = arith.constant 0 : i32
    %dma_wait3A_140 = arith.constant 0 : i32
    %dma_wait3A_141 = tpu.memref_slice %arg3[%mul3A_2, %dma_wait3A_139, %dma_wait3A_140] : memref<128x25x100xi32, #tpu.memory_space<hbm>> -> memref<1x25x100xi32, #tpu.memory_space<hbm>>
    %dma_wait3A_142 = tpu.memref_squeeze %dma_wait3A_141 : memref<1x25x100xi32, #tpu.memory_space<hbm>> -> memref<25x100xi32, #tpu.memory_space<hbm>>
    %dma_wait3A_143 = arith.constant 0 : i32
    %dma_wait3A_144 = arith.constant 0 : i32
    %dma_wait3A_145 = tpu.memref_slice %arg3[%mul3A_2, %dma_wait3A_143, %dma_wait3A_144] : memref<128x25x100xi32, #tpu.memory_space<hbm>> -> memref<1x25x100xi32, #tpu.memory_space<hbm>>
    %dma_wait3A_146 = tpu.memref_squeeze %dma_wait3A_145 : memref<1x25x100xi32, #tpu.memory_space<hbm>> -> memref<25x100xi32, #tpu.memory_space<hbm>>
    tpu.wait_dma2 semaphore(%arg16 : memref<!tpu.dma_semaphore, #tpu.memory_space<semaphore_mem>>) src(%dma_wait3A_146 : memref<25x100xi32, #tpu.memory_space<hbm>>) dst(%arg7 : memref<25x100xi32, #tpu.memory_space<vmem>>)
    %dma_wait3A_147 = arith.constant 0 : i32
    %dma_wait3A_148 = arith.constant 0 : i32
    %dma_wait3A_149 = tpu.memref_slice %arg4[%mul3A_2, %dma_wait3A_147, %dma_wait3A_148] : memref<128x25x100xi32, #tpu.memory_space<hbm>> -> memref<1x25x100xi32, #tpu.memory_space<hbm>>
    %dma_wait3A_150 = tpu.memref_squeeze %dma_wait3A_149 : memref<1x25x100xi32, #tpu.memory_space<hbm>> -> memref<25x100xi32, #tpu.memory_space<hbm>>
    %dma_wait3A_151 = arith.constant 0 : i32
    %dma_wait3A_152 = arith.constant 0 : i32
    %dma_wait3A_153 = tpu.memref_slice %arg4[%mul3A_2, %dma_wait3A_151, %dma_wait3A_152] : memref<128x25x100xi32, #tpu.memory_space<hbm>> -> memref<1x25x100xi32, #tpu.memory_space<hbm>>
    %dma_wait3A_154 = tpu.memref_squeeze %dma_wait3A_153 : memref<1x25x100xi32, #tpu.memory_space<hbm>> -> memref<25x100xi32, #tpu.memory_space<hbm>>
    tpu.wait_dma2 semaphore(%arg16 : memref<!tpu.dma_semaphore, #tpu.memory_space<semaphore_mem>>) src(%dma_wait3A_154 : memref<25x100xi32, #tpu.memory_space<hbm>>) dst(%arg9 : memref<25x100xi32, #tpu.memory_space<vmem>>)
    %add3A_155 = arith.constant 2 : i32
    %add3A_156 = arith.addi %mul3A_2, %add3A_155 : i32
    %add3A_157 = arith.constant 1 : i32
    %add3A_158 = arith.addi %add3A_156, %add3A_157 : i32
    %dma_start3A_159 = arith.constant 0 : i32
    %dma_start3A_160 = arith.constant 0 : i32
    %dma_start3A_161 = tpu.memref_slice %arg3[%add3A_158, %dma_start3A_159, %dma_start3A_160] : memref<128x25x100xi32, #tpu.memory_space<hbm>> -> memref<1x25x100xi32, #tpu.memory_space<hbm>>
    %dma_start3A_162 = tpu.memref_squeeze %dma_start3A_161 : memref<1x25x100xi32, #tpu.memory_space<hbm>> -> memref<25x100xi32, #tpu.memory_space<hbm>>
    %dma_start3A_163 = arith.constant 0 : i32
    %dma_start3A_164 = arith.constant 0 : i32
    %dma_start3A_165 = tpu.memref_slice %arg3[%add3A_158, %dma_start3A_163, %dma_start3A_164] : memref<128x25x100xi32, #tpu.memory_space<hbm>> -> memref<1x25x100xi32, #tpu.memory_space<hbm>>
    %dma_start3A_166 = tpu.memref_squeeze %dma_start3A_165 : memref<1x25x100xi32, #tpu.memory_space<hbm>> -> memref<25x100xi32, #tpu.memory_space<hbm>>
    tpu.enqueue_dma source(%dma_start3A_166 : memref<25x100xi32, #tpu.memory_space<hbm>>) target(%arg8 : memref<25x100xi32, #tpu.memory_space<vmem>>) target_semaphore(%arg17 : memref<!tpu.dma_semaphore, #tpu.memory_space<semaphore_mem>>)
    %add3A_167 = arith.constant 2 : i32
    %add3A_168 = arith.addi %mul3A_2, %add3A_167 : i32
    %add3A_169 = arith.constant 1 : i32
    %add3A_170 = arith.addi %add3A_168, %add3A_169 : i32
    %dma_start3A_171 = arith.constant 0 : i32
    %dma_start3A_172 = arith.constant 0 : i32
    %dma_start3A_173 = tpu.memref_slice %arg4[%add3A_170, %dma_start3A_171, %dma_start3A_172] : memref<128x25x100xi32, #tpu.memory_space<hbm>> -> memref<1x25x100xi32, #tpu.memory_space<hbm>>
    %dma_start3A_174 = tpu.memref_squeeze %dma_start3A_173 : memref<1x25x100xi32, #tpu.memory_space<hbm>> -> memref<25x100xi32, #tpu.memory_space<hbm>>
    %dma_start3A_175 = arith.constant 0 : i32
    %dma_start3A_176 = arith.constant 0 : i32
    %dma_start3A_177 = tpu.memref_slice %arg4[%add3A_170, %dma_start3A_175, %dma_start3A_176] : memref<128x25x100xi32, #tpu.memory_space<hbm>> -> memref<1x25x100xi32, #tpu.memory_space<hbm>>
    %dma_start3A_178 = tpu.memref_squeeze %dma_start3A_177 : memref<1x25x100xi32, #tpu.memory_space<hbm>> -> memref<25x100xi32, #tpu.memory_space<hbm>>
    tpu.enqueue_dma source(%dma_start3A_178 : memref<25x100xi32, #tpu.memory_space<hbm>>) target(%arg10 : memref<25x100xi32, #tpu.memory_space<vmem>>) target_semaphore(%arg17 : memref<!tpu.dma_semaphore, #tpu.memory_space<semaphore_mem>>)
    %dma_start3A_179 = arith.constant 0 : i32
    %dma_start3A_180 = arith.constant 0 : i32
    %dma_start3A_181 = tpu.memref_slice %arg7[%dma_start3A_179, %dma_start3A_180] : memref<25x100xi32, #tpu.memory_space<vmem>> -> memref<1x100xi32, #tpu.memory_space<vmem>>
    %dma_start3A_182 = tpu.memref_squeeze %dma_start3A_181 : memref<1x100xi32, #tpu.memory_space<vmem>> -> memref<100xi32, #tpu.memory_space<vmem>>
    %dma_start3A_183 = arith.constant 0 : i32
    %dma_start3A_184 = arith.constant 0 : i32
    %dma_start3A_185 = tpu.memref_slice %arg2[%dma_start3A_183, %dma_start3A_184] : memref<10240x128xf32, #tpu.memory_space<hbm>> -> memref<10240x128xf32, #tpu.memory_space<hbm>>
    tpu.enqueue_indirect_dma source(%dma_start3A_185 : memref<10240x128xf32, #tpu.memory_space<hbm>>) target(%arg11 : memref<100x128xf32, #tpu.memory_space<vmem>>) offsets(%dma_start3A_182 : memref<100xi32, #tpu.memory_space<vmem>>) semaphore(%arg14 : memref<!tpu.dma_semaphore, #tpu.memory_space<semaphore_mem>>)
    %scan3A_186 = arith.constant 0 : i32
    %scan3A_187 = arith.constant 0 : i32
    %scan3A_188 = arith.constant 12 : i32
    %scan3A_189 = arith.addi %scan3A_187, %scan3A_188 : i32
    %scan3A_190 = arith.constant 1 : i32
    scf.for %scan3A_242 = %scan3A_187 to %scan3A_189 step %scan3A_190  : i32 {
      %mul3A_243 = arith.constant 2 : i32
      %mul3A_244 = arith.muli %mul3A_243, %scan3A_242 : i32
      %add3A_245 = arith.constant 1 : i32
      %add3A_246 = arith.addi %mul3A_244, %add3A_245 : i32
      %dma_start3A_247 = arith.constant 0 : i32
      %dma_start3A_248 = tpu.memref_slice %arg7[%add3A_246, %dma_start3A_247] : memref<25x100xi32, #tpu.memory_space<vmem>> -> memref<1x100xi32, #tpu.memory_space<vmem>>
      %dma_start3A_249 = tpu.memref_squeeze %dma_start3A_248 : memref<1x100xi32, #tpu.memory_space<vmem>> -> memref<100xi32, #tpu.memory_space<vmem>>
      %dma_start3A_250 = arith.constant 0 : i32
      %dma_start3A_251 = arith.constant 0 : i32
      %dma_start3A_252 = tpu.memref_slice %arg2[%dma_start3A_250, %dma_start3A_251] : memref<10240x128xf32, #tpu.memory_space<hbm>> -> memref<10240x128xf32, #tpu.memory_space<hbm>>
      tpu.enqueue_indirect_dma source(%dma_start3A_252 : memref<10240x128xf32, #tpu.memory_space<hbm>>) target(%arg12 : memref<100x128xf32, #tpu.memory_space<vmem>>) offsets(%dma_start3A_249 : memref<100xi32, #tpu.memory_space<vmem>>) semaphore(%arg15 : memref<!tpu.dma_semaphore, #tpu.memory_space<semaphore_mem>>)
      %dma_wait3A_253 = arith.constant 0 : i32
      %dma_wait3A_254 = arith.constant 0 : i32
      %dma_wait3A_255 = tpu.memref_slice %arg7[%dma_wait3A_253, %dma_wait3A_254] : memref<25x100xi32, #tpu.memory_space<vmem>> -> memref<1x100xi32, #tpu.memory_space<vmem>>
      %dma_wait3A_256 = tpu.memref_squeeze %dma_wait3A_255 : memref<1x100xi32, #tpu.memory_space<vmem>> -> memref<100xi32, #tpu.memory_space<vmem>>
      %dma_wait3A_257 = arith.constant 0 : i32
      %dma_wait3A_258 = arith.constant 0 : i32
      %dma_wait3A_259 = tpu.memref_slice %arg2[%dma_wait3A_257, %dma_wait3A_258] : memref<10240x128xf32, #tpu.memory_space<hbm>> -> memref<10240x128xf32, #tpu.memory_space<hbm>>
      tpu.wait_indirect_dma semaphore(%arg14 : memref<!tpu.dma_semaphore, #tpu.memory_space<semaphore_mem>>) src(%dma_wait3A_259 : memref<10240x128xf32, #tpu.memory_space<hbm>>) dst(%arg11 : memref<100x128xf32, #tpu.memory_space<vmem>>)
      "tpu.region"() ({
        %run_scoped3A_277 = tpu.sem_alloc : memref<!tpu.dma_semaphore, #tpu.memory_space<semaphore_mem>>
        %dma_start3A_278 = arith.constant 0 : i32
        %dma_start3A_279 = tpu.memref_slice %arg9[%mul3A_244, %dma_start3A_278] : memref<25x100xi32, #tpu.memory_space<vmem>> -> memref<1x100xi32, #tpu.memory_space<vmem>>
        %dma_start3A_280 = tpu.memref_squeeze %dma_start3A_279 : memref<1x100xi32, #tpu.memory_space<vmem>> -> memref<100xi32, #tpu.memory_space<vmem>>
        %dma_start3A_281 = arith.constant 0 : i32
        %dma_start3A_282 = arith.constant 0 : i32
        %dma_start3A_283 = tpu.memref_slice %arg13[%dma_start3A_281, %dma_start3A_282] : memref<10240x128xf32, #tpu.memory_space<vmem_shared>> -> memref<10240x128xf32, #tpu.memory_space<vmem_shared>>
        tpu.enqueue_indirect_dma source(%arg11 : memref<100x128xf32, #tpu.memory_space<vmem>>) target(%dma_start3A_283 : memref<10240x128xf32, #tpu.memory_space<vmem_shared>>) offsets(%dma_start3A_280 : memref<100xi32, #tpu.memory_space<vmem>>) semaphore(%run_scoped3A_277 : memref<!tpu.dma_semaphore, #tpu.memory_space<semaphore_mem>>) {add = true}
        %dma_wait3A_284 = arith.constant 0 : i32
        %dma_wait3A_285 = tpu.memref_slice %arg9[%mul3A_244, %dma_wait3A_284] : memref<25x100xi32, #tpu.memory_space<vmem>> -> memref<1x100xi32, #tpu.memory_space<vmem>>
        %dma_wait3A_286 = tpu.memref_squeeze %dma_wait3A_285 : memref<1x100xi32, #tpu.memory_space<vmem>> -> memref<100xi32, #tpu.memory_space<vmem>>
        %dma_wait3A_287 = arith.constant 0 : i32
        %dma_wait3A_288 = arith.constant 0 : i32
        %dma_wait3A_289 = tpu.memref_slice %arg13[%dma_wait3A_287, %dma_wait3A_288] : memref<10240x128xf32, #tpu.memory_space<vmem_shared>> -> memref<10240x128xf32, #tpu.memory_space<vmem_shared>>
        tpu.wait_indirect_dma semaphore(%run_scoped3A_277 : memref<!tpu.dma_semaphore, #tpu.memory_space<semaphore_mem>>) src(%arg11 : memref<100x128xf32, #tpu.memory_space<vmem>>) dst(%dma_wait3A_289 : memref<10240x128xf32, #tpu.memory_space<vmem_shared>>)
        tpu.yield
      }) : () -> ()
      %add3A_260 = arith.constant 2 : i32
      %add3A_261 = arith.addi %mul3A_244, %add3A_260 : i32
      %dma_start3A_262 = arith.constant 0 : i32
      %dma_start3A_263 = tpu.memref_slice %arg7[%add3A_261, %dma_start3A_262] : memref<25x100xi32, #tpu.memory_space<vmem>> -> memref<1x100xi32, #tpu.memory_space<vmem>>
      %dma_start3A_264 = tpu.memref_squeeze %dma_start3A_263 : memref<1x100xi32, #tpu.memory_space<vmem>> -> memref<100xi32, #tpu.memory_space<vmem>>
      %dma_start3A_265 = arith.constant 0 : i32
      %dma_start3A_266 = arith.constant 0 : i32
      %dma_start3A_267 = tpu.memref_slice %arg2[%dma_start3A_265, %dma_start3A_266] : memref<10240x128xf32, #tpu.memory_space<hbm>> -> memref<10240x128xf32, #tpu.memory_space<hbm>>
      tpu.enqueue_indirect_dma source(%dma_start3A_267 : memref<10240x128xf32, #tpu.memory_space<hbm>>) target(%arg11 : memref<100x128xf32, #tpu.memory_space<vmem>>) offsets(%dma_start3A_264 : memref<100xi32, #tpu.memory_space<vmem>>) semaphore(%arg14 : memref<!tpu.dma_semaphore, #tpu.memory_space<semaphore_mem>>)
      %dma_wait3A_268 = arith.constant 0 : i32
      %dma_wait3A_269 = arith.constant 0 : i32
      %dma_wait3A_270 = tpu.memref_slice %arg7[%dma_wait3A_268, %dma_wait3A_269] : memref<25x100xi32, #tpu.memory_space<vmem>> -> memref<1x100xi32, #tpu.memory_space<vmem>>
      %dma_wait3A_271 = tpu.memref_squeeze %dma_wait3A_270 : memref<1x100xi32, #tpu.memory_space<vmem>> -> memref<100xi32, #tpu.memory_space<vmem>>
      %dma_wait3A_272 = arith.constant 0 : i32
      %dma_wait3A_273 = arith.constant 0 : i32
      %dma_wait3A_274 = tpu.memref_slice %arg2[%dma_wait3A_272, %dma_wait3A_273] : memref<10240x128xf32, #tpu.memory_space<hbm>> -> memref<10240x128xf32, #tpu.memory_space<hbm>>
      tpu.wait_indirect_dma semaphore(%arg15 : memref<!tpu.dma_semaphore, #tpu.memory_space<semaphore_mem>>) src(%dma_wait3A_274 : memref<10240x128xf32, #tpu.memory_space<hbm>>) dst(%arg12 : memref<100x128xf32, #tpu.memory_space<vmem>>)
      %add3A_275 = arith.constant 1 : i32
      %add3A_276 = arith.addi %mul3A_244, %add3A_275 : i32
      "tpu.region"() ({
        %run_scoped3A_277 = tpu.sem_alloc : memref<!tpu.dma_semaphore, #tpu.memory_space<semaphore_mem>>
        %dma_start3A_278 = arith.constant 0 : i32
        %dma_start3A_279 = tpu.memref_slice %arg9[%add3A_276, %dma_start3A_278] : memref<25x100xi32, #tpu.memory_space<vmem>> -> memref<1x100xi32, #tpu.memory_space<vmem>>
        %dma_start3A_280 = tpu.memref_squeeze %dma_start3A_279 : memref<1x100xi32, #tpu.memory_space<vmem>> -> memref<100xi32, #tpu.memory_space<vmem>>
        %dma_start3A_281 = arith.constant 0 : i32
        %dma_start3A_282 = arith.constant 0 : i32
        %dma_start3A_283 = tpu.memref_slice %arg13[%dma_start3A_281, %dma_start3A_282] : memref<10240x128xf32, #tpu.memory_space<vmem_shared>> -> memref<10240x128xf32, #tpu.memory_space<vmem_shared>>
        tpu.enqueue_indirect_dma source(%arg12 : memref<100x128xf32, #tpu.memory_space<vmem>>) target(%dma_start3A_283 : memref<10240x128xf32, #tpu.memory_space<vmem_shared>>) offsets(%dma_start3A_280 : memref<100xi32, #tpu.memory_space<vmem>>) semaphore(%run_scoped3A_277 : memref<!tpu.dma_semaphore, #tpu.memory_space<semaphore_mem>>) {add = true}
        %dma_wait3A_284 = arith.constant 0 : i32
        %dma_wait3A_285 = tpu.memref_slice %arg9[%add3A_276, %dma_wait3A_284] : memref<25x100xi32, #tpu.memory_space<vmem>> -> memref<1x100xi32, #tpu.memory_space<vmem>>
        %dma_wait3A_286 = tpu.memref_squeeze %dma_wait3A_285 : memref<1x100xi32, #tpu.memory_space<vmem>> -> memref<100xi32, #tpu.memory_space<vmem>>
        %dma_wait3A_287 = arith.constant 0 : i32
        %dma_wait3A_288 = arith.constant 0 : i32
        %dma_wait3A_289 = tpu.memref_slice %arg13[%dma_wait3A_287, %dma_wait3A_288] : memref<10240x128xf32, #tpu.memory_space<vmem_shared>> -> memref<10240x128xf32, #tpu.memory_space<vmem_shared>>
        tpu.wait_indirect_dma semaphore(%run_scoped3A_277 : memref<!tpu.dma_semaphore, #tpu.memory_space<semaphore_mem>>) src(%arg12 : memref<100x128xf32, #tpu.memory_space<vmem>>) dst(%dma_wait3A_289 : memref<10240x128xf32, #tpu.memory_space<vmem_shared>>)
        tpu.yield
      }) : () -> ()
    }
    %scan3A_191 = arith.constant 12 : i32
    %dma_wait3A_192 = arith.constant 0 : i32
    %dma_wait3A_193 = arith.constant 0 : i32
    %dma_wait3A_194 = tpu.memref_slice %arg7[%dma_wait3A_192, %dma_wait3A_193] : memref<25x100xi32, #tpu.memory_space<vmem>> -> memref<1x100xi32, #tpu.memory_space<vmem>>
    %dma_wait3A_195 = tpu.memref_squeeze %dma_wait3A_194 : memref<1x100xi32, #tpu.memory_space<vmem>> -> memref<100xi32, #tpu.memory_space<vmem>>
    %dma_wait3A_196 = arith.constant 0 : i32
    %dma_wait3A_197 = arith.constant 0 : i32
    %dma_wait3A_198 = tpu.memref_slice %arg2[%dma_wait3A_196, %dma_wait3A_197] : memref<10240x128xf32, #tpu.memory_space<hbm>> -> memref<10240x128xf32, #tpu.memory_space<hbm>>
    tpu.wait_indirect_dma semaphore(%arg14 : memref<!tpu.dma_semaphore, #tpu.memory_space<semaphore_mem>>) src(%dma_wait3A_198 : memref<10240x128xf32, #tpu.memory_space<hbm>>) dst(%arg11 : memref<100x128xf32, #tpu.memory_space<vmem>>)
    %run_scoped3A_199 = arith.constant 24 : i32
    "tpu.region"() ({
      %run_scoped3A_242 = tpu.sem_alloc : memref<!tpu.dma_semaphore, #tpu.memory_space<semaphore_mem>>
      %dma_start3A_243 = arith.constant 0 : i32
      %dma_start3A_244 = tpu.memref_slice %arg9[%run_scoped3A_199, %dma_start3A_243] : memref<25x100xi32, #tpu.memory_space<vmem>> -> memref<1x100xi32, #tpu.memory_space<vmem>>
      %dma_start3A_245 = tpu.memref_squeeze %dma_start3A_244 : memref<1x100xi32, #tpu.memory_space<vmem>> -> memref<100xi32, #tpu.memory_space<vmem>>
      %dma_start3A_246 = arith.constant 0 : i32
      %dma_start3A_247 = arith.constant 0 : i32
      %dma_start3A_248 = tpu.memref_slice %arg13[%dma_start3A_246, %dma_start3A_247] : memref<10240x128xf32, #tpu.memory_space<vmem_shared>> -> memref<10240x128xf32, #tpu.memory_space<vmem_shared>>
      tpu.enqueue_indirect_dma source(%arg11 : memref<100x128xf32, #tpu.memory_space<vmem>>) target(%dma_start3A_248 : memref<10240x128xf32, #tpu.memory_space<vmem_shared>>) offsets(%dma_start3A_245 : memref<100xi32, #tpu.memory_space<vmem>>) semaphore(%run_scoped3A_242 : memref<!tpu.dma_semaphore, #tpu.memory_space<semaphore_mem>>) {add = true}
      %dma_wait3A_249 = arith.constant 0 : i32
      %dma_wait3A_250 = tpu.memref_slice %arg9[%run_scoped3A_199, %dma_wait3A_249] : memref<25x100xi32, #tpu.memory_space<vmem>> -> memref<1x100xi32, #tpu.memory_space<vmem>>
      %dma_wait3A_251 = tpu.memref_squeeze %dma_wait3A_250 : memref<1x100xi32, #tpu.memory_space<vmem>> -> memref<100xi32, #tpu.memory_space<vmem>>
      %dma_wait3A_252 = arith.constant 0 : i32
      %dma_wait3A_253 = arith.constant 0 : i32
      %dma_wait3A_254 = tpu.memref_slice %arg13[%dma_wait3A_252, %dma_wait3A_253] : memref<10240x128xf32, #tpu.memory_space<vmem_shared>> -> memref<10240x128xf32, #tpu.memory_space<vmem_shared>>
      tpu.wait_indirect_dma semaphore(%run_scoped3A_242 : memref<!tpu.dma_semaphore, #tpu.memory_space<semaphore_mem>>) src(%arg11 : memref<100x128xf32, #tpu.memory_space<vmem>>) dst(%dma_wait3A_254 : memref<10240x128xf32, #tpu.memory_space<vmem_shared>>)
      tpu.yield
    }) : () -> ()
    %dma_wait3A_200 = arith.constant 0 : i32
    %dma_wait3A_201 = arith.constant 0 : i32
    %dma_wait3A_202 = tpu.memref_slice %arg3[%mul3A_2, %dma_wait3A_200, %dma_wait3A_201] : memref<128x25x100xi32, #tpu.memory_space<hbm>> -> memref<1x25x100xi32, #tpu.memory_space<hbm>>
    %dma_wait3A_203 = tpu.memref_squeeze %dma_wait3A_202 : memref<1x25x100xi32, #tpu.memory_space<hbm>> -> memref<25x100xi32, #tpu.memory_space<hbm>>
    %dma_wait3A_204 = arith.constant 0 : i32
    %dma_wait3A_205 = arith.constant 0 : i32
    %dma_wait3A_206 = tpu.memref_slice %arg3[%mul3A_2, %dma_wait3A_204, %dma_wait3A_205] : memref<128x25x100xi32, #tpu.memory_space<hbm>> -> memref<1x25x100xi32, #tpu.memory_space<hbm>>
    %dma_wait3A_207 = tpu.memref_squeeze %dma_wait3A_206 : memref<1x25x100xi32, #tpu.memory_space<hbm>> -> memref<25x100xi32, #tpu.memory_space<hbm>>
    tpu.wait_dma2 semaphore(%arg17 : memref<!tpu.dma_semaphore, #tpu.memory_space<semaphore_mem>>) src(%dma_wait3A_207 : memref<25x100xi32, #tpu.memory_space<hbm>>) dst(%arg8 : memref<25x100xi32, #tpu.memory_space<vmem>>)
    %dma_wait3A_208 = arith.constant 0 : i32
    %dma_wait3A_209 = arith.constant 0 : i32
    %dma_wait3A_210 = tpu.memref_slice %arg4[%mul3A_2, %dma_wait3A_208, %dma_wait3A_209] : memref<128x25x100xi32, #tpu.memory_space<hbm>> -> memref<1x25x100xi32, #tpu.memory_space<hbm>>
    %dma_wait3A_211 = tpu.memref_squeeze %dma_wait3A_210 : memref<1x25x100xi32, #tpu.memory_space<hbm>> -> memref<25x100xi32, #tpu.memory_space<hbm>>
    %dma_wait3A_212 = arith.constant 0 : i32
    %dma_wait3A_213 = arith.constant 0 : i32
    %dma_wait3A_214 = tpu.memref_slice %arg4[%mul3A_2, %dma_wait3A_212, %dma_wait3A_213] : memref<128x25x100xi32, #tpu.memory_space<hbm>> -> memref<1x25x100xi32, #tpu.memory_space<hbm>>
    %dma_wait3A_215 = tpu.memref_squeeze %dma_wait3A_214 : memref<1x25x100xi32, #tpu.memory_space<hbm>> -> memref<25x100xi32, #tpu.memory_space<hbm>>
    tpu.wait_dma2 semaphore(%arg17 : memref<!tpu.dma_semaphore, #tpu.memory_space<semaphore_mem>>) src(%dma_wait3A_215 : memref<25x100xi32, #tpu.memory_space<hbm>>) dst(%arg10 : memref<25x100xi32, #tpu.memory_space<vmem>>)
    %dma_start3A_216 = arith.constant 0 : i32
    %dma_start3A_217 = arith.constant 0 : i32
    %dma_start3A_218 = tpu.memref_slice %arg8[%dma_start3A_216, %dma_start3A_217] : memref<25x100xi32, #tpu.memory_space<vmem>> -> memref<1x100xi32, #tpu.memory_space<vmem>>
    %dma_start3A_219 = tpu.memref_squeeze %dma_start3A_218 : memref<1x100xi32, #tpu.memory_space<vmem>> -> memref<100xi32, #tpu.memory_space<vmem>>
    %dma_start3A_220 = arith.constant 0 : i32
    %dma_start3A_221 = arith.constant 0 : i32
    %dma_start3A_222 = tpu.memref_slice %arg2[%dma_start3A_220, %dma_start3A_221] : memref<10240x128xf32, #tpu.memory_space<hbm>> -> memref<10240x128xf32, #tpu.memory_space<hbm>>
    tpu.enqueue_indirect_dma source(%dma_start3A_222 : memref<10240x128xf32, #tpu.memory_space<hbm>>) target(%arg11 : memref<100x128xf32, #tpu.memory_space<vmem>>) offsets(%dma_start3A_219 : memref<100xi32, #tpu.memory_space<vmem>>) semaphore(%arg14 : memref<!tpu.dma_semaphore, #tpu.memory_space<semaphore_mem>>)
    %scan3A_223 = arith.constant 0 : i32
    %scan3A_224 = arith.constant 0 : i32
    %scan3A_225 = arith.constant 12 : i32
    %scan3A_226 = arith.addi %scan3A_224, %scan3A_225 : i32
    %scan3A_227 = arith.constant 1 : i32
    scf.for %scan3A_242 = %scan3A_224 to %scan3A_226 step %scan3A_227  : i32 {
      %mul3A_243 = arith.constant 2 : i32
      %mul3A_244 = arith.muli %mul3A_243, %scan3A_242 : i32
      %add3A_245 = arith.constant 1 : i32
      %add3A_246 = arith.addi %mul3A_244, %add3A_245 : i32
      %dma_start3A_247 = arith.constant 0 : i32
      %dma_start3A_248 = tpu.memref_slice %arg8[%add3A_246, %dma_start3A_247] : memref<25x100xi32, #tpu.memory_space<vmem>> -> memref<1x100xi32, #tpu.memory_space<vmem>>
      %dma_start3A_249 = tpu.memref_squeeze %dma_start3A_248 : memref<1x100xi32, #tpu.memory_space<vmem>> -> memref<100xi32, #tpu.memory_space<vmem>>
      %dma_start3A_250 = arith.constant 0 : i32
      %dma_start3A_251 = arith.constant 0 : i32
      %dma_start3A_252 = tpu.memref_slice %arg2[%dma_start3A_250, %dma_start3A_251] : memref<10240x128xf32, #tpu.memory_space<hbm>> -> memref<10240x128xf32, #tpu.memory_space<hbm>>
      tpu.enqueue_indirect_dma source(%dma_start3A_252 : memref<10240x128xf32, #tpu.memory_space<hbm>>) target(%arg12 : memref<100x128xf32, #tpu.memory_space<vmem>>) offsets(%dma_start3A_249 : memref<100xi32, #tpu.memory_space<vmem>>) semaphore(%arg15 : memref<!tpu.dma_semaphore, #tpu.memory_space<semaphore_mem>>)
      %dma_wait3A_253 = arith.constant 0 : i32
      %dma_wait3A_254 = arith.constant 0 : i32
      %dma_wait3A_255 = tpu.memref_slice %arg8[%dma_wait3A_253, %dma_wait3A_254] : memref<25x100xi32, #tpu.memory_space<vmem>> -> memref<1x100xi32, #tpu.memory_space<vmem>>
      %dma_wait3A_256 = tpu.memref_squeeze %dma_wait3A_255 : memref<1x100xi32, #tpu.memory_space<vmem>> -> memref<100xi32, #tpu.memory_space<vmem>>
      %dma_wait3A_257 = arith.constant 0 : i32
      %dma_wait3A_258 = arith.constant 0 : i32
      %dma_wait3A_259 = tpu.memref_slice %arg2[%dma_wait3A_257, %dma_wait3A_258] : memref<10240x128xf32, #tpu.memory_space<hbm>> -> memref<10240x128xf32, #tpu.memory_space<hbm>>
      tpu.wait_indirect_dma semaphore(%arg14 : memref<!tpu.dma_semaphore, #tpu.memory_space<semaphore_mem>>) src(%dma_wait3A_259 : memref<10240x128xf32, #tpu.memory_space<hbm>>) dst(%arg11 : memref<100x128xf32, #tpu.memory_space<vmem>>)
      "tpu.region"() ({
        %run_scoped3A_277 = tpu.sem_alloc : memref<!tpu.dma_semaphore, #tpu.memory_space<semaphore_mem>>
        %dma_start3A_278 = arith.constant 0 : i32
        %dma_start3A_279 = tpu.memref_slice %arg10[%mul3A_244, %dma_start3A_278] : memref<25x100xi32, #tpu.memory_space<vmem>> -> memref<1x100xi32, #tpu.memory_space<vmem>>
        %dma_start3A_280 = tpu.memref_squeeze %dma_start3A_279 : memref<1x100xi32, #tpu.memory_space<vmem>> -> memref<100xi32, #tpu.memory_space<vmem>>
        %dma_start3A_281 = arith.constant 0 : i32
        %dma_start3A_282 = arith.constant 0 : i32
        %dma_start3A_283 = tpu.memref_slice %arg13[%dma_start3A_281, %dma_start3A_282] : memref<10240x128xf32, #tpu.memory_space<vmem_shared>> -> memref<10240x128xf32, #tpu.memory_space<vmem_shared>>
        tpu.enqueue_indirect_dma source(%arg11 : memref<100x128xf32, #tpu.memory_space<vmem>>) target(%dma_start3A_283 : memref<10240x128xf32, #tpu.memory_space<vmem_shared>>) offsets(%dma_start3A_280 : memref<100xi32, #tpu.memory_space<vmem>>) semaphore(%run_scoped3A_277 : memref<!tpu.dma_semaphore, #tpu.memory_space<semaphore_mem>>) {add = true}
        %dma_wait3A_284 = arith.constant 0 : i32
        %dma_wait3A_285 = tpu.memref_slice %arg10[%mul3A_244, %dma_wait3A_284] : memref<25x100xi32, #tpu.memory_space<vmem>> -> memref<1x100xi32, #tpu.memory_space<vmem>>
        %dma_wait3A_286 = tpu.memref_squeeze %dma_wait3A_285 : memref<1x100xi32, #tpu.memory_space<vmem>> -> memref<100xi32, #tpu.memory_space<vmem>>
        %dma_wait3A_287 = arith.constant 0 : i32
        %dma_wait3A_288 = arith.constant 0 : i32
        %dma_wait3A_289 = tpu.memref_slice %arg13[%dma_wait3A_287, %dma_wait3A_288] : memref<10240x128xf32, #tpu.memory_space<vmem_shared>> -> memref<10240x128xf32, #tpu.memory_space<vmem_shared>>
        tpu.wait_indirect_dma semaphore(%run_scoped3A_277 : memref<!tpu.dma_semaphore, #tpu.memory_space<semaphore_mem>>) src(%arg11 : memref<100x128xf32, #tpu.memory_space<vmem>>) dst(%dma_wait3A_289 : memref<10240x128xf32, #tpu.memory_space<vmem_shared>>)
        tpu.yield
      }) : () -> ()
      %add3A_260 = arith.constant 2 : i32
      %add3A_261 = arith.addi %mul3A_244, %add3A_260 : i32
      %dma_start3A_262 = arith.constant 0 : i32
      %dma_start3A_263 = tpu.memref_slice %arg8[%add3A_261, %dma_start3A_262] : memref<25x100xi32, #tpu.memory_space<vmem>> -> memref<1x100xi32, #tpu.memory_space<vmem>>
      %dma_start3A_264 = tpu.memref_squeeze %dma_start3A_263 : memref<1x100xi32, #tpu.memory_space<vmem>> -> memref<100xi32, #tpu.memory_space<vmem>>
      %dma_start3A_265 = arith.constant 0 : i32
      %dma_start3A_266 = arith.constant 0 : i32
      %dma_start3A_267 = tpu.memref_slice %arg2[%dma_start3A_265, %dma_start3A_266] : memref<10240x128xf32, #tpu.memory_space<hbm>> -> memref<10240x128xf32, #tpu.memory_space<hbm>>
      tpu.enqueue_indirect_dma source(%dma_start3A_267 : memref<10240x128xf32, #tpu.memory_space<hbm>>) target(%arg11 : memref<100x128xf32, #tpu.memory_space<vmem>>) offsets(%dma_start3A_264 : memref<100xi32, #tpu.memory_space<vmem>>) semaphore(%arg14 : memref<!tpu.dma_semaphore, #tpu.memory_space<semaphore_mem>>)
      %dma_wait3A_268 = arith.constant 0 : i32
      %dma_wait3A_269 = arith.constant 0 : i32
      %dma_wait3A_270 = tpu.memref_slice %arg8[%dma_wait3A_268, %dma_wait3A_269] : memref<25x100xi32, #tpu.memory_space<vmem>> -> memref<1x100xi32, #tpu.memory_space<vmem>>
      %dma_wait3A_271 = tpu.memref_squeeze %dma_wait3A_270 : memref<1x100xi32, #tpu.memory_space<vmem>> -> memref<100xi32, #tpu.memory_space<vmem>>
      %dma_wait3A_272 = arith.constant 0 : i32
      %dma_wait3A_273 = arith.constant 0 : i32
      %dma_wait3A_274 = tpu.memref_slice %arg2[%dma_wait3A_272, %dma_wait3A_273] : memref<10240x128xf32, #tpu.memory_space<hbm>> -> memref<10240x128xf32, #tpu.memory_space<hbm>>
      tpu.wait_indirect_dma semaphore(%arg15 : memref<!tpu.dma_semaphore, #tpu.memory_space<semaphore_mem>>) src(%dma_wait3A_274 : memref<10240x128xf32, #tpu.memory_space<hbm>>) dst(%arg12 : memref<100x128xf32, #tpu.memory_space<vmem>>)
      %add3A_275 = arith.constant 1 : i32
      %add3A_276 = arith.addi %mul3A_244, %add3A_275 : i32
      "tpu.region"() ({
        %run_scoped3A_277 = tpu.sem_alloc : memref<!tpu.dma_semaphore, #tpu.memory_space<semaphore_mem>>
        %dma_start3A_278 = arith.constant 0 : i32
        %dma_start3A_279 = tpu.memref_slice %arg10[%add3A_276, %dma_start3A_278] : memref<25x100xi32, #tpu.memory_space<vmem>> -> memref<1x100xi32, #tpu.memory_space<vmem>>
        %dma_start3A_280 = tpu.memref_squeeze %dma_start3A_279 : memref<1x100xi32, #tpu.memory_space<vmem>> -> memref<100xi32, #tpu.memory_space<vmem>>
        %dma_start3A_281 = arith.constant 0 : i32
        %dma_start3A_282 = arith.constant 0 : i32
        %dma_start3A_283 = tpu.memref_slice %arg13[%dma_start3A_281, %dma_start3A_282] : memref<10240x128xf32, #tpu.memory_space<vmem_shared>> -> memref<10240x128xf32, #tpu.memory_space<vmem_shared>>
        tpu.enqueue_indirect_dma source(%arg12 : memref<100x128xf32, #tpu.memory_space<vmem>>) target(%dma_start3A_283 : memref<10240x128xf32, #tpu.memory_space<vmem_shared>>) offsets(%dma_start3A_280 : memref<100xi32, #tpu.memory_space<vmem>>) semaphore(%run_scoped3A_277 : memref<!tpu.dma_semaphore, #tpu.memory_space<semaphore_mem>>) {add = true}
        %dma_wait3A_284 = arith.constant 0 : i32
        %dma_wait3A_285 = tpu.memref_slice %arg10[%add3A_276, %dma_wait3A_284] : memref<25x100xi32, #tpu.memory_space<vmem>> -> memref<1x100xi32, #tpu.memory_space<vmem>>
        %dma_wait3A_286 = tpu.memref_squeeze %dma_wait3A_285 : memref<1x100xi32, #tpu.memory_space<vmem>> -> memref<100xi32, #tpu.memory_space<vmem>>
        %dma_wait3A_287 = arith.constant 0 : i32
        %dma_wait3A_288 = arith.constant 0 : i32
        %dma_wait3A_289 = tpu.memref_slice %arg13[%dma_wait3A_287, %dma_wait3A_288] : memref<10240x128xf32, #tpu.memory_space<vmem_shared>> -> memref<10240x128xf32, #tpu.memory_space<vmem_shared>>
        tpu.wait_indirect_dma semaphore(%run_scoped3A_277 : memref<!tpu.dma_semaphore, #tpu.memory_space<semaphore_mem>>) src(%arg12 : memref<100x128xf32, #tpu.memory_space<vmem>>) dst(%dma_wait3A_289 : memref<10240x128xf32, #tpu.memory_space<vmem_shared>>)
        tpu.yield
      }) : () -> ()
    }
    %scan3A_228 = arith.constant 12 : i32
    %dma_wait3A_229 = arith.constant 0 : i32
    %dma_wait3A_230 = arith.constant 0 : i32
    %dma_wait3A_231 = tpu.memref_slice %arg8[%dma_wait3A_229, %dma_wait3A_230] : memref<25x100xi32, #tpu.memory_space<vmem>> -> memref<1x100xi32, #tpu.memory_space<vmem>>
    %dma_wait3A_232 = tpu.memref_squeeze %dma_wait3A_231 : memref<1x100xi32, #tpu.memory_space<vmem>> -> memref<100xi32, #tpu.memory_space<vmem>>
    %dma_wait3A_233 = arith.constant 0 : i32
    %dma_wait3A_234 = arith.constant 0 : i32
    %dma_wait3A_235 = tpu.memref_slice %arg2[%dma_wait3A_233, %dma_wait3A_234] : memref<10240x128xf32, #tpu.memory_space<hbm>> -> memref<10240x128xf32, #tpu.memory_space<hbm>>
    tpu.wait_indirect_dma semaphore(%arg14 : memref<!tpu.dma_semaphore, #tpu.memory_space<semaphore_mem>>) src(%dma_wait3A_235 : memref<10240x128xf32, #tpu.memory_space<hbm>>) dst(%arg11 : memref<100x128xf32, #tpu.memory_space<vmem>>)
    %run_scoped3A_236 = arith.constant 24 : i32
    "tpu.region"() ({
      %run_scoped3A_242 = tpu.sem_alloc : memref<!tpu.dma_semaphore, #tpu.memory_space<semaphore_mem>>
      %dma_start3A_243 = arith.constant 0 : i32
      %dma_start3A_244 = tpu.memref_slice %arg10[%run_scoped3A_236, %dma_start3A_243] : memref<25x100xi32, #tpu.memory_space<vmem>> -> memref<1x100xi32, #tpu.memory_space<vmem>>
      %dma_start3A_245 = tpu.memref_squeeze %dma_start3A_244 : memref<1x100xi32, #tpu.memory_space<vmem>> -> memref<100xi32, #tpu.memory_space<vmem>>
      %dma_start3A_246 = arith.constant 0 : i32
      %dma_start3A_247 = arith.constant 0 : i32
      %dma_start3A_248 = tpu.memref_slice %arg13[%dma_start3A_246, %dma_start3A_247] : memref<10240x128xf32, #tpu.memory_space<vmem_shared>> -> memref<10240x128xf32, #tpu.memory_space<vmem_shared>>
      tpu.enqueue_indirect_dma source(%arg11 : memref<100x128xf32, #tpu.memory_space<vmem>>) target(%dma_start3A_248 : memref<10240x128xf32, #tpu.memory_space<vmem_shared>>) offsets(%dma_start3A_245 : memref<100xi32, #tpu.memory_space<vmem>>) semaphore(%run_scoped3A_242 : memref<!tpu.dma_semaphore, #tpu.memory_space<semaphore_mem>>) {add = true}
      %dma_wait3A_249 = arith.constant 0 : i32
      %dma_wait3A_250 = tpu.memref_slice %arg10[%run_scoped3A_236, %dma_wait3A_249] : memref<25x100xi32, #tpu.memory_space<vmem>> -> memref<1x100xi32, #tpu.memory_space<vmem>>
      %dma_wait3A_251 = tpu.memref_squeeze %dma_wait3A_250 : memref<1x100xi32, #tpu.memory_space<vmem>> -> memref<100xi32, #tpu.memory_space<vmem>>
      %dma_wait3A_252 = arith.constant 0 : i32
      %dma_wait3A_253 = arith.constant 0 : i32
      %dma_wait3A_254 = tpu.memref_slice %arg13[%dma_wait3A_252, %dma_wait3A_253] : memref<10240x128xf32, #tpu.memory_space<vmem_shared>> -> memref<10240x128xf32, #tpu.memory_space<vmem_shared>>
      tpu.wait_indirect_dma semaphore(%run_scoped3A_242 : memref<!tpu.dma_semaphore, #tpu.memory_space<semaphore_mem>>) src(%arg11 : memref<100x128xf32, #tpu.memory_space<vmem>>) dst(%dma_wait3A_254 : memref<10240x128xf32, #tpu.memory_space<vmem_shared>>)
      tpu.yield
    }) : () -> ()
    %barrier3A_237 = arith.constant 0 : index
    tpu.barrier barrier_id(%barrier3A_237)
    %mul3A_238 = arith.constant 640 : i32
    %mul3A_239 = arith.muli %arg1, %mul3A_238 : i32
    %mul3A_240 = arith.constant 640 : i32
    %mul3A_241 = arith.muli %arg1, %mul3A_240 : i32
    "tpu.region"() ({
      %run_scoped3A_242 = tpu.sem_alloc : memref<!tpu.dma_semaphore, #tpu.memory_space<semaphore_mem>>
      %dma_start3A_243 = arith.constant 0 : i32
      %dma_start3A_244 = tpu.memref_slice %arg6[%arg0, %mul3A_241, %dma_start3A_243] : memref<2x10240x128xf32, #tpu.memory_space<hbm>> -> memref<1x640x128xf32, #tpu.memory_space<hbm>>
      %dma_start3A_245 = tpu.memref_squeeze %dma_start3A_244 : memref<1x640x128xf32, #tpu.memory_space<hbm>> -> memref<640x128xf32, #tpu.memory_space<hbm>>
      %dma_start3A_246 = arith.constant 0 : i32
      %dma_start3A_247 = tpu.memref_slice %arg13[%mul3A_239, %dma_start3A_246] : memref<10240x128xf32, #tpu.memory_space<vmem_shared>> -> memref<640x128xf32, #tpu.memory_space<vmem_shared>>
      tpu.enqueue_dma source(%dma_start3A_247 : memref<640x128xf32, #tpu.memory_space<vmem_shared>>) target(%dma_start3A_245 : memref<640x128xf32, #tpu.memory_space<hbm>>) target_semaphore(%run_scoped3A_242 : memref<!tpu.dma_semaphore, #tpu.memory_space<semaphore_mem>>)
      %dma_wait3A_248 = arith.constant 0 : i32
      %dma_wait3A_249 = tpu.memref_slice %arg6[%arg0, %mul3A_241, %dma_wait3A_248] : memref<2x10240x128xf32, #tpu.memory_space<hbm>> -> memref<1x640x128xf32, #tpu.memory_space<hbm>>
      %dma_wait3A_250 = tpu.memref_squeeze %dma_wait3A_249 : memref<1x640x128xf32, #tpu.memory_space<hbm>> -> memref<640x128xf32, #tpu.memory_space<hbm>>
      %dma_wait3A_251 = arith.constant 0 : i32
      %dma_wait3A_252 = tpu.memref_slice %arg13[%mul3A_239, %dma_wait3A_251] : memref<10240x128xf32, #tpu.memory_space<vmem_shared>> -> memref<640x128xf32, #tpu.memory_space<vmem_shared>>
      tpu.wait_dma2 semaphore(%run_scoped3A_242 : memref<!tpu.dma_semaphore, #tpu.memory_space<semaphore_mem>>) src(%dma_wait3A_252 : memref<640x128xf32, #tpu.memory_space<vmem_shared>>) dst(%dma_wait3A_250 : memref<640x128xf32, #tpu.memory_space<hbm>>)
      tpu.yield
    }) : () -> ()
    return
  }
}

#map = affine_map<(d0, d1) -> (0, 0)>
#map1 = affine_map<(d0, d1) -> (0, 0, 0)>
module attributes {stable_mosaic.version = 14 : i64} {
  func.func @body(%arg0: i32, %arg1: i32, %arg2: memref<10240x128xf32, #tpu.memory_space<hbm>>, %arg3: memref<128x25x100xi32, #tpu.memory_space<hbm>>, %arg4: memref<128x25x100xi32, #tpu.memory_space<hbm>>, %arg5: memref<640x128xf32, #tpu.memory_space<hbm>>, %arg6: memref<2x10240x128xf32, #tpu.memory_space<hbm>>, %arg7: memref<25x100xi32, #tpu.memory_space<vmem>>, %arg8: memref<25x100xi32, #tpu.memory_space<vmem>>, %arg9: memref<25x100xi32, #tpu.memory_space<vmem>>, %arg10: memref<25x100xi32, #tpu.memory_space<vmem>>, %arg11: memref<100x128xf32, #tpu.memory_space<vmem>>, %arg12: memref<100x128xf32, #tpu.memory_space<vmem>>, %arg13: memref<10240x128xf32, #tpu.memory_space<vmem_shared>>, %arg14: memref<!tpu.dma_semaphore, #tpu.memory_space<semaphore_mem>>, %arg15: memref<!tpu.dma_semaphore, #tpu.memory_space<semaphore_mem>>, %arg16: memref<!tpu.dma_semaphore, #tpu.memory_space<semaphore_mem>>, %arg17: memref<!tpu.dma_semaphore, #tpu.memory_space<semaphore_mem>>) attributes {dimension_semantics = [#tpu.dimension_semantics<core_parallel>, #tpu.dimension_semantics<subcore_parallel>], iteration_bounds = array<i64: 2, 16>, scalar_prefetch = 0 : i64, scratch_operands = 11 : i64, tpu.core_type = #tpu.core_type<sc_vector_subcore>, window_params = [{transform_indices = #map}, {transform_indices = #map1}, {transform_indices = #map1}, {transform_indices = #map}, {transform_indices = #map1}]} {
    %mul3A = arith.constant 2 : i32
    %mul3A_0 = arith.muli %arg1, %mul3A : i32
    %add3A = arith.addi %mul3A_0, %arg0 : i32
    %mul3A_1 = arith.constant 4 : i32
    %mul3A_2 = arith.muli %add3A, %mul3A_1 : i32
    %dma_start3A = arith.constant 0 : i32
    %dma_start3A_3 = arith.constant 0 : i32
    %dma_start3A_4 = tpu.memref_slice %arg3[%mul3A_2, %dma_start3A, %dma_start3A_3] : memref<128x25x100xi32, #tpu.memory_space<hbm>> -> memref<1x25x100xi32, #tpu.memory_space<hbm>>
    %dma_start3A_5 = tpu.memref_squeeze %dma_start3A_4 : memref<1x25x100xi32, #tpu.memory_space<hbm>> -> memref<25x100xi32, #tpu.memory_space<hbm>>
    %dma_start3A_6 = arith.constant 0 : i32
    %dma_start3A_7 = arith.constant 0 : i32
    %dma_start3A_8 = tpu.memref_slice %arg3[%mul3A_2, %dma_start3A_6, %dma_start3A_7] : memref<128x25x100xi32, #tpu.memory_space<hbm>> -> memref<1x25x100xi32, #tpu.memory_space<hbm>>
    %dma_start3A_9 = tpu.memref_squeeze %dma_start3A_8 : memref<1x25x100xi32, #tpu.memory_space<hbm>> -> memref<25x100xi32, #tpu.memory_space<hbm>>
    tpu.enqueue_dma source(%dma_start3A_9 : memref<25x100xi32, #tpu.memory_space<hbm>>) target(%arg7 : memref<25x100xi32, #tpu.memory_space<vmem>>) target_semaphore(%arg16 : memref<!tpu.dma_semaphore, #tpu.memory_space<semaphore_mem>>)
    %dma_start3A_10 = arith.constant 0 : i32
    %dma_start3A_11 = arith.constant 0 : i32
    %dma_start3A_12 = tpu.memref_slice %arg4[%mul3A_2, %dma_start3A_10, %dma_start3A_11] : memref<128x25x100xi32, #tpu.memory_space<hbm>> -> memref<1x25x100xi32, #tpu.memory_space<hbm>>
    %dma_start3A_13 = tpu.memref_squeeze %dma_start3A_12 : memref<1x25x100xi32, #tpu.memory_space<hbm>> -> memref<25x100xi32, #tpu.memory_space<hbm>>
    %dma_start3A_14 = arith.constant 0 : i32
    %dma_start3A_15 = arith.constant 0 : i32
    %dma_start3A_16 = tpu.memref_slice %arg4[%mul3A_2, %dma_start3A_14, %dma_start3A_15] : memref<128x25x100xi32, #tpu.memory_space<hbm>> -> memref<1x25x100xi32, #tpu.memory_space<hbm>>
    %dma_start3A_17 = tpu.memref_squeeze %dma_start3A_16 : memref<1x25x100xi32, #tpu.memory_space<hbm>> -> memref<25x100xi32, #tpu.memory_space<hbm>>
    tpu.enqueue_dma source(%dma_start3A_17 : memref<25x100xi32, #tpu.memory_space<hbm>>) target(%arg9 : memref<25x100xi32, #tpu.memory_space<vmem>>) target_semaphore(%arg16 : memref<!tpu.dma_semaphore, #tpu.memory_space<semaphore_mem>>)
    %mul3A_18 = arith.constant 640 : i32
    %mul3A_19 = arith.muli %arg1, %mul3A_18 : i32
    "tpu.region"() ({
      %run_scoped3A_242 = tpu.sem_alloc : memref<!tpu.dma_semaphore, #tpu.memory_space<semaphore_mem>>
      %dma_start3A_243 = arith.constant 0 : i32
      %dma_start3A_244 = tpu.memref_slice %arg13[%mul3A_19, %dma_start3A_243] : memref<10240x128xf32, #tpu.memory_space<vmem_shared>> -> memref<640x128xf32, #tpu.memory_space<vmem_shared>>
      tpu.enqueue_dma source(%arg5 : memref<640x128xf32, #tpu.memory_space<hbm>>) target(%dma_start3A_244 : memref<640x128xf32, #tpu.memory_space<vmem_shared>>) target_semaphore(%run_scoped3A_242 : memref<!tpu.dma_semaphore, #tpu.memory_space<semaphore_mem>>)
      %dma_wait3A_245 = arith.constant 0 : i32
      %dma_wait3A_246 = tpu.memref_slice %arg13[%mul3A_19, %dma_wait3A_245] : memref<10240x128xf32, #tpu.memory_space<vmem_shared>> -> memref<640x128xf32, #tpu.memory_space<vmem_shared>>
      tpu.wait_dma2 semaphore(%run_scoped3A_242 : memref<!tpu.dma_semaphore, #tpu.memory_space<semaphore_mem>>) src(%arg5 : memref<640x128xf32, #tpu.memory_space<hbm>>) dst(%dma_wait3A_246 : memref<640x128xf32, #tpu.memory_space<vmem_shared>>)
      tpu.yield
    }) : () -> ()
    %barrier3A = arith.constant 0 : index
    tpu.barrier barrier_id(%barrier3A)
    %dma_wait3A = arith.constant 0 : i32
    %dma_wait3A_20 = arith.constant 0 : i32
    %dma_wait3A_21 = tpu.memref_slice %arg3[%mul3A_2, %dma_wait3A, %dma_wait3A_20] : memref<128x25x100xi32, #tpu.memory_space<hbm>> -> memref<1x25x100xi32, #tpu.memory_space<hbm>>
    %dma_wait3A_22 = tpu.memref_squeeze %dma_wait3A_21 : memref<1x25x100xi32, #tpu.memory_space<hbm>> -> memref<25x100xi32, #tpu.memory_space<hbm>>
    %dma_wait3A_23 = arith.constant 0 : i32
    %dma_wait3A_24 = arith.constant 0 : i32
    %dma_wait3A_25 = tpu.memref_slice %arg3[%mul3A_2, %dma_wait3A_23, %dma_wait3A_24] : memref<128x25x100xi32, #tpu.memory_space<hbm>> -> memref<1x25x100xi32, #tpu.memory_space<hbm>>
    %dma_wait3A_26 = tpu.memref_squeeze %dma_wait3A_25 : memref<1x25x100xi32, #tpu.memory_space<hbm>> -> memref<25x100xi32, #tpu.memory_space<hbm>>
    tpu.wait_dma2 semaphore(%arg16 : memref<!tpu.dma_semaphore, #tpu.memory_space<semaphore_mem>>) src(%dma_wait3A_26 : memref<25x100xi32, #tpu.memory_space<hbm>>) dst(%arg7 : memref<25x100xi32, #tpu.memory_space<vmem>>)
    %dma_wait3A_27 = arith.constant 0 : i32
    %dma_wait3A_28 = arith.constant 0 : i32
    %dma_wait3A_29 = tpu.memref_slice %arg4[%mul3A_2, %dma_wait3A_27, %dma_wait3A_28] : memref<128x25x100xi32, #tpu.memory_space<hbm>> -> memref<1x25x100xi32, #tpu.memory_space<hbm>>
    %dma_wait3A_30 = tpu.memref_squeeze %dma_wait3A_29 : memref<1x25x100xi32, #tpu.memory_space<hbm>> -> memref<25x100xi32, #tpu.memory_space<hbm>>
    %dma_wait3A_31 = arith.constant 0 : i32
    %dma_wait3A_32 = arith.constant 0 : i32
    %dma_wait3A_33 = tpu.memref_slice %arg4[%mul3A_2, %dma_wait3A_31, %dma_wait3A_32] : memref<128x25x100xi32, #tpu.memory_space<hbm>> -> memref<1x25x100xi32, #tpu.memory_space<hbm>>
    %dma_wait3A_34 = tpu.memref_squeeze %dma_wait3A_33 : memref<1x25x100xi32, #tpu.memory_space<hbm>> -> memref<25x100xi32, #tpu.memory_space<hbm>>
    tpu.wait_dma2 semaphore(%arg16 : memref<!tpu.dma_semaphore, #tpu.memory_space<semaphore_mem>>) src(%dma_wait3A_34 : memref<25x100xi32, #tpu.memory_space<hbm>>) dst(%arg9 : memref<25x100xi32, #tpu.memory_space<vmem>>)
    %add3A_35 = arith.constant 0 : i32
    %add3A_36 = arith.addi %mul3A_2, %add3A_35 : i32
    %add3A_37 = arith.constant 1 : i32
    %add3A_38 = arith.addi %add3A_36, %add3A_37 : i32
    %dma_start3A_39 = arith.constant 0 : i32
    %dma_start3A_40 = arith.constant 0 : i32
    %dma_start3A_41 = tpu.memref_slice %arg3[%add3A_38, %dma_start3A_39, %dma_start3A_40] : memref<128x25x100xi32, #tpu.memory_space<hbm>> -> memref<1x25x100xi32, #tpu.memory_space<hbm>>
    %dma_start3A_42 = tpu.memref_squeeze %dma_start3A_41 : memref<1x25x100xi32, #tpu.memory_space<hbm>> -> memref<25x100xi32, #tpu.memory_space<hbm>>
    %dma_start3A_43 = arith.constant 0 : i32
    %dma_start3A_44 = arith.constant 0 : i32
    %dma_start3A_45 = tpu.memref_slice %arg3[%add3A_38, %dma_start3A_43, %dma_start3A_44] : memref<128x25x100xi32, #tpu.memory_space<hbm>> -> memref<1x25x100xi32, #tpu.memory_space<hbm>>
    %dma_start3A_46 = tpu.memref_squeeze %dma_start3A_45 : memref<1x25x100xi32, #tpu.memory_space<hbm>> -> memref<25x100xi32, #tpu.memory_space<hbm>>
    tpu.enqueue_dma source(%dma_start3A_46 : memref<25x100xi32, #tpu.memory_space<hbm>>) target(%arg8 : memref<25x100xi32, #tpu.memory_space<vmem>>) target_semaphore(%arg17 : memref<!tpu.dma_semaphore, #tpu.memory_space<semaphore_mem>>)
    %add3A_47 = arith.constant 0 : i32
    %add3A_48 = arith.addi %mul3A_2, %add3A_47 : i32
    %add3A_49 = arith.constant 1 : i32
    %add3A_50 = arith.addi %add3A_48, %add3A_49 : i32
    %dma_start3A_51 = arith.constant 0 : i32
    %dma_start3A_52 = arith.constant 0 : i32
    %dma_start3A_53 = tpu.memref_slice %arg4[%add3A_50, %dma_start3A_51, %dma_start3A_52] : memref<128x25x100xi32, #tpu.memory_space<hbm>> -> memref<1x25x100xi32, #tpu.memory_space<hbm>>
    %dma_start3A_54 = tpu.memref_squeeze %dma_start3A_53 : memref<1x25x100xi32, #tpu.memory_space<hbm>> -> memref<25x100xi32, #tpu.memory_space<hbm>>
    %dma_start3A_55 = arith.constant 0 : i32
    %dma_start3A_56 = arith.constant 0 : i32
    %dma_start3A_57 = tpu.memref_slice %arg4[%add3A_50, %dma_start3A_55, %dma_start3A_56] : memref<128x25x100xi32, #tpu.memory_space<hbm>> -> memref<1x25x100xi32, #tpu.memory_space<hbm>>
    %dma_start3A_58 = tpu.memref_squeeze %dma_start3A_57 : memref<1x25x100xi32, #tpu.memory_space<hbm>> -> memref<25x100xi32, #tpu.memory_space<hbm>>
    tpu.enqueue_dma source(%dma_start3A_58 : memref<25x100xi32, #tpu.memory_space<hbm>>) target(%arg10 : memref<25x100xi32, #tpu.memory_space<vmem>>) target_semaphore(%arg17 : memref<!tpu.dma_semaphore, #tpu.memory_space<semaphore_mem>>)
    %dma_start3A_59 = arith.constant 0 : i32
    %dma_start3A_60 = arith.constant 0 : i32
    %dma_start3A_61 = tpu.memref_slice %arg7[%dma_start3A_59, %dma_start3A_60] : memref<25x100xi32, #tpu.memory_space<vmem>> -> memref<1x100xi32, #tpu.memory_space<vmem>>
    %dma_start3A_62 = tpu.memref_squeeze %dma_start3A_61 : memref<1x100xi32, #tpu.memory_space<vmem>> -> memref<100xi32, #tpu.memory_space<vmem>>
    %dma_start3A_63 = arith.constant 0 : i32
    %dma_start3A_64 = arith.constant 0 : i32
    %dma_start3A_65 = tpu.memref_slice %arg2[%dma_start3A_63, %dma_start3A_64] : memref<10240x128xf32, #tpu.memory_space<hbm>> -> memref<10240x128xf32, #tpu.memory_space<hbm>>
    tpu.enqueue_indirect_dma source(%dma_start3A_65 : memref<10240x128xf32, #tpu.memory_space<hbm>>) target(%arg11 : memref<100x128xf32, #tpu.memory_space<vmem>>) offsets(%dma_start3A_62 : memref<100xi32, #tpu.memory_space<vmem>>) semaphore(%arg14 : memref<!tpu.dma_semaphore, #tpu.memory_space<semaphore_mem>>)
    %scan3A = arith.constant 0 : i32
    %scan3A_66 = arith.constant 0 : i32
    %scan3A_67 = arith.constant 12 : i32
    %scan3A_68 = arith.addi %scan3A_66, %scan3A_67 : i32
    %scan3A_69 = arith.constant 1 : i32
    scf.for %scan3A_242 = %scan3A_66 to %scan3A_68 step %scan3A_69  : i32 {
      %mul3A_243 = arith.constant 2 : i32
      %mul3A_244 = arith.muli %mul3A_243, %scan3A_242 : i32
      %add3A_245 = arith.constant 1 : i32
      %add3A_246 = arith.addi %mul3A_244, %add3A_245 : i32
      %dma_start3A_247 = arith.constant 0 : i32
      %dma_start3A_248 = tpu.memref_slice %arg7[%add3A_246, %dma_start3A_247] : memref<25x100xi32, #tpu.memory_space<vmem>> -> memref<1x100xi32, #tpu.memory_space<vmem>>
      %dma_start3A_249 = tpu.memref_squeeze %dma_start3A_248 : memref<1x100xi32, #tpu.memory_space<vmem>> -> memref<100xi32, #tpu.memory_space<vmem>>
      %dma_start3A_250 = arith.constant 0 : i32
      %dma_start3A_251 = arith.constant 0 : i32
      %dma_start3A_252 = tpu.memref_slice %arg2[%dma_start3A_250, %dma_start3A_251] : memref<10240x128xf32, #tpu.memory_space<hbm>> -> memref<10240x128xf32, #tpu.memory_space<hbm>>
      tpu.enqueue_indirect_dma source(%dma_start3A_252 : memref<10240x128xf32, #tpu.memory_space<hbm>>) target(%arg12 : memref<100x128xf32, #tpu.memory_space<vmem>>) offsets(%dma_start3A_249 : memref<100xi32, #tpu.memory_space<vmem>>) semaphore(%arg15 : memref<!tpu.dma_semaphore, #tpu.memory_space<semaphore_mem>>)
      %dma_wait3A_253 = arith.constant 0 : i32
      %dma_wait3A_254 = arith.constant 0 : i32
      %dma_wait3A_255 = tpu.memref_slice %arg7[%dma_wait3A_253, %dma_wait3A_254] : memref<25x100xi32, #tpu.memory_space<vmem>> -> memref<1x100xi32, #tpu.memory_space<vmem>>
      %dma_wait3A_256 = tpu.memref_squeeze %dma_wait3A_255 : memref<1x100xi32, #tpu.memory_space<vmem>> -> memref<100xi32, #tpu.memory_space<vmem>>
      %dma_wait3A_257 = arith.constant 0 : i32
      %dma_wait3A_258 = arith.constant 0 : i32
      %dma_wait3A_259 = tpu.memref_slice %arg2[%dma_wait3A_257, %dma_wait3A_258] : memref<10240x128xf32, #tpu.memory_space<hbm>> -> memref<10240x128xf32, #tpu.memory_space<hbm>>
      tpu.wait_indirect_dma semaphore(%arg14 : memref<!tpu.dma_semaphore, #tpu.memory_space<semaphore_mem>>) src(%dma_wait3A_259 : memref<10240x128xf32, #tpu.memory_space<hbm>>) dst(%arg11 : memref<100x128xf32, #tpu.memory_space<vmem>>)
      "tpu.region"() ({
        %run_scoped3A_277 = tpu.sem_alloc : memref<!tpu.dma_semaphore, #tpu.memory_space<semaphore_mem>>
        %dma_start3A_278 = arith.constant 0 : i32
        %dma_start3A_279 = tpu.memref_slice %arg9[%mul3A_244, %dma_start3A_278] : memref<25x100xi32, #tpu.memory_space<vmem>> -> memref<1x100xi32, #tpu.memory_space<vmem>>
        %dma_start3A_280 = tpu.memref_squeeze %dma_start3A_279 : memref<1x100xi32, #tpu.memory_space<vmem>> -> memref<100xi32, #tpu.memory_space<vmem>>
        %dma_start3A_281 = arith.constant 0 : i32
        %dma_start3A_282 = arith.constant 0 : i32
        %dma_start3A_283 = tpu.memref_slice %arg13[%dma_start3A_281, %dma_start3A_282] : memref<10240x128xf32, #tpu.memory_space<vmem_shared>> -> memref<10240x128xf32, #tpu.memory_space<vmem_shared>>
        tpu.enqueue_indirect_dma source(%arg11 : memref<100x128xf32, #tpu.memory_space<vmem>>) target(%dma_start3A_283 : memref<10240x128xf32, #tpu.memory_space<vmem_shared>>) offsets(%dma_start3A_280 : memref<100xi32, #tpu.memory_space<vmem>>) semaphore(%run_scoped3A_277 : memref<!tpu.dma_semaphore, #tpu.memory_space<semaphore_mem>>) {add = true}
        %dma_wait3A_284 = arith.constant 0 : i32
        %dma_wait3A_285 = tpu.memref_slice %arg9[%mul3A_244, %dma_wait3A_284] : memref<25x100xi32, #tpu.memory_space<vmem>> -> memref<1x100xi32, #tpu.memory_space<vmem>>
        %dma_wait3A_286 = tpu.memref_squeeze %dma_wait3A_285 : memref<1x100xi32, #tpu.memory_space<vmem>> -> memref<100xi32, #tpu.memory_space<vmem>>
        %dma_wait3A_287 = arith.constant 0 : i32
        %dma_wait3A_288 = arith.constant 0 : i32
        %dma_wait3A_289 = tpu.memref_slice %arg13[%dma_wait3A_287, %dma_wait3A_288] : memref<10240x128xf32, #tpu.memory_space<vmem_shared>> -> memref<10240x128xf32, #tpu.memory_space<vmem_shared>>
        tpu.wait_indirect_dma semaphore(%run_scoped3A_277 : memref<!tpu.dma_semaphore, #tpu.memory_space<semaphore_mem>>) src(%arg11 : memref<100x128xf32, #tpu.memory_space<vmem>>) dst(%dma_wait3A_289 : memref<10240x128xf32, #tpu.memory_space<vmem_shared>>)
        tpu.yield
      }) : () -> ()
      %add3A_260 = arith.constant 2 : i32
      %add3A_261 = arith.addi %mul3A_244, %add3A_260 : i32
      %dma_start3A_262 = arith.constant 0 : i32
      %dma_start3A_263 = tpu.memref_slice %arg7[%add3A_261, %dma_start3A_262] : memref<25x100xi32, #tpu.memory_space<vmem>> -> memref<1x100xi32, #tpu.memory_space<vmem>>
      %dma_start3A_264 = tpu.memref_squeeze %dma_start3A_263 : memref<1x100xi32, #tpu.memory_space<vmem>> -> memref<100xi32, #tpu.memory_space<vmem>>
      %dma_start3A_265 = arith.constant 0 : i32
      %dma_start3A_266 = arith.constant 0 : i32
      %dma_start3A_267 = tpu.memref_slice %arg2[%dma_start3A_265, %dma_start3A_266] : memref<10240x128xf32, #tpu.memory_space<hbm>> -> memref<10240x128xf32, #tpu.memory_space<hbm>>
      tpu.enqueue_indirect_dma source(%dma_start3A_267 : memref<10240x128xf32, #tpu.memory_space<hbm>>) target(%arg11 : memref<100x128xf32, #tpu.memory_space<vmem>>) offsets(%dma_start3A_264 : memref<100xi32, #tpu.memory_space<vmem>>) semaphore(%arg14 : memref<!tpu.dma_semaphore, #tpu.memory_space<semaphore_mem>>)
      %dma_wait3A_268 = arith.constant 0 : i32
      %dma_wait3A_269 = arith.constant 0 : i32
      %dma_wait3A_270 = tpu.memref_slice %arg7[%dma_wait3A_268, %dma_wait3A_269] : memref<25x100xi32, #tpu.memory_space<vmem>> -> memref<1x100xi32, #tpu.memory_space<vmem>>
      %dma_wait3A_271 = tpu.memref_squeeze %dma_wait3A_270 : memref<1x100xi32, #tpu.memory_space<vmem>> -> memref<100xi32, #tpu.memory_space<vmem>>
      %dma_wait3A_272 = arith.constant 0 : i32
      %dma_wait3A_273 = arith.constant 0 : i32
      %dma_wait3A_274 = tpu.memref_slice %arg2[%dma_wait3A_272, %dma_wait3A_273] : memref<10240x128xf32, #tpu.memory_space<hbm>> -> memref<10240x128xf32, #tpu.memory_space<hbm>>
      tpu.wait_indirect_dma semaphore(%arg15 : memref<!tpu.dma_semaphore, #tpu.memory_space<semaphore_mem>>) src(%dma_wait3A_274 : memref<10240x128xf32, #tpu.memory_space<hbm>>) dst(%arg12 : memref<100x128xf32, #tpu.memory_space<vmem>>)
      %add3A_275 = arith.constant 1 : i32
      %add3A_276 = arith.addi %mul3A_244, %add3A_275 : i32
      "tpu.region"() ({
        %run_scoped3A_277 = tpu.sem_alloc : memref<!tpu.dma_semaphore, #tpu.memory_space<semaphore_mem>>
        %dma_start3A_278 = arith.constant 0 : i32
        %dma_start3A_279 = tpu.memref_slice %arg9[%add3A_276, %dma_start3A_278] : memref<25x100xi32, #tpu.memory_space<vmem>> -> memref<1x100xi32, #tpu.memory_space<vmem>>
        %dma_start3A_280 = tpu.memref_squeeze %dma_start3A_279 : memref<1x100xi32, #tpu.memory_space<vmem>> -> memref<100xi32, #tpu.memory_space<vmem>>
        %dma_start3A_281 = arith.constant 0 : i32
        %dma_start3A_282 = arith.constant 0 : i32
        %dma_start3A_283 = tpu.memref_slice %arg13[%dma_start3A_281, %dma_start3A_282] : memref<10240x128xf32, #tpu.memory_space<vmem_shared>> -> memref<10240x128xf32, #tpu.memory_space<vmem_shared>>
        tpu.enqueue_indirect_dma source(%arg12 : memref<100x128xf32, #tpu.memory_space<vmem>>) target(%dma_start3A_283 : memref<10240x128xf32, #tpu.memory_space<vmem_shared>>) offsets(%dma_start3A_280 : memref<100xi32, #tpu.memory_space<vmem>>) semaphore(%run_scoped3A_277 : memref<!tpu.dma_semaphore, #tpu.memory_space<semaphore_mem>>) {add = true}
        %dma_wait3A_284 = arith.constant 0 : i32
        %dma_wait3A_285 = tpu.memref_slice %arg9[%add3A_276, %dma_wait3A_284] : memref<25x100xi32, #tpu.memory_space<vmem>> -> memref<1x100xi32, #tpu.memory_space<vmem>>
        %dma_wait3A_286 = tpu.memref_squeeze %dma_wait3A_285 : memref<1x100xi32, #tpu.memory_space<vmem>> -> memref<100xi32, #tpu.memory_space<vmem>>
        %dma_wait3A_287 = arith.constant 0 : i32
        %dma_wait3A_288 = arith.constant 0 : i32
        %dma_wait3A_289 = tpu.memref_slice %arg13[%dma_wait3A_287, %dma_wait3A_288] : memref<10240x128xf32, #tpu.memory_space<vmem_shared>> -> memref<10240x128xf32, #tpu.memory_space<vmem_shared>>
        tpu.wait_indirect_dma semaphore(%run_scoped3A_277 : memref<!tpu.dma_semaphore, #tpu.memory_space<semaphore_mem>>) src(%arg12 : memref<100x128xf32, #tpu.memory_space<vmem>>) dst(%dma_wait3A_289 : memref<10240x128xf32, #tpu.memory_space<vmem_shared>>)
        tpu.yield
      }) : () -> ()
    }
    %scan3A_70 = arith.constant 12 : i32
    %dma_wait3A_71 = arith.constant 0 : i32
    %dma_wait3A_72 = arith.constant 0 : i32
    %dma_wait3A_73 = tpu.memref_slice %arg7[%dma_wait3A_71, %dma_wait3A_72] : memref<25x100xi32, #tpu.memory_space<vmem>> -> memref<1x100xi32, #tpu.memory_space<vmem>>
    %dma_wait3A_74 = tpu.memref_squeeze %dma_wait3A_73 : memref<1x100xi32, #tpu.memory_space<vmem>> -> memref<100xi32, #tpu.memory_space<vmem>>
    %dma_wait3A_75 = arith.constant 0 : i32
    %dma_wait3A_76 = arith.constant 0 : i32
    %dma_wait3A_77 = tpu.memref_slice %arg2[%dma_wait3A_75, %dma_wait3A_76] : memref<10240x128xf32, #tpu.memory_space<hbm>> -> memref<10240x128xf32, #tpu.memory_space<hbm>>
    tpu.wait_indirect_dma semaphore(%arg14 : memref<!tpu.dma_semaphore, #tpu.memory_space<semaphore_mem>>) src(%dma_wait3A_77 : memref<10240x128xf32, #tpu.memory_space<hbm>>) dst(%arg11 : memref<100x128xf32, #tpu.memory_space<vmem>>)
    %run_scoped3A = arith.constant 24 : i32
    "tpu.region"() ({
      %run_scoped3A_242 = tpu.sem_alloc : memref<!tpu.dma_semaphore, #tpu.memory_space<semaphore_mem>>
      %dma_start3A_243 = arith.constant 0 : i32
      %dma_start3A_244 = tpu.memref_slice %arg9[%run_scoped3A, %dma_start3A_243] : memref<25x100xi32, #tpu.memory_space<vmem>> -> memref<1x100xi32, #tpu.memory_space<vmem>>
      %dma_start3A_245 = tpu.memref_squeeze %dma_start3A_244 : memref<1x100xi32, #tpu.memory_space<vmem>> -> memref<100xi32, #tpu.memory_space<vmem>>
      %dma_start3A_246 = arith.constant 0 : i32
      %dma_start3A_247 = arith.constant 0 : i32
      %dma_start3A_248 = tpu.memref_slice %arg13[%dma_start3A_246, %dma_start3A_247] : memref<10240x128xf32, #tpu.memory_space<vmem_shared>> -> memref<10240x128xf32, #tpu.memory_space<vmem_shared>>
      tpu.enqueue_indirect_dma source(%arg11 : memref<100x128xf32, #tpu.memory_space<vmem>>) target(%dma_start3A_248 : memref<10240x128xf32, #tpu.memory_space<vmem_shared>>) offsets(%dma_start3A_245 : memref<100xi32, #tpu.memory_space<vmem>>) semaphore(%run_scoped3A_242 : memref<!tpu.dma_semaphore, #tpu.memory_space<semaphore_mem>>) {add = true}
      %dma_wait3A_249 = arith.constant 0 : i32
      %dma_wait3A_250 = tpu.memref_slice %arg9[%run_scoped3A, %dma_wait3A_249] : memref<25x100xi32, #tpu.memory_space<vmem>> -> memref<1x100xi32, #tpu.memory_space<vmem>>
      %dma_wait3A_251 = tpu.memref_squeeze %dma_wait3A_250 : memref<1x100xi32, #tpu.memory_space<vmem>> -> memref<100xi32, #tpu.memory_space<vmem>>
      %dma_wait3A_252 = arith.constant 0 : i32
      %dma_wait3A_253 = arith.constant 0 : i32
      %dma_wait3A_254 = tpu.memref_slice %arg13[%dma_wait3A_252, %dma_wait3A_253] : memref<10240x128xf32, #tpu.memory_space<vmem_shared>> -> memref<10240x128xf32, #tpu.memory_space<vmem_shared>>
      tpu.wait_indirect_dma semaphore(%run_scoped3A_242 : memref<!tpu.dma_semaphore, #tpu.memory_space<semaphore_mem>>) src(%arg11 : memref<100x128xf32, #tpu.memory_space<vmem>>) dst(%dma_wait3A_254 : memref<10240x128xf32, #tpu.memory_space<vmem_shared>>)
      tpu.yield
    }) : () -> ()
    %dma_wait3A_78 = arith.constant 0 : i32
    %dma_wait3A_79 = arith.constant 0 : i32
    %dma_wait3A_80 = tpu.memref_slice %arg3[%mul3A_2, %dma_wait3A_78, %dma_wait3A_79] : memref<128x25x100xi32, #tpu.memory_space<hbm>> -> memref<1x25x100xi32, #tpu.memory_space<hbm>>
    %dma_wait3A_81 = tpu.memref_squeeze %dma_wait3A_80 : memref<1x25x100xi32, #tpu.memory_space<hbm>> -> memref<25x100xi32, #tpu.memory_space<hbm>>
    %dma_wait3A_82 = arith.constant 0 : i32
    %dma_wait3A_83 = arith.constant 0 : i32
    %dma_wait3A_84 = tpu.memref_slice %arg3[%mul3A_2, %dma_wait3A_82, %dma_wait3A_83] : memref<128x25x100xi32, #tpu.memory_space<hbm>> -> memref<1x25x100xi32, #tpu.memory_space<hbm>>
    %dma_wait3A_85 = tpu.memref_squeeze %dma_wait3A_84 : memref<1x25x100xi32, #tpu.memory_space<hbm>> -> memref<25x100xi32, #tpu.memory_space<hbm>>
    tpu.wait_dma2 semaphore(%arg17 : memref<!tpu.dma_semaphore, #tpu.memory_space<semaphore_mem>>) src(%dma_wait3A_85 : memref<25x100xi32, #tpu.memory_space<hbm>>) dst(%arg8 : memref<25x100xi32, #tpu.memory_space<vmem>>)
    %dma_wait3A_86 = arith.constant 0 : i32
    %dma_wait3A_87 = arith.constant 0 : i32
    %dma_wait3A_88 = tpu.memref_slice %arg4[%mul3A_2, %dma_wait3A_86, %dma_wait3A_87] : memref<128x25x100xi32, #tpu.memory_space<hbm>> -> memref<1x25x100xi32, #tpu.memory_space<hbm>>
    %dma_wait3A_89 = tpu.memref_squeeze %dma_wait3A_88 : memref<1x25x100xi32, #tpu.memory_space<hbm>> -> memref<25x100xi32, #tpu.memory_space<hbm>>
    %dma_wait3A_90 = arith.constant 0 : i32
    %dma_wait3A_91 = arith.constant 0 : i32
    %dma_wait3A_92 = tpu.memref_slice %arg4[%mul3A_2, %dma_wait3A_90, %dma_wait3A_91] : memref<128x25x100xi32, #tpu.memory_space<hbm>> -> memref<1x25x100xi32, #tpu.memory_space<hbm>>
    %dma_wait3A_93 = tpu.memref_squeeze %dma_wait3A_92 : memref<1x25x100xi32, #tpu.memory_space<hbm>> -> memref<25x100xi32, #tpu.memory_space<hbm>>
    tpu.wait_dma2 semaphore(%arg17 : memref<!tpu.dma_semaphore, #tpu.memory_space<semaphore_mem>>) src(%dma_wait3A_93 : memref<25x100xi32, #tpu.memory_space<hbm>>) dst(%arg10 : memref<25x100xi32, #tpu.memory_space<vmem>>)
    %add3A_94 = arith.constant 1 : i32
    %add3A_95 = arith.addi %mul3A_2, %add3A_94 : i32
    %add3A_96 = arith.constant 1 : i32
    %add3A_97 = arith.addi %add3A_95, %add3A_96 : i32
    %dma_start3A_98 = arith.constant 0 : i32
    %dma_start3A_99 = arith.constant 0 : i32
    %dma_start3A_100 = tpu.memref_slice %arg3[%add3A_97, %dma_start3A_98, %dma_start3A_99] : memref<128x25x100xi32, #tpu.memory_space<hbm>> -> memref<1x25x100xi32, #tpu.memory_space<hbm>>
    %dma_start3A_101 = tpu.memref_squeeze %dma_start3A_100 : memref<1x25x100xi32, #tpu.memory_space<hbm>> -> memref<25x100xi32, #tpu.memory_space<hbm>>
    %dma_start3A_102 = arith.constant 0 : i32
    %dma_start3A_103 = arith.constant 0 : i32
    %dma_start3A_104 = tpu.memref_slice %arg3[%add3A_97, %dma_start3A_102, %dma_start3A_103] : memref<128x25x100xi32, #tpu.memory_space<hbm>> -> memref<1x25x100xi32, #tpu.memory_space<hbm>>
    %dma_start3A_105 = tpu.memref_squeeze %dma_start3A_104 : memref<1x25x100xi32, #tpu.memory_space<hbm>> -> memref<25x100xi32, #tpu.memory_space<hbm>>
    tpu.enqueue_dma source(%dma_start3A_105 : memref<25x100xi32, #tpu.memory_space<hbm>>) target(%arg7 : memref<25x100xi32, #tpu.memory_space<vmem>>) target_semaphore(%arg16 : memref<!tpu.dma_semaphore, #tpu.memory_space<semaphore_mem>>)
    %add3A_106 = arith.constant 1 : i32
    %add3A_107 = arith.addi %mul3A_2, %add3A_106 : i32
    %add3A_108 = arith.constant 1 : i32
    %add3A_109 = arith.addi %add3A_107, %add3A_108 : i32
    %dma_start3A_110 = arith.constant 0 : i32
    %dma_start3A_111 = arith.constant 0 : i32
    %dma_start3A_112 = tpu.memref_slice %arg4[%add3A_109, %dma_start3A_110, %dma_start3A_111] : memref<128x25x100xi32, #tpu.memory_space<hbm>> -> memref<1x25x100xi32, #tpu.memory_space<hbm>>
    %dma_start3A_113 = tpu.memref_squeeze %dma_start3A_112 : memref<1x25x100xi32, #tpu.memory_space<hbm>> -> memref<25x100xi32, #tpu.memory_space<hbm>>
    %dma_start3A_114 = arith.constant 0 : i32
    %dma_start3A_115 = arith.constant 0 : i32
    %dma_start3A_116 = tpu.memref_slice %arg4[%add3A_109, %dma_start3A_114, %dma_start3A_115] : memref<128x25x100xi32, #tpu.memory_space<hbm>> -> memref<1x25x100xi32, #tpu.memory_space<hbm>>
    %dma_start3A_117 = tpu.memref_squeeze %dma_start3A_116 : memref<1x25x100xi32, #tpu.memory_space<hbm>> -> memref<25x100xi32, #tpu.memory_space<hbm>>
    tpu.enqueue_dma source(%dma_start3A_117 : memref<25x100xi32, #tpu.memory_space<hbm>>) target(%arg9 : memref<25x100xi32, #tpu.memory_space<vmem>>) target_semaphore(%arg16 : memref<!tpu.dma_semaphore, #tpu.memory_space<semaphore_mem>>)
    %dma_start3A_118 = arith.constant 0 : i32
    %dma_start3A_119 = arith.constant 0 : i32
    %dma_start3A_120 = tpu.memref_slice %arg8[%dma_start3A_118, %dma_start3A_119] : memref<25x100xi32, #tpu.memory_space<vmem>> -> memref<1x100xi32, #tpu.memory_space<vmem>>
    %dma_start3A_121 = tpu.memref_squeeze %dma_start3A_120 : memref<1x100xi32, #tpu.memory_space<vmem>> -> memref<100xi32, #tpu.memory_space<vmem>>
    %dma_start3A_122 = arith.constant 0 : i32
    %dma_start3A_123 = arith.constant 0 : i32
    %dma_start3A_124 = tpu.memref_slice %arg2[%dma_start3A_122, %dma_start3A_123] : memref<10240x128xf32, #tpu.memory_space<hbm>> -> memref<10240x128xf32, #tpu.memory_space<hbm>>
    tpu.enqueue_indirect_dma source(%dma_start3A_124 : memref<10240x128xf32, #tpu.memory_space<hbm>>) target(%arg11 : memref<100x128xf32, #tpu.memory_space<vmem>>) offsets(%dma_start3A_121 : memref<100xi32, #tpu.memory_space<vmem>>) semaphore(%arg14 : memref<!tpu.dma_semaphore, #tpu.memory_space<semaphore_mem>>)
    %scan3A_125 = arith.constant 0 : i32
    %scan3A_126 = arith.constant 0 : i32
    %scan3A_127 = arith.constant 12 : i32
    %scan3A_128 = arith.addi %scan3A_126, %scan3A_127 : i32
    %scan3A_129 = arith.constant 1 : i32
    scf.for %scan3A_242 = %scan3A_126 to %scan3A_128 step %scan3A_129  : i32 {
      %mul3A_243 = arith.constant 2 : i32
      %mul3A_244 = arith.muli %mul3A_243, %scan3A_242 : i32
      %add3A_245 = arith.constant 1 : i32
      %add3A_246 = arith.addi %mul3A_244, %add3A_245 : i32
      %dma_start3A_247 = arith.constant 0 : i32
      %dma_start3A_248 = tpu.memref_slice %arg8[%add3A_246, %dma_start3A_247] : memref<25x100xi32, #tpu.memory_space<vmem>> -> memref<1x100xi32, #tpu.memory_space<vmem>>
      %dma_start3A_249 = tpu.memref_squeeze %dma_start3A_248 : memref<1x100xi32, #tpu.memory_space<vmem>> -> memref<100xi32, #tpu.memory_space<vmem>>
      %dma_start3A_250 = arith.constant 0 : i32
      %dma_start3A_251 = arith.constant 0 : i32
      %dma_start3A_252 = tpu.memref_slice %arg2[%dma_start3A_250, %dma_start3A_251] : memref<10240x128xf32, #tpu.memory_space<hbm>> -> memref<10240x128xf32, #tpu.memory_space<hbm>>
      tpu.enqueue_indirect_dma source(%dma_start3A_252 : memref<10240x128xf32, #tpu.memory_space<hbm>>) target(%arg12 : memref<100x128xf32, #tpu.memory_space<vmem>>) offsets(%dma_start3A_249 : memref<100xi32, #tpu.memory_space<vmem>>) semaphore(%arg15 : memref<!tpu.dma_semaphore, #tpu.memory_space<semaphore_mem>>)
      %dma_wait3A_253 = arith.constant 0 : i32
      %dma_wait3A_254 = arith.constant 0 : i32
      %dma_wait3A_255 = tpu.memref_slice %arg8[%dma_wait3A_253, %dma_wait3A_254] : memref<25x100xi32, #tpu.memory_space<vmem>> -> memref<1x100xi32, #tpu.memory_space<vmem>>
      %dma_wait3A_256 = tpu.memref_squeeze %dma_wait3A_255 : memref<1x100xi32, #tpu.memory_space<vmem>> -> memref<100xi32, #tpu.memory_space<vmem>>
      %dma_wait3A_257 = arith.constant 0 : i32
      %dma_wait3A_258 = arith.constant 0 : i32
      %dma_wait3A_259 = tpu.memref_slice %arg2[%dma_wait3A_257, %dma_wait3A_258] : memref<10240x128xf32, #tpu.memory_space<hbm>> -> memref<10240x128xf32, #tpu.memory_space<hbm>>
      tpu.wait_indirect_dma semaphore(%arg14 : memref<!tpu.dma_semaphore, #tpu.memory_space<semaphore_mem>>) src(%dma_wait3A_259 : memref<10240x128xf32, #tpu.memory_space<hbm>>) dst(%arg11 : memref<100x128xf32, #tpu.memory_space<vmem>>)
      "tpu.region"() ({
        %run_scoped3A_277 = tpu.sem_alloc : memref<!tpu.dma_semaphore, #tpu.memory_space<semaphore_mem>>
        %dma_start3A_278 = arith.constant 0 : i32
        %dma_start3A_279 = tpu.memref_slice %arg10[%mul3A_244, %dma_start3A_278] : memref<25x100xi32, #tpu.memory_space<vmem>> -> memref<1x100xi32, #tpu.memory_space<vmem>>
        %dma_start3A_280 = tpu.memref_squeeze %dma_start3A_279 : memref<1x100xi32, #tpu.memory_space<vmem>> -> memref<100xi32, #tpu.memory_space<vmem>>
        %dma_start3A_281 = arith.constant 0 : i32
        %dma_start3A_282 = arith.constant 0 : i32
        %dma_start3A_283 = tpu.memref_slice %arg13[%dma_start3A_281, %dma_start3A_282] : memref<10240x128xf32, #tpu.memory_space<vmem_shared>> -> memref<10240x128xf32, #tpu.memory_space<vmem_shared>>
        tpu.enqueue_indirect_dma source(%arg11 : memref<100x128xf32, #tpu.memory_space<vmem>>) target(%dma_start3A_283 : memref<10240x128xf32, #tpu.memory_space<vmem_shared>>) offsets(%dma_start3A_280 : memref<100xi32, #tpu.memory_space<vmem>>) semaphore(%run_scoped3A_277 : memref<!tpu.dma_semaphore, #tpu.memory_space<semaphore_mem>>) {add = true}
        %dma_wait3A_284 = arith.constant 0 : i32
        %dma_wait3A_285 = tpu.memref_slice %arg10[%mul3A_244, %dma_wait3A_284] : memref<25x100xi32, #tpu.memory_space<vmem>> -> memref<1x100xi32, #tpu.memory_space<vmem>>
        %dma_wait3A_286 = tpu.memref_squeeze %dma_wait3A_285 : memref<1x100xi32, #tpu.memory_space<vmem>> -> memref<100xi32, #tpu.memory_space<vmem>>
        %dma_wait3A_287 = arith.constant 0 : i32
        %dma_wait3A_288 = arith.constant 0 : i32
        %dma_wait3A_289 = tpu.memref_slice %arg13[%dma_wait3A_287, %dma_wait3A_288] : memref<10240x128xf32, #tpu.memory_space<vmem_shared>> -> memref<10240x128xf32, #tpu.memory_space<vmem_shared>>
        tpu.wait_indirect_dma semaphore(%run_scoped3A_277 : memref<!tpu.dma_semaphore, #tpu.memory_space<semaphore_mem>>) src(%arg11 : memref<100x128xf32, #tpu.memory_space<vmem>>) dst(%dma_wait3A_289 : memref<10240x128xf32, #tpu.memory_space<vmem_shared>>)
        tpu.yield
      }) : () -> ()
      %add3A_260 = arith.constant 2 : i32
      %add3A_261 = arith.addi %mul3A_244, %add3A_260 : i32
      %dma_start3A_262 = arith.constant 0 : i32
      %dma_start3A_263 = tpu.memref_slice %arg8[%add3A_261, %dma_start3A_262] : memref<25x100xi32, #tpu.memory_space<vmem>> -> memref<1x100xi32, #tpu.memory_space<vmem>>
      %dma_start3A_264 = tpu.memref_squeeze %dma_start3A_263 : memref<1x100xi32, #tpu.memory_space<vmem>> -> memref<100xi32, #tpu.memory_space<vmem>>
      %dma_start3A_265 = arith.constant 0 : i32
      %dma_start3A_266 = arith.constant 0 : i32
      %dma_start3A_267 = tpu.memref_slice %arg2[%dma_start3A_265, %dma_start3A_266] : memref<10240x128xf32, #tpu.memory_space<hbm>> -> memref<10240x128xf32, #tpu.memory_space<hbm>>
      tpu.enqueue_indirect_dma source(%dma_start3A_267 : memref<10240x128xf32, #tpu.memory_space<hbm>>) target(%arg11 : memref<100x128xf32, #tpu.memory_space<vmem>>) offsets(%dma_start3A_264 : memref<100xi32, #tpu.memory_space<vmem>>) semaphore(%arg14 : memref<!tpu.dma_semaphore, #tpu.memory_space<semaphore_mem>>)
      %dma_wait3A_268 = arith.constant 0 : i32
      %dma_wait3A_269 = arith.constant 0 : i32
      %dma_wait3A_270 = tpu.memref_slice %arg8[%dma_wait3A_268, %dma_wait3A_269] : memref<25x100xi32, #tpu.memory_space<vmem>> -> memref<1x100xi32, #tpu.memory_space<vmem>>
      %dma_wait3A_271 = tpu.memref_squeeze %dma_wait3A_270 : memref<1x100xi32, #tpu.memory_space<vmem>> -> memref<100xi32, #tpu.memory_space<vmem>>
      %dma_wait3A_272 = arith.constant 0 : i32
      %dma_wait3A_273 = arith.constant 0 : i32
      %dma_wait3A_274 = tpu.memref_slice %arg2[%dma_wait3A_272, %dma_wait3A_273] : memref<10240x128xf32, #tpu.memory_space<hbm>> -> memref<10240x128xf32, #tpu.memory_space<hbm>>
      tpu.wait_indirect_dma semaphore(%arg15 : memref<!tpu.dma_semaphore, #tpu.memory_space<semaphore_mem>>) src(%dma_wait3A_274 : memref<10240x128xf32, #tpu.memory_space<hbm>>) dst(%arg12 : memref<100x128xf32, #tpu.memory_space<vmem>>)
      %add3A_275 = arith.constant 1 : i32
      %add3A_276 = arith.addi %mul3A_244, %add3A_275 : i32
      "tpu.region"() ({
        %run_scoped3A_277 = tpu.sem_alloc : memref<!tpu.dma_semaphore, #tpu.memory_space<semaphore_mem>>
        %dma_start3A_278 = arith.constant 0 : i32
        %dma_start3A_279 = tpu.memref_slice %arg10[%add3A_276, %dma_start3A_278] : memref<25x100xi32, #tpu.memory_space<vmem>> -> memref<1x100xi32, #tpu.memory_space<vmem>>
        %dma_start3A_280 = tpu.memref_squeeze %dma_start3A_279 : memref<1x100xi32, #tpu.memory_space<vmem>> -> memref<100xi32, #tpu.memory_space<vmem>>
        %dma_start3A_281 = arith.constant 0 : i32
        %dma_start3A_282 = arith.constant 0 : i32
        %dma_start3A_283 = tpu.memref_slice %arg13[%dma_start3A_281, %dma_start3A_282] : memref<10240x128xf32, #tpu.memory_space<vmem_shared>> -> memref<10240x128xf32, #tpu.memory_space<vmem_shared>>
        tpu.enqueue_indirect_dma source(%arg12 : memref<100x128xf32, #tpu.memory_space<vmem>>) target(%dma_start3A_283 : memref<10240x128xf32, #tpu.memory_space<vmem_shared>>) offsets(%dma_start3A_280 : memref<100xi32, #tpu.memory_space<vmem>>) semaphore(%run_scoped3A_277 : memref<!tpu.dma_semaphore, #tpu.memory_space<semaphore_mem>>) {add = true}
        %dma_wait3A_284 = arith.constant 0 : i32
        %dma_wait3A_285 = tpu.memref_slice %arg10[%add3A_276, %dma_wait3A_284] : memref<25x100xi32, #tpu.memory_space<vmem>> -> memref<1x100xi32, #tpu.memory_space<vmem>>
        %dma_wait3A_286 = tpu.memref_squeeze %dma_wait3A_285 : memref<1x100xi32, #tpu.memory_space<vmem>> -> memref<100xi32, #tpu.memory_space<vmem>>
        %dma_wait3A_287 = arith.constant 0 : i32
        %dma_wait3A_288 = arith.constant 0 : i32
        %dma_wait3A_289 = tpu.memref_slice %arg13[%dma_wait3A_287, %dma_wait3A_288] : memref<10240x128xf32, #tpu.memory_space<vmem_shared>> -> memref<10240x128xf32, #tpu.memory_space<vmem_shared>>
        tpu.wait_indirect_dma semaphore(%run_scoped3A_277 : memref<!tpu.dma_semaphore, #tpu.memory_space<semaphore_mem>>) src(%arg12 : memref<100x128xf32, #tpu.memory_space<vmem>>) dst(%dma_wait3A_289 : memref<10240x128xf32, #tpu.memory_space<vmem_shared>>)
        tpu.yield
      }) : () -> ()
    }
    %scan3A_130 = arith.constant 12 : i32
    %dma_wait3A_131 = arith.constant 0 : i32
    %dma_wait3A_132 = arith.constant 0 : i32
    %dma_wait3A_133 = tpu.memref_slice %arg8[%dma_wait3A_131, %dma_wait3A_132] : memref<25x100xi32, #tpu.memory_space<vmem>> -> memref<1x100xi32, #tpu.memory_space<vmem>>
    %dma_wait3A_134 = tpu.memref_squeeze %dma_wait3A_133 : memref<1x100xi32, #tpu.memory_space<vmem>> -> memref<100xi32, #tpu.memory_space<vmem>>
    %dma_wait3A_135 = arith.constant 0 : i32
    %dma_wait3A_136 = arith.constant 0 : i32
    %dma_wait3A_137 = tpu.memref_slice %arg2[%dma_wait3A_135, %dma_wait3A_136] : memref<10240x128xf32, #tpu.memory_space<hbm>> -> memref<10240x128xf32, #tpu.memory_space<hbm>>
    tpu.wait_indirect_dma semaphore(%arg14 : memref<!tpu.dma_semaphore, #tpu.memory_space<semaphore_mem>>) src(%dma_wait3A_137 : memref<10240x128xf32, #tpu.memory_space<hbm>>) dst(%arg11 : memref<100x128xf32, #tpu.memory_space<vmem>>)
    %run_scoped3A_138 = arith.constant 24 : i32
    "tpu.region"() ({
      %run_scoped3A_242 = tpu.sem_alloc : memref<!tpu.dma_semaphore, #tpu.memory_space<semaphore_mem>>
      %dma_start3A_243 = arith.constant 0 : i32
      %dma_start3A_244 = tpu.memref_slice %arg10[%run_scoped3A_138, %dma_start3A_243] : memref<25x100xi32, #tpu.memory_space<vmem>> -> memref<1x100xi32, #tpu.memory_space<vmem>>
      %dma_start3A_245 = tpu.memref_squeeze %dma_start3A_244 : memref<1x100xi32, #tpu.memory_space<vmem>> -> memref<100xi32, #tpu.memory_space<vmem>>
      %dma_start3A_246 = arith.constant 0 : i32
      %dma_start3A_247 = arith.constant 0 : i32
      %dma_start3A_248 = tpu.memref_slice %arg13[%dma_start3A_246, %dma_start3A_247] : memref<10240x128xf32, #tpu.memory_space<vmem_shared>> -> memref<10240x128xf32, #tpu.memory_space<vmem_shared>>
      tpu.enqueue_indirect_dma source(%arg11 : memref<100x128xf32, #tpu.memory_space<vmem>>) target(%dma_start3A_248 : memref<10240x128xf32, #tpu.memory_space<vmem_shared>>) offsets(%dma_start3A_245 : memref<100xi32, #tpu.memory_space<vmem>>) semaphore(%run_scoped3A_242 : memref<!tpu.dma_semaphore, #tpu.memory_space<semaphore_mem>>) {add = true}
      %dma_wait3A_249 = arith.constant 0 : i32
      %dma_wait3A_250 = tpu.memref_slice %arg10[%run_scoped3A_138, %dma_wait3A_249] : memref<25x100xi32, #tpu.memory_space<vmem>> -> memref<1x100xi32, #tpu.memory_space<vmem>>
      %dma_wait3A_251 = tpu.memref_squeeze %dma_wait3A_250 : memref<1x100xi32, #tpu.memory_space<vmem>> -> memref<100xi32, #tpu.memory_space<vmem>>
      %dma_wait3A_252 = arith.constant 0 : i32
      %dma_wait3A_253 = arith.constant 0 : i32
      %dma_wait3A_254 = tpu.memref_slice %arg13[%dma_wait3A_252, %dma_wait3A_253] : memref<10240x128xf32, #tpu.memory_space<vmem_shared>> -> memref<10240x128xf32, #tpu.memory_space<vmem_shared>>
      tpu.wait_indirect_dma semaphore(%run_scoped3A_242 : memref<!tpu.dma_semaphore, #tpu.memory_space<semaphore_mem>>) src(%arg11 : memref<100x128xf32, #tpu.memory_space<vmem>>) dst(%dma_wait3A_254 : memref<10240x128xf32, #tpu.memory_space<vmem_shared>>)
      tpu.yield
    }) : () -> ()
    %dma_wait3A_139 = arith.constant 0 : i32
    %dma_wait3A_140 = arith.constant 0 : i32
    %dma_wait3A_141 = tpu.memref_slice %arg3[%mul3A_2, %dma_wait3A_139, %dma_wait3A_140] : memref<128x25x100xi32, #tpu.memory_space<hbm>> -> memref<1x25x100xi32, #tpu.memory_space<hbm>>
    %dma_wait3A_142 = tpu.memref_squeeze %dma_wait3A_141 : memref<1x25x100xi32, #tpu.memory_space<hbm>> -> memref<25x100xi32, #tpu.memory_space<hbm>>
    %dma_wait3A_143 = arith.constant 0 : i32
    %dma_wait3A_144 = arith.constant 0 : i32
    %dma_wait3A_145 = tpu.memref_slice %arg3[%mul3A_2, %dma_wait3A_143, %dma_wait3A_144] : memref<128x25x100xi32, #tpu.memory_space<hbm>> -> memref<1x25x100xi32, #tpu.memory_space<hbm>>
    %dma_wait3A_146 = tpu.memref_squeeze %dma_wait3A_145 : memref<1x25x100xi32, #tpu.memory_space<hbm>> -> memref<25x100xi32, #tpu.memory_space<hbm>>
    tpu.wait_dma2 semaphore(%arg16 : memref<!tpu.dma_semaphore, #tpu.memory_space<semaphore_mem>>) src(%dma_wait3A_146 : memref<25x100xi32, #tpu.memory_space<hbm>>) dst(%arg7 : memref<25x100xi32, #tpu.memory_space<vmem>>)
    %dma_wait3A_147 = arith.constant 0 : i32
    %dma_wait3A_148 = arith.constant 0 : i32
    %dma_wait3A_149 = tpu.memref_slice %arg4[%mul3A_2, %dma_wait3A_147, %dma_wait3A_148] : memref<128x25x100xi32, #tpu.memory_space<hbm>> -> memref<1x25x100xi32, #tpu.memory_space<hbm>>
    %dma_wait3A_150 = tpu.memref_squeeze %dma_wait3A_149 : memref<1x25x100xi32, #tpu.memory_space<hbm>> -> memref<25x100xi32, #tpu.memory_space<hbm>>
    %dma_wait3A_151 = arith.constant 0 : i32
    %dma_wait3A_152 = arith.constant 0 : i32
    %dma_wait3A_153 = tpu.memref_slice %arg4[%mul3A_2, %dma_wait3A_151, %dma_wait3A_152] : memref<128x25x100xi32, #tpu.memory_space<hbm>> -> memref<1x25x100xi32, #tpu.memory_space<hbm>>
    %dma_wait3A_154 = tpu.memref_squeeze %dma_wait3A_153 : memref<1x25x100xi32, #tpu.memory_space<hbm>> -> memref<25x100xi32, #tpu.memory_space<hbm>>
    tpu.wait_dma2 semaphore(%arg16 : memref<!tpu.dma_semaphore, #tpu.memory_space<semaphore_mem>>) src(%dma_wait3A_154 : memref<25x100xi32, #tpu.memory_space<hbm>>) dst(%arg9 : memref<25x100xi32, #tpu.memory_space<vmem>>)
    %add3A_155 = arith.constant 2 : i32
    %add3A_156 = arith.addi %mul3A_2, %add3A_155 : i32
    %add3A_157 = arith.constant 1 : i32
    %add3A_158 = arith.addi %add3A_156, %add3A_157 : i32
    %dma_start3A_159 = arith.constant 0 : i32
    %dma_start3A_160 = arith.constant 0 : i32
    %dma_start3A_161 = tpu.memref_slice %arg3[%add3A_158, %dma_start3A_159, %dma_start3A_160] : memref<128x25x100xi32, #tpu.memory_space<hbm>> -> memref<1x25x100xi32, #tpu.memory_space<hbm>>
    %dma_start3A_162 = tpu.memref_squeeze %dma_start3A_161 : memref<1x25x100xi32, #tpu.memory_space<hbm>> -> memref<25x100xi32, #tpu.memory_space<hbm>>
    %dma_start3A_163 = arith.constant 0 : i32
    %dma_start3A_164 = arith.constant 0 : i32
    %dma_start3A_165 = tpu.memref_slice %arg3[%add3A_158, %dma_start3A_163, %dma_start3A_164] : memref<128x25x100xi32, #tpu.memory_space<hbm>> -> memref<1x25x100xi32, #tpu.memory_space<hbm>>
    %dma_start3A_166 = tpu.memref_squeeze %dma_start3A_165 : memref<1x25x100xi32, #tpu.memory_space<hbm>> -> memref<25x100xi32, #tpu.memory_space<hbm>>
    tpu.enqueue_dma source(%dma_start3A_166 : memref<25x100xi32, #tpu.memory_space<hbm>>) target(%arg8 : memref<25x100xi32, #tpu.memory_space<vmem>>) target_semaphore(%arg17 : memref<!tpu.dma_semaphore, #tpu.memory_space<semaphore_mem>>)
    %add3A_167 = arith.constant 2 : i32
    %add3A_168 = arith.addi %mul3A_2, %add3A_167 : i32
    %add3A_169 = arith.constant 1 : i32
    %add3A_170 = arith.addi %add3A_168, %add3A_169 : i32
    %dma_start3A_171 = arith.constant 0 : i32
    %dma_start3A_172 = arith.constant 0 : i32
    %dma_start3A_173 = tpu.memref_slice %arg4[%add3A_170, %dma_start3A_171, %dma_start3A_172] : memref<128x25x100xi32, #tpu.memory_space<hbm>> -> memref<1x25x100xi32, #tpu.memory_space<hbm>>
    %dma_start3A_174 = tpu.memref_squeeze %dma_start3A_173 : memref<1x25x100xi32, #tpu.memory_space<hbm>> -> memref<25x100xi32, #tpu.memory_space<hbm>>
    %dma_start3A_175 = arith.constant 0 : i32
    %dma_start3A_176 = arith.constant 0 : i32
    %dma_start3A_177 = tpu.memref_slice %arg4[%add3A_170, %dma_start3A_175, %dma_start3A_176] : memref<128x25x100xi32, #tpu.memory_space<hbm>> -> memref<1x25x100xi32, #tpu.memory_space<hbm>>
    %dma_start3A_178 = tpu.memref_squeeze %dma_start3A_177 : memref<1x25x100xi32, #tpu.memory_space<hbm>> -> memref<25x100xi32, #tpu.memory_space<hbm>>
    tpu.enqueue_dma source(%dma_start3A_178 : memref<25x100xi32, #tpu.memory_space<hbm>>) target(%arg10 : memref<25x100xi32, #tpu.memory_space<vmem>>) target_semaphore(%arg17 : memref<!tpu.dma_semaphore, #tpu.memory_space<semaphore_mem>>)
    %dma_start3A_179 = arith.constant 0 : i32
    %dma_start3A_180 = arith.constant 0 : i32
    %dma_start3A_181 = tpu.memref_slice %arg7[%dma_start3A_179, %dma_start3A_180] : memref<25x100xi32, #tpu.memory_space<vmem>> -> memref<1x100xi32, #tpu.memory_space<vmem>>
    %dma_start3A_182 = tpu.memref_squeeze %dma_start3A_181 : memref<1x100xi32, #tpu.memory_space<vmem>> -> memref<100xi32, #tpu.memory_space<vmem>>
    %dma_start3A_183 = arith.constant 0 : i32
    %dma_start3A_184 = arith.constant 0 : i32
    %dma_start3A_185 = tpu.memref_slice %arg2[%dma_start3A_183, %dma_start3A_184] : memref<10240x128xf32, #tpu.memory_space<hbm>> -> memref<10240x128xf32, #tpu.memory_space<hbm>>
    tpu.enqueue_indirect_dma source(%dma_start3A_185 : memref<10240x128xf32, #tpu.memory_space<hbm>>) target(%arg11 : memref<100x128xf32, #tpu.memory_space<vmem>>) offsets(%dma_start3A_182 : memref<100xi32, #tpu.memory_space<vmem>>) semaphore(%arg14 : memref<!tpu.dma_semaphore, #tpu.memory_space<semaphore_mem>>)
    %scan3A_186 = arith.constant 0 : i32
    %scan3A_187 = arith.constant 0 : i32
    %scan3A_188 = arith.constant 12 : i32
    %scan3A_189 = arith.addi %scan3A_187, %scan3A_188 : i32
    %scan3A_190 = arith.constant 1 : i32
    scf.for %scan3A_242 = %scan3A_187 to %scan3A_189 step %scan3A_190  : i32 {
      %mul3A_243 = arith.constant 2 : i32
      %mul3A_244 = arith.muli %mul3A_243, %scan3A_242 : i32
      %add3A_245 = arith.constant 1 : i32
      %add3A_246 = arith.addi %mul3A_244, %add3A_245 : i32
      %dma_start3A_247 = arith.constant 0 : i32
      %dma_start3A_248 = tpu.memref_slice %arg7[%add3A_246, %dma_start3A_247] : memref<25x100xi32, #tpu.memory_space<vmem>> -> memref<1x100xi32, #tpu.memory_space<vmem>>
      %dma_start3A_249 = tpu.memref_squeeze %dma_start3A_248 : memref<1x100xi32, #tpu.memory_space<vmem>> -> memref<100xi32, #tpu.memory_space<vmem>>
      %dma_start3A_250 = arith.constant 0 : i32
      %dma_start3A_251 = arith.constant 0 : i32
      %dma_start3A_252 = tpu.memref_slice %arg2[%dma_start3A_250, %dma_start3A_251] : memref<10240x128xf32, #tpu.memory_space<hbm>> -> memref<10240x128xf32, #tpu.memory_space<hbm>>
      tpu.enqueue_indirect_dma source(%dma_start3A_252 : memref<10240x128xf32, #tpu.memory_space<hbm>>) target(%arg12 : memref<100x128xf32, #tpu.memory_space<vmem>>) offsets(%dma_start3A_249 : memref<100xi32, #tpu.memory_space<vmem>>) semaphore(%arg15 : memref<!tpu.dma_semaphore, #tpu.memory_space<semaphore_mem>>)
      %dma_wait3A_253 = arith.constant 0 : i32
      %dma_wait3A_254 = arith.constant 0 : i32
      %dma_wait3A_255 = tpu.memref_slice %arg7[%dma_wait3A_253, %dma_wait3A_254] : memref<25x100xi32, #tpu.memory_space<vmem>> -> memref<1x100xi32, #tpu.memory_space<vmem>>
      %dma_wait3A_256 = tpu.memref_squeeze %dma_wait3A_255 : memref<1x100xi32, #tpu.memory_space<vmem>> -> memref<100xi32, #tpu.memory_space<vmem>>
      %dma_wait3A_257 = arith.constant 0 : i32
      %dma_wait3A_258 = arith.constant 0 : i32
      %dma_wait3A_259 = tpu.memref_slice %arg2[%dma_wait3A_257, %dma_wait3A_258] : memref<10240x128xf32, #tpu.memory_space<hbm>> -> memref<10240x128xf32, #tpu.memory_space<hbm>>
      tpu.wait_indirect_dma semaphore(%arg14 : memref<!tpu.dma_semaphore, #tpu.memory_space<semaphore_mem>>) src(%dma_wait3A_259 : memref<10240x128xf32, #tpu.memory_space<hbm>>) dst(%arg11 : memref<100x128xf32, #tpu.memory_space<vmem>>)
      "tpu.region"() ({
        %run_scoped3A_277 = tpu.sem_alloc : memref<!tpu.dma_semaphore, #tpu.memory_space<semaphore_mem>>
        %dma_start3A_278 = arith.constant 0 : i32
        %dma_start3A_279 = tpu.memref_slice %arg9[%mul3A_244, %dma_start3A_278] : memref<25x100xi32, #tpu.memory_space<vmem>> -> memref<1x100xi32, #tpu.memory_space<vmem>>
        %dma_start3A_280 = tpu.memref_squeeze %dma_start3A_279 : memref<1x100xi32, #tpu.memory_space<vmem>> -> memref<100xi32, #tpu.memory_space<vmem>>
        %dma_start3A_281 = arith.constant 0 : i32
        %dma_start3A_282 = arith.constant 0 : i32
        %dma_start3A_283 = tpu.memref_slice %arg13[%dma_start3A_281, %dma_start3A_282] : memref<10240x128xf32, #tpu.memory_space<vmem_shared>> -> memref<10240x128xf32, #tpu.memory_space<vmem_shared>>
        tpu.enqueue_indirect_dma source(%arg11 : memref<100x128xf32, #tpu.memory_space<vmem>>) target(%dma_start3A_283 : memref<10240x128xf32, #tpu.memory_space<vmem_shared>>) offsets(%dma_start3A_280 : memref<100xi32, #tpu.memory_space<vmem>>) semaphore(%run_scoped3A_277 : memref<!tpu.dma_semaphore, #tpu.memory_space<semaphore_mem>>) {add = true}
        %dma_wait3A_284 = arith.constant 0 : i32
        %dma_wait3A_285 = tpu.memref_slice %arg9[%mul3A_244, %dma_wait3A_284] : memref<25x100xi32, #tpu.memory_space<vmem>> -> memref<1x100xi32, #tpu.memory_space<vmem>>
        %dma_wait3A_286 = tpu.memref_squeeze %dma_wait3A_285 : memref<1x100xi32, #tpu.memory_space<vmem>> -> memref<100xi32, #tpu.memory_space<vmem>>
        %dma_wait3A_287 = arith.constant 0 : i32
        %dma_wait3A_288 = arith.constant 0 : i32
        %dma_wait3A_289 = tpu.memref_slice %arg13[%dma_wait3A_287, %dma_wait3A_288] : memref<10240x128xf32, #tpu.memory_space<vmem_shared>> -> memref<10240x128xf32, #tpu.memory_space<vmem_shared>>
        tpu.wait_indirect_dma semaphore(%run_scoped3A_277 : memref<!tpu.dma_semaphore, #tpu.memory_space<semaphore_mem>>) src(%arg11 : memref<100x128xf32, #tpu.memory_space<vmem>>) dst(%dma_wait3A_289 : memref<10240x128xf32, #tpu.memory_space<vmem_shared>>)
        tpu.yield
      }) : () -> ()
      %add3A_260 = arith.constant 2 : i32
      %add3A_261 = arith.addi %mul3A_244, %add3A_260 : i32
      %dma_start3A_262 = arith.constant 0 : i32
      %dma_start3A_263 = tpu.memref_slice %arg7[%add3A_261, %dma_start3A_262] : memref<25x100xi32, #tpu.memory_space<vmem>> -> memref<1x100xi32, #tpu.memory_space<vmem>>
      %dma_start3A_264 = tpu.memref_squeeze %dma_start3A_263 : memref<1x100xi32, #tpu.memory_space<vmem>> -> memref<100xi32, #tpu.memory_space<vmem>>
      %dma_start3A_265 = arith.constant 0 : i32
      %dma_start3A_266 = arith.constant 0 : i32
      %dma_start3A_267 = tpu.memref_slice %arg2[%dma_start3A_265, %dma_start3A_266] : memref<10240x128xf32, #tpu.memory_space<hbm>> -> memref<10240x128xf32, #tpu.memory_space<hbm>>
      tpu.enqueue_indirect_dma source(%dma_start3A_267 : memref<10240x128xf32, #tpu.memory_space<hbm>>) target(%arg11 : memref<100x128xf32, #tpu.memory_space<vmem>>) offsets(%dma_start3A_264 : memref<100xi32, #tpu.memory_space<vmem>>) semaphore(%arg14 : memref<!tpu.dma_semaphore, #tpu.memory_space<semaphore_mem>>)
      %dma_wait3A_268 = arith.constant 0 : i32
      %dma_wait3A_269 = arith.constant 0 : i32
      %dma_wait3A_270 = tpu.memref_slice %arg7[%dma_wait3A_268, %dma_wait3A_269] : memref<25x100xi32, #tpu.memory_space<vmem>> -> memref<1x100xi32, #tpu.memory_space<vmem>>
      %dma_wait3A_271 = tpu.memref_squeeze %dma_wait3A_270 : memref<1x100xi32, #tpu.memory_space<vmem>> -> memref<100xi32, #tpu.memory_space<vmem>>
      %dma_wait3A_272 = arith.constant 0 : i32
      %dma_wait3A_273 = arith.constant 0 : i32
      %dma_wait3A_274 = tpu.memref_slice %arg2[%dma_wait3A_272, %dma_wait3A_273] : memref<10240x128xf32, #tpu.memory_space<hbm>> -> memref<10240x128xf32, #tpu.memory_space<hbm>>
      tpu.wait_indirect_dma semaphore(%arg15 : memref<!tpu.dma_semaphore, #tpu.memory_space<semaphore_mem>>) src(%dma_wait3A_274 : memref<10240x128xf32, #tpu.memory_space<hbm>>) dst(%arg12 : memref<100x128xf32, #tpu.memory_space<vmem>>)
      %add3A_275 = arith.constant 1 : i32
      %add3A_276 = arith.addi %mul3A_244, %add3A_275 : i32
      "tpu.region"() ({
        %run_scoped3A_277 = tpu.sem_alloc : memref<!tpu.dma_semaphore, #tpu.memory_space<semaphore_mem>>
        %dma_start3A_278 = arith.constant 0 : i32
        %dma_start3A_279 = tpu.memref_slice %arg9[%add3A_276, %dma_start3A_278] : memref<25x100xi32, #tpu.memory_space<vmem>> -> memref<1x100xi32, #tpu.memory_space<vmem>>
        %dma_start3A_280 = tpu.memref_squeeze %dma_start3A_279 : memref<1x100xi32, #tpu.memory_space<vmem>> -> memref<100xi32, #tpu.memory_space<vmem>>
        %dma_start3A_281 = arith.constant 0 : i32
        %dma_start3A_282 = arith.constant 0 : i32
        %dma_start3A_283 = tpu.memref_slice %arg13[%dma_start3A_281, %dma_start3A_282] : memref<10240x128xf32, #tpu.memory_space<vmem_shared>> -> memref<10240x128xf32, #tpu.memory_space<vmem_shared>>
        tpu.enqueue_indirect_dma source(%arg12 : memref<100x128xf32, #tpu.memory_space<vmem>>) target(%dma_start3A_283 : memref<10240x128xf32, #tpu.memory_space<vmem_shared>>) offsets(%dma_start3A_280 : memref<100xi32, #tpu.memory_space<vmem>>) semaphore(%run_scoped3A_277 : memref<!tpu.dma_semaphore, #tpu.memory_space<semaphore_mem>>) {add = true}
        %dma_wait3A_284 = arith.constant 0 : i32
        %dma_wait3A_285 = tpu.memref_slice %arg9[%add3A_276, %dma_wait3A_284] : memref<25x100xi32, #tpu.memory_space<vmem>> -> memref<1x100xi32, #tpu.memory_space<vmem>>
        %dma_wait3A_286 = tpu.memref_squeeze %dma_wait3A_285 : memref<1x100xi32, #tpu.memory_space<vmem>> -> memref<100xi32, #tpu.memory_space<vmem>>
        %dma_wait3A_287 = arith.constant 0 : i32
        %dma_wait3A_288 = arith.constant 0 : i32
        %dma_wait3A_289 = tpu.memref_slice %arg13[%dma_wait3A_287, %dma_wait3A_288] : memref<10240x128xf32, #tpu.memory_space<vmem_shared>> -> memref<10240x128xf32, #tpu.memory_space<vmem_shared>>
        tpu.wait_indirect_dma semaphore(%run_scoped3A_277 : memref<!tpu.dma_semaphore, #tpu.memory_space<semaphore_mem>>) src(%arg12 : memref<100x128xf32, #tpu.memory_space<vmem>>) dst(%dma_wait3A_289 : memref<10240x128xf32, #tpu.memory_space<vmem_shared>>)
        tpu.yield
      }) : () -> ()
    }
    %scan3A_191 = arith.constant 12 : i32
    %dma_wait3A_192 = arith.constant 0 : i32
    %dma_wait3A_193 = arith.constant 0 : i32
    %dma_wait3A_194 = tpu.memref_slice %arg7[%dma_wait3A_192, %dma_wait3A_193] : memref<25x100xi32, #tpu.memory_space<vmem>> -> memref<1x100xi32, #tpu.memory_space<vmem>>
    %dma_wait3A_195 = tpu.memref_squeeze %dma_wait3A_194 : memref<1x100xi32, #tpu.memory_space<vmem>> -> memref<100xi32, #tpu.memory_space<vmem>>
    %dma_wait3A_196 = arith.constant 0 : i32
    %dma_wait3A_197 = arith.constant 0 : i32
    %dma_wait3A_198 = tpu.memref_slice %arg2[%dma_wait3A_196, %dma_wait3A_197] : memref<10240x128xf32, #tpu.memory_space<hbm>> -> memref<10240x128xf32, #tpu.memory_space<hbm>>
    tpu.wait_indirect_dma semaphore(%arg14 : memref<!tpu.dma_semaphore, #tpu.memory_space<semaphore_mem>>) src(%dma_wait3A_198 : memref<10240x128xf32, #tpu.memory_space<hbm>>) dst(%arg11 : memref<100x128xf32, #tpu.memory_space<vmem>>)
    %run_scoped3A_199 = arith.constant 24 : i32
    "tpu.region"() ({
      %run_scoped3A_242 = tpu.sem_alloc : memref<!tpu.dma_semaphore, #tpu.memory_space<semaphore_mem>>
      %dma_start3A_243 = arith.constant 0 : i32
      %dma_start3A_244 = tpu.memref_slice %arg9[%run_scoped3A_199, %dma_start3A_243] : memref<25x100xi32, #tpu.memory_space<vmem>> -> memref<1x100xi32, #tpu.memory_space<vmem>>
      %dma_start3A_245 = tpu.memref_squeeze %dma_start3A_244 : memref<1x100xi32, #tpu.memory_space<vmem>> -> memref<100xi32, #tpu.memory_space<vmem>>
      %dma_start3A_246 = arith.constant 0 : i32
      %dma_start3A_247 = arith.constant 0 : i32
      %dma_start3A_248 = tpu.memref_slice %arg13[%dma_start3A_246, %dma_start3A_247] : memref<10240x128xf32, #tpu.memory_space<vmem_shared>> -> memref<10240x128xf32, #tpu.memory_space<vmem_shared>>
      tpu.enqueue_indirect_dma source(%arg11 : memref<100x128xf32, #tpu.memory_space<vmem>>) target(%dma_start3A_248 : memref<10240x128xf32, #tpu.memory_space<vmem_shared>>) offsets(%dma_start3A_245 : memref<100xi32, #tpu.memory_space<vmem>>) semaphore(%run_scoped3A_242 : memref<!tpu.dma_semaphore, #tpu.memory_space<semaphore_mem>>) {add = true}
      %dma_wait3A_249 = arith.constant 0 : i32
      %dma_wait3A_250 = tpu.memref_slice %arg9[%run_scoped3A_199, %dma_wait3A_249] : memref<25x100xi32, #tpu.memory_space<vmem>> -> memref<1x100xi32, #tpu.memory_space<vmem>>
      %dma_wait3A_251 = tpu.memref_squeeze %dma_wait3A_250 : memref<1x100xi32, #tpu.memory_space<vmem>> -> memref<100xi32, #tpu.memory_space<vmem>>
      %dma_wait3A_252 = arith.constant 0 : i32
      %dma_wait3A_253 = arith.constant 0 : i32
      %dma_wait3A_254 = tpu.memref_slice %arg13[%dma_wait3A_252, %dma_wait3A_253] : memref<10240x128xf32, #tpu.memory_space<vmem_shared>> -> memref<10240x128xf32, #tpu.memory_space<vmem_shared>>
      tpu.wait_indirect_dma semaphore(%run_scoped3A_242 : memref<!tpu.dma_semaphore, #tpu.memory_space<semaphore_mem>>) src(%arg11 : memref<100x128xf32, #tpu.memory_space<vmem>>) dst(%dma_wait3A_254 : memref<10240x128xf32, #tpu.memory_space<vmem_shared>>)
      tpu.yield
    }) : () -> ()
    %dma_wait3A_200 = arith.constant 0 : i32
    %dma_wait3A_201 = arith.constant 0 : i32
    %dma_wait3A_202 = tpu.memref_slice %arg3[%mul3A_2, %dma_wait3A_200, %dma_wait3A_201] : memref<128x25x100xi32, #tpu.memory_space<hbm>> -> memref<1x25x100xi32, #tpu.memory_space<hbm>>
    %dma_wait3A_203 = tpu.memref_squeeze %dma_wait3A_202 : memref<1x25x100xi32, #tpu.memory_space<hbm>> -> memref<25x100xi32, #tpu.memory_space<hbm>>
    %dma_wait3A_204 = arith.constant 0 : i32
    %dma_wait3A_205 = arith.constant 0 : i32
    %dma_wait3A_206 = tpu.memref_slice %arg3[%mul3A_2, %dma_wait3A_204, %dma_wait3A_205] : memref<128x25x100xi32, #tpu.memory_space<hbm>> -> memref<1x25x100xi32, #tpu.memory_space<hbm>>
    %dma_wait3A_207 = tpu.memref_squeeze %dma_wait3A_206 : memref<1x25x100xi32, #tpu.memory_space<hbm>> -> memref<25x100xi32, #tpu.memory_space<hbm>>
    tpu.wait_dma2 semaphore(%arg17 : memref<!tpu.dma_semaphore, #tpu.memory_space<semaphore_mem>>) src(%dma_wait3A_207 : memref<25x100xi32, #tpu.memory_space<hbm>>) dst(%arg8 : memref<25x100xi32, #tpu.memory_space<vmem>>)
    %dma_wait3A_208 = arith.constant 0 : i32
    %dma_wait3A_209 = arith.constant 0 : i32
    %dma_wait3A_210 = tpu.memref_slice %arg4[%mul3A_2, %dma_wait3A_208, %dma_wait3A_209] : memref<128x25x100xi32, #tpu.memory_space<hbm>> -> memref<1x25x100xi32, #tpu.memory_space<hbm>>
    %dma_wait3A_211 = tpu.memref_squeeze %dma_wait3A_210 : memref<1x25x100xi32, #tpu.memory_space<hbm>> -> memref<25x100xi32, #tpu.memory_space<hbm>>
    %dma_wait3A_212 = arith.constant 0 : i32
    %dma_wait3A_213 = arith.constant 0 : i32
    %dma_wait3A_214 = tpu.memref_slice %arg4[%mul3A_2, %dma_wait3A_212, %dma_wait3A_213] : memref<128x25x100xi32, #tpu.memory_space<hbm>> -> memref<1x25x100xi32, #tpu.memory_space<hbm>>
    %dma_wait3A_215 = tpu.memref_squeeze %dma_wait3A_214 : memref<1x25x100xi32, #tpu.memory_space<hbm>> -> memref<25x100xi32, #tpu.memory_space<hbm>>
    tpu.wait_dma2 semaphore(%arg17 : memref<!tpu.dma_semaphore, #tpu.memory_space<semaphore_mem>>) src(%dma_wait3A_215 : memref<25x100xi32, #tpu.memory_space<hbm>>) dst(%arg10 : memref<25x100xi32, #tpu.memory_space<vmem>>)
    %dma_start3A_216 = arith.constant 0 : i32
    %dma_start3A_217 = arith.constant 0 : i32
    %dma_start3A_218 = tpu.memref_slice %arg8[%dma_start3A_216, %dma_start3A_217] : memref<25x100xi32, #tpu.memory_space<vmem>> -> memref<1x100xi32, #tpu.memory_space<vmem>>
    %dma_start3A_219 = tpu.memref_squeeze %dma_start3A_218 : memref<1x100xi32, #tpu.memory_space<vmem>> -> memref<100xi32, #tpu.memory_space<vmem>>
    %dma_start3A_220 = arith.constant 0 : i32
    %dma_start3A_221 = arith.constant 0 : i32
    %dma_start3A_222 = tpu.memref_slice %arg2[%dma_start3A_220, %dma_start3A_221] : memref<10240x128xf32, #tpu.memory_space<hbm>> -> memref<10240x128xf32, #tpu.memory_space<hbm>>
    tpu.enqueue_indirect_dma source(%dma_start3A_222 : memref<10240x128xf32, #tpu.memory_space<hbm>>) target(%arg11 : memref<100x128xf32, #tpu.memory_space<vmem>>) offsets(%dma_start3A_219 : memref<100xi32, #tpu.memory_space<vmem>>) semaphore(%arg14 : memref<!tpu.dma_semaphore, #tpu.memory_space<semaphore_mem>>)
    %scan3A_223 = arith.constant 0 : i32
    %scan3A_224 = arith.constant 0 : i32
    %scan3A_225 = arith.constant 12 : i32
    %scan3A_226 = arith.addi %scan3A_224, %scan3A_225 : i32
    %scan3A_227 = arith.constant 1 : i32
    scf.for %scan3A_242 = %scan3A_224 to %scan3A_226 step %scan3A_227  : i32 {
      %mul3A_243 = arith.constant 2 : i32
      %mul3A_244 = arith.muli %mul3A_243, %scan3A_242 : i32
      %add3A_245 = arith.constant 1 : i32
      %add3A_246 = arith.addi %mul3A_244, %add3A_245 : i32
      %dma_start3A_247 = arith.constant 0 : i32
      %dma_start3A_248 = tpu.memref_slice %arg8[%add3A_246, %dma_start3A_247] : memref<25x100xi32, #tpu.memory_space<vmem>> -> memref<1x100xi32, #tpu.memory_space<vmem>>
      %dma_start3A_249 = tpu.memref_squeeze %dma_start3A_248 : memref<1x100xi32, #tpu.memory_space<vmem>> -> memref<100xi32, #tpu.memory_space<vmem>>
      %dma_start3A_250 = arith.constant 0 : i32
      %dma_start3A_251 = arith.constant 0 : i32
      %dma_start3A_252 = tpu.memref_slice %arg2[%dma_start3A_250, %dma_start3A_251] : memref<10240x128xf32, #tpu.memory_space<hbm>> -> memref<10240x128xf32, #tpu.memory_space<hbm>>
      tpu.enqueue_indirect_dma source(%dma_start3A_252 : memref<10240x128xf32, #tpu.memory_space<hbm>>) target(%arg12 : memref<100x128xf32, #tpu.memory_space<vmem>>) offsets(%dma_start3A_249 : memref<100xi32, #tpu.memory_space<vmem>>) semaphore(%arg15 : memref<!tpu.dma_semaphore, #tpu.memory_space<semaphore_mem>>)
      %dma_wait3A_253 = arith.constant 0 : i32
      %dma_wait3A_254 = arith.constant 0 : i32
      %dma_wait3A_255 = tpu.memref_slice %arg8[%dma_wait3A_253, %dma_wait3A_254] : memref<25x100xi32, #tpu.memory_space<vmem>> -> memref<1x100xi32, #tpu.memory_space<vmem>>
      %dma_wait3A_256 = tpu.memref_squeeze %dma_wait3A_255 : memref<1x100xi32, #tpu.memory_space<vmem>> -> memref<100xi32, #tpu.memory_space<vmem>>
      %dma_wait3A_257 = arith.constant 0 : i32
      %dma_wait3A_258 = arith.constant 0 : i32
      %dma_wait3A_259 = tpu.memref_slice %arg2[%dma_wait3A_257, %dma_wait3A_258] : memref<10240x128xf32, #tpu.memory_space<hbm>> -> memref<10240x128xf32, #tpu.memory_space<hbm>>
      tpu.wait_indirect_dma semaphore(%arg14 : memref<!tpu.dma_semaphore, #tpu.memory_space<semaphore_mem>>) src(%dma_wait3A_259 : memref<10240x128xf32, #tpu.memory_space<hbm>>) dst(%arg11 : memref<100x128xf32, #tpu.memory_space<vmem>>)
      "tpu.region"() ({
        %run_scoped3A_277 = tpu.sem_alloc : memref<!tpu.dma_semaphore, #tpu.memory_space<semaphore_mem>>
        %dma_start3A_278 = arith.constant 0 : i32
        %dma_start3A_279 = tpu.memref_slice %arg10[%mul3A_244, %dma_start3A_278] : memref<25x100xi32, #tpu.memory_space<vmem>> -> memref<1x100xi32, #tpu.memory_space<vmem>>
        %dma_start3A_280 = tpu.memref_squeeze %dma_start3A_279 : memref<1x100xi32, #tpu.memory_space<vmem>> -> memref<100xi32, #tpu.memory_space<vmem>>
        %dma_start3A_281 = arith.constant 0 : i32
        %dma_start3A_282 = arith.constant 0 : i32
        %dma_start3A_283 = tpu.memref_slice %arg13[%dma_start3A_281, %dma_start3A_282] : memref<10240x128xf32, #tpu.memory_space<vmem_shared>> -> memref<10240x128xf32, #tpu.memory_space<vmem_shared>>
        tpu.enqueue_indirect_dma source(%arg11 : memref<100x128xf32, #tpu.memory_space<vmem>>) target(%dma_start3A_283 : memref<10240x128xf32, #tpu.memory_space<vmem_shared>>) offsets(%dma_start3A_280 : memref<100xi32, #tpu.memory_space<vmem>>) semaphore(%run_scoped3A_277 : memref<!tpu.dma_semaphore, #tpu.memory_space<semaphore_mem>>) {add = true}
        %dma_wait3A_284 = arith.constant 0 : i32
        %dma_wait3A_285 = tpu.memref_slice %arg10[%mul3A_244, %dma_wait3A_284] : memref<25x100xi32, #tpu.memory_space<vmem>> -> memref<1x100xi32, #tpu.memory_space<vmem>>
        %dma_wait3A_286 = tpu.memref_squeeze %dma_wait3A_285 : memref<1x100xi32, #tpu.memory_space<vmem>> -> memref<100xi32, #tpu.memory_space<vmem>>
        %dma_wait3A_287 = arith.constant 0 : i32
        %dma_wait3A_288 = arith.constant 0 : i32
        %dma_wait3A_289 = tpu.memref_slice %arg13[%dma_wait3A_287, %dma_wait3A_288] : memref<10240x128xf32, #tpu.memory_space<vmem_shared>> -> memref<10240x128xf32, #tpu.memory_space<vmem_shared>>
        tpu.wait_indirect_dma semaphore(%run_scoped3A_277 : memref<!tpu.dma_semaphore, #tpu.memory_space<semaphore_mem>>) src(%arg11 : memref<100x128xf32, #tpu.memory_space<vmem>>) dst(%dma_wait3A_289 : memref<10240x128xf32, #tpu.memory_space<vmem_shared>>)
        tpu.yield
      }) : () -> ()
      %add3A_260 = arith.constant 2 : i32
      %add3A_261 = arith.addi %mul3A_244, %add3A_260 : i32
      %dma_start3A_262 = arith.constant 0 : i32
      %dma_start3A_263 = tpu.memref_slice %arg8[%add3A_261, %dma_start3A_262] : memref<25x100xi32, #tpu.memory_space<vmem>> -> memref<1x100xi32, #tpu.memory_space<vmem>>
      %dma_start3A_264 = tpu.memref_squeeze %dma_start3A_263 : memref<1x100xi32, #tpu.memory_space<vmem>> -> memref<100xi32, #tpu.memory_space<vmem>>
      %dma_start3A_265 = arith.constant 0 : i32
      %dma_start3A_266 = arith.constant 0 : i32
      %dma_start3A_267 = tpu.memref_slice %arg2[%dma_start3A_265, %dma_start3A_266] : memref<10240x128xf32, #tpu.memory_space<hbm>> -> memref<10240x128xf32, #tpu.memory_space<hbm>>
      tpu.enqueue_indirect_dma source(%dma_start3A_267 : memref<10240x128xf32, #tpu.memory_space<hbm>>) target(%arg11 : memref<100x128xf32, #tpu.memory_space<vmem>>) offsets(%dma_start3A_264 : memref<100xi32, #tpu.memory_space<vmem>>) semaphore(%arg14 : memref<!tpu.dma_semaphore, #tpu.memory_space<semaphore_mem>>)
      %dma_wait3A_268 = arith.constant 0 : i32
      %dma_wait3A_269 = arith.constant 0 : i32
      %dma_wait3A_270 = tpu.memref_slice %arg8[%dma_wait3A_268, %dma_wait3A_269] : memref<25x100xi32, #tpu.memory_space<vmem>> -> memref<1x100xi32, #tpu.memory_space<vmem>>
      %dma_wait3A_271 = tpu.memref_squeeze %dma_wait3A_270 : memref<1x100xi32, #tpu.memory_space<vmem>> -> memref<100xi32, #tpu.memory_space<vmem>>
      %dma_wait3A_272 = arith.constant 0 : i32
      %dma_wait3A_273 = arith.constant 0 : i32
      %dma_wait3A_274 = tpu.memref_slice %arg2[%dma_wait3A_272, %dma_wait3A_273] : memref<10240x128xf32, #tpu.memory_space<hbm>> -> memref<10240x128xf32, #tpu.memory_space<hbm>>
      tpu.wait_indirect_dma semaphore(%arg15 : memref<!tpu.dma_semaphore, #tpu.memory_space<semaphore_mem>>) src(%dma_wait3A_274 : memref<10240x128xf32, #tpu.memory_space<hbm>>) dst(%arg12 : memref<100x128xf32, #tpu.memory_space<vmem>>)
      %add3A_275 = arith.constant 1 : i32
      %add3A_276 = arith.addi %mul3A_244, %add3A_275 : i32
      "tpu.region"() ({
        %run_scoped3A_277 = tpu.sem_alloc : memref<!tpu.dma_semaphore, #tpu.memory_space<semaphore_mem>>
        %dma_start3A_278 = arith.constant 0 : i32
        %dma_start3A_279 = tpu.memref_slice %arg10[%add3A_276, %dma_start3A_278] : memref<25x100xi32, #tpu.memory_space<vmem>> -> memref<1x100xi32, #tpu.memory_space<vmem>>
        %dma_start3A_280 = tpu.memref_squeeze %dma_start3A_279 : memref<1x100xi32, #tpu.memory_space<vmem>> -> memref<100xi32, #tpu.memory_space<vmem>>
        %dma_start3A_281 = arith.constant 0 : i32
        %dma_start3A_282 = arith.constant 0 : i32
        %dma_start3A_283 = tpu.memref_slice %arg13[%dma_start3A_281, %dma_start3A_282] : memref<10240x128xf32, #tpu.memory_space<vmem_shared>> -> memref<10240x128xf32, #tpu.memory_space<vmem_shared>>
        tpu.enqueue_indirect_dma source(%arg12 : memref<100x128xf32, #tpu.memory_space<vmem>>) target(%dma_start3A_283 : memref<10240x128xf32, #tpu.memory_space<vmem_shared>>) offsets(%dma_start3A_280 : memref<100xi32, #tpu.memory_space<vmem>>) semaphore(%run_scoped3A_277 : memref<!tpu.dma_semaphore, #tpu.memory_space<semaphore_mem>>) {add = true}
        %dma_wait3A_284 = arith.constant 0 : i32
        %dma_wait3A_285 = tpu.memref_slice %arg10[%add3A_276, %dma_wait3A_284] : memref<25x100xi32, #tpu.memory_space<vmem>> -> memref<1x100xi32, #tpu.memory_space<vmem>>
        %dma_wait3A_286 = tpu.memref_squeeze %dma_wait3A_285 : memref<1x100xi32, #tpu.memory_space<vmem>> -> memref<100xi32, #tpu.memory_space<vmem>>
        %dma_wait3A_287 = arith.constant 0 : i32
        %dma_wait3A_288 = arith.constant 0 : i32
        %dma_wait3A_289 = tpu.memref_slice %arg13[%dma_wait3A_287, %dma_wait3A_288] : memref<10240x128xf32, #tpu.memory_space<vmem_shared>> -> memref<10240x128xf32, #tpu.memory_space<vmem_shared>>
        tpu.wait_indirect_dma semaphore(%run_scoped3A_277 : memref<!tpu.dma_semaphore, #tpu.memory_space<semaphore_mem>>) src(%arg12 : memref<100x128xf32, #tpu.memory_space<vmem>>) dst(%dma_wait3A_289 : memref<10240x128xf32, #tpu.memory_space<vmem_shared>>)
        tpu.yield
      }) : () -> ()
    }
    %scan3A_228 = arith.constant 12 : i32
    %dma_wait3A_229 = arith.constant 0 : i32
    %dma_wait3A_230 = arith.constant 0 : i32
    %dma_wait3A_231 = tpu.memref_slice %arg8[%dma_wait3A_229, %dma_wait3A_230] : memref<25x100xi32, #tpu.memory_space<vmem>> -> memref<1x100xi32, #tpu.memory_space<vmem>>
    %dma_wait3A_232 = tpu.memref_squeeze %dma_wait3A_231 : memref<1x100xi32, #tpu.memory_space<vmem>> -> memref<100xi32, #tpu.memory_space<vmem>>
    %dma_wait3A_233 = arith.constant 0 : i32
    %dma_wait3A_234 = arith.constant 0 : i32
    %dma_wait3A_235 = tpu.memref_slice %arg2[%dma_wait3A_233, %dma_wait3A_234] : memref<10240x128xf32, #tpu.memory_space<hbm>> -> memref<10240x128xf32, #tpu.memory_space<hbm>>
    tpu.wait_indirect_dma semaphore(%arg14 : memref<!tpu.dma_semaphore, #tpu.memory_space<semaphore_mem>>) src(%dma_wait3A_235 : memref<10240x128xf32, #tpu.memory_space<hbm>>) dst(%arg11 : memref<100x128xf32, #tpu.memory_space<vmem>>)
    %run_scoped3A_236 = arith.constant 24 : i32
    "tpu.region"() ({
      %run_scoped3A_242 = tpu.sem_alloc : memref<!tpu.dma_semaphore, #tpu.memory_space<semaphore_mem>>
      %dma_start3A_243 = arith.constant 0 : i32
      %dma_start3A_244 = tpu.memref_slice %arg10[%run_scoped3A_236, %dma_start3A_243] : memref<25x100xi32, #tpu.memory_space<vmem>> -> memref<1x100xi32, #tpu.memory_space<vmem>>
      %dma_start3A_245 = tpu.memref_squeeze %dma_start3A_244 : memref<1x100xi32, #tpu.memory_space<vmem>> -> memref<100xi32, #tpu.memory_space<vmem>>
      %dma_start3A_246 = arith.constant 0 : i32
      %dma_start3A_247 = arith.constant 0 : i32
      %dma_start3A_248 = tpu.memref_slice %arg13[%dma_start3A_246, %dma_start3A_247] : memref<10240x128xf32, #tpu.memory_space<vmem_shared>> -> memref<10240x128xf32, #tpu.memory_space<vmem_shared>>
      tpu.enqueue_indirect_dma source(%arg11 : memref<100x128xf32, #tpu.memory_space<vmem>>) target(%dma_start3A_248 : memref<10240x128xf32, #tpu.memory_space<vmem_shared>>) offsets(%dma_start3A_245 : memref<100xi32, #tpu.memory_space<vmem>>) semaphore(%run_scoped3A_242 : memref<!tpu.dma_semaphore, #tpu.memory_space<semaphore_mem>>) {add = true}
      %dma_wait3A_249 = arith.constant 0 : i32
      %dma_wait3A_250 = tpu.memref_slice %arg10[%run_scoped3A_236, %dma_wait3A_249] : memref<25x100xi32, #tpu.memory_space<vmem>> -> memref<1x100xi32, #tpu.memory_space<vmem>>
      %dma_wait3A_251 = tpu.memref_squeeze %dma_wait3A_250 : memref<1x100xi32, #tpu.memory_space<vmem>> -> memref<100xi32, #tpu.memory_space<vmem>>
      %dma_wait3A_252 = arith.constant 0 : i32
      %dma_wait3A_253 = arith.constant 0 : i32
      %dma_wait3A_254 = tpu.memref_slice %arg13[%dma_wait3A_252, %dma_wait3A_253] : memref<10240x128xf32, #tpu.memory_space<vmem_shared>> -> memref<10240x128xf32, #tpu.memory_space<vmem_shared>>
      tpu.wait_indirect_dma semaphore(%run_scoped3A_242 : memref<!tpu.dma_semaphore, #tpu.memory_space<semaphore_mem>>) src(%arg11 : memref<100x128xf32, #tpu.memory_space<vmem>>) dst(%dma_wait3A_254 : memref<10240x128xf32, #tpu.memory_space<vmem_shared>>)
      tpu.yield
    }) : () -> ()
    %barrier3A_237 = arith.constant 0 : index
    tpu.barrier barrier_id(%barrier3A_237)
    %mul3A_238 = arith.constant 640 : i32
    %mul3A_239 = arith.muli %arg1, %mul3A_238 : i32
    %mul3A_240 = arith.constant 640 : i32
    %mul3A_241 = arith.muli %arg1, %mul3A_240 : i32
    "tpu.region"() ({
      %run_scoped3A_242 = tpu.sem_alloc : memref<!tpu.dma_semaphore, #tpu.memory_space<semaphore_mem>>
      %dma_start3A_243 = arith.constant 0 : i32
      %dma_start3A_244 = tpu.memref_slice %arg6[%arg0, %mul3A_241, %dma_start3A_243] : memref<2x10240x128xf32, #tpu.memory_space<hbm>> -> memref<1x640x128xf32, #tpu.memory_space<hbm>>
      %dma_start3A_245 = tpu.memref_squeeze %dma_start3A_244 : memref<1x640x128xf32, #tpu.memory_space<hbm>> -> memref<640x128xf32, #tpu.memory_space<hbm>>
      %dma_start3A_246 = arith.constant 0 : i32
      %dma_start3A_247 = tpu.memref_slice %arg13[%mul3A_239, %dma_start3A_246] : memref<10240x128xf32, #tpu.memory_space<vmem_shared>> -> memref<640x128xf32, #tpu.memory_space<vmem_shared>>
      tpu.enqueue_dma source(%dma_start3A_247 : memref<640x128xf32, #tpu.memory_space<vmem_shared>>) target(%dma_start3A_245 : memref<640x128xf32, #tpu.memory_space<hbm>>) target_semaphore(%run_scoped3A_242 : memref<!tpu.dma_semaphore, #tpu.memory_space<semaphore_mem>>)
      %dma_wait3A_248 = arith.constant 0 : i32
      %dma_wait3A_249 = tpu.memref_slice %arg6[%arg0, %mul3A_241, %dma_wait3A_248] : memref<2x10240x128xf32, #tpu.memory_space<hbm>> -> memref<1x640x128xf32, #tpu.memory_space<hbm>>
      %dma_wait3A_250 = tpu.memref_squeeze %dma_wait3A_249 : memref<1x640x128xf32, #tpu.memory_space<hbm>> -> memref<640x128xf32, #tpu.memory_space<hbm>>
      %dma_wait3A_251 = arith.constant 0 : i32
      %dma_wait3A_252 = tpu.memref_slice %arg13[%mul3A_239, %dma_wait3A_251] : memref<10240x128xf32, #tpu.memory_space<vmem_shared>> -> memref<640x128xf32, #tpu.memory_space<vmem_shared>>
      tpu.wait_dma2 semaphore(%run_scoped3A_242 : memref<!tpu.dma_semaphore, #tpu.memory_space<semaphore_mem>>) src(%dma_wait3A_252 : memref<640x128xf32, #tpu.memory_space<vmem_shared>>) dst(%dma_wait3A_250 : memref<640x128xf32, #tpu.memory_space<hbm>>)
      tpu.yield
    }) : () -> ()
    return
  }
}

module attributes {stable_mosaic.version = 14 : i64} {
  func.func @body(%arg0: i32, %arg1: memref<2048x128xf32, #tpu.memory_space<vmem>>, %arg2: memref<128x128xf32, #tpu.memory_space<vmem>>, %arg3: memref<1x128xf32, #tpu.memory_space<vmem>>, %arg4: memref<2048x128xf32, #tpu.memory_space<vmem>>) attributes {dimension_semantics = [#tpu.dimension_semantics<arbitrary>], iteration_bounds = array<i64: 5>, scalar_prefetch = 0 : i64, scratch_operands = 0 : i64, tpu.core_type = #tpu.core_type<tc>, window_params = [{transform_indices = @transform_0, window_bounds = array<i64: 2048, 128>}, {pipeline_mode = #tpu.pipeline_mode<synchronous>, transform_indices = @transform_1, window_bounds = array<i64: 128, 128>}, {pipeline_mode = #tpu.pipeline_mode<synchronous>, transform_indices = @transform_2, window_bounds = array<i64: 1, 128>}, {transform_indices = @transform_3, window_bounds = array<i64: 2048, 128>}]} {
    %get3A = arith.constant 0 : index
    %get3A_0 = arith.constant 0 : index
    %get3A_1 = vector.load %arg1[%get3A, %get3A_0] : memref<2048x128xf32, #tpu.memory_space<vmem>>, vector<2048x128xf32>
    %get3A_2 = arith.constant 0 : index
    %get3A_3 = arith.constant 0 : index
    %get3A_4 = vector.load %arg2[%get3A_2, %get3A_3] : memref<128x128xf32, #tpu.memory_space<vmem>>, vector<128x128xf32>
    %dot_general3A = arith.constant dense<0.000000e+00> : vector<2048x128xf32>
    %dot_general3A_5 = tpu.matmul %get3A_1, %get3A_4, %dot_general3A {dimension_numbers = #tpu.dot_dimension_numbers<[1], [1], [0], [0], [0, 0, 1, 0], [], []>, transpose_lhs_hint = false} : vector<2048x128xf32>, vector<128x128xf32>, vector<2048x128xf32> -> vector<2048x128xf32>
    %get3A_6 = arith.constant 0 : index
    %get3A_7 = arith.constant 0 : index
    %get3A_8 = vector.load %arg3[%get3A_6, %get3A_7] : memref<1x128xf32, #tpu.memory_space<vmem>>, vector<1x128xf32>
    %add3A = vector.broadcast %get3A_8 : vector<1x128xf32> to vector<2048x128xf32>
    %add3A_9 = arith.addf %dot_general3A_5, %add3A : vector<2048x128xf32>
    %max3A = arith.constant 0.000000e+00 : f32
    %max3A_10 = vector.broadcast %max3A : f32 to vector<2048x128xf32>
    %max3A_11 = arith.maximumf %add3A_9, %max3A_10 : vector<2048x128xf32>
    %swap3A = arith.constant 0 : index
    %swap3A_12 = arith.constant 0 : index
    %swap3A_13 = vector.load %arg4[%swap3A, %swap3A_12] : memref<2048x128xf32, #tpu.memory_space<vmem>>, vector<2048x128xf32>
    tpu.vector_store %arg4[%swap3A, %swap3A_12], %max3A_11 {strides = array<i32>} : memref<2048x128xf32, #tpu.memory_space<vmem>>, vector<2048x128xf32>,
    return
  }
  func.func @transform_0(%arg0: i32) -> (i32, i32) {
    %c0_i32 = arith.constant 0 : i32
    %c0_i32_0 = arith.constant 0 : i32
    return %arg0, %c0_i32 : i32, i32
  }
  func.func @transform_1(%arg0: i32) -> (i32, i32) {
    %c0_i32 = arith.constant 0 : i32
    %c0_i32_0 = arith.constant 0 : i32
    %c0_i32_1 = arith.constant 0 : i32
    return %c0_i32, %c0_i32_0 : i32, i32
  }
  func.func @transform_2(%arg0: i32) -> (i32, i32) {
    %c0_i32 = arith.constant 0 : i32
    %c0_i32_0 = arith.constant 0 : i32
    %c0_i32_1 = arith.constant 0 : i32
    return %c0_i32, %c0_i32_0 : i32, i32
  }
  func.func @transform_3(%arg0: i32) -> (i32, i32) {
    %c0_i32 = arith.constant 0 : i32
    %c0_i32_0 = arith.constant 0 : i32
    return %arg0, %c0_i32 : i32, i32
  }
}

module attributes {stable_mosaic.version = 14 : i64} {
  func.func @body(%arg0: i32, %arg1: memref<2x2048x128xf32, #tpu.memory_space<vmem>>, %arg2: memref<128x128xf32, #tpu.memory_space<vmem>>, %arg3: memref<1x128xf32, #tpu.memory_space<vmem>>, %arg4: memref<2048x128xf32, #tpu.memory_space<vmem>>) attributes {dimension_semantics = [#tpu.dimension_semantics<arbitrary>], iteration_bounds = array<i64: 5>, scalar_prefetch = 0 : i64, scratch_operands = 0 : i64, tpu.core_type = #tpu.core_type<tc>, window_params = [{transform_indices = @transform_0, window_bounds = array<i64: 2, 2048, 128>}, {pipeline_mode = #tpu.pipeline_mode<synchronous>, transform_indices = @transform_1, window_bounds = array<i64: 128, 128>}, {pipeline_mode = #tpu.pipeline_mode<synchronous>, transform_indices = @transform_2, window_bounds = array<i64: 1, 128>}, {transform_indices = @transform_3, window_bounds = array<i64: 2048, 128>}]} {
    %get3A = arith.constant 0 : index
    %get3A_0 = arith.constant 0 : index
    %get3A_1 = arith.constant 0 : index
    %get3A_2 = vector.load %arg1[%get3A, %get3A_0, %get3A_1] : memref<2x2048x128xf32, #tpu.memory_space<vmem>>, vector<1x2048x128xf32>
    %get3A_3 = vector.shape_cast %get3A_2 : vector<1x2048x128xf32> to vector<2048x128xf32>
    %get3A_4 = arith.constant 1 : index
    %get3A_5 = arith.constant 0 : index
    %get3A_6 = arith.constant 0 : index
    %get3A_7 = vector.load %arg1[%get3A_4, %get3A_5, %get3A_6] : memref<2x2048x128xf32, #tpu.memory_space<vmem>>, vector<1x2048x128xf32>
    %get3A_8 = vector.shape_cast %get3A_7 : vector<1x2048x128xf32> to vector<2048x128xf32>
    %add3A = arith.addf %get3A_3, %get3A_8 : vector<2048x128xf32>
    %get3A_9 = arith.constant 0 : index
    %get3A_10 = arith.constant 0 : index
    %get3A_11 = vector.load %arg2[%get3A_9, %get3A_10] : memref<128x128xf32, #tpu.memory_space<vmem>>, vector<128x128xf32>
    %dot_general3A = arith.constant dense<0.000000e+00> : vector<2048x128xf32>
    %dot_general3A_12 = tpu.matmul %add3A, %get3A_11, %dot_general3A {dimension_numbers = #tpu.dot_dimension_numbers<[1], [1], [0], [0], [0, 0, 1, 0], [], []>, transpose_lhs_hint = false} : vector<2048x128xf32>, vector<128x128xf32>, vector<2048x128xf32> -> vector<2048x128xf32>
    %get3A_13 = arith.constant 0 : index
    %get3A_14 = arith.constant 0 : index
    %get3A_15 = vector.load %arg3[%get3A_13, %get3A_14] : memref<1x128xf32, #tpu.memory_space<vmem>>, vector<1x128xf32>
    %add3A_16 = vector.broadcast %get3A_15 : vector<1x128xf32> to vector<2048x128xf32>
    %add3A_17 = arith.addf %dot_general3A_12, %add3A_16 : vector<2048x128xf32>
    %max3A = arith.constant 0.000000e+00 : f32
    %max3A_18 = vector.broadcast %max3A : f32 to vector<2048x128xf32>
    %max3A_19 = arith.maximumf %add3A_17, %max3A_18 : vector<2048x128xf32>
    %swap3A = arith.constant 0 : index
    %swap3A_20 = arith.constant 0 : index
    %swap3A_21 = vector.load %arg4[%swap3A, %swap3A_20] : memref<2048x128xf32, #tpu.memory_space<vmem>>, vector<2048x128xf32>
    tpu.vector_store %arg4[%swap3A, %swap3A_20], %max3A_19 {strides = array<i32>} : memref<2048x128xf32, #tpu.memory_space<vmem>>, vector<2048x128xf32>,
    return
  }
  func.func @transform_0(%arg0: i32) -> (i32, i32, i32) {
    %c0_i32 = arith.constant 0 : i32
    %c0_i32_0 = arith.constant 0 : i32
    %c0_i32_1 = arith.constant 0 : i32
    return %c0_i32, %arg0, %c0_i32_0 : i32, i32, i32
  }
  func.func @transform_1(%arg0: i32) -> (i32, i32) {
    %c0_i32 = arith.constant 0 : i32
    %c0_i32_0 = arith.constant 0 : i32
    %c0_i32_1 = arith.constant 0 : i32
    return %c0_i32, %c0_i32_0 : i32, i32
  }
  func.func @transform_2(%arg0: i32) -> (i32, i32) {
    %c0_i32 = arith.constant 0 : i32
    %c0_i32_0 = arith.constant 0 : i32
    %c0_i32_1 = arith.constant 0 : i32
    return %c0_i32, %c0_i32_0 : i32, i32
  }
  func.func @transform_3(%arg0: i32) -> (i32, i32) {
    %c0_i32 = arith.constant 0 : i32
    %c0_i32_0 = arith.constant 0 : i32
    return %arg0, %c0_i32 : i32, i32
  }
}

module attributes {stable_mosaic.version = 14 : i64} {
  func.func @body(%arg0: i32, %arg1: memref<2x2048x128xf32, #tpu.memory_space<vmem>>, %arg2: memref<128x128xf32, #tpu.memory_space<vmem>>, %arg3: memref<1x128xf32, #tpu.memory_space<vmem>>, %arg4: memref<1x2048xi32, #tpu.memory_space<vmem>>, %arg5: memref<64x128xf32, #tpu.memory_space<vmem>>, %arg6: memref<1x64xf32, #tpu.memory_space<vmem>>, %arg7: memref<64x128xf32, #tpu.memory_space<vmem>>, %arg8: memref<1x64xf32, #tpu.memory_space<vmem>>, %arg9: memref<64x64xf32, #tpu.memory_space<vmem>>, %arg10: memref<64x64xf32, #tpu.memory_space<vmem>>, %arg11: memref<64x128xf32, #tpu.memory_space<vmem>>) attributes {dimension_semantics = [#tpu.dimension_semantics<arbitrary>], iteration_bounds = array<i64: 5>, scalar_prefetch = 0 : i64, scratch_operands = 1 : i64, tpu.core_type = #tpu.core_type<tc>, window_params = [{transform_indices = @transform_0, window_bounds = array<i64: 2, 2048, 128>}, {pipeline_mode = #tpu.pipeline_mode<synchronous>, transform_indices = @transform_1, window_bounds = array<i64: 128, 128>}, {pipeline_mode = #tpu.pipeline_mode<synchronous>, transform_indices = @transform_2, window_bounds = array<i64: 1, 128>}, {transform_indices = @transform_3, window_bounds = array<i64: 1, 2048>}, {pipeline_mode = #tpu.pipeline_mode<synchronous>, transform_indices = @transform_4, window_bounds = array<i64: 64, 128>}, {pipeline_mode = #tpu.pipeline_mode<synchronous>, transform_indices = @transform_5, window_bounds = array<i64: 1, 64>}, {pipeline_mode = #tpu.pipeline_mode<synchronous>, transform_indices = @transform_6, window_bounds = array<i64: 64, 128>}, {pipeline_mode = #tpu.pipeline_mode<synchronous>, transform_indices = @transform_7, window_bounds = array<i64: 1, 64>}, {pipeline_mode = #tpu.pipeline_mode<synchronous>, transform_indices = @transform_8, window_bounds = array<i64: 64, 64>}, {pipeline_mode = #tpu.pipeline_mode<synchronous>, transform_indices = @transform_9, window_bounds = array<i64: 64, 64>}]} {
    %get3A = arith.constant 0 : index
    %get3A_0 = arith.constant 0 : index
    %get3A_1 = arith.constant 0 : index
    %get3A_2 = vector.load %arg1[%get3A, %get3A_0, %get3A_1] : memref<2x2048x128xf32, #tpu.memory_space<vmem>>, vector<1x2048x128xf32>
    %get3A_3 = vector.shape_cast %get3A_2 : vector<1x2048x128xf32> to vector<2048x128xf32>
    %get3A_4 = arith.constant 1 : index
    %get3A_5 = arith.constant 0 : index
    %get3A_6 = arith.constant 0 : index
    %get3A_7 = vector.load %arg1[%get3A_4, %get3A_5, %get3A_6] : memref<2x2048x128xf32, #tpu.memory_space<vmem>>, vector<1x2048x128xf32>
    %get3A_8 = vector.shape_cast %get3A_7 : vector<1x2048x128xf32> to vector<2048x128xf32>
    %add3A = arith.addf %get3A_3, %get3A_8 : vector<2048x128xf32>
    %get3A_9 = arith.constant 0 : index
    %get3A_10 = arith.constant 0 : index
    %get3A_11 = vector.load %arg2[%get3A_9, %get3A_10] : memref<128x128xf32, #tpu.memory_space<vmem>>, vector<128x128xf32>
    %dot_general3A = arith.constant dense<0.000000e+00> : vector<2048x128xf32>
    %dot_general3A_12 = tpu.matmul %add3A, %get3A_11, %dot_general3A {dimension_numbers = #tpu.dot_dimension_numbers<[1], [1], [0], [0], [0, 0, 1, 0], [], []>, transpose_lhs_hint = false} : vector<2048x128xf32>, vector<128x128xf32>, vector<2048x128xf32> -> vector<2048x128xf32>
    %get3A_13 = arith.constant 0 : index
    %get3A_14 = arith.constant 0 : index
    %get3A_15 = vector.load %arg3[%get3A_13, %get3A_14] : memref<1x128xf32, #tpu.memory_space<vmem>>, vector<1x128xf32>
    %add3A_16 = vector.broadcast %get3A_15 : vector<1x128xf32> to vector<2048x128xf32>
    %add3A_17 = arith.addf %dot_general3A_12, %add3A_16 : vector<2048x128xf32>
    %max3A = arith.constant 0.000000e+00 : f32
    %max3A_18 = vector.broadcast %max3A : f32 to vector<2048x128xf32>
    %max3A_19 = arith.maximumf %add3A_17, %max3A_18 : vector<2048x128xf32>
    %iota3A = tpu.iota {dimensions = array<i32: 0>} : vector<64x2048xi32>
    %get3A_20 = arith.constant 0 : index
    %get3A_21 = arith.constant 0 : index
    %get3A_22 = vector.load %arg4[%get3A_20, %get3A_21] : memref<1x2048xi32, #tpu.memory_space<vmem>>, vector<1x2048xi32>
    %eq3A = vector.broadcast %get3A_22 : vector<1x2048xi32> to vector<64x2048xi32>
    %eq3A_23 = arith.cmpi eq, %eq3A, %iota3A : vector<64x2048xi32>
    %jit3A = arith.constant 1.000000e+00 : f32
    %jit3A_24 = arith.constant 0.000000e+00 : f32
    %broadcast_in_dim3A = vector.broadcast %jit3A : f32 to vector<64x2048xf32>
    %broadcast_in_dim3A_25 = vector.broadcast %jit3A_24 : f32 to vector<64x2048xf32>
    %select_n3A = arith.select %eq3A_23, %broadcast_in_dim3A, %broadcast_in_dim3A_25 : vector<64x2048xi1>, vector<64x2048xf32>
    %dot_general3A_26 = arith.constant dense<0.000000e+00> : vector<64x128xf32>
    %dot_general3A_27 = tpu.matmul %select_n3A, %max3A_19, %dot_general3A_26 {dimension_numbers = #tpu.dot_dimension_numbers<[1], [0], [0], [1], [0, 0, 1, 1], [], []>, transpose_lhs_hint = false} : vector<64x2048xf32>, vector<2048x128xf32>, vector<64x128xf32> -> vector<64x128xf32>
    %eq3A_28 = arith.constant 0 : i32
    %eq3A_29 = arith.cmpi eq, %arg0, %eq3A_28 : i32
    %convert_element_type3A = arith.extui %eq3A_29 : i1 to i32
    %cond3A = arith.constant 0 : i32
    %cond3A_30 = arith.cmpi ne, %convert_element_type3A, %cond3A : i32
    scf.if %cond3A_30 {
      %swap3A = arith.constant 0 : index
      %swap3A_40 = arith.constant 0 : index
      %swap3A_41 = vector.load %arg11[%swap3A, %swap3A_40] : memref<64x128xf32, #tpu.memory_space<vmem>>, vector<64x128xf32>
      tpu.vector_store %arg11[%swap3A, %swap3A_40], %dot_general3A_27 {strides = array<i32>} : memref<64x128xf32, #tpu.memory_space<vmem>>, vector<64x128xf32>,
    } else {
    }
    %gt3A = arith.constant 0 : i32
    %gt3A_31 = arith.cmpi sgt, %arg0, %gt3A : i32
    %convert_element_type3A_32 = arith.extui %gt3A_31 : i1 to i32
    %cond3A_33 = arith.constant 0 : i32
    %cond3A_34 = arith.cmpi ne, %convert_element_type3A_32, %cond3A_33 : i32
    scf.if %cond3A_34 {
      %get3A_40 = arith.constant 0 : index
      %get3A_41 = arith.constant 0 : index
      %get3A_42 = vector.load %arg11[%get3A_40, %get3A_41] : memref<64x128xf32, #tpu.memory_space<vmem>>, vector<64x128xf32>
      %add3A_43 = arith.addf %get3A_42, %dot_general3A_27 : vector<64x128xf32>
      %swap3A = arith.constant 0 : index
      %swap3A_44 = arith.constant 0 : index
      %swap3A_45 = vector.load %arg11[%swap3A, %swap3A_44] : memref<64x128xf32, #tpu.memory_space<vmem>>, vector<64x128xf32>
      tpu.vector_store %arg11[%swap3A, %swap3A_44], %add3A_43 {strides = array<i32>} : memref<64x128xf32, #tpu.memory_space<vmem>>, vector<64x128xf32>,
    } else {
    }
    %eq3A_35 = arith.constant 4 : i32
    %eq3A_36 = arith.cmpi eq, %arg0, %eq3A_35 : i32
    %convert_element_type3A_37 = arith.extui %eq3A_36 : i1 to i32
    %cond3A_38 = arith.constant 0 : i32
    %cond3A_39 = arith.cmpi ne, %convert_element_type3A_37, %cond3A_38 : i32
    scf.if %cond3A_39 {
      %get3A_40 = arith.constant 0 : index
      %get3A_41 = arith.constant 0 : index
      %get3A_42 = vector.load %arg11[%get3A_40, %get3A_41] : memref<64x128xf32, #tpu.memory_space<vmem>>, vector<64x128xf32>
      %get3A_43 = arith.constant 0 : index
      %get3A_44 = arith.constant 0 : index
      %get3A_45 = vector.load %arg5[%get3A_43, %get3A_44] : memref<64x128xf32, #tpu.memory_space<vmem>>, vector<64x128xf32>
      %dot_general3A_46 = arith.constant dense<0.000000e+00> : vector<64x64xf32>
      %dot_general3A_47 = tpu.matmul %get3A_42, %get3A_45, %dot_general3A_46 {dimension_numbers = #tpu.dot_dimension_numbers<[1], [1], [0], [0], [0, 0, 1, 0], [], []>, transpose_lhs_hint = false} : vector<64x128xf32>, vector<64x128xf32>, vector<64x64xf32> -> vector<64x64xf32>
      %get3A_48 = arith.constant 0 : index
      %get3A_49 = arith.constant 0 : index
      %get3A_50 = vector.load %arg6[%get3A_48, %get3A_49] : memref<1x64xf32, #tpu.memory_space<vmem>>, vector<1x64xf32>
      %add3A_51 = vector.broadcast %get3A_50 : vector<1x64xf32> to vector<64x64xf32>
      %add3A_52 = arith.addf %dot_general3A_47, %add3A_51 : vector<64x64xf32>
      %swap3A = arith.constant 0 : index
      %swap3A_53 = arith.constant 0 : index
      %swap3A_54 = vector.load %arg9[%swap3A, %swap3A_53] : memref<64x64xf32, #tpu.memory_space<vmem>>, vector<64x64xf32>
      tpu.vector_store %arg9[%swap3A, %swap3A_53], %add3A_52 {strides = array<i32>} : memref<64x64xf32, #tpu.memory_space<vmem>>, vector<64x64xf32>,
      %get3A_55 = arith.constant 0 : index
      %get3A_56 = arith.constant 0 : index
      %get3A_57 = vector.load %arg7[%get3A_55, %get3A_56] : memref<64x128xf32, #tpu.memory_space<vmem>>, vector<64x128xf32>
      %dot_general3A_58 = arith.constant dense<0.000000e+00> : vector<64x64xf32>
      %dot_general3A_59 = tpu.matmul %get3A_42, %get3A_57, %dot_general3A_58 {dimension_numbers = #tpu.dot_dimension_numbers<[1], [1], [0], [0], [0, 0, 1, 0], [], []>, transpose_lhs_hint = false} : vector<64x128xf32>, vector<64x128xf32>, vector<64x64xf32> -> vector<64x64xf32>
      %get3A_60 = arith.constant 0 : index
      %get3A_61 = arith.constant 0 : index
      %get3A_62 = vector.load %arg8[%get3A_60, %get3A_61] : memref<1x64xf32, #tpu.memory_space<vmem>>, vector<1x64xf32>
      %add3A_63 = vector.broadcast %get3A_62 : vector<1x64xf32> to vector<64x64xf32>
      %add3A_64 = arith.addf %dot_general3A_59, %add3A_63 : vector<64x64xf32>
      %swap3A_65 = arith.constant 0 : index
      %swap3A_66 = arith.constant 0 : index
      %swap3A_67 = vector.load %arg10[%swap3A_65, %swap3A_66] : memref<64x64xf32, #tpu.memory_space<vmem>>, vector<64x64xf32>
      tpu.vector_store %arg10[%swap3A_65, %swap3A_66], %add3A_64 {strides = array<i32>} : memref<64x64xf32, #tpu.memory_space<vmem>>, vector<64x64xf32>,
    } else {
    }
    return
  }
  func.func @transform_0(%arg0: i32) -> (i32, i32, i32) {
    %c0_i32 = arith.constant 0 : i32
    %c0_i32_0 = arith.constant 0 : i32
    %c0_i32_1 = arith.constant 0 : i32
    return %c0_i32, %arg0, %c0_i32_0 : i32, i32, i32
  }
  func.func @transform_1(%arg0: i32) -> (i32, i32) {
    %c0_i32 = arith.constant 0 : i32
    %c0_i32_0 = arith.constant 0 : i32
    %c0_i32_1 = arith.constant 0 : i32
    return %c0_i32, %c0_i32_0 : i32, i32
  }
  func.func @transform_2(%arg0: i32) -> (i32, i32) {
    %c0_i32 = arith.constant 0 : i32
    %c0_i32_0 = arith.constant 0 : i32
    %c0_i32_1 = arith.constant 0 : i32
    return %c0_i32, %c0_i32_0 : i32, i32
  }
  func.func @transform_3(%arg0: i32) -> (i32, i32) {
    %c0_i32 = arith.constant 0 : i32
    %c0_i32_0 = arith.constant 0 : i32
    return %c0_i32, %arg0 : i32, i32
  }
  func.func @transform_4(%arg0: i32) -> (i32, i32) {
    %c0_i32 = arith.constant 0 : i32
    %c0_i32_0 = arith.constant 0 : i32
    %c0_i32_1 = arith.constant 0 : i32
    return %c0_i32, %c0_i32_0 : i32, i32
  }
  func.func @transform_5(%arg0: i32) -> (i32, i32) {
    %c0_i32 = arith.constant 0 : i32
    %c0_i32_0 = arith.constant 0 : i32
    %c0_i32_1 = arith.constant 0 : i32
    return %c0_i32, %c0_i32_0 : i32, i32
  }
  func.func @transform_6(%arg0: i32) -> (i32, i32) {
    %c0_i32 = arith.constant 0 : i32
    %c0_i32_0 = arith.constant 0 : i32
    %c0_i32_1 = arith.constant 0 : i32
    return %c0_i32, %c0_i32_0 : i32, i32
  }
  func.func @transform_7(%arg0: i32) -> (i32, i32) {
    %c0_i32 = arith.constant 0 : i32
    %c0_i32_0 = arith.constant 0 : i32
    %c0_i32_1 = arith.constant 0 : i32
    return %c0_i32, %c0_i32_0 : i32, i32
  }
  func.func @transform_8(%arg0: i32) -> (i32, i32) {
    %c0_i32 = arith.constant 0 : i32
    %c0_i32_0 = arith.constant 0 : i32
    %c0_i32_1 = arith.constant 0 : i32
    return %c0_i32, %c0_i32_0 : i32, i32
  }
  func.func @transform_9(%arg0: i32) -> (i32, i32) {
    %c0_i32 = arith.constant 0 : i32
    %c0_i32_0 = arith.constant 0 : i32
    %c0_i32_1 = arith.constant 0 : i32
    return %c0_i32, %c0_i32_0 : i32, i32
  }
}

</mosaic_0001>

<sc_bundles>
// kernel: kernel.12.cloned.1.call-start
scs
__scs_entry_jumppad:
0x0: {  	(pc) =	sbr.rel $0x88, $3  }
0x1: {  	(tag) =	ssettag $0x0;
	lr =	simm.s32 $0x1  }
0x2: {  	[smem:$0x3F92] =	sst lr;
	_ =	strace $0xD0000000  }
0x3: {  	_ = 	snop  }
0x4: {  	_ = 	snop  }
0x5: {  	_ = 	snop  }
0x6: {  	_ = 	snop  }
0x7: {  	_ = 	snop  }
__scs_overlays_trampoline_lowered:
0x8: {  	[smem:$0x3FA1] =	sst s0  }
0x9: {  	[smem:$0x3FA2] =	sst s1  }
0xa: {  	[smem:$0x3FA3] =	sst s2  }
0xb: {  	[smem:$0x3FA4] =	sst s3  }
0xc: {  	[smem:$0x3FA5] =	sst s4  }
0xd: {  	[smem:$0x3FA6] =	sst s5  }
0xe: {  	[smem:$0x3FA7] =	sst s6  }
0xf: {  	[smem:$0x3FA8] =	sst s7  }
0x10: {  	[smem:$0x3FA9] =	sst s8  }
0x11: {  	[smem:$0x3FAA] =	sst s9;
	s0 =	simm.s32 @!p0 $0x0  }
0x12: {  	s1 =	sld [smem:$0x3F90];
	s0 =	simm.s32 @p0 $0x1  }
0x13: {  	[smem:$0x3FAB] =	sst s0;
	s0 =	simm.s32 @!p1 $0x0  }
0x14: {  	s2 =	sld [smem:$0x3F8F];
	s0 =	simm.s32 @p1 $0x1  }
0x15: {  	[smem:$0x3FAC] =	sst s0;
	s0 =	simm.s32 @!p2 $0x0  }
0x16: {  	s3 =	sld [smem:$0x3FDB];
	s0 =	simm.s32 @p2 $0x1  }
0x17: {  	s4 =	simm.s32 $0x1BF5;
	[smem:$0x3FAE] =	sst s0  }
0x18: {  	s0 =	sld [smem:$0x3F91];
	_ =	swait.ge [sflag:s4], $0x0  }
0x19: {  	s7 =	sld [smem:$0x3F92]  }
0x1a: {  	s8 =	sadd.s32 $0xFFFFE003, lr  }
0x1b: {  	s9 =	sadd.s32 $0xFFFFFEF7, lr;
	s5 =	simm.s32 $0xFFFFFFFF;
	p2 =	slt.u32 s8, $0xFFFFF086  }
0x1c: {  	p1 =	slt.u32 s9, $0xF7A;
	s5 =	simm.s32 @!p2 $0x0  }
0x1d: {  	s5 =	simm.s32 @p1 $0x1;
	p0 =	seq.s32 s7, s2  }
0x1e: {  	s7 =	smul.u32 @!p0 $0xF7A, s2;
	p2 =	seq.s32 @!p0 s5, $0x0  }
0x1f: {  	s9 =	smul.u32 $0xF7A, s1;
	s8 =	simm.s32 @!p0 $0x1BF5;
	p2 =	por !p2, p0  }
0x20: {  	[sflag:s8] =	ssyncset.s32 @!p0 $0xFFFFF086;
	s6 =	sadd.s32 @!p0 s3, s7;
	s7 =	simm.s32 @!p0 $0x108  }
0x21: {  	s3 =	sadd.s32 s3, s9;
	s6 =	sadd.s32 @!p0 $0x88, s6;
	s7 =	simm.s32 @p2 $0x1082  }
0x22: {  	[simem:s7], [sflag:s8] =	dma.local @!p0 [hbm:s6], $0xF7A  }
0x23: {  	s9 =	sor.u32 $0xD0000000, s2;
	s6 =	simm.s32 $0x108;
	_ =	swait.ge @!p0 [sflag:s8], $0x0  }
0x24: {  	s3 =	sadd.s32 $0x88, s3;
	s6 =	simm.s32 @!p1 $0x1082;
	[sflag:s4] =	ssyncset.s32 $0xFFFFF086  }
0x25: {  	[simem:s6], [sflag:s4] =	dma.local [hbm:s3], $0xF7A  }
0x26: {  	[smem:$0x3F92] =	sst s1;
	(tag) =	ssettag s2;
	_ =	strace s9  }
0x27: {  	s1 =	sld [smem:$0x3FA2]  }
0x28: {  	s2 =	sld [smem:$0x3FA3]  }
0x29: {  	s4 =	sld [smem:$0x3FA5]  }
0x2a: {  	p0 =	seq.s32 s5, $0x0;
	s5 =	sld [smem:$0x3FA6]  }
0x2b: {  	s6 =	sld [smem:$0x3FA7]  }
0x2c: {  	s7 =	sld [smem:$0x3FA8]  }
0x2d: {  	s3 =	simm.s32 $0x108;
	s8 =	sld [smem:$0x3FA9]  }
0x2e: {  	s3 =	simm.s32 @!p0 $0x1082;
	s9 =	sld [smem:$0x3FAA]  }
0x2f: {  	lr =	sadd.s32 s0, s3;
	s0 =	sld [smem:$0x3FA1]  }
0x30: {  	s3 =	sld [smem:$0x3FA4]  }
0x31: {  	[smem:$0x3FAD] =	sst s10  }
0x32: {  	s10 =	sld [smem:$0x3FAB];
	_ =	sdelay $0x3  }
0x33: {  	p0 =	seq.s32 s10, $0x1;
	s10 =	sld [smem:$0x3FAD];
	_ =	sdelay $0x3  }
0x34: {  	[smem:$0x3FAD] =	sst s10  }
0x35: {  	s10 =	sld [smem:$0x3FAC];
	_ =	sdelay $0x3  }
0x36: {  	p1 =	seq.s32 s10, $0x1;
	s10 =	sld [smem:$0x3FAD];
	_ =	sdelay $0x3  }
0x37: {  	[smem:$0x3FAD] =	sst s10  }
0x38: {  	s10 =	sld [smem:$0x3FAE]  }
0x39: {  	_ = 	snop;
	(pc) =	sbr.ind lr, $3  }
0x3a: {  	_ = 	snop  }
0x3b: {  	_ = 	snop  }
0x3c: {  	p2 =	seq.s32 s10, $0x1;
	s10 =	sld [smem:$0x3FAD]  }
0x3d: {  	_ =	shalt  }
0x3e: {  	_ =	shalt  }
0x3f: {  	_ =	shalt  }
0x40: {  	_ =	shalt  }
0x41: {  	_ =	shalt  }
0x42: {  	_ =	shalt  }
0x43: {  	_ =	shalt  }
0x44: {  	_ =	shalt  }
0x45: {  	_ =	shalt  }
0x46: {  	_ =	shalt  }
0x47: {  	_ =	shalt  }
0x48: {  	_ =	shalt  }
0x49: {  	_ =	shalt  }
0x4a: {  	_ =	shalt  }
0x4b: {  	_ =	shalt  }
0x4c: {  	_ =	shalt  }
0x4d: {  	_ =	shalt  }
0x4e: {  	_ =	shalt  }
0x4f: {  	_ =	shalt  }
0x50: {  	_ =	shalt  }
0x51: {  	_ =	shalt  }
0x52: {  	_ =	shalt  }
0x53: {  	_ =	shalt  }
0x54: {  	_ =	shalt  }
0x55: {  	_ =	shalt  }
0x56: {  	_ =	shalt  }
0x57: {  	_ =	shalt  }
0x58: {  	_ =	shalt  }
0x59: {  	_ =	shalt  }
0x5a: {  	_ =	shalt  }
0x5b: {  	_ =	shalt  }
0x5c: {  	_ =	shalt  }
0x5d: {  	_ =	shalt  }
0x5e: {  	_ =	shalt  }
0x5f: {  	_ =	shalt  }
0x60: {  	_ =	shalt  }
0x61: {  	_ =	shalt  }
0x62: {  	_ =	shalt  }
0x63: {  	_ =	shalt  }
0x64: {  	_ =	shalt  }
0x65: {  	_ =	shalt  }
0x66: {  	_ =	shalt  }
0x67: {  	_ =	shalt  }
0x68: {  	_ =	shalt  }
0x69: {  	_ =	shalt  }
0x6a: {  	_ =	shalt  }
0x6b: {  	_ =	shalt  }
0x6c: {  	_ =	shalt  }
0x6d: {  	_ =	shalt  }
0x6e: {  	_ =	shalt  }
0x6f: {  	_ =	shalt  }
0x70: {  	_ =	shalt  }
0x71: {  	_ =	shalt  }
0x72: {  	_ =	shalt  }
0x73: {  	_ =	shalt  }
0x74: {  	_ =	shalt  }
0x75: {  	_ =	shalt  }
0x76: {  	_ =	shalt  }
0x77: {  	_ =	shalt  }
0x78: {  	_ =	shalt  }
0x79: {  	_ =	shalt  }
0x7a: {  	_ =	shalt  }
0x7b: {  	_ =	shalt  }
0x7c: {  	_ =	shalt  }
0x7d: {  	_ =	shalt  }
0x7e: {  	_ =	shalt  }
0x7f: {  	_ =	shalt  }
0x80: {  	_ =	shalt  }
0x81: {  	_ =	shalt  }
0x82: {  	_ =	shalt  }
0x83: {  	_ =	shalt  }
0x84: {  	_ =	shalt  }
0x85: {  	_ =	shalt  }
0x86: {  	_ =	shalt  }
0x87: {  	_ =	shalt  }
.Lfunc_end0:
.L_simem_size_0:
called_computation.1_lowered:
.L_overlay_start_0:
0x88: {  	s2 =	sld [smem:$0x3FD9]  }
0x89: {  	s3 =	sld [smem:$0x3FFE];
	_ =	sdelay $0x1  }
0x8a: {  	s1 =	srdreg.scid  }
0x8b: {  	s0 =	sand.u32 $0x1, s1  }
0x8c: {  	s16 =	sshll.u32 s0, $0xA;
	s2 =	sadd.s32 s3, s2  }
0x8d: {  	s2 =	sadd.s32 s2, s16  }
0x8e: {  	[smem:$0x3FB9] =	sst s2  }
0x8f: {  	_ = 	snop  }
0x90: {  	(tm) =	ssettm $0x1  }
0x91: {  	s17 =	sld [smem:$0x3FFB];
	_ =	sdelay $0x3  }
0x92: {  	_ =	strace s17  }
0x93: {  	s2 =	sld [smem:$0x3FFC];
	_ =	sdelay $0x3  }
0x94: {  	_ =	strace s2  }
0x95: {  	s2 =	sld [smem:$0x3FFD];
	_ =	sdelay $0x3  }
0x96: {  	_ =	strace s2  }
0x97: {  	_ =	strace $0x8FFFFFFF  }
0x98: {  	s18 =	sld [smem:$0x3FDB];
	_ =	sdelay $0x1  }
0x99: {  	s19 =	simm.s32 $_scs_section_size  }
0x9a: {  	s4 =	simm.s32 $_size__tile_overlayer_lowered;
	s5 =	simm.s32 $_tile_overlayer_lowered  }
0x9b: {  	s22 =	simm.s32 $0x1BFF;
	s21 =	sshll.u32 s5, $0x1;
	s2 =	sadd.s32 s19, s18  }
0x9c: {  	s6 =	simm.s32 $0x0;
	s20 =	sshll.u32 s4, $0x1;
	s4 =	sadd.s32 s21, s2  }
0x9d: {  	[timem:s6], [sflag:s22] =	dma.local [hbm:s4], s20  }
0x9e: {  	_ =	swait.ge [sflag:s22], s20  }
0x9f: {  	s3 =	ssub.s32 $0x0, s20;
	[sflag:s22] =	ssyncset.done $0x0  }
0xa0: {  	[sflag:s22] =	ssyncadd.s32 s3;
	_ =	sdelay $0x1  }
0xa1: {  	s23 =	simm.s32 $0x1B8B  }
0xa2: {  	_ =	swait.ge [sflag:s23], $0x1  }
0xa3: {  	[sflag:s23] =	ssyncset.done $0x0  }
0xa4: {  	s25 =	simm.s32 $0x1B8E;
	s24 =	sld [smem:$0x3FFE];
	[sflag:s23] =	ssyncadd.s32 $0xFFFFFFFF  }
0xa5: {  	s26 =	simm.s32 $execute0_lowered;
	[smem:$0x3FD2] =	sst s25  }
0xa6: {  	s4 =	sshll.u32 s26, $0x1;
	_ =	strace $0x80000049;
	[dreg:$0x1] =	wrdreg $0xFFFFFFFF  }
0xa7: {  	s28 =	simm.s32 $_size_execute0_lowered;
	s2 =	sadd.s32 s2, s4;
	[dreg:$0x0] =	wrdreg $0x0  }
0xa8: {  	s4 =	sshll.u32 s28, $0x1;
	[dreg:$0x2] =	wrdreg s2  }
0xa9: {  	[dreg:$0x3] =	wrdreg s4  }
0xaa: {  	[dreg:$0x4] =	wrdreg $0xC0  }
0xab: {  	_ =	task [dreg:s6], $0x5FFFF  }
0xac: {  	[dreg:$0x1] =	wrdreg $0xFFFFFFFF  }
0xad: {  	[dreg:$0x0] =	wrdreg $0x60  }
0xae: {  	[dreg:$0x2] =	wrdreg s24  }
0xaf: {  	[dreg:$0x3] =	wrdreg $0xA8000  }
0xb0: {  	[dreg:$0x4] =	wrdreg $0x9  }
0xb1: {  	_ =	task.clear_ibuf [dreg:s6], $0x5FFFF;
	_ =	strace $0x90000049  }
0xb2: {  	s29 =	simm.s32 $0x9;
	_ =	strace $0x8000004B  }
0xb3: {  	_ =	swait.ge [sflag:s29], $0x1  }
0xb4: {  	[sflag:s29] =	ssyncadd.s32 $0xFFFFFFFF  }
0xb5: {  	_ =	strace $0x9000004B  }
0xb6: {  	_ =	sfence  }
0xb7: {  	s30 =	sld [smem:$0x0];
	_ =	sdelay $0x2  }
0xb8: {  	s31 =	sshll.u32 s1, $0xD;
	s1 =	sshrl.u32 s1, $0x2  }
0xb9: {  	s3 =	sand.u32 $0x4000, s31;
	s1 =	sadd.s32 s1, s30  }
0xba: {  	s0 =	sor.u32 s3, s0;
	s1 =	sshll.u32 s1, $0x11  }
0xbb: {  	s0 =	sor.u32 s1, s0  }
0xbc: {  	s0 =	sadd.s32 $0x8F2B, s0  }
0xbd: {  	[sflag:s0] =	ssyncadd.remote.s32 $0x1  }
0xbe: {  	_ =	sfence.sel $0xFFFF  }
0xbf: {  	[dreg:$0x0] =	wrdreg $0xFFFFFFFF;
	(pc) =	sbr.abs _section_cstart, $3  }
0xc0: {  	[dreg:$0x1] =	wrdreg $0xFFFFFFFF  }
0xc1: {  	_ =	task.clear_ibuf [dreg:s6], $0x2FFFF;
	_ =	strace $0x9FFFFFFF  }
0xc2: {  	(tm) =	ssettm $0x7FFFFFFF  }
0xc3: {  	_ =	shalt  }
tec
execute0_lowered:
.L_overlay_start_1:
0x0: {  	(tag) =	ssettag $0x1  }
0x1: {  	s0 =	rddreg [dreg:$0x0]  }
0x2: {  	s1 =	srdreg.scid;
	s2 =	rddreg [dreg:$0x1]  }
0x3: {  	s9 =	stileid.u32;
	s3 =	simm.s32 $0x0;
	s17 =	simm.s32 $0x2000  }
0x4: {  	s19 =	simm.s32 $0x5;
	s20 =	simm.s32 $0x3;
	s21 =	simm.s32 $0x1000  }
0x5: {  	s22 =	simm.s32 $0x3000;
	s28 =	simm.s32 $0x2;
	s29 =	simm.s32 $0x2C00  }
0x6: {  	s30 =	simm.s32 $0x4;
	s31 =	simm.s32 $0x3C00;
	s1 =	sand.u32 $0x1, s1  }
0x7: {  	s5 =	smul.u32 $0x14000, s9;
	[smem:$0x7FF] =	sst s3;
	s13 =	sadd.s32 $0x2C00, s0  }
0x8: {  	s14 =	sadd.s32 $0x12C00, s0;
	s6 =	sadd.s32 $0x4AC00, s0;
	s8 =	smul.u32 $0x50000, s9  }
0x9: {  	s24 =	sshll.u32 s9, $0xC;
	s9 =	sshll.u32 s9, $0x6;
	s4 =	smul.u32 $0x140000, s1  }
0xa: {  	_ =	strace $0x8000004A;
	s23 =	ssub.s32 $0x2, s1;
	s1 =	sshll.u32 s1, $0xB  }
0xb: {  	[dreg:$0x3] =	wrdreg s6;
	s7 =	sshrl.u32 s23, $0x1;
	s1 =	sor.u32 s1, s24  }
0xc: {  	s8 =	sshrl.u32 s8, $0x2;
	s24 =	simm.s32 $0x4000;
	s5 =	sadd.s32 s5, s4  }
0xd: {  	s4 =	sadd.s32 $0x22C00, s0;
	s6 =	sadd.s32 s13, s1;
	s25 =	sadd.s32 s14, s1  }
0xe: {  	s10 =	sor.u32 $0x200, s1;
	s18 =	sadd.s32 s8, s2;
	s8 =	sor.u32 $0x1C05, s9  }
0xf: {  	s12 =	sor.u32 $0x400, s1;
	s1 =	sor.u32 $0x600, s1;
	[dreg:$0x4] =	wrdreg s6  }
0x10: {  	s5 =	sshrl.u32 s5, $0x3;
	[dreg:$0x5] =	wrdreg s25;
	s26 =	sadd.s32 s13, s10  }
0x11: {  	s10 =	sadd.s32 s14, s10;
	s11 =	sadd.s32 s13, s12;
	s12 =	sadd.s32 s14, s12  }
0x12: {  	s13 =	sadd.s32 s13, s1;
	s14 =	sadd.s32 s14, s1;
	s18 =	sshrl.u32 s18, $0x3  }
0x13: {  	s25 =	simm.s32 $0x7400;
	s0 =	sadd.s32 s5, s0;
	s5 =	ssub.s32 s23, s7  }
0x14: {  	[dreg:$0x6] =	wrdreg s26;
	s23 =	simm.s32 $0x64;
	s26 =	simm.s32 $0x1  }
0x15: {  	s15 =	sadd.s32 $0x4D400, s0;
	s16 =	smax.u32 s5, $0x1;
	s0 =	simm.s32 $0x0  }
.LBB2_1:
0x16: {  	s1 =	rddreg [dreg:$0x4]  }
0x17: {  	s6 =	rddreg [dreg:$0x5]  }
0x18: {  	[tilespmem:s3], [sflag:$0x3] =	stream.linear.gather [hbm4b:s1+s3], $0xC80, $0x38;
	[tilespmem:$0x1E800] =	vst v63  }
0x19: {  	s7 =	rddreg [dreg:$0x3]  }
0x1a: {  	[tilespmem:s17], [sflag:$0x3] =	stream.linear.gather [hbm4b:s6+s3], $0xC80, $0x38;
	[tilespmem:$0x1E800] =	vst v63  }
0x1b: {  	[spmem:s18], [sflag:s8] =	dma.local [hbm:s7], $0x2800  }
0x1c: {  	_ =	swait.ge [sflag:s19], $0x2800  }
0x1d: {  	[sflag:s19] =	ssyncset.done $0x0  }
0x1e: {  	[sflag:s19] =	ssyncadd.s32 $0xFFFFD800  }
0x1f: {  	[bflag:$0x0] =	sbarrier.arrive $0xFFFF  }
0x20: {  	_ =	swait.ge [sflag:s20], $0xC80  }
0x21: {  	[sflag:s20] =	ssyncset.done $0x0  }
0x22: {  	[sflag:s20] =	ssyncadd.s32 $0xFFFFF380  }
0x23: {  	_ =	swait.ge [sflag:s20], $0xC80  }
0x24: {  	[sflag:s20] =	ssyncset.done $0x0  }
0x25: {  	s9 =	rddreg [dreg:$0x6];
	[sflag:s20] =	ssyncadd.s32 $0xFFFFF380  }
0x26: {  	[tilespmem:s21], [sflag:$0x4] =	stream.linear.gather [hbm4b:s9+s3], $0xC80, $0x38;
	[tilespmem:$0x1E800] =	vst v63  }
0x27: {  	_ = 	snop  }
0x28: {  	[tilespmem:s22], [sflag:$0x4] =	stream.linear.gather [hbm4b:s10+s3], $0xC80, $0x38;
	[tilespmem:$0x1E800] =	vst v63  }
0x29: {  	_ = 	snop  }
0x2a: {  	[tilespmem:s24], [sflag:$0x1] =	stream.indirect.gather [hbm4b:s4+s23], $0x80, s3, s23, $0xb8;
	[tilespmem:$0x1E800] =	vst v63  }
0x2b: {  	s5 =	simm.s32 $0x80  }
0x2c: {  	[tilespmem:s25], [sflag:$0x2] =	stream.indirect.gather [hbm4b:s4+s23], $0x80, s5, s23, $0xb8;
	[tilespmem:$0x1E800] =	vst v63  }
0x2d: {  	_ =	swait.ge [sflag:s26], $0x3200  }
0x2e: {  	[sflag:s26] =	ssyncset.done $0x0  }
0x2f: {  	s6 =	simm.s32 $0x2000;
	[sflag:s26] =	ssyncadd.s32 $0xFFFFCE00  }
0x30: {  	[spmem:s2] =	stream.indirect.scatter.add.f32 [tilespmem:s24], [sflag:$0x5], $0x80, s6, s23, $0xb8;
	[tilespmem:$0x1E800] =	vst v63  }
0x31: {  	_ =	swait.ge [sflag:s19], $0x3200  }
0x32: {  	[sflag:s19] =	ssyncset.done $0x0  }
0x33: {  	s7 =	simm.s32 $0x100;
	[sflag:s19] =	ssyncadd.s32 $0xFFFFCE00  }
0x34: {  	[tilespmem:s24], [sflag:$0x1] =	stream.indirect.gather [hbm4b:s4+s23], $0x80, s7, s23, $0xb8;
	[tilespmem:$0x1E800] =	vst v63  }
0x35: {  	_ =	swait.ge [sflag:s28], $0x3200  }
0x36: {  	[sflag:s28] =	ssyncset.done $0x0  }
0x37: {  	s9 =	simm.s32 $0x2080;
	[sflag:s28] =	ssyncadd.s32 $0xFFFFCE00  }
0x38: {  	[spmem:s2] =	stream.indirect.scatter.add.f32 [tilespmem:s25], [sflag:$0x5], $0x80, s9, s23, $0xb8;
	[tilespmem:$0x1E800] =	vst v63  }
0x39: {  	_ =	swait.ge [sflag:s19], $0x3200  }
0x3a: {  	s1 =	simm.s32 $0x100;
	s5 =	simm.s32 $0x800;
	[sflag:s19] =	ssyncset.done $0x0  }
.LBB2_2:
0x3b: {  	s6 =	sadd.s32 $0x80, s1  }
0x3c: {  	[sflag:s19] =	ssyncadd.s32 $0xFFFFCE00;
	s7 =	smov.u32 s5;
	s9 =	sadd.s32 $0x400, s5  }
0x3d: {  	[tilespmem:s25], [sflag:$0x2] =	stream.indirect.gather [hbm4b:s4+s23], $0x80, s6, s23, $0xb8;
	[tilespmem:$0x1E800] =	vst v63  }
0x3e: {  	p0 =	sne.s32 s5, $0x2C00;
	_ =	swait.ge [sflag:s26], $0x3200  }
0x3f: {  	[sflag:s26] =	ssyncset.done $0x0  }
0x40: {  	s5 =	sadd.s32 $0x2000, s1;
	[sflag:s26] =	ssyncadd.s32 $0xFFFFCE00  }
0x41: {  	[spmem:s2] =	stream.indirect.scatter.add.f32 [tilespmem:s24], [sflag:$0x5], $0x80, s5, s23, $0xb8;
	[tilespmem:$0x1E800] =	vst v63  }
0x42: {  	_ =	swait.ge [sflag:s19], $0x3200  }
0x43: {  	[sflag:s19] =	ssyncset.done $0x0  }
0x44: {  	s5 =	sadd.s32 $0x100, s1;
	[sflag:s19] =	ssyncadd.s32 $0xFFFFCE00  }
0x45: {  	[tilespmem:s24], [sflag:$0x1] =	stream.indirect.gather [hbm4b:s4+s23], $0x80, s5, s23, $0xb8;
	[tilespmem:$0x1E800] =	vst v63  }
0x46: {  	_ =	swait.ge [sflag:s28], $0x3200  }
.Ltmp0:
0x47: {  	[sflag:s28] =	ssyncset.done $0x0;
	(pc) =	sbr.rel @p0 .LBB2_2-.Ltmp0, $4  }
0x48: {  	s1 =	sadd.s32 $0x2080, s1;
	[sflag:s28] =	ssyncadd.s32 $0xFFFFCE00  }
0x49: {  	[spmem:s2] =	stream.indirect.scatter.add.f32 [tilespmem:s25], [sflag:$0x5], $0x80, s1, s23, $0xb8;
	[tilespmem:$0x1E800] =	vst v63  }
0x4a: {  	_ =	swait.ge [sflag:s19], $0x3200  }
0x4b: {  	s5 =	smov.u32 s9;
	s1 =	sshra.s32 s7, $0x2;
	[sflag:s19] =	ssyncset.done $0x0  }
0x4c: {  	s5 =	sadd.s32 $0x80, s1;
	[sflag:s19] =	ssyncadd.s32 $0xFFFFCE00  }
0x4d: {  	[tilespmem:s25], [sflag:$0x2] =	stream.indirect.gather [hbm4b:s4+s23], $0x80, s5, s23, $0xb8;
	[tilespmem:$0x1E800] =	vst v63  }
0x4e: {  	_ =	swait.ge [sflag:s26], $0x3200  }
0x4f: {  	[sflag:s26] =	ssyncset.done $0x0  }
0x50: {  	s9 =	sadd.s32 $0x2000, s1;
	[sflag:s26] =	ssyncadd.s32 $0xFFFFCE00  }
0x51: {  	[spmem:s2] =	stream.indirect.scatter.add.f32 [tilespmem:s24], [sflag:$0x5], $0x80, s9, s23, $0xb8;
	[tilespmem:$0x1E800] =	vst v63  }
0x52: {  	_ =	swait.ge [sflag:s19], $0x3200  }
0x53: {  	[sflag:s19] =	ssyncset.done $0x0  }
0x54: {  	s6 =	sadd.s32 $0x100, s1;
	[sflag:s19] =	ssyncadd.s32 $0xFFFFCE00  }
0x55: {  	[tilespmem:s24], [sflag:$0x1] =	stream.indirect.gather [hbm4b:s4+s23], $0x80, s6, s23, $0xb8;
	[tilespmem:$0x1E800] =	vst v63  }
0x56: {  	_ =	swait.ge [sflag:s28], $0x3200  }
0x57: {  	[sflag:s28] =	ssyncset.done $0x0  }
0x58: {  	s7 =	sadd.s32 $0x2080, s1;
	[sflag:s28] =	ssyncadd.s32 $0xFFFFCE00  }
0x59: {  	[spmem:s2] =	stream.indirect.scatter.add.f32 [tilespmem:s25], [sflag:$0x5], $0x80, s7, s23, $0xb8;
	[tilespmem:$0x1E800] =	vst v63  }
0x5a: {  	_ =	swait.ge [sflag:s19], $0x3200  }
0x5b: {  	[sflag:s19] =	ssyncset.done $0x0  }
0x5c: {  	[sflag:s19] =	ssyncadd.s32 $0xFFFFCE00  }
0x5d: {  	_ =	swait.ge [sflag:s26], $0x3200  }
0x5e: {  	[sflag:s26] =	ssyncset.done $0x0  }
0x5f: {  	[sflag:s26] =	ssyncadd.s32 $0xFFFFCE00  }
0x60: {  	[spmem:s2] =	stream.indirect.scatter.add.f32 [tilespmem:s24], [sflag:$0x5], $0x80, s29, s23, $0xb8;
	[tilespmem:$0x1E800] =	vst v63  }
0x61: {  	_ =	swait.ge [sflag:s19], $0x3200  }
0x62: {  	[sflag:s19] =	ssyncset.done $0x0  }
0x63: {  	[sflag:s19] =	ssyncadd.s32 $0xFFFFCE00  }
0x64: {  	_ =	swait.ge [sflag:s30], $0xC80  }
0x65: {  	[sflag:s30] =	ssyncset.done $0x0  }
0x66: {  	[sflag:s30] =	ssyncadd.s32 $0xFFFFF380  }
0x67: {  	_ =	swait.ge [sflag:s30], $0xC80  }
0x68: {  	[sflag:s30] =	ssyncset.done $0x0  }
0x69: {  	s9 =	simm.s32 $0x0;
	[sflag:s30] =	ssyncadd.s32 $0xFFFFF380  }
0x6a: {  	[tilespmem:s9], [sflag:$0x3] =	stream.linear.gather [hbm4b:s11+s9], $0xC80, $0x38;
	[tilespmem:$0x1E800] =	vst v63  }
0x6b: {  	_ = 	snop  }
0x6c: {  	[tilespmem:s17], [sflag:$0x3] =	stream.linear.gather [hbm4b:s12+s9], $0xC80, $0x38;
	[tilespmem:$0x1E800] =	vst v63  }
0x6d: {  	_ = 	snop  }
0x6e: {  	[tilespmem:s24], [sflag:$0x1] =	stream.indirect.gather [hbm4b:s4+s23], $0x80, s21, s23, $0xb8;
	[tilespmem:$0x1E800] =	vst v63  }
0x6f: {  	s5 =	simm.s32 $0x1080  }
0x70: {  	[tilespmem:s25], [sflag:$0x2] =	stream.indirect.gather [hbm4b:s4+s23], $0x80, s5, s23, $0xb8;
	[tilespmem:$0x1E800] =	vst v63  }
0x71: {  	_ =	swait.ge [sflag:s26], $0x3200  }
0x72: {  	[sflag:s26] =	ssyncset.done $0x0  }
0x73: {  	s6 =	simm.s32 $0x3000;
	[sflag:s26] =	ssyncadd.s32 $0xFFFFCE00  }
0x74: {  	[spmem:s2] =	stream.indirect.scatter.add.f32 [tilespmem:s24], [sflag:$0x5], $0x80, s6, s23, $0xb8;
	[tilespmem:$0x1E800] =	vst v63  }
0x75: {  	_ =	swait.ge [sflag:s19], $0x3200  }
0x76: {  	[sflag:s19] =	ssyncset.done $0x0  }
0x77: {  	s7 =	simm.s32 $0x1100;
	[sflag:s19] =	ssyncadd.s32 $0xFFFFCE00  }
0x78: {  	[tilespmem:s24], [sflag:$0x1] =	stream.indirect.gather [hbm4b:s4+s23], $0x80, s7, s23, $0xb8;
	[tilespmem:$0x1E800] =	vst v63  }
0x79: {  	_ =	swait.ge [sflag:s28], $0x3200  }
0x7a: {  	[sflag:s28] =	ssyncset.done $0x0  }
0x7b: {  	s9 =	simm.s32 $0x3080;
	[sflag:s28] =	ssyncadd.s32 $0xFFFFCE00  }
0x7c: {  	[spmem:s2] =	stream.indirect.scatter.add.f32 [tilespmem:s25], [sflag:$0x5], $0x80, s9, s23, $0xb8;
	[tilespmem:$0x1E800] =	vst v63  }
0x7d: {  	_ =	swait.ge [sflag:s19], $0x3200  }
0x7e: {  	s1 =	simm.s32 $0x100;
	s5 =	simm.s32 $0x800;
	[sflag:s19] =	ssyncset.done $0x0  }
.LBB2_4:
0x7f: {  	s6 =	sadd.s32 $0x1080, s1  }
0x80: {  	[sflag:s19] =	ssyncadd.s32 $0xFFFFCE00;
	s7 =	smov.u32 s5;
	s9 =	sadd.s32 $0x400, s5  }
0x81: {  	[tilespmem:s25], [sflag:$0x2] =	stream.indirect.gather [hbm4b:s4+s23], $0x80, s6, s23, $0xb8;
	[tilespmem:$0x1E800] =	vst v63  }
0x82: {  	p0 =	sne.s32 s5, $0x2C00;
	_ =	swait.ge [sflag:s26], $0x3200  }
0x83: {  	[sflag:s26] =	ssyncset.done $0x0  }
0x84: {  	s5 =	sadd.s32 $0x3000, s1;
	[sflag:s26] =	ssyncadd.s32 $0xFFFFCE00  }
0x85: {  	[spmem:s2] =	stream.indirect.scatter.add.f32 [tilespmem:s24], [sflag:$0x5], $0x80, s5, s23, $0xb8;
	[tilespmem:$0x1E800] =	vst v63  }
0x86: {  	_ =	swait.ge [sflag:s19], $0x3200  }
0x87: {  	[sflag:s19] =	ssyncset.done $0x0  }
0x88: {  	s5 =	sadd.s32 $0x1100, s1;
	[sflag:s19] =	ssyncadd.s32 $0xFFFFCE00  }
0x89: {  	[tilespmem:s24], [sflag:$0x1] =	stream.indirect.gather [hbm4b:s4+s23], $0x80, s5, s23, $0xb8;
	[tilespmem:$0x1E800] =	vst v63  }
0x8a: {  	_ =	swait.ge [sflag:s28], $0x3200  }
.Ltmp1:
0x8b: {  	[sflag:s28] =	ssyncset.done $0x0;
	(pc) =	sbr.rel @p0 .LBB2_4-.Ltmp1, $4  }
0x8c: {  	s1 =	sadd.s32 $0x3080, s1;
	[sflag:s28] =	ssyncadd.s32 $0xFFFFCE00  }
0x8d: {  	[spmem:s2] =	stream.indirect.scatter.add.f32 [tilespmem:s25], [sflag:$0x5], $0x80, s1, s23, $0xb8;
	[tilespmem:$0x1E800] =	vst v63  }
0x8e: {  	_ =	swait.ge [sflag:s19], $0x3200  }
0x8f: {  	s5 =	smov.u32 s9;
	s1 =	sshra.s32 s7, $0x2;
	[sflag:s19] =	ssyncset.done $0x0  }
0x90: {  	s5 =	sadd.s32 $0x1080, s1;
	[sflag:s19] =	ssyncadd.s32 $0xFFFFCE00  }
0x91: {  	[tilespmem:s25], [sflag:$0x2] =	stream.indirect.gather [hbm4b:s4+s23], $0x80, s5, s23, $0xb8;
	[tilespmem:$0x1E800] =	vst v63  }
0x92: {  	_ =	swait.ge [sflag:s26], $0x3200  }
0x93: {  	[sflag:s26] =	ssyncset.done $0x0  }
0x94: {  	s9 =	sadd.s32 $0x3000, s1;
	[sflag:s26] =	ssyncadd.s32 $0xFFFFCE00  }
0x95: {  	[spmem:s2] =	stream.indirect.scatter.add.f32 [tilespmem:s24], [sflag:$0x5], $0x80, s9, s23, $0xb8;
	[tilespmem:$0x1E800] =	vst v63  }
0x96: {  	_ =	swait.ge [sflag:s19], $0x3200  }
0x97: {  	[sflag:s19] =	ssyncset.done $0x0  }
0x98: {  	s6 =	sadd.s32 $0x1100, s1;
	[sflag:s19] =	ssyncadd.s32 $0xFFFFCE00  }
0x99: {  	[tilespmem:s24], [sflag:$0x1] =	stream.indirect.gather [hbm4b:s4+s23], $0x80, s6, s23, $0xb8;
	[tilespmem:$0x1E800] =	vst v63  }
0x9a: {  	_ =	swait.ge [sflag:s28], $0x3200  }
0x9b: {  	[sflag:s28] =	ssyncset.done $0x0  }
0x9c: {  	s7 =	sadd.s32 $0x3080, s1;
	[sflag:s28] =	ssyncadd.s32 $0xFFFFCE00  }
0x9d: {  	[spmem:s2] =	stream.indirect.scatter.add.f32 [tilespmem:s25], [sflag:$0x5], $0x80, s7, s23, $0xb8;
	[tilespmem:$0x1E800] =	vst v63  }
0x9e: {  	_ =	swait.ge [sflag:s19], $0x3200  }
0x9f: {  	[sflag:s19] =	ssyncset.done $0x0  }
0xa0: {  	[sflag:s19] =	ssyncadd.s32 $0xFFFFCE00  }
0xa1: {  	_ =	swait.ge [sflag:s26], $0x3200  }
0xa2: {  	[sflag:s26] =	ssyncset.done $0x0  }
0xa3: {  	[sflag:s26] =	ssyncadd.s32 $0xFFFFCE00  }
0xa4: {  	[spmem:s2] =	stream.indirect.scatter.add.f32 [tilespmem:s24], [sflag:$0x5], $0x80, s31, s23, $0xb8;
	[tilespmem:$0x1E800] =	vst v63  }
0xa5: {  	_ =	swait.ge [sflag:s19], $0x3200  }
0xa6: {  	[sflag:s19] =	ssyncset.done $0x0  }
0xa7: {  	[sflag:s19] =	ssyncadd.s32 $0xFFFFCE00  }
0xa8: {  	_ =	swait.ge [sflag:s20], $0xC80  }
0xa9: {  	[sflag:s20] =	ssyncset.done $0x0  }
0xaa: {  	[sflag:s20] =	ssyncadd.s32 $0xFFFFF380  }
0xab: {  	_ =	swait.ge [sflag:s20], $0xC80  }
0xac: {  	[sflag:s20] =	ssyncset.done $0x0  }
0xad: {  	s9 =	simm.s32 $0x0;
	[sflag:s20] =	ssyncadd.s32 $0xFFFFF380  }
0xae: {  	[tilespmem:s21], [sflag:$0x4] =	stream.linear.gather [hbm4b:s13+s9], $0xC80, $0x38;
	[tilespmem:$0x1E800] =	vst v63  }
0xaf: {  	_ = 	snop  }
0xb0: {  	[tilespmem:s22], [sflag:$0x4] =	stream.linear.gather [hbm4b:s14+s9], $0xC80, $0x38;
	[tilespmem:$0x1E800] =	vst v63  }
0xb1: {  	_ = 	snop  }
0xb2: {  	[tilespmem:s24], [sflag:$0x1] =	stream.indirect.gather [hbm4b:s4+s23], $0x80, s9, s23, $0xb8;
	[tilespmem:$0x1E800] =	vst v63  }
0xb3: {  	s5 =	simm.s32 $0x80  }
0xb4: {  	[tilespmem:s25], [sflag:$0x2] =	stream.indirect.gather [hbm4b:s4+s23], $0x80, s5, s23, $0xb8;
	[tilespmem:$0x1E800] =	vst v63  }
0xb5: {  	_ =	swait.ge [sflag:s26], $0x3200  }
0xb6: {  	[sflag:s26] =	ssyncset.done $0x0  }
0xb7: {  	s6 =	simm.s32 $0x2000;
	[sflag:s26] =	ssyncadd.s32 $0xFFFFCE00  }
0xb8: {  	[spmem:s2] =	stream.indirect.scatter.add.f32 [tilespmem:s24], [sflag:$0x5], $0x80, s6, s23, $0xb8;
	[tilespmem:$0x1E800] =	vst v63  }
0xb9: {  	_ =	swait.ge [sflag:s19], $0x3200  }
0xba: {  	[sflag:s19] =	ssyncset.done $0x0  }
0xbb: {  	s7 =	simm.s32 $0x100;
	[sflag:s19] =	ssyncadd.s32 $0xFFFFCE00  }
0xbc: {  	[tilespmem:s24], [sflag:$0x1] =	stream.indirect.gather [hbm4b:s4+s23], $0x80, s7, s23, $0xb8;
	[tilespmem:$0x1E800] =	vst v63  }
0xbd: {  	_ =	swait.ge [sflag:s28], $0x3200  }
0xbe: {  	[sflag:s28] =	ssyncset.done $0x0  }
0xbf: {  	s9 =	simm.s32 $0x2080;
	[sflag:s28] =	ssyncadd.s32 $0xFFFFCE00  }
0xc0: {  	[spmem:s2] =	stream.indirect.scatter.add.f32 [tilespmem:s25], [sflag:$0x5], $0x80, s9, s23, $0xb8;
	[tilespmem:$0x1E800] =	vst v63  }
0xc1: {  	_ =	swait.ge [sflag:s19], $0x3200  }
0xc2: {  	s1 =	simm.s32 $0x100;
	s5 =	simm.s32 $0x800;
	[sflag:s19] =	ssyncset.done $0x0  }
.LBB2_6:
0xc3: {  	s6 =	sadd.s32 $0x80, s1  }
0xc4: {  	[sflag:s19] =	ssyncadd.s32 $0xFFFFCE00;
	s7 =	smov.u32 s5;
	s9 =	sadd.s32 $0x400, s5  }
0xc5: {  	[tilespmem:s25], [sflag:$0x2] =	stream.indirect.gather [hbm4b:s4+s23], $0x80, s6, s23, $0xb8;
	[tilespmem:$0x1E800] =	vst v63  }
0xc6: {  	p0 =	sne.s32 s5, $0x2C00;
	_ =	swait.ge [sflag:s26], $0x3200  }
0xc7: {  	[sflag:s26] =	ssyncset.done $0x0  }
0xc8: {  	s5 =	sadd.s32 $0x2000, s1;
	[sflag:s26] =	ssyncadd.s32 $0xFFFFCE00  }
0xc9: {  	[spmem:s2] =	stream.indirect.scatter.add.f32 [tilespmem:s24], [sflag:$0x5], $0x80, s5, s23, $0xb8;
	[tilespmem:$0x1E800] =	vst v63  }
0xca: {  	_ =	swait.ge [sflag:s19], $0x3200  }
0xcb: {  	[sflag:s19] =	ssyncset.done $0x0  }
0xcc: {  	s5 =	sadd.s32 $0x100, s1;
	[sflag:s19] =	ssyncadd.s32 $0xFFFFCE00  }
0xcd: {  	[tilespmem:s24], [sflag:$0x1] =	stream.indirect.gather [hbm4b:s4+s23], $0x80, s5, s23, $0xb8;
	[tilespmem:$0x1E800] =	vst v63  }
0xce: {  	_ =	swait.ge [sflag:s28], $0x3200  }
.Ltmp2:
0xcf: {  	[sflag:s28] =	ssyncset.done $0x0;
	(pc) =	sbr.rel @p0 .LBB2_6-.Ltmp2, $4  }
0xd0: {  	s1 =	sadd.s32 $0x2080, s1;
	[sflag:s28] =	ssyncadd.s32 $0xFFFFCE00  }
0xd1: {  	[spmem:s2] =	stream.indirect.scatter.add.f32 [tilespmem:s25], [sflag:$0x5], $0x80, s1, s23, $0xb8;
	[tilespmem:$0x1E800] =	vst v63  }
0xd2: {  	_ =	swait.ge [sflag:s19], $0x3200  }
0xd3: {  	s5 =	smov.u32 s9;
	s1 =	sshra.s32 s7, $0x2;
	[sflag:s19] =	ssyncset.done $0x0  }
0xd4: {  	s5 =	sadd.s32 $0x80, s1;
	[sflag:s19] =	ssyncadd.s32 $0xFFFFCE00  }
0xd5: {  	[tilespmem:s25], [sflag:$0x2] =	stream.indirect.gather [hbm4b:s4+s23], $0x80, s5, s23, $0xb8;
	[tilespmem:$0x1E800] =	vst v63  }
0xd6: {  	_ =	swait.ge [sflag:s26], $0x3200  }
0xd7: {  	[sflag:s26] =	ssyncset.done $0x0  }
0xd8: {  	s6 =	sadd.s32 $0x2000, s1;
	[sflag:s26] =	ssyncadd.s32 $0xFFFFCE00  }
0xd9: {  	[spmem:s2] =	stream.indirect.scatter.add.f32 [tilespmem:s24], [sflag:$0x5], $0x80, s6, s23, $0xb8;
	[tilespmem:$0x1E800] =	vst v63  }
0xda: {  	_ =	swait.ge [sflag:s19], $0x3200  }
0xdb: {  	[sflag:s19] =	ssyncset.done $0x0  }
0xdc: {  	s7 =	sadd.s32 $0x100, s1;
	[sflag:s19] =	ssyncadd.s32 $0xFFFFCE00  }
0xdd: {  	[tilespmem:s24], [sflag:$0x1] =	stream.indirect.gather [hbm4b:s4+s23], $0x80, s7, s23, $0xb8;
	[tilespmem:$0x1E800] =	vst v63  }
0xde: {  	_ =	swait.ge [sflag:s28], $0x3200  }
0xdf: {  	[sflag:s28] =	ssyncset.done $0x0  }
0xe0: {  	s9 =	sadd.s32 $0x2080, s1;
	[sflag:s28] =	ssyncadd.s32 $0xFFFFCE00  }
0xe1: {  	[spmem:s2] =	stream.indirect.scatter.add.f32 [tilespmem:s25], [sflag:$0x5], $0x80, s9, s23, $0xb8;
	[tilespmem:$0x1E800] =	vst v63  }
0xe2: {  	_ =	swait.ge [sflag:s19], $0x3200  }
0xe3: {  	[sflag:s19] =	ssyncset.done $0x0  }
0xe4: {  	[sflag:s19] =	ssyncadd.s32 $0xFFFFCE00  }
0xe5: {  	_ =	swait.ge [sflag:s26], $0x3200  }
0xe6: {  	[sflag:s26] =	ssyncset.done $0x0  }
0xe7: {  	[sflag:s26] =	ssyncadd.s32 $0xFFFFCE00  }
0xe8: {  	[spmem:s2] =	stream.indirect.scatter.add.f32 [tilespmem:s24], [sflag:$0x5], $0x80, s29, s23, $0xb8;
	[tilespmem:$0x1E800] =	vst v63  }
0xe9: {  	_ =	swait.ge [sflag:s19], $0x3200  }
0xea: {  	[sflag:s19] =	ssyncset.done $0x0  }
0xeb: {  	[sflag:s19] =	ssyncadd.s32 $0xFFFFCE00  }
0xec: {  	_ =	swait.ge [sflag:s30], $0xC80  }
0xed: {  	[sflag:s30] =	ssyncset.done $0x0  }
0xee: {  	[sflag:s30] =	ssyncadd.s32 $0xFFFFF380  }
0xef: {  	_ =	swait.ge [sflag:s30], $0xC80  }
0xf0: {  	[sflag:s30] =	ssyncset.done $0x0  }
0xf1: {  	[sflag:s30] =	ssyncadd.s32 $0xFFFFF380  }
0xf2: {  	[tilespmem:s24], [sflag:$0x1] =	stream.indirect.gather [hbm4b:s4+s23], $0x80, s21, s23, $0xb8;
	[tilespmem:$0x1E800] =	vst v63  }
0xf3: {  	s5 =	simm.s32 $0x1080  }
0xf4: {  	[tilespmem:s25], [sflag:$0x2] =	stream.indirect.gather [hbm4b:s4+s23], $0x80, s5, s23, $0xb8;
	[tilespmem:$0x1E800] =	vst v63  }
0xf5: {  	_ =	swait.ge [sflag:s26], $0x3200  }
0xf6: {  	[sflag:s26] =	ssyncset.done $0x0  }
0xf7: {  	s6 =	simm.s32 $0x3000;
	[sflag:s26] =	ssyncadd.s32 $0xFFFFCE00  }
0xf8: {  	[spmem:s2] =	stream.indirect.scatter.add.f32 [tilespmem:s24], [sflag:$0x5], $0x80, s6, s23, $0xb8;
	[tilespmem:$0x1E800] =	vst v63  }
0xf9: {  	_ =	swait.ge [sflag:s19], $0x3200  }
0xfa: {  	[sflag:s19] =	ssyncset.done $0x0  }
0xfb: {  	s7 =	simm.s32 $0x1100;
	[sflag:s19] =	ssyncadd.s32 $0xFFFFCE00  }
0xfc: {  	[tilespmem:s24], [sflag:$0x1] =	stream.indirect.gather [hbm4b:s4+s23], $0x80, s7, s23, $0xb8;
	[tilespmem:$0x1E800] =	vst v63  }
0xfd: {  	_ =	swait.ge [sflag:s28], $0x3200  }
0xfe: {  	[sflag:s28] =	ssyncset.done $0x0  }
0xff: {  	s9 =	simm.s32 $0x3080;
	[sflag:s28] =	ssyncadd.s32 $0xFFFFCE00  }
0x100: {  	[spmem:s2] =	stream.indirect.scatter.add.f32 [tilespmem:s25], [sflag:$0x5], $0x80, s9, s23, $0xb8;
	[tilespmem:$0x1E800] =	vst v63  }
0x101: {  	_ =	swait.ge [sflag:s19], $0x3200  }
0x102: {  	s1 =	simm.s32 $0x100;
	s5 =	simm.s32 $0x800;
	[sflag:s19] =	ssyncset.done $0x0  }
.LBB2_8:
0x103: {  	s6 =	sadd.s32 $0x1080, s1  }
0x104: {  	[sflag:s19] =	ssyncadd.s32 $0xFFFFCE00;
	s7 =	smov.u32 s5;
	s9 =	sadd.s32 $0x400, s5  }
0x105: {  	[tilespmem:s25], [sflag:$0x2] =	stream.indirect.gather [hbm4b:s4+s23], $0x80, s6, s23, $0xb8;
	[tilespmem:$0x1E800] =	vst v63  }
0x106: {  	p0 =	sne.s32 s5, $0x2C00;
	_ =	swait.ge [sflag:s26], $0x3200  }
0x107: {  	[sflag:s26] =	ssyncset.done $0x0  }
0x108: {  	s5 =	sadd.s32 $0x3000, s1;
	[sflag:s26] =	ssyncadd.s32 $0xFFFFCE00  }
0x109: {  	[spmem:s2] =	stream.indirect.scatter.add.f32 [tilespmem:s24], [sflag:$0x5], $0x80, s5, s23, $0xb8;
	[tilespmem:$0x1E800] =	vst v63  }
0x10a: {  	_ =	swait.ge [sflag:s19], $0x3200  }
0x10b: {  	[sflag:s19] =	ssyncset.done $0x0  }
0x10c: {  	s5 =	sadd.s32 $0x1100, s1;
	[sflag:s19] =	ssyncadd.s32 $0xFFFFCE00  }
0x10d: {  	[tilespmem:s24], [sflag:$0x1] =	stream.indirect.gather [hbm4b:s4+s23], $0x80, s5, s23, $0xb8;
	[tilespmem:$0x1E800] =	vst v63  }
0x10e: {  	_ =	swait.ge [sflag:s28], $0x3200  }
.Ltmp3:
0x10f: {  	[sflag:s28] =	ssyncset.done $0x0;
	(pc) =	sbr.rel @p0 .LBB2_8-.Ltmp3, $4  }
0x110: {  	s1 =	sadd.s32 $0x3080, s1;
	[sflag:s28] =	ssyncadd.s32 $0xFFFFCE00  }
0x111: {  	[spmem:s2] =	stream.indirect.scatter.add.f32 [tilespmem:s25], [sflag:$0x5], $0x80, s1, s23, $0xb8;
	[tilespmem:$0x1E800] =	vst v63  }
0x112: {  	_ =	swait.ge [sflag:s19], $0x3200  }
0x113: {  	s5 =	smov.u32 s9;
	s1 =	sshra.s32 s7, $0x2;
	[sflag:s19] =	ssyncset.done $0x0  }
0x114: {  	s5 =	sadd.s32 $0x1080, s1;
	[sflag:s19] =	ssyncadd.s32 $0xFFFFCE00  }
0x115: {  	[tilespmem:s25], [sflag:$0x2] =	stream.indirect.gather [hbm4b:s4+s23], $0x80, s5, s23, $0xb8;
	[tilespmem:$0x1E800] =	vst v63  }
0x116: {  	_ =	swait.ge [sflag:s26], $0x3200  }
0x117: {  	[sflag:s26] =	ssyncset.done $0x0  }
0x118: {  	s6 =	sadd.s32 $0x3000, s1;
	[sflag:s26] =	ssyncadd.s32 $0xFFFFCE00  }
0x119: {  	[spmem:s2] =	stream.indirect.scatter.add.f32 [tilespmem:s24], [sflag:$0x5], $0x80, s6, s23, $0xb8;
	[tilespmem:$0x1E800] =	vst v63  }
0x11a: {  	_ =	swait.ge [sflag:s19], $0x3200  }
0x11b: {  	[sflag:s19] =	ssyncset.done $0x0  }
0x11c: {  	s7 =	sadd.s32 $0x1100, s1;
	[sflag:s19] =	ssyncadd.s32 $0xFFFFCE00  }
0x11d: {  	[tilespmem:s24], [sflag:$0x1] =	stream.indirect.gather [hbm4b:s4+s23], $0x80, s7, s23, $0xb8;
	[tilespmem:$0x1E800] =	vst v63  }
0x11e: {  	_ =	swait.ge [sflag:s28], $0x3200  }
0x11f: {  	[sflag:s28] =	ssyncset.done $0x0  }
0x120: {  	s9 =	sadd.s32 $0x3080, s1;
	[sflag:s28] =	ssyncadd.s32 $0xFFFFCE00  }
0x121: {  	[spmem:s2] =	stream.indirect.scatter.add.f32 [tilespmem:s25], [sflag:$0x5], $0x80, s9, s23, $0xb8;
	[tilespmem:$0x1E800] =	vst v63  }
0x122: {  	_ =	swait.ge [sflag:s19], $0x3200  }
0x123: {  	[sflag:s19] =	ssyncset.done $0x0  }
0x124: {  	[sflag:s19] =	ssyncadd.s32 $0xFFFFCE00  }
0x125: {  	_ =	swait.ge [sflag:s26], $0x3200  }
0x126: {  	[sflag:s26] =	ssyncset.done $0x0  }
0x127: {  	[sflag:s26] =	ssyncadd.s32 $0xFFFFCE00  }
0x128: {  	[spmem:s2] =	stream.indirect.scatter.add.f32 [tilespmem:s24], [sflag:$0x5], $0x80, s31, s23, $0xb8;
	[tilespmem:$0x1E800] =	vst v63  }
0x129: {  	_ =	swait.ge [sflag:s19], $0x3200  }
0x12a: {  	s0 =	sadd.s32 $0x1, s0;
	[sflag:s19] =	ssyncset.done $0x0  }
0x12b: {  	p0 =	sne.s32 s0, s16;
	[sflag:s19] =	ssyncadd.s32 $0xFFFFCE00  }
.Ltmp4:
0x12c: {  	[bflag:$0x0] =	sbarrier.arrive $0xFFFF;
	(pc) =	sbr.rel @p0 .LBB2_1-.Ltmp4, $4  }
0x12d: {  	[hbm:s15], [sflag:s8] =	dma.local [spmem:s18], $0x2800  }
0x12e: {  	_ =	swait.ge [sflag:s19], $0x2800  }
0x12f: {  	[sflag:s19] =	ssyncset.done $0x0  }
0x130: {  	[sflag:s19] =	ssyncadd.s32 $0xFFFFD800  }
0x131: {  	_ =	sfence.sel $0x180000  }
0x132: {  	[bflag:$0x0] =	sbarrier.arrive $0xFFFF  }
0x133: {  	_ =	strace $0x9000004A  }
0x134: {  	s0 =	stileid.u32;
	[bflag:$0x2] =	sbarrier.arrive $0xFFFF  }
0x135: {  	p0 =	sne.s32 s0, $0x0;
	s0 =	rddreg [dreg:$0x2]  }
0x136: {  	s0 =	sadd.s32 @!p0 $0x100000, s0  }
0x137: {  	[sflag:s0] =	ssyncadd.tile.s32 @!p0 $0x1;
	_ =	shalt  }
.Lfunc_end2:
_tile_overlayer_lowered:
.L_overlay_start_2:
0x138: {  	(tag) =	ssettag $0x2  }
0x139: {  	s0 =	rddreg [dreg:$0x0];
	s2 =	stileid.u32  }
0x13a: {  	s1 =	rddreg [dreg:$0x1];
	p0 =	sne.s32 s2, $0x0  }
0x13b: {  	s3 =	rddreg [dreg:$0x2];
	[bflag:$0x3] =	sbarrier.arrive $0xFFFF;
	s2 =	simm.s32 @!p0 $0x1C05  }
0x13c: {  	[timem:s3], [sflag:s2] =	dma.local @!p0 [hbm:s0], s1  }
0x13d: {  	s0 =	simm.s32 @!p0 $0x5  }
0x13e: {  	_ =	swait.ge @!p0 [sflag:s0], s1  }
0x13f: {  	s1 =	ssub.s32 @!p0 $0x0, s1;
	[sflag:s0] =	ssyncset.done @!p0 $0x0  }
0x140: {  	[sflag:s0] =	ssyncadd.s32 @!p0 s1  }
0x141: {  	[bflag:$0x3] =	sbarrier.arrive $0xFFFF  }
0x142: {  	_ =	shalt  }

// kernel: kernel.15.cloned.1.call-start
scs
__scs_entry_jumppad:
0x0: {  	(pc) =	sbr.rel $0x88, $3  }
0x1: {  	(tag) =	ssettag $0x0;
	lr =	simm.s32 $0x1  }
0x2: {  	[smem:$0x3F92] =	sst lr;
	_ =	strace $0xD0000000  }
0x3: {  	_ = 	snop  }
0x4: {  	_ = 	snop  }
0x5: {  	_ = 	snop  }
0x6: {  	_ = 	snop  }
0x7: {  	_ = 	snop  }
__scs_overlays_trampoline_lowered:
0x8: {  	[smem:$0x3FA1] =	sst s0  }
0x9: {  	[smem:$0x3FA2] =	sst s1  }
0xa: {  	[smem:$0x3FA3] =	sst s2  }
0xb: {  	[smem:$0x3FA4] =	sst s3  }
0xc: {  	[smem:$0x3FA5] =	sst s4  }
0xd: {  	[smem:$0x3FA6] =	sst s5  }
0xe: {  	[smem:$0x3FA7] =	sst s6  }
0xf: {  	[smem:$0x3FA8] =	sst s7  }
0x10: {  	[smem:$0x3FA9] =	sst s8  }
0x11: {  	[smem:$0x3FAA] =	sst s9;
	s0 =	simm.s32 @!p0 $0x0  }
0x12: {  	s1 =	sld [smem:$0x3F90];
	s0 =	simm.s32 @p0 $0x1  }
0x13: {  	[smem:$0x3FAB] =	sst s0;
	s0 =	simm.s32 @!p1 $0x0  }
0x14: {  	s2 =	sld [smem:$0x3F8F];
	s0 =	simm.s32 @p1 $0x1  }
0x15: {  	[smem:$0x3FAC] =	sst s0;
	s0 =	simm.s32 @!p2 $0x0  }
0x16: {  	s3 =	sld [smem:$0x3FDB];
	s0 =	simm.s32 @p2 $0x1  }
0x17: {  	s4 =	simm.s32 $0x1BF5;
	[smem:$0x3FAE] =	sst s0  }
0x18: {  	s0 =	sld [smem:$0x3F91];
	_ =	swait.ge [sflag:s4], $0x0  }
0x19: {  	s7 =	sld [smem:$0x3F92]  }
0x1a: {  	s8 =	sadd.s32 $0xFFFFE003, lr  }
0x1b: {  	s9 =	sadd.s32 $0xFFFFFEF7, lr;
	s5 =	simm.s32 $0xFFFFFFFF;
	p2 =	slt.u32 s8, $0xFFFFF086  }
0x1c: {  	p1 =	slt.u32 s9, $0xF7A;
	s5 =	simm.s32 @!p2 $0x0  }
0x1d: {  	s5 =	simm.s32 @p1 $0x1;
	p0 =	seq.s32 s7, s2  }
0x1e: {  	s7 =	smul.u32 @!p0 $0xF7A, s2;
	p2 =	seq.s32 @!p0 s5, $0x0  }
0x1f: {  	s9 =	smul.u32 $0xF7A, s1;
	s8 =	simm.s32 @!p0 $0x1BF5;
	p2 =	por !p2, p0  }
0x20: {  	[sflag:s8] =	ssyncset.s32 @!p0 $0xFFFFF086;
	s6 =	sadd.s32 @!p0 s3, s7;
	s7 =	simm.s32 @!p0 $0x108  }
0x21: {  	s3 =	sadd.s32 s3, s9;
	s6 =	sadd.s32 @!p0 $0x88, s6;
	s7 =	simm.s32 @p2 $0x1082  }
0x22: {  	[simem:s7], [sflag:s8] =	dma.local @!p0 [hbm:s6], $0xF7A  }
0x23: {  	s9 =	sor.u32 $0xD0000000, s2;
	s6 =	simm.s32 $0x108;
	_ =	swait.ge @!p0 [sflag:s8], $0x0  }
0x24: {  	s3 =	sadd.s32 $0x88, s3;
	s6 =	simm.s32 @!p1 $0x1082;
	[sflag:s4] =	ssyncset.s32 $0xFFFFF086  }
0x25: {  	[simem:s6], [sflag:s4] =	dma.local [hbm:s3], $0xF7A  }
0x26: {  	[smem:$0x3F92] =	sst s1;
	(tag) =	ssettag s2;
	_ =	strace s9  }
0x27: {  	s1 =	sld [smem:$0x3FA2]  }
0x28: {  	s2 =	sld [smem:$0x3FA3]  }
0x29: {  	s4 =	sld [smem:$0x3FA5]  }
0x2a: {  	p0 =	seq.s32 s5, $0x0;
	s5 =	sld [smem:$0x3FA6]  }
0x2b: {  	s6 =	sld [smem:$0x3FA7]  }
0x2c: {  	s7 =	sld [smem:$0x3FA8]  }
0x2d: {  	s3 =	simm.s32 $0x108;
	s8 =	sld [smem:$0x3FA9]  }
0x2e: {  	s3 =	simm.s32 @!p0 $0x1082;
	s9 =	sld [smem:$0x3FAA]  }
0x2f: {  	lr =	sadd.s32 s0, s3;
	s0 =	sld [smem:$0x3FA1]  }
0x30: {  	s3 =	sld [smem:$0x3FA4]  }
0x31: {  	[smem:$0x3FAD] =	sst s10  }
0x32: {  	s10 =	sld [smem:$0x3FAB];
	_ =	sdelay $0x3  }
0x33: {  	p0 =	seq.s32 s10, $0x1;
	s10 =	sld [smem:$0x3FAD];
	_ =	sdelay $0x3  }
0x34: {  	[smem:$0x3FAD] =	sst s10  }
0x35: {  	s10 =	sld [smem:$0x3FAC];
	_ =	sdelay $0x3  }
0x36: {  	p1 =	seq.s32 s10, $0x1;
	s10 =	sld [smem:$0x3FAD];
	_ =	sdelay $0x3  }
0x37: {  	[smem:$0x3FAD] =	sst s10  }
0x38: {  	s10 =	sld [smem:$0x3FAE]  }
0x39: {  	_ = 	snop;
	(pc) =	sbr.ind lr, $3  }
0x3a: {  	_ = 	snop  }
0x3b: {  	_ = 	snop  }
0x3c: {  	p2 =	seq.s32 s10, $0x1;
	s10 =	sld [smem:$0x3FAD]  }
0x3d: {  	_ =	shalt  }
0x3e: {  	_ =	shalt  }
0x3f: {  	_ =	shalt  }
0x40: {  	_ =	shalt  }
0x41: {  	_ =	shalt  }
0x42: {  	_ =	shalt  }
0x43: {  	_ =	shalt  }
0x44: {  	_ =	shalt  }
0x45: {  	_ =	shalt  }
0x46: {  	_ =	shalt  }
0x47: {  	_ =	shalt  }
0x48: {  	_ =	shalt  }
0x49: {  	_ =	shalt  }
0x4a: {  	_ =	shalt  }
0x4b: {  	_ =	shalt  }
0x4c: {  	_ =	shalt  }
0x4d: {  	_ =	shalt  }
0x4e: {  	_ =	shalt  }
0x4f: {  	_ =	shalt  }
0x50: {  	_ =	shalt  }
0x51: {  	_ =	shalt  }
0x52: {  	_ =	shalt  }
0x53: {  	_ =	shalt  }
0x54: {  	_ =	shalt  }
0x55: {  	_ =	shalt  }
0x56: {  	_ =	shalt  }
0x57: {  	_ =	shalt  }
0x58: {  	_ =	shalt  }
0x59: {  	_ =	shalt  }
0x5a: {  	_ =	shalt  }
0x5b: {  	_ =	shalt  }
0x5c: {  	_ =	shalt  }
0x5d: {  	_ =	shalt  }
0x5e: {  	_ =	shalt  }
0x5f: {  	_ =	shalt  }
0x60: {  	_ =	shalt  }
0x61: {  	_ =	shalt  }
0x62: {  	_ =	shalt  }
0x63: {  	_ =	shalt  }
0x64: {  	_ =	shalt  }
0x65: {  	_ =	shalt  }
0x66: {  	_ =	shalt  }
0x67: {  	_ =	shalt  }
0x68: {  	_ =	shalt  }
0x69: {  	_ =	shalt  }
0x6a: {  	_ =	shalt  }
0x6b: {  	_ =	shalt  }
0x6c: {  	_ =	shalt  }
0x6d: {  	_ =	shalt  }
0x6e: {  	_ =	shalt  }
0x6f: {  	_ =	shalt  }
0x70: {  	_ =	shalt  }
0x71: {  	_ =	shalt  }
0x72: {  	_ =	shalt  }
0x73: {  	_ =	shalt  }
0x74: {  	_ =	shalt  }
0x75: {  	_ =	shalt  }
0x76: {  	_ =	shalt  }
0x77: {  	_ =	shalt  }
0x78: {  	_ =	shalt  }
0x79: {  	_ =	shalt  }
0x7a: {  	_ =	shalt  }
0x7b: {  	_ =	shalt  }
0x7c: {  	_ =	shalt  }
0x7d: {  	_ =	shalt  }
0x7e: {  	_ =	shalt  }
0x7f: {  	_ =	shalt  }
0x80: {  	_ =	shalt  }
0x81: {  	_ =	shalt  }
0x82: {  	_ =	shalt  }
0x83: {  	_ =	shalt  }
0x84: {  	_ =	shalt  }
0x85: {  	_ =	shalt  }
0x86: {  	_ =	shalt  }
0x87: {  	_ =	shalt  }
.Lfunc_end0:
.L_simem_size_0:
called_computation.2_lowered:
.L_overlay_start_0:
0x88: {  	s2 =	sld [smem:$0x3FD9]  }
0x89: {  	s3 =	sld [smem:$0x3FFE];
	_ =	sdelay $0x1  }
0x8a: {  	s1 =	srdreg.scid  }
0x8b: {  	s0 =	sand.u32 $0x1, s1  }
0x8c: {  	s16 =	sshll.u32 s0, $0xA;
	s2 =	sadd.s32 s3, s2  }
0x8d: {  	s2 =	sadd.s32 s2, s16  }
0x8e: {  	[smem:$0x3FB9] =	sst s2  }
0x8f: {  	_ = 	snop  }
0x90: {  	(tm) =	ssettm $0x1  }
0x91: {  	s17 =	sld [smem:$0x3FFB];
	_ =	sdelay $0x3  }
0x92: {  	_ =	strace s17  }
0x93: {  	s2 =	sld [smem:$0x3FFC];
	_ =	sdelay $0x3  }
0x94: {  	_ =	strace s2  }
0x95: {  	s2 =	sld [smem:$0x3FFD];
	_ =	sdelay $0x3  }
0x96: {  	_ =	strace s2  }
0x97: {  	_ =	strace $0x8FFFFFFF  }
0x98: {  	s18 =	sld [smem:$0x3FDB];
	_ =	sdelay $0x1  }
0x99: {  	s19 =	simm.s32 $_scs_section_size  }
0x9a: {  	s4 =	simm.s32 $_size__tile_overlayer_lowered;
	s5 =	simm.s32 $_tile_overlayer_lowered  }
0x9b: {  	s22 =	simm.s32 $0x1BFF;
	s21 =	sshll.u32 s5, $0x1;
	s2 =	sadd.s32 s19, s18  }
0x9c: {  	s6 =	simm.s32 $0x0;
	s20 =	sshll.u32 s4, $0x1;
	s4 =	sadd.s32 s21, s2  }
0x9d: {  	[timem:s6], [sflag:s22] =	dma.local [hbm:s4], s20  }
0x9e: {  	_ =	swait.ge [sflag:s22], s20  }
0x9f: {  	s3 =	ssub.s32 $0x0, s20;
	[sflag:s22] =	ssyncset.done $0x0  }
0xa0: {  	[sflag:s22] =	ssyncadd.s32 s3;
	_ =	sdelay $0x1  }
0xa1: {  	s23 =	simm.s32 $0x1B8B  }
0xa2: {  	_ =	swait.ge [sflag:s23], $0x1  }
0xa3: {  	[sflag:s23] =	ssyncset.done $0x0  }
0xa4: {  	s25 =	simm.s32 $0x1B8E;
	s24 =	sld [smem:$0x3FFE];
	[sflag:s23] =	ssyncadd.s32 $0xFFFFFFFF  }
0xa5: {  	s26 =	simm.s32 $execute0_lowered;
	[smem:$0x3FD2] =	sst s25  }
0xa6: {  	s4 =	sshll.u32 s26, $0x1;
	_ =	strace $0x8000004C;
	[dreg:$0x1] =	wrdreg $0xFFFFFFFF  }
0xa7: {  	s28 =	simm.s32 $_size_execute0_lowered;
	s2 =	sadd.s32 s2, s4;
	[dreg:$0x0] =	wrdreg $0x0  }
0xa8: {  	s4 =	sshll.u32 s28, $0x1;
	[dreg:$0x2] =	wrdreg s2  }
0xa9: {  	[dreg:$0x3] =	wrdreg s4  }
0xaa: {  	[dreg:$0x4] =	wrdreg $0xC0  }
0xab: {  	_ =	task [dreg:s6], $0x5FFFF  }
0xac: {  	[dreg:$0x1] =	wrdreg $0xFFFFFFFF  }
0xad: {  	[dreg:$0x0] =	wrdreg $0x60  }
0xae: {  	[dreg:$0x2] =	wrdreg s24  }
0xaf: {  	[dreg:$0x3] =	wrdreg $0xA8000  }
0xb0: {  	[dreg:$0x4] =	wrdreg $0x9  }
0xb1: {  	_ =	task.clear_ibuf [dreg:s6], $0x5FFFF;
	_ =	strace $0x9000004C  }
0xb2: {  	s29 =	simm.s32 $0x9;
	_ =	strace $0x8000004E  }
0xb3: {  	_ =	swait.ge [sflag:s29], $0x1  }
0xb4: {  	[sflag:s29] =	ssyncadd.s32 $0xFFFFFFFF  }
0xb5: {  	_ =	strace $0x9000004E  }
0xb6: {  	_ =	sfence  }
0xb7: {  	s30 =	sld [smem:$0x0];
	_ =	sdelay $0x2  }
0xb8: {  	s31 =	sshll.u32 s1, $0xD;
	s1 =	sshrl.u32 s1, $0x2  }
0xb9: {  	s3 =	sand.u32 $0x4000, s31;
	s1 =	sadd.s32 s1, s30  }
0xba: {  	s0 =	sor.u32 s3, s0;
	s1 =	sshll.u32 s1, $0x11  }
0xbb: {  	s0 =	sor.u32 s1, s0  }
0xbc: {  	s0 =	sadd.s32 $0x8F2B, s0  }
0xbd: {  	[sflag:s0] =	ssyncadd.remote.s32 $0x1  }
0xbe: {  	_ =	sfence.sel $0xFFFF  }
0xbf: {  	[dreg:$0x0] =	wrdreg $0xFFFFFFFF;
	(pc) =	sbr.abs _section_cstart, $3  }
0xc0: {  	[dreg:$0x1] =	wrdreg $0xFFFFFFFF  }
0xc1: {  	_ =	task.clear_ibuf [dreg:s6], $0x2FFFF;
	_ =	strace $0x9FFFFFFF  }
0xc2: {  	(tm) =	ssettm $0x7FFFFFFF  }
0xc3: {  	_ =	shalt  }
tec
execute0_lowered:
.L_overlay_start_1:
0x0: {  	(tag) =	ssettag $0x1  }
0x1: {  	s0 =	rddreg [dreg:$0x0]  }
0x2: {  	s1 =	srdreg.scid;
	s2 =	rddreg [dreg:$0x1]  }
0x3: {  	s9 =	stileid.u32;
	s3 =	simm.s32 $0x0;
	s17 =	simm.s32 $0x2000  }
0x4: {  	s19 =	simm.s32 $0x5;
	s20 =	simm.s32 $0x3;
	s21 =	simm.s32 $0x1000  }
0x5: {  	s22 =	simm.s32 $0x3000;
	s28 =	simm.s32 $0x2;
	s29 =	simm.s32 $0x2C00  }
0x6: {  	s30 =	simm.s32 $0x4;
	s31 =	simm.s32 $0x3C00;
	s1 =	sand.u32 $0x1, s1  }
0x7: {  	s5 =	smul.u32 $0x14000, s9;
	[smem:$0x7FF] =	sst s3;
	s13 =	sadd.s32 $0x2C00, s0  }
0x8: {  	s14 =	sadd.s32 $0x12C00, s0;
	s6 =	sadd.s32 $0x4AC00, s0;
	s8 =	smul.u32 $0x50000, s9  }
0x9: {  	s24 =	sshll.u32 s9, $0xC;
	s9 =	sshll.u32 s9, $0x6;
	s4 =	smul.u32 $0x140000, s1  }
0xa: {  	_ =	strace $0x8000004D;
	s23 =	ssub.s32 $0x2, s1;
	s1 =	sshll.u32 s1, $0xB  }
0xb: {  	[dreg:$0x3] =	wrdreg s6;
	s7 =	sshrl.u32 s23, $0x1;
	s1 =	sor.u32 s1, s24  }
0xc: {  	s8 =	sshrl.u32 s8, $0x2;
	s24 =	simm.s32 $0x4000;
	s5 =	sadd.s32 s5, s4  }
0xd: {  	s4 =	sadd.s32 $0x22C00, s0;
	s6 =	sadd.s32 s13, s1;
	s25 =	sadd.s32 s14, s1  }
0xe: {  	s10 =	sor.u32 $0x200, s1;
	s18 =	sadd.s32 s8, s2;
	s8 =	sor.u32 $0x1C05, s9  }
0xf: {  	s12 =	sor.u32 $0x400, s1;
	s1 =	sor.u32 $0x600, s1;
	[dreg:$0x4] =	wrdreg s6  }
0x10: {  	s5 =	sshrl.u32 s5, $0x3;
	[dreg:$0x5] =	wrdreg s25;
	s26 =	sadd.s32 s13, s10  }
0x11: {  	s10 =	sadd.s32 s14, s10;
	s11 =	sadd.s32 s13, s12;
	s12 =	sadd.s32 s14, s12  }
0x12: {  	s13 =	sadd.s32 s13, s1;
	s14 =	sadd.s32 s14, s1;
	s18 =	sshrl.u32 s18, $0x3  }
0x13: {  	s25 =	simm.s32 $0x7400;
	s0 =	sadd.s32 s5, s0;
	s5 =	ssub.s32 s23, s7  }
0x14: {  	[dreg:$0x6] =	wrdreg s26;
	s23 =	simm.s32 $0x64;
	s26 =	simm.s32 $0x1  }
0x15: {  	s15 =	sadd.s32 $0x4D400, s0;
	s16 =	smax.u32 s5, $0x1;
	s0 =	simm.s32 $0x0  }
.LBB2_1:
0x16: {  	s1 =	rddreg [dreg:$0x4]  }
0x17: {  	s6 =	rddreg [dreg:$0x5]  }
0x18: {  	[tilespmem:s3], [sflag:$0x3] =	stream.linear.gather [hbm4b:s1+s3], $0xC80, $0x38;
	[tilespmem:$0x1E800] =	vst v63  }
0x19: {  	s7 =	rddreg [dreg:$0x3]  }
0x1a: {  	[tilespmem:s17], [sflag:$0x3] =	stream.linear.gather [hbm4b:s6+s3], $0xC80, $0x38;
	[tilespmem:$0x1E800] =	vst v63  }
0x1b: {  	[spmem:s18], [sflag:s8] =	dma.local [hbm:s7], $0x2800  }
0x1c: {  	_ =	swait.ge [sflag:s19], $0x2800  }
0x1d: {  	[sflag:s19] =	ssyncset.done $0x0  }
0x1e: {  	[sflag:s19] =	ssyncadd.s32 $0xFFFFD800  }
0x1f: {  	[bflag:$0x0] =	sbarrier.arrive $0xFFFF  }
0x20: {  	_ =	swait.ge [sflag:s20], $0xC80  }
0x21: {  	[sflag:s20] =	ssyncset.done $0x0  }
0x22: {  	[sflag:s20] =	ssyncadd.s32 $0xFFFFF380  }
0x23: {  	_ =	swait.ge [sflag:s20], $0xC80  }
0x24: {  	[sflag:s20] =	ssyncset.done $0x0  }
0x25: {  	s9 =	rddreg [dreg:$0x6];
	[sflag:s20] =	ssyncadd.s32 $0xFFFFF380  }
0x26: {  	[tilespmem:s21], [sflag:$0x4] =	stream.linear.gather [hbm4b:s9+s3], $0xC80, $0x38;
	[tilespmem:$0x1E800] =	vst v63  }
0x27: {  	_ = 	snop  }
0x28: {  	[tilespmem:s22], [sflag:$0x4] =	stream.linear.gather [hbm4b:s10+s3], $0xC80, $0x38;
	[tilespmem:$0x1E800] =	vst v63  }
0x29: {  	_ = 	snop  }
0x2a: {  	[tilespmem:s24], [sflag:$0x1] =	stream.indirect.gather [hbm4b:s4+s23], $0x80, s3, s23, $0xb8;
	[tilespmem:$0x1E800] =	vst v63  }
0x2b: {  	s5 =	simm.s32 $0x80  }
0x2c: {  	[tilespmem:s25], [sflag:$0x2] =	stream.indirect.gather [hbm4b:s4+s23], $0x80, s5, s23, $0xb8;
	[tilespmem:$0x1E800] =	vst v63  }
0x2d: {  	_ =	swait.ge [sflag:s26], $0x3200  }
0x2e: {  	[sflag:s26] =	ssyncset.done $0x0  }
0x2f: {  	s6 =	simm.s32 $0x2000;
	[sflag:s26] =	ssyncadd.s32 $0xFFFFCE00  }
0x30: {  	[spmem:s2] =	stream.indirect.scatter.add.f32 [tilespmem:s24], [sflag:$0x5], $0x80, s6, s23, $0xb8;
	[tilespmem:$0x1E800] =	vst v63  }
0x31: {  	_ =	swait.ge [sflag:s19], $0x3200  }
0x32: {  	[sflag:s19] =	ssyncset.done $0x0  }
0x33: {  	s7 =	simm.s32 $0x100;
	[sflag:s19] =	ssyncadd.s32 $0xFFFFCE00  }
0x34: {  	[tilespmem:s24], [sflag:$0x1] =	stream.indirect.gather [hbm4b:s4+s23], $0x80, s7, s23, $0xb8;
	[tilespmem:$0x1E800] =	vst v63  }
0x35: {  	_ =	swait.ge [sflag:s28], $0x3200  }
0x36: {  	[sflag:s28] =	ssyncset.done $0x0  }
0x37: {  	s9 =	simm.s32 $0x2080;
	[sflag:s28] =	ssyncadd.s32 $0xFFFFCE00  }
0x38: {  	[spmem:s2] =	stream.indirect.scatter.add.f32 [tilespmem:s25], [sflag:$0x5], $0x80, s9, s23, $0xb8;
	[tilespmem:$0x1E800] =	vst v63  }
0x39: {  	_ =	swait.ge [sflag:s19], $0x3200  }
0x3a: {  	s1 =	simm.s32 $0x100;
	s5 =	simm.s32 $0x800;
	[sflag:s19] =	ssyncset.done $0x0  }
.LBB2_2:
0x3b: {  	s6 =	sadd.s32 $0x80, s1  }
0x3c: {  	[sflag:s19] =	ssyncadd.s32 $0xFFFFCE00;
	s7 =	smov.u32 s5;
	s9 =	sadd.s32 $0x400, s5  }
0x3d: {  	[tilespmem:s25], [sflag:$0x2] =	stream.indirect.gather [hbm4b:s4+s23], $0x80, s6, s23, $0xb8;
	[tilespmem:$0x1E800] =	vst v63  }
0x3e: {  	p0 =	sne.s32 s5, $0x2C00;
	_ =	swait.ge [sflag:s26], $0x3200  }
0x3f: {  	[sflag:s26] =	ssyncset.done $0x0  }
0x40: {  	s5 =	sadd.s32 $0x2000, s1;
	[sflag:s26] =	ssyncadd.s32 $0xFFFFCE00  }
0x41: {  	[spmem:s2] =	stream.indirect.scatter.add.f32 [tilespmem:s24], [sflag:$0x5], $0x80, s5, s23, $0xb8;
	[tilespmem:$0x1E800] =	vst v63  }
0x42: {  	_ =	swait.ge [sflag:s19], $0x3200  }
0x43: {  	[sflag:s19] =	ssyncset.done $0x0  }
0x44: {  	s5 =	sadd.s32 $0x100, s1;
	[sflag:s19] =	ssyncadd.s32 $0xFFFFCE00  }
0x45: {  	[tilespmem:s24], [sflag:$0x1] =	stream.indirect.gather [hbm4b:s4+s23], $0x80, s5, s23, $0xb8;
	[tilespmem:$0x1E800] =	vst v63  }
0x46: {  	_ =	swait.ge [sflag:s28], $0x3200  }
.Ltmp0:
0x47: {  	[sflag:s28] =	ssyncset.done $0x0;
	(pc) =	sbr.rel @p0 .LBB2_2-.Ltmp0, $4  }
0x48: {  	s1 =	sadd.s32 $0x2080, s1;
	[sflag:s28] =	ssyncadd.s32 $0xFFFFCE00  }
0x49: {  	[spmem:s2] =	stream.indirect.scatter.add.f32 [tilespmem:s25], [sflag:$0x5], $0x80, s1, s23, $0xb8;
	[tilespmem:$0x1E800] =	vst v63  }
0x4a: {  	_ =	swait.ge [sflag:s19], $0x3200  }
0x4b: {  	s5 =	smov.u32 s9;
	s1 =	sshra.s32 s7, $0x2;
	[sflag:s19] =	ssyncset.done $0x0  }
0x4c: {  	s5 =	sadd.s32 $0x80, s1;
	[sflag:s19] =	ssyncadd.s32 $0xFFFFCE00  }
0x4d: {  	[tilespmem:s25], [sflag:$0x2] =	stream.indirect.gather [hbm4b:s4+s23], $0x80, s5, s23, $0xb8;
	[tilespmem:$0x1E800] =	vst v63  }
0x4e: {  	_ =	swait.ge [sflag:s26], $0x3200  }
0x4f: {  	[sflag:s26] =	ssyncset.done $0x0  }
0x50: {  	s9 =	sadd.s32 $0x2000, s1;
	[sflag:s26] =	ssyncadd.s32 $0xFFFFCE00  }
0x51: {  	[spmem:s2] =	stream.indirect.scatter.add.f32 [tilespmem:s24], [sflag:$0x5], $0x80, s9, s23, $0xb8;
	[tilespmem:$0x1E800] =	vst v63  }
0x52: {  	_ =	swait.ge [sflag:s19], $0x3200  }
0x53: {  	[sflag:s19] =	ssyncset.done $0x0  }
0x54: {  	s6 =	sadd.s32 $0x100, s1;
	[sflag:s19] =	ssyncadd.s32 $0xFFFFCE00  }
0x55: {  	[tilespmem:s24], [sflag:$0x1] =	stream.indirect.gather [hbm4b:s4+s23], $0x80, s6, s23, $0xb8;
	[tilespmem:$0x1E800] =	vst v63  }
0x56: {  	_ =	swait.ge [sflag:s28], $0x3200  }
0x57: {  	[sflag:s28] =	ssyncset.done $0x0  }
0x58: {  	s7 =	sadd.s32 $0x2080, s1;
	[sflag:s28] =	ssyncadd.s32 $0xFFFFCE00  }
0x59: {  	[spmem:s2] =	stream.indirect.scatter.add.f32 [tilespmem:s25], [sflag:$0x5], $0x80, s7, s23, $0xb8;
	[tilespmem:$0x1E800] =	vst v63  }
0x5a: {  	_ =	swait.ge [sflag:s19], $0x3200  }
0x5b: {  	[sflag:s19] =	ssyncset.done $0x0  }
0x5c: {  	[sflag:s19] =	ssyncadd.s32 $0xFFFFCE00  }
0x5d: {  	_ =	swait.ge [sflag:s26], $0x3200  }
0x5e: {  	[sflag:s26] =	ssyncset.done $0x0  }
0x5f: {  	[sflag:s26] =	ssyncadd.s32 $0xFFFFCE00  }
0x60: {  	[spmem:s2] =	stream.indirect.scatter.add.f32 [tilespmem:s24], [sflag:$0x5], $0x80, s29, s23, $0xb8;
	[tilespmem:$0x1E800] =	vst v63  }
0x61: {  	_ =	swait.ge [sflag:s19], $0x3200  }
0x62: {  	[sflag:s19] =	ssyncset.done $0x0  }
0x63: {  	[sflag:s19] =	ssyncadd.s32 $0xFFFFCE00  }
0x64: {  	_ =	swait.ge [sflag:s30], $0xC80  }
0x65: {  	[sflag:s30] =	ssyncset.done $0x0  }
0x66: {  	[sflag:s30] =	ssyncadd.s32 $0xFFFFF380  }
0x67: {  	_ =	swait.ge [sflag:s30], $0xC80  }
0x68: {  	[sflag:s30] =	ssyncset.done $0x0  }
0x69: {  	s9 =	simm.s32 $0x0;
	[sflag:s30] =	ssyncadd.s32 $0xFFFFF380  }
0x6a: {  	[tilespmem:s9], [sflag:$0x3] =	stream.linear.gather [hbm4b:s11+s9], $0xC80, $0x38;
	[tilespmem:$0x1E800] =	vst v63  }
0x6b: {  	_ = 	snop  }
0x6c: {  	[tilespmem:s17], [sflag:$0x3] =	stream.linear.gather [hbm4b:s12+s9], $0xC80, $0x38;
	[tilespmem:$0x1E800] =	vst v63  }
0x6d: {  	_ = 	snop  }
0x6e: {  	[tilespmem:s24], [sflag:$0x1] =	stream.indirect.gather [hbm4b:s4+s23], $0x80, s21, s23, $0xb8;
	[tilespmem:$0x1E800] =	vst v63  }
0x6f: {  	s5 =	simm.s32 $0x1080  }
0x70: {  	[tilespmem:s25], [sflag:$0x2] =	stream.indirect.gather [hbm4b:s4+s23], $0x80, s5, s23, $0xb8;
	[tilespmem:$0x1E800] =	vst v63  }
0x71: {  	_ =	swait.ge [sflag:s26], $0x3200  }
0x72: {  	[sflag:s26] =	ssyncset.done $0x0  }
0x73: {  	s6 =	simm.s32 $0x3000;
	[sflag:s26] =	ssyncadd.s32 $0xFFFFCE00  }
0x74: {  	[spmem:s2] =	stream.indirect.scatter.add.f32 [tilespmem:s24], [sflag:$0x5], $0x80, s6, s23, $0xb8;
	[tilespmem:$0x1E800] =	vst v63  }
0x75: {  	_ =	swait.ge [sflag:s19], $0x3200  }
0x76: {  	[sflag:s19] =	ssyncset.done $0x0  }
0x77: {  	s7 =	simm.s32 $0x1100;
	[sflag:s19] =	ssyncadd.s32 $0xFFFFCE00  }
0x78: {  	[tilespmem:s24], [sflag:$0x1] =	stream.indirect.gather [hbm4b:s4+s23], $0x80, s7, s23, $0xb8;
	[tilespmem:$0x1E800] =	vst v63  }
0x79: {  	_ =	swait.ge [sflag:s28], $0x3200  }
0x7a: {  	[sflag:s28] =	ssyncset.done $0x0  }
0x7b: {  	s9 =	simm.s32 $0x3080;
	[sflag:s28] =	ssyncadd.s32 $0xFFFFCE00  }
0x7c: {  	[spmem:s2] =	stream.indirect.scatter.add.f32 [tilespmem:s25], [sflag:$0x5], $0x80, s9, s23, $0xb8;
	[tilespmem:$0x1E800] =	vst v63  }
0x7d: {  	_ =	swait.ge [sflag:s19], $0x3200  }
0x7e: {  	s1 =	simm.s32 $0x100;
	s5 =	simm.s32 $0x800;
	[sflag:s19] =	ssyncset.done $0x0  }
.LBB2_4:
0x7f: {  	s6 =	sadd.s32 $0x1080, s1  }
0x80: {  	[sflag:s19] =	ssyncadd.s32 $0xFFFFCE00;
	s7 =	smov.u32 s5;
	s9 =	sadd.s32 $0x400, s5  }
0x81: {  	[tilespmem:s25], [sflag:$0x2] =	stream.indirect.gather [hbm4b:s4+s23], $0x80, s6, s23, $0xb8;
	[tilespmem:$0x1E800] =	vst v63  }
0x82: {  	p0 =	sne.s32 s5, $0x2C00;
	_ =	swait.ge [sflag:s26], $0x3200  }
0x83: {  	[sflag:s26] =	ssyncset.done $0x0  }
0x84: {  	s5 =	sadd.s32 $0x3000, s1;
	[sflag:s26] =	ssyncadd.s32 $0xFFFFCE00  }
0x85: {  	[spmem:s2] =	stream.indirect.scatter.add.f32 [tilespmem:s24], [sflag:$0x5], $0x80, s5, s23, $0xb8;
	[tilespmem:$0x1E800] =	vst v63  }
0x86: {  	_ =	swait.ge [sflag:s19], $0x3200  }
0x87: {  	[sflag:s19] =	ssyncset.done $0x0  }
0x88: {  	s5 =	sadd.s32 $0x1100, s1;
	[sflag:s19] =	ssyncadd.s32 $0xFFFFCE00  }
0x89: {  	[tilespmem:s24], [sflag:$0x1] =	stream.indirect.gather [hbm4b:s4+s23], $0x80, s5, s23, $0xb8;
	[tilespmem:$0x1E800] =	vst v63  }
0x8a: {  	_ =	swait.ge [sflag:s28], $0x3200  }
.Ltmp1:
0x8b: {  	[sflag:s28] =	ssyncset.done $0x0;
	(pc) =	sbr.rel @p0 .LBB2_4-.Ltmp1, $4  }
0x8c: {  	s1 =	sadd.s32 $0x3080, s1;
	[sflag:s28] =	ssyncadd.s32 $0xFFFFCE00  }
0x8d: {  	[spmem:s2] =	stream.indirect.scatter.add.f32 [tilespmem:s25], [sflag:$0x5], $0x80, s1, s23, $0xb8;
	[tilespmem:$0x1E800] =	vst v63  }
0x8e: {  	_ =	swait.ge [sflag:s19], $0x3200  }
0x8f: {  	s5 =	smov.u32 s9;
	s1 =	sshra.s32 s7, $0x2;
	[sflag:s19] =	ssyncset.done $0x0  }
0x90: {  	s5 =	sadd.s32 $0x1080, s1;
	[sflag:s19] =	ssyncadd.s32 $0xFFFFCE00  }
0x91: {  	[tilespmem:s25], [sflag:$0x2] =	stream.indirect.gather [hbm4b:s4+s23], $0x80, s5, s23, $0xb8;
	[tilespmem:$0x1E800] =	vst v63  }
0x92: {  	_ =	swait.ge [sflag:s26], $0x3200  }
0x93: {  	[sflag:s26] =	ssyncset.done $0x0  }
0x94: {  	s9 =	sadd.s32 $0x3000, s1;
	[sflag:s26] =	ssyncadd.s32 $0xFFFFCE00  }
0x95: {  	[spmem:s2] =	stream.indirect.scatter.add.f32 [tilespmem:s24], [sflag:$0x5], $0x80, s9, s23, $0xb8;
	[tilespmem:$0x1E800] =	vst v63  }
0x96: {  	_ =	swait.ge [sflag:s19], $0x3200  }
0x97: {  	[sflag:s19] =	ssyncset.done $0x0  }
0x98: {  	s6 =	sadd.s32 $0x1100, s1;
	[sflag:s19] =	ssyncadd.s32 $0xFFFFCE00  }
0x99: {  	[tilespmem:s24], [sflag:$0x1] =	stream.indirect.gather [hbm4b:s4+s23], $0x80, s6, s23, $0xb8;
	[tilespmem:$0x1E800] =	vst v63  }
0x9a: {  	_ =	swait.ge [sflag:s28], $0x3200  }
0x9b: {  	[sflag:s28] =	ssyncset.done $0x0  }
0x9c: {  	s7 =	sadd.s32 $0x3080, s1;
	[sflag:s28] =	ssyncadd.s32 $0xFFFFCE00  }
0x9d: {  	[spmem:s2] =	stream.indirect.scatter.add.f32 [tilespmem:s25], [sflag:$0x5], $0x80, s7, s23, $0xb8;
	[tilespmem:$0x1E800] =	vst v63  }
0x9e: {  	_ =	swait.ge [sflag:s19], $0x3200  }
0x9f: {  	[sflag:s19] =	ssyncset.done $0x0  }
0xa0: {  	[sflag:s19] =	ssyncadd.s32 $0xFFFFCE00  }
0xa1: {  	_ =	swait.ge [sflag:s26], $0x3200  }
0xa2: {  	[sflag:s26] =	ssyncset.done $0x0  }
0xa3: {  	[sflag:s26] =	ssyncadd.s32 $0xFFFFCE00  }
0xa4: {  	[spmem:s2] =	stream.indirect.scatter.add.f32 [tilespmem:s24], [sflag:$0x5], $0x80, s31, s23, $0xb8;
	[tilespmem:$0x1E800] =	vst v63  }
0xa5: {  	_ =	swait.ge [sflag:s19], $0x3200  }
0xa6: {  	[sflag:s19] =	ssyncset.done $0x0  }
0xa7: {  	[sflag:s19] =	ssyncadd.s32 $0xFFFFCE00  }
0xa8: {  	_ =	swait.ge [sflag:s20], $0xC80  }
0xa9: {  	[sflag:s20] =	ssyncset.done $0x0  }
0xaa: {  	[sflag:s20] =	ssyncadd.s32 $0xFFFFF380  }
0xab: {  	_ =	swait.ge [sflag:s20], $0xC80  }
0xac: {  	[sflag:s20] =	ssyncset.done $0x0  }
0xad: {  	s9 =	simm.s32 $0x0;
	[sflag:s20] =	ssyncadd.s32 $0xFFFFF380  }
0xae: {  	[tilespmem:s21], [sflag:$0x4] =	stream.linear.gather [hbm4b:s13+s9], $0xC80, $0x38;
	[tilespmem:$0x1E800] =	vst v63  }
0xaf: {  	_ = 	snop  }
0xb0: {  	[tilespmem:s22], [sflag:$0x4] =	stream.linear.gather [hbm4b:s14+s9], $0xC80, $0x38;
	[tilespmem:$0x1E800] =	vst v63  }
0xb1: {  	_ = 	snop  }
0xb2: {  	[tilespmem:s24], [sflag:$0x1] =	stream.indirect.gather [hbm4b:s4+s23], $0x80, s9, s23, $0xb8;
	[tilespmem:$0x1E800] =	vst v63  }
0xb3: {  	s5 =	simm.s32 $0x80  }
0xb4: {  	[tilespmem:s25], [sflag:$0x2] =	stream.indirect.gather [hbm4b:s4+s23], $0x80, s5, s23, $0xb8;
	[tilespmem:$0x1E800] =	vst v63  }
0xb5: {  	_ =	swait.ge [sflag:s26], $0x3200  }
0xb6: {  	[sflag:s26] =	ssyncset.done $0x0  }
0xb7: {  	s6 =	simm.s32 $0x2000;
	[sflag:s26] =	ssyncadd.s32 $0xFFFFCE00  }
0xb8: {  	[spmem:s2] =	stream.indirect.scatter.add.f32 [tilespmem:s24], [sflag:$0x5], $0x80, s6, s23, $0xb8;
	[tilespmem:$0x1E800] =	vst v63  }
0xb9: {  	_ =	swait.ge [sflag:s19], $0x3200  }
0xba: {  	[sflag:s19] =	ssyncset.done $0x0  }
0xbb: {  	s7 =	simm.s32 $0x100;
	[sflag:s19] =	ssyncadd.s32 $0xFFFFCE00  }
0xbc: {  	[tilespmem:s24], [sflag:$0x1] =	stream.indirect.gather [hbm4b:s4+s23], $0x80, s7, s23, $0xb8;
	[tilespmem:$0x1E800] =	vst v63  }
0xbd: {  	_ =	swait.ge [sflag:s28], $0x3200  }
0xbe: {  	[sflag:s28] =	ssyncset.done $0x0  }
0xbf: {  	s9 =	simm.s32 $0x2080;
	[sflag:s28] =	ssyncadd.s32 $0xFFFFCE00  }
0xc0: {  	[spmem:s2] =	stream.indirect.scatter.add.f32 [tilespmem:s25], [sflag:$0x5], $0x80, s9, s23, $0xb8;
	[tilespmem:$0x1E800] =	vst v63  }
0xc1: {  	_ =	swait.ge [sflag:s19], $0x3200  }
0xc2: {  	s1 =	simm.s32 $0x100;
	s5 =	simm.s32 $0x800;
	[sflag:s19] =	ssyncset.done $0x0  }
.LBB2_6:
0xc3: {  	s6 =	sadd.s32 $0x80, s1  }
0xc4: {  	[sflag:s19] =	ssyncadd.s32 $0xFFFFCE00;
	s7 =	smov.u32 s5;
	s9 =	sadd.s32 $0x400, s5  }
0xc5: {  	[tilespmem:s25], [sflag:$0x2] =	stream.indirect.gather [hbm4b:s4+s23], $0x80, s6, s23, $0xb8;
	[tilespmem:$0x1E800] =	vst v63  }
0xc6: {  	p0 =	sne.s32 s5, $0x2C00;
	_ =	swait.ge [sflag:s26], $0x3200  }
0xc7: {  	[sflag:s26] =	ssyncset.done $0x0  }
0xc8: {  	s5 =	sadd.s32 $0x2000, s1;
	[sflag:s26] =	ssyncadd.s32 $0xFFFFCE00  }
0xc9: {  	[spmem:s2] =	stream.indirect.scatter.add.f32 [tilespmem:s24], [sflag:$0x5], $0x80, s5, s23, $0xb8;
	[tilespmem:$0x1E800] =	vst v63  }
0xca: {  	_ =	swait.ge [sflag:s19], $0x3200  }
0xcb: {  	[sflag:s19] =	ssyncset.done $0x0  }
0xcc: {  	s5 =	sadd.s32 $0x100, s1;
	[sflag:s19] =	ssyncadd.s32 $0xFFFFCE00  }
0xcd: {  	[tilespmem:s24], [sflag:$0x1] =	stream.indirect.gather [hbm4b:s4+s23], $0x80, s5, s23, $0xb8;
	[tilespmem:$0x1E800] =	vst v63  }
0xce: {  	_ =	swait.ge [sflag:s28], $0x3200  }
.Ltmp2:
0xcf: {  	[sflag:s28] =	ssyncset.done $0x0;
	(pc) =	sbr.rel @p0 .LBB2_6-.Ltmp2, $4  }
0xd0: {  	s1 =	sadd.s32 $0x2080, s1;
	[sflag:s28] =	ssyncadd.s32 $0xFFFFCE00  }
0xd1: {  	[spmem:s2] =	stream.indirect.scatter.add.f32 [tilespmem:s25], [sflag:$0x5], $0x80, s1, s23, $0xb8;
	[tilespmem:$0x1E800] =	vst v63  }
0xd2: {  	_ =	swait.ge [sflag:s19], $0x3200  }
0xd3: {  	s5 =	smov.u32 s9;
	s1 =	sshra.s32 s7, $0x2;
	[sflag:s19] =	ssyncset.done $0x0  }
0xd4: {  	s5 =	sadd.s32 $0x80, s1;
	[sflag:s19] =	ssyncadd.s32 $0xFFFFCE00  }
0xd5: {  	[tilespmem:s25], [sflag:$0x2] =	stream.indirect.gather [hbm4b:s4+s23], $0x80, s5, s23, $0xb8;
	[tilespmem:$0x1E800] =	vst v63  }
0xd6: {  	_ =	swait.ge [sflag:s26], $0x3200  }
0xd7: {  	[sflag:s26] =	ssyncset.done $0x0  }
0xd8: {  	s6 =	sadd.s32 $0x2000, s1;
	[sflag:s26] =	ssyncadd.s32 $0xFFFFCE00  }
0xd9: {  	[spmem:s2] =	stream.indirect.scatter.add.f32 [tilespmem:s24], [sflag:$0x5], $0x80, s6, s23, $0xb8;
	[tilespmem:$0x1E800] =	vst v63  }
0xda: {  	_ =	swait.ge [sflag:s19], $0x3200  }
0xdb: {  	[sflag:s19] =	ssyncset.done $0x0  }
0xdc: {  	s7 =	sadd.s32 $0x100, s1;
	[sflag:s19] =	ssyncadd.s32 $0xFFFFCE00  }
0xdd: {  	[tilespmem:s24], [sflag:$0x1] =	stream.indirect.gather [hbm4b:s4+s23], $0x80, s7, s23, $0xb8;
	[tilespmem:$0x1E800] =	vst v63  }
0xde: {  	_ =	swait.ge [sflag:s28], $0x3200  }
0xdf: {  	[sflag:s28] =	ssyncset.done $0x0  }
0xe0: {  	s9 =	sadd.s32 $0x2080, s1;
	[sflag:s28] =	ssyncadd.s32 $0xFFFFCE00  }
0xe1: {  	[spmem:s2] =	stream.indirect.scatter.add.f32 [tilespmem:s25], [sflag:$0x5], $0x80, s9, s23, $0xb8;
	[tilespmem:$0x1E800] =	vst v63  }
0xe2: {  	_ =	swait.ge [sflag:s19], $0x3200  }
0xe3: {  	[sflag:s19] =	ssyncset.done $0x0  }
0xe4: {  	[sflag:s19] =	ssyncadd.s32 $0xFFFFCE00  }
0xe5: {  	_ =	swait.ge [sflag:s26], $0x3200  }
0xe6: {  	[sflag:s26] =	ssyncset.done $0x0  }
0xe7: {  	[sflag:s26] =	ssyncadd.s32 $0xFFFFCE00  }
0xe8: {  	[spmem:s2] =	stream.indirect.scatter.add.f32 [tilespmem:s24], [sflag:$0x5], $0x80, s29, s23, $0xb8;
	[tilespmem:$0x1E800] =	vst v63  }
0xe9: {  	_ =	swait.ge [sflag:s19], $0x3200  }
0xea: {  	[sflag:s19] =	ssyncset.done $0x0  }
0xeb: {  	[sflag:s19] =	ssyncadd.s32 $0xFFFFCE00  }
0xec: {  	_ =	swait.ge [sflag:s30], $0xC80  }
0xed: {  	[sflag:s30] =	ssyncset.done $0x0  }
0xee: {  	[sflag:s30] =	ssyncadd.s32 $0xFFFFF380  }
0xef: {  	_ =	swait.ge [sflag:s30], $0xC80  }
0xf0: {  	[sflag:s30] =	ssyncset.done $0x0  }
0xf1: {  	[sflag:s30] =	ssyncadd.s32 $0xFFFFF380  }
0xf2: {  	[tilespmem:s24], [sflag:$0x1] =	stream.indirect.gather [hbm4b:s4+s23], $0x80, s21, s23, $0xb8;
	[tilespmem:$0x1E800] =	vst v63  }
0xf3: {  	s5 =	simm.s32 $0x1080  }
0xf4: {  	[tilespmem:s25], [sflag:$0x2] =	stream.indirect.gather [hbm4b:s4+s23], $0x80, s5, s23, $0xb8;
	[tilespmem:$0x1E800] =	vst v63  }
0xf5: {  	_ =	swait.ge [sflag:s26], $0x3200  }
0xf6: {  	[sflag:s26] =	ssyncset.done $0x0  }
0xf7: {  	s6 =	simm.s32 $0x3000;
	[sflag:s26] =	ssyncadd.s32 $0xFFFFCE00  }
0xf8: {  	[spmem:s2] =	stream.indirect.scatter.add.f32 [tilespmem:s24], [sflag:$0x5], $0x80, s6, s23, $0xb8;
	[tilespmem:$0x1E800] =	vst v63  }
0xf9: {  	_ =	swait.ge [sflag:s19], $0x3200  }
0xfa: {  	[sflag:s19] =	ssyncset.done $0x0  }
0xfb: {  	s7 =	simm.s32 $0x1100;
	[sflag:s19] =	ssyncadd.s32 $0xFFFFCE00  }
0xfc: {  	[tilespmem:s24], [sflag:$0x1] =	stream.indirect.gather [hbm4b:s4+s23], $0x80, s7, s23, $0xb8;
	[tilespmem:$0x1E800] =	vst v63  }
0xfd: {  	_ =	swait.ge [sflag:s28], $0x3200  }
0xfe: {  	[sflag:s28] =	ssyncset.done $0x0  }
0xff: {  	s9 =	simm.s32 $0x3080;
	[sflag:s28] =	ssyncadd.s32 $0xFFFFCE00  }
0x100: {  	[spmem:s2] =	stream.indirect.scatter.add.f32 [tilespmem:s25], [sflag:$0x5], $0x80, s9, s23, $0xb8;
	[tilespmem:$0x1E800] =	vst v63  }
0x101: {  	_ =	swait.ge [sflag:s19], $0x3200  }
0x102: {  	s1 =	simm.s32 $0x100;
	s5 =	simm.s32 $0x800;
	[sflag:s19] =	ssyncset.done $0x0  }
.LBB2_8:
0x103: {  	s6 =	sadd.s32 $0x1080, s1  }
0x104: {  	[sflag:s19] =	ssyncadd.s32 $0xFFFFCE00;
	s7 =	smov.u32 s5;
	s9 =	sadd.s32 $0x400, s5  }
0x105: {  	[tilespmem:s25], [sflag:$0x2] =	stream.indirect.gather [hbm4b:s4+s23], $0x80, s6, s23, $0xb8;
	[tilespmem:$0x1E800] =	vst v63  }
0x106: {  	p0 =	sne.s32 s5, $0x2C00;
	_ =	swait.ge [sflag:s26], $0x3200  }
0x107: {  	[sflag:s26] =	ssyncset.done $0x0  }
0x108: {  	s5 =	sadd.s32 $0x3000, s1;
	[sflag:s26] =	ssyncadd.s32 $0xFFFFCE00  }
0x109: {  	[spmem:s2] =	stream.indirect.scatter.add.f32 [tilespmem:s24], [sflag:$0x5], $0x80, s5, s23, $0xb8;
	[tilespmem:$0x1E800] =	vst v63  }
0x10a: {  	_ =	swait.ge [sflag:s19], $0x3200  }
0x10b: {  	[sflag:s19] =	ssyncset.done $0x0  }
0x10c: {  	s5 =	sadd.s32 $0x1100, s1;
	[sflag:s19] =	ssyncadd.s32 $0xFFFFCE00  }
0x10d: {  	[tilespmem:s24], [sflag:$0x1] =	stream.indirect.gather [hbm4b:s4+s23], $0x80, s5, s23, $0xb8;
	[tilespmem:$0x1E800] =	vst v63  }
0x10e: {  	_ =	swait.ge [sflag:s28], $0x3200  }
.Ltmp3:
0x10f: {  	[sflag:s28] =	ssyncset.done $0x0;
	(pc) =	sbr.rel @p0 .LBB2_8-.Ltmp3, $4  }
0x110: {  	s1 =	sadd.s32 $0x3080, s1;
	[sflag:s28] =	ssyncadd.s32 $0xFFFFCE00  }
0x111: {  	[spmem:s2] =	stream.indirect.scatter.add.f32 [tilespmem:s25], [sflag:$0x5], $0x80, s1, s23, $0xb8;
	[tilespmem:$0x1E800] =	vst v63  }
0x112: {  	_ =	swait.ge [sflag:s19], $0x3200  }
0x113: {  	s5 =	smov.u32 s9;
	s1 =	sshra.s32 s7, $0x2;
	[sflag:s19] =	ssyncset.done $0x0  }
0x114: {  	s5 =	sadd.s32 $0x1080, s1;
	[sflag:s19] =	ssyncadd.s32 $0xFFFFCE00  }
0x115: {  	[tilespmem:s25], [sflag:$0x2] =	stream.indirect.gather [hbm4b:s4+s23], $0x80, s5, s23, $0xb8;
	[tilespmem:$0x1E800] =	vst v63  }
0x116: {  	_ =	swait.ge [sflag:s26], $0x3200  }
0x117: {  	[sflag:s26] =	ssyncset.done $0x0  }
0x118: {  	s6 =	sadd.s32 $0x3000, s1;
	[sflag:s26] =	ssyncadd.s32 $0xFFFFCE00  }
0x119: {  	[spmem:s2] =	stream.indirect.scatter.add.f32 [tilespmem:s24], [sflag:$0x5], $0x80, s6, s23, $0xb8;
	[tilespmem:$0x1E800] =	vst v63  }
0x11a: {  	_ =	swait.ge [sflag:s19], $0x3200  }
0x11b: {  	[sflag:s19] =	ssyncset.done $0x0  }
0x11c: {  	s7 =	sadd.s32 $0x1100, s1;
	[sflag:s19] =	ssyncadd.s32 $0xFFFFCE00  }
0x11d: {  	[tilespmem:s24], [sflag:$0x1] =	stream.indirect.gather [hbm4b:s4+s23], $0x80, s7, s23, $0xb8;
	[tilespmem:$0x1E800] =	vst v63  }
0x11e: {  	_ =	swait.ge [sflag:s28], $0x3200  }
0x11f: {  	[sflag:s28] =	ssyncset.done $0x0  }
0x120: {  	s9 =	sadd.s32 $0x3080, s1;
	[sflag:s28] =	ssyncadd.s32 $0xFFFFCE00  }
0x121: {  	[spmem:s2] =	stream.indirect.scatter.add.f32 [tilespmem:s25], [sflag:$0x5], $0x80, s9, s23, $0xb8;
	[tilespmem:$0x1E800] =	vst v63  }
0x122: {  	_ =	swait.ge [sflag:s19], $0x3200  }
0x123: {  	[sflag:s19] =	ssyncset.done $0x0  }
0x124: {  	[sflag:s19] =	ssyncadd.s32 $0xFFFFCE00  }
0x125: {  	_ =	swait.ge [sflag:s26], $0x3200  }
0x126: {  	[sflag:s26] =	ssyncset.done $0x0  }
0x127: {  	[sflag:s26] =	ssyncadd.s32 $0xFFFFCE00  }
0x128: {  	[spmem:s2] =	stream.indirect.scatter.add.f32 [tilespmem:s24], [sflag:$0x5], $0x80, s31, s23, $0xb8;
	[tilespmem:$0x1E800] =	vst v63  }
0x129: {  	_ =	swait.ge [sflag:s19], $0x3200  }
0x12a: {  	s0 =	sadd.s32 $0x1, s0;
	[sflag:s19] =	ssyncset.done $0x0  }
0x12b: {  	p0 =	sne.s32 s0, s16;
	[sflag:s19] =	ssyncadd.s32 $0xFFFFCE00  }
.Ltmp4:
0x12c: {  	[bflag:$0x0] =	sbarrier.arrive $0xFFFF;
	(pc) =	sbr.rel @p0 .LBB2_1-.Ltmp4, $4  }
0x12d: {  	[hbm:s15], [sflag:s8] =	dma.local [spmem:s18], $0x2800  }
0x12e: {  	_ =	swait.ge [sflag:s19], $0x2800  }
0x12f: {  	[sflag:s19] =	ssyncset.done $0x0  }
0x130: {  	[sflag:s19] =	ssyncadd.s32 $0xFFFFD800  }
0x131: {  	_ =	sfence.sel $0x180000  }
0x132: {  	[bflag:$0x0] =	sbarrier.arrive $0xFFFF  }
0x133: {  	_ =	strace $0x9000004D  }
0x134: {  	s0 =	stileid.u32;
	[bflag:$0x2] =	sbarrier.arrive $0xFFFF  }
0x135: {  	p0 =	sne.s32 s0, $0x0;
	s0 =	rddreg [dreg:$0x2]  }
0x136: {  	s0 =	sadd.s32 @!p0 $0x100000, s0  }
0x137: {  	[sflag:s0] =	ssyncadd.tile.s32 @!p0 $0x1;
	_ =	shalt  }
.Lfunc_end2:
_tile_overlayer_lowered:
.L_overlay_start_2:
0x138: {  	(tag) =	ssettag $0x2  }
0x139: {  	s0 =	rddreg [dreg:$0x0];
	s2 =	stileid.u32  }
0x13a: {  	s1 =	rddreg [dreg:$0x1];
	p0 =	sne.s32 s2, $0x0  }
0x13b: {  	s3 =	rddreg [dreg:$0x2];
	[bflag:$0x3] =	sbarrier.arrive $0xFFFF;
	s2 =	simm.s32 @!p0 $0x1C05  }
0x13c: {  	[timem:s3], [sflag:s2] =	dma.local @!p0 [hbm:s0], s1  }
0x13d: {  	s0 =	simm.s32 @!p0 $0x5  }
0x13e: {  	_ =	swait.ge @!p0 [sflag:s0], s1  }
0x13f: {  	s1 =	ssub.s32 @!p0 $0x0, s1;
	[sflag:s0] =	ssyncset.done @!p0 $0x0  }
0x140: {  	[sflag:s0] =	ssyncadd.s32 @!p0 s1  }
0x141: {  	[bflag:$0x3] =	sbarrier.arrive $0xFFFF  }
0x142: {  	_ =	shalt  }

// kernel: kernel.9.cloned.1.call-start
scs
__scs_entry_jumppad:
0x0: {  	(pc) =	sbr.rel $0x88, $3  }
0x1: {  	(tag) =	ssettag $0x0;
	lr =	simm.s32 $0x1  }
0x2: {  	[smem:$0x3F92] =	sst lr;
	_ =	strace $0xD0000000  }
0x3: {  	_ = 	snop  }
0x4: {  	_ = 	snop  }
0x5: {  	_ = 	snop  }
0x6: {  	_ = 	snop  }
0x7: {  	_ = 	snop  }
__scs_overlays_trampoline_lowered:
0x8: {  	[smem:$0x3FA1] =	sst s0  }
0x9: {  	[smem:$0x3FA2] =	sst s1  }
0xa: {  	[smem:$0x3FA3] =	sst s2  }
0xb: {  	[smem:$0x3FA4] =	sst s3  }
0xc: {  	[smem:$0x3FA5] =	sst s4  }
0xd: {  	[smem:$0x3FA6] =	sst s5  }
0xe: {  	[smem:$0x3FA7] =	sst s6  }
0xf: {  	[smem:$0x3FA8] =	sst s7  }
0x10: {  	[smem:$0x3FA9] =	sst s8  }
0x11: {  	[smem:$0x3FAA] =	sst s9;
	s0 =	simm.s32 @!p0 $0x0  }
0x12: {  	s1 =	sld [smem:$0x3F90];
	s0 =	simm.s32 @p0 $0x1  }
0x13: {  	[smem:$0x3FAB] =	sst s0;
	s0 =	simm.s32 @!p1 $0x0  }
0x14: {  	s2 =	sld [smem:$0x3F8F];
	s0 =	simm.s32 @p1 $0x1  }
0x15: {  	[smem:$0x3FAC] =	sst s0;
	s0 =	simm.s32 @!p2 $0x0  }
0x16: {  	s3 =	sld [smem:$0x3FDB];
	s0 =	simm.s32 @p2 $0x1  }
0x17: {  	s4 =	simm.s32 $0x1BF5;
	[smem:$0x3FAE] =	sst s0  }
0x18: {  	s0 =	sld [smem:$0x3F91];
	_ =	swait.ge [sflag:s4], $0x0  }
0x19: {  	s7 =	sld [smem:$0x3F92]  }
0x1a: {  	s8 =	sadd.s32 $0xFFFFE003, lr  }
0x1b: {  	s9 =	sadd.s32 $0xFFFFFEF7, lr;
	s5 =	simm.s32 $0xFFFFFFFF;
	p2 =	slt.u32 s8, $0xFFFFF086  }
0x1c: {  	p1 =	slt.u32 s9, $0xF7A;
	s5 =	simm.s32 @!p2 $0x0  }
0x1d: {  	s5 =	simm.s32 @p1 $0x1;
	p0 =	seq.s32 s7, s2  }
0x1e: {  	s7 =	smul.u32 @!p0 $0xF7A, s2;
	p2 =	seq.s32 @!p0 s5, $0x0  }
0x1f: {  	s9 =	smul.u32 $0xF7A, s1;
	s8 =	simm.s32 @!p0 $0x1BF5;
	p2 =	por !p2, p0  }
0x20: {  	[sflag:s8] =	ssyncset.s32 @!p0 $0xFFFFF086;
	s6 =	sadd.s32 @!p0 s3, s7;
	s7 =	simm.s32 @!p0 $0x108  }
0x21: {  	s3 =	sadd.s32 s3, s9;
	s6 =	sadd.s32 @!p0 $0x88, s6;
	s7 =	simm.s32 @p2 $0x1082  }
0x22: {  	[simem:s7], [sflag:s8] =	dma.local @!p0 [hbm:s6], $0xF7A  }
0x23: {  	s9 =	sor.u32 $0xD0000000, s2;
	s6 =	simm.s32 $0x108;
	_ =	swait.ge @!p0 [sflag:s8], $0x0  }
0x24: {  	s3 =	sadd.s32 $0x88, s3;
	s6 =	simm.s32 @!p1 $0x1082;
	[sflag:s4] =	ssyncset.s32 $0xFFFFF086  }
0x25: {  	[simem:s6], [sflag:s4] =	dma.local [hbm:s3], $0xF7A  }
0x26: {  	[smem:$0x3F92] =	sst s1;
	(tag) =	ssettag s2;
	_ =	strace s9  }
0x27: {  	s1 =	sld [smem:$0x3FA2]  }
0x28: {  	s2 =	sld [smem:$0x3FA3]  }
0x29: {  	s4 =	sld [smem:$0x3FA5]  }
0x2a: {  	p0 =	seq.s32 s5, $0x0;
	s5 =	sld [smem:$0x3FA6]  }
0x2b: {  	s6 =	sld [smem:$0x3FA7]  }
0x2c: {  	s7 =	sld [smem:$0x3FA8]  }
0x2d: {  	s3 =	simm.s32 $0x108;
	s8 =	sld [smem:$0x3FA9]  }
0x2e: {  	s3 =	simm.s32 @!p0 $0x1082;
	s9 =	sld [smem:$0x3FAA]  }
0x2f: {  	lr =	sadd.s32 s0, s3;
	s0 =	sld [smem:$0x3FA1]  }
0x30: {  	s3 =	sld [smem:$0x3FA4]  }
0x31: {  	[smem:$0x3FAD] =	sst s10  }
0x32: {  	s10 =	sld [smem:$0x3FAB];
	_ =	sdelay $0x3  }
0x33: {  	p0 =	seq.s32 s10, $0x1;
	s10 =	sld [smem:$0x3FAD];
	_ =	sdelay $0x3  }
0x34: {  	[smem:$0x3FAD] =	sst s10  }
0x35: {  	s10 =	sld [smem:$0x3FAC];
	_ =	sdelay $0x3  }
0x36: {  	p1 =	seq.s32 s10, $0x1;
	s10 =	sld [smem:$0x3FAD];
	_ =	sdelay $0x3  }
0x37: {  	[smem:$0x3FAD] =	sst s10  }
0x38: {  	s10 =	sld [smem:$0x3FAE]  }
0x39: {  	_ = 	snop;
	(pc) =	sbr.ind lr, $3  }
0x3a: {  	_ = 	snop  }
0x3b: {  	_ = 	snop  }
0x3c: {  	p2 =	seq.s32 s10, $0x1;
	s10 =	sld [smem:$0x3FAD]  }
0x3d: {  	_ =	shalt  }
0x3e: {  	_ =	shalt  }
0x3f: {  	_ =	shalt  }
0x40: {  	_ =	shalt  }
0x41: {  	_ =	shalt  }
0x42: {  	_ =	shalt  }
0x43: {  	_ =	shalt  }
0x44: {  	_ =	shalt  }
0x45: {  	_ =	shalt  }
0x46: {  	_ =	shalt  }
0x47: {  	_ =	shalt  }
0x48: {  	_ =	shalt  }
0x49: {  	_ =	shalt  }
0x4a: {  	_ =	shalt  }
0x4b: {  	_ =	shalt  }
0x4c: {  	_ =	shalt  }
0x4d: {  	_ =	shalt  }
0x4e: {  	_ =	shalt  }
0x4f: {  	_ =	shalt  }
0x50: {  	_ =	shalt  }
0x51: {  	_ =	shalt  }
0x52: {  	_ =	shalt  }
0x53: {  	_ =	shalt  }
0x54: {  	_ =	shalt  }
0x55: {  	_ =	shalt  }
0x56: {  	_ =	shalt  }
0x57: {  	_ =	shalt  }
0x58: {  	_ =	shalt  }
0x59: {  	_ =	shalt  }
0x5a: {  	_ =	shalt  }
0x5b: {  	_ =	shalt  }
0x5c: {  	_ =	shalt  }
0x5d: {  	_ =	shalt  }
0x5e: {  	_ =	shalt  }
0x5f: {  	_ =	shalt  }
0x60: {  	_ =	shalt  }
0x61: {  	_ =	shalt  }
0x62: {  	_ =	shalt  }
0x63: {  	_ =	shalt  }
0x64: {  	_ =	shalt  }
0x65: {  	_ =	shalt  }
0x66: {  	_ =	shalt  }
0x67: {  	_ =	shalt  }
0x68: {  	_ =	shalt  }
0x69: {  	_ =	shalt  }
0x6a: {  	_ =	shalt  }
0x6b: {  	_ =	shalt  }
0x6c: {  	_ =	shalt  }
0x6d: {  	_ =	shalt  }
0x6e: {  	_ =	shalt  }
0x6f: {  	_ =	shalt  }
0x70: {  	_ =	shalt  }
0x71: {  	_ =	shalt  }
0x72: {  	_ =	shalt  }
0x73: {  	_ =	shalt  }
0x74: {  	_ =	shalt  }
0x75: {  	_ =	shalt  }
0x76: {  	_ =	shalt  }
0x77: {  	_ =	shalt  }
0x78: {  	_ =	shalt  }
0x79: {  	_ =	shalt  }
0x7a: {  	_ =	shalt  }
0x7b: {  	_ =	shalt  }
0x7c: {  	_ =	shalt  }
0x7d: {  	_ =	shalt  }
0x7e: {  	_ =	shalt  }
0x7f: {  	_ =	shalt  }
0x80: {  	_ =	shalt  }
0x81: {  	_ =	shalt  }
0x82: {  	_ =	shalt  }
0x83: {  	_ =	shalt  }
0x84: {  	_ =	shalt  }
0x85: {  	_ =	shalt  }
0x86: {  	_ =	shalt  }
0x87: {  	_ =	shalt  }
.Lfunc_end0:
.L_simem_size_0:
called_computation_lowered:
.L_overlay_start_0:
0x88: {  	s2 =	sld [smem:$0x3FD9]  }
0x89: {  	s3 =	sld [smem:$0x3FFE];
	_ =	sdelay $0x1  }
0x8a: {  	s1 =	srdreg.scid  }
0x8b: {  	s0 =	sand.u32 $0x1, s1  }
0x8c: {  	s16 =	sshll.u32 s0, $0xA;
	s2 =	sadd.s32 s3, s2  }
0x8d: {  	s2 =	sadd.s32 s2, s16  }
0x8e: {  	[smem:$0x3FB9] =	sst s2  }
0x8f: {  	_ = 	snop  }
0x90: {  	(tm) =	ssettm $0x1  }
0x91: {  	s17 =	sld [smem:$0x3FFB];
	_ =	sdelay $0x3  }
0x92: {  	_ =	strace s17  }
0x93: {  	s2 =	sld [smem:$0x3FFC];
	_ =	sdelay $0x3  }
0x94: {  	_ =	strace s2  }
0x95: {  	s2 =	sld [smem:$0x3FFD];
	_ =	sdelay $0x3  }
0x96: {  	_ =	strace s2  }
0x97: {  	_ =	strace $0x8FFFFFFF  }
0x98: {  	s18 =	sld [smem:$0x3FDB];
	_ =	sdelay $0x1  }
0x99: {  	s19 =	simm.s32 $_scs_section_size  }
0x9a: {  	s4 =	simm.s32 $_size__tile_overlayer_lowered;
	s5 =	simm.s32 $_tile_overlayer_lowered  }
0x9b: {  	s22 =	simm.s32 $0x1BFF;
	s21 =	sshll.u32 s5, $0x1;
	s2 =	sadd.s32 s19, s18  }
0x9c: {  	s6 =	simm.s32 $0x0;
	s20 =	sshll.u32 s4, $0x1;
	s4 =	sadd.s32 s21, s2  }
0x9d: {  	[timem:s6], [sflag:s22] =	dma.local [hbm:s4], s20  }
0x9e: {  	_ =	swait.ge [sflag:s22], s20  }
0x9f: {  	s3 =	ssub.s32 $0x0, s20;
	[sflag:s22] =	ssyncset.done $0x0  }
0xa0: {  	[sflag:s22] =	ssyncadd.s32 s3;
	_ =	sdelay $0x1  }
0xa1: {  	s23 =	simm.s32 $0x1B8B  }
0xa2: {  	_ =	swait.ge [sflag:s23], $0x1  }
0xa3: {  	[sflag:s23] =	ssyncset.done $0x0  }
0xa4: {  	s25 =	simm.s32 $0x1B8E;
	s24 =	sld [smem:$0x3FFE];
	[sflag:s23] =	ssyncadd.s32 $0xFFFFFFFF  }
0xa5: {  	s26 =	simm.s32 $execute0_lowered;
	[smem:$0x3FD2] =	sst s25  }
0xa6: {  	s4 =	sshll.u32 s26, $0x1;
	_ =	strace $0x80000046;
	[dreg:$0x1] =	wrdreg $0xFFFFFFFF  }
0xa7: {  	s28 =	simm.s32 $_size_execute0_lowered;
	s2 =	sadd.s32 s2, s4;
	[dreg:$0x0] =	wrdreg $0x0  }
0xa8: {  	s4 =	sshll.u32 s28, $0x1;
	[dreg:$0x2] =	wrdreg s2  }
0xa9: {  	[dreg:$0x3] =	wrdreg s4  }
0xaa: {  	[dreg:$0x4] =	wrdreg $0xC0  }
0xab: {  	_ =	task [dreg:s6], $0x5FFFF  }
0xac: {  	[dreg:$0x1] =	wrdreg $0xFFFFFFFF  }
0xad: {  	[dreg:$0x0] =	wrdreg $0x60  }
0xae: {  	[dreg:$0x2] =	wrdreg s24  }
0xaf: {  	[dreg:$0x3] =	wrdreg $0xA8000  }
0xb0: {  	[dreg:$0x4] =	wrdreg $0x9  }
0xb1: {  	_ =	task.clear_ibuf [dreg:s6], $0x5FFFF;
	_ =	strace $0x90000046  }
0xb2: {  	s29 =	simm.s32 $0x9;
	_ =	strace $0x80000048  }
0xb3: {  	_ =	swait.ge [sflag:s29], $0x1  }
0xb4: {  	[sflag:s29] =	ssyncadd.s32 $0xFFFFFFFF  }
0xb5: {  	_ =	strace $0x90000048  }
0xb6: {  	_ =	sfence  }
0xb7: {  	s30 =	sld [smem:$0x0];
	_ =	sdelay $0x2  }
0xb8: {  	s31 =	sshll.u32 s1, $0xD;
	s1 =	sshrl.u32 s1, $0x2  }
0xb9: {  	s3 =	sand.u32 $0x4000, s31;
	s1 =	sadd.s32 s1, s30  }
0xba: {  	s0 =	sor.u32 s3, s0;
	s1 =	sshll.u32 s1, $0x11  }
0xbb: {  	s0 =	sor.u32 s1, s0  }
0xbc: {  	s0 =	sadd.s32 $0x8F2B, s0  }
0xbd: {  	[sflag:s0] =	ssyncadd.remote.s32 $0x1  }
0xbe: {  	_ =	sfence.sel $0xFFFF  }
0xbf: {  	[dreg:$0x0] =	wrdreg $0xFFFFFFFF;
	(pc) =	sbr.abs _section_cstart, $3  }
0xc0: {  	[dreg:$0x1] =	wrdreg $0xFFFFFFFF  }
0xc1: {  	_ =	task.clear_ibuf [dreg:s6], $0x2FFFF;
	_ =	strace $0x9FFFFFFF  }
0xc2: {  	(tm) =	ssettm $0x7FFFFFFF  }
0xc3: {  	_ =	shalt  }
tec
execute0_lowered:
.L_overlay_start_1:
0x0: {  	(tag) =	ssettag $0x1  }
0x1: {  	s0 =	rddreg [dreg:$0x0]  }
0x2: {  	s1 =	srdreg.scid;
	s2 =	rddreg [dreg:$0x1]  }
0x3: {  	s9 =	stileid.u32;
	s3 =	simm.s32 $0x0;
	s17 =	simm.s32 $0x2000  }
0x4: {  	s19 =	simm.s32 $0x5;
	s20 =	simm.s32 $0x3;
	s21 =	simm.s32 $0x1000  }
0x5: {  	s22 =	simm.s32 $0x3000;
	s28 =	simm.s32 $0x2;
	s29 =	simm.s32 $0x2C00  }
0x6: {  	s30 =	simm.s32 $0x4;
	s31 =	simm.s32 $0x3C00;
	s1 =	sand.u32 $0x1, s1  }
0x7: {  	s5 =	smul.u32 $0x14000, s9;
	[smem:$0x7FF] =	sst s3;
	s13 =	sadd.s32 $0x2C00, s0  }
0x8: {  	s14 =	sadd.s32 $0x12C00, s0;
	s6 =	sadd.s32 $0x4AC00, s0;
	s8 =	smul.u32 $0x50000, s9  }
0x9: {  	s24 =	sshll.u32 s9, $0xC;
	s9 =	sshll.u32 s9, $0x6;
	s4 =	smul.u32 $0x140000, s1  }
0xa: {  	_ =	strace $0x80000047;
	s23 =	ssub.s32 $0x2, s1;
	s1 =	sshll.u32 s1, $0xB  }
0xb: {  	[dreg:$0x3] =	wrdreg s6;
	s7 =	sshrl.u32 s23, $0x1;
	s1 =	sor.u32 s1, s24  }
0xc: {  	s8 =	sshrl.u32 s8, $0x2;
	s24 =	simm.s32 $0x4000;
	s5 =	sadd.s32 s5, s4  }
0xd: {  	s4 =	sadd.s32 $0x22C00, s0;
	s6 =	sadd.s32 s13, s1;
	s25 =	sadd.s32 s14, s1  }
0xe: {  	s10 =	sor.u32 $0x200, s1;
	s18 =	sadd.s32 s8, s2;
	s8 =	sor.u32 $0x1C05, s9  }
0xf: {  	s12 =	sor.u32 $0x400, s1;
	s1 =	sor.u32 $0x600, s1;
	[dreg:$0x4] =	wrdreg s6  }
0x10: {  	s5 =	sshrl.u32 s5, $0x3;
	[dreg:$0x5] =	wrdreg s25;
	s26 =	sadd.s32 s13, s10  }
0x11: {  	s10 =	sadd.s32 s14, s10;
	s11 =	sadd.s32 s13, s12;
	s12 =	sadd.s32 s14, s12  }
0x12: {  	s13 =	sadd.s32 s13, s1;
	s14 =	sadd.s32 s14, s1;
	s18 =	sshrl.u32 s18, $0x3  }
0x13: {  	s25 =	simm.s32 $0x7400;
	s0 =	sadd.s32 s5, s0;
	s5 =	ssub.s32 s23, s7  }
0x14: {  	[dreg:$0x6] =	wrdreg s26;
	s23 =	simm.s32 $0x64;
	s26 =	simm.s32 $0x1  }
0x15: {  	s15 =	sadd.s32 $0x4D400, s0;
	s16 =	smax.u32 s5, $0x1;
	s0 =	simm.s32 $0x0  }
.LBB2_1:
0x16: {  	s1 =	rddreg [dreg:$0x4]  }
0x17: {  	s6 =	rddreg [dreg:$0x5]  }
0x18: {  	[tilespmem:s3], [sflag:$0x3] =	stream.linear.gather [hbm4b:s1+s3], $0xC80, $0x38;
	[tilespmem:$0x1E800] =	vst v63  }
0x19: {  	s7 =	rddreg [dreg:$0x3]  }
0x1a: {  	[tilespmem:s17], [sflag:$0x3] =	stream.linear.gather [hbm4b:s6+s3], $0xC80, $0x38;
	[tilespmem:$0x1E800] =	vst v63  }
0x1b: {  	[spmem:s18], [sflag:s8] =	dma.local [hbm:s7], $0x2800  }
0x1c: {  	_ =	swait.ge [sflag:s19], $0x2800  }
0x1d: {  	[sflag:s19] =	ssyncset.done $0x0  }
0x1e: {  	[sflag:s19] =	ssyncadd.s32 $0xFFFFD800  }
0x1f: {  	[bflag:$0x0] =	sbarrier.arrive $0xFFFF  }
0x20: {  	_ =	swait.ge [sflag:s20], $0xC80  }
0x21: {  	[sflag:s20] =	ssyncset.done $0x0  }
0x22: {  	[sflag:s20] =	ssyncadd.s32 $0xFFFFF380  }
0x23: {  	_ =	swait.ge [sflag:s20], $0xC80  }
0x24: {  	[sflag:s20] =	ssyncset.done $0x0  }
0x25: {  	s9 =	rddreg [dreg:$0x6];
	[sflag:s20] =	ssyncadd.s32 $0xFFFFF380  }
0x26: {  	[tilespmem:s21], [sflag:$0x4] =	stream.linear.gather [hbm4b:s9+s3], $0xC80, $0x38;
	[tilespmem:$0x1E800] =	vst v63  }
0x27: {  	_ = 	snop  }
0x28: {  	[tilespmem:s22], [sflag:$0x4] =	stream.linear.gather [hbm4b:s10+s3], $0xC80, $0x38;
	[tilespmem:$0x1E800] =	vst v63  }
0x29: {  	_ = 	snop  }
0x2a: {  	[tilespmem:s24], [sflag:$0x1] =	stream.indirect.gather [hbm4b:s4+s23], $0x80, s3, s23, $0xb8;
	[tilespmem:$0x1E800] =	vst v63  }
0x2b: {  	s5 =	simm.s32 $0x80  }
0x2c: {  	[tilespmem:s25], [sflag:$0x2] =	stream.indirect.gather [hbm4b:s4+s23], $0x80, s5, s23, $0xb8;
	[tilespmem:$0x1E800] =	vst v63  }
0x2d: {  	_ =	swait.ge [sflag:s26], $0x3200  }
0x2e: {  	[sflag:s26] =	ssyncset.done $0x0  }
0x2f: {  	s6 =	simm.s32 $0x2000;
	[sflag:s26] =	ssyncadd.s32 $0xFFFFCE00  }
0x30: {  	[spmem:s2] =	stream.indirect.scatter.add.f32 [tilespmem:s24], [sflag:$0x5], $0x80, s6, s23, $0xb8;
	[tilespmem:$0x1E800] =	vst v63  }
0x31: {  	_ =	swait.ge [sflag:s19], $0x3200  }
0x32: {  	[sflag:s19] =	ssyncset.done $0x0  }
0x33: {  	s7 =	simm.s32 $0x100;
	[sflag:s19] =	ssyncadd.s32 $0xFFFFCE00  }
0x34: {  	[tilespmem:s24], [sflag:$0x1] =	stream.indirect.gather [hbm4b:s4+s23], $0x80, s7, s23, $0xb8;
	[tilespmem:$0x1E800] =	vst v63  }
0x35: {  	_ =	swait.ge [sflag:s28], $0x3200  }
0x36: {  	[sflag:s28] =	ssyncset.done $0x0  }
0x37: {  	s9 =	simm.s32 $0x2080;
	[sflag:s28] =	ssyncadd.s32 $0xFFFFCE00  }
0x38: {  	[spmem:s2] =	stream.indirect.scatter.add.f32 [tilespmem:s25], [sflag:$0x5], $0x80, s9, s23, $0xb8;
	[tilespmem:$0x1E800] =	vst v63  }
0x39: {  	_ =	swait.ge [sflag:s19], $0x3200  }
0x3a: {  	s1 =	simm.s32 $0x100;
	s5 =	simm.s32 $0x800;
	[sflag:s19] =	ssyncset.done $0x0  }
.LBB2_2:
0x3b: {  	s6 =	sadd.s32 $0x80, s1  }
0x3c: {  	[sflag:s19] =	ssyncadd.s32 $0xFFFFCE00;
	s7 =	smov.u32 s5;
	s9 =	sadd.s32 $0x400, s5  }
0x3d: {  	[tilespmem:s25], [sflag:$0x2] =	stream.indirect.gather [hbm4b:s4+s23], $0x80, s6, s23, $0xb8;
	[tilespmem:$0x1E800] =	vst v63  }
0x3e: {  	p0 =	sne.s32 s5, $0x2C00;
	_ =	swait.ge [sflag:s26], $0x3200  }
0x3f: {  	[sflag:s26] =	ssyncset.done $0x0  }
0x40: {  	s5 =	sadd.s32 $0x2000, s1;
	[sflag:s26] =	ssyncadd.s32 $0xFFFFCE00  }
0x41: {  	[spmem:s2] =	stream.indirect.scatter.add.f32 [tilespmem:s24], [sflag:$0x5], $0x80, s5, s23, $0xb8;
	[tilespmem:$0x1E800] =	vst v63  }
0x42: {  	_ =	swait.ge [sflag:s19], $0x3200  }
0x43: {  	[sflag:s19] =	ssyncset.done $0x0  }
0x44: {  	s5 =	sadd.s32 $0x100, s1;
	[sflag:s19] =	ssyncadd.s32 $0xFFFFCE00  }
0x45: {  	[tilespmem:s24], [sflag:$0x1] =	stream.indirect.gather [hbm4b:s4+s23], $0x80, s5, s23, $0xb8;
	[tilespmem:$0x1E800] =	vst v63  }
0x46: {  	_ =	swait.ge [sflag:s28], $0x3200  }
.Ltmp0:
0x47: {  	[sflag:s28] =	ssyncset.done $0x0;
	(pc) =	sbr.rel @p0 .LBB2_2-.Ltmp0, $4  }
0x48: {  	s1 =	sadd.s32 $0x2080, s1;
	[sflag:s28] =	ssyncadd.s32 $0xFFFFCE00  }
0x49: {  	[spmem:s2] =	stream.indirect.scatter.add.f32 [tilespmem:s25], [sflag:$0x5], $0x80, s1, s23, $0xb8;
	[tilespmem:$0x1E800] =	vst v63  }
0x4a: {  	_ =	swait.ge [sflag:s19], $0x3200  }
0x4b: {  	s5 =	smov.u32 s9;
	s1 =	sshra.s32 s7, $0x2;
	[sflag:s19] =	ssyncset.done $0x0  }
0x4c: {  	s5 =	sadd.s32 $0x80, s1;
	[sflag:s19] =	ssyncadd.s32 $0xFFFFCE00  }
0x4d: {  	[tilespmem:s25], [sflag:$0x2] =	stream.indirect.gather [hbm4b:s4+s23], $0x80, s5, s23, $0xb8;
	[tilespmem:$0x1E800] =	vst v63  }
0x4e: {  	_ =	swait.ge [sflag:s26], $0x3200  }
0x4f: {  	[sflag:s26] =	ssyncset.done $0x0  }
0x50: {  	s9 =	sadd.s32 $0x2000, s1;
	[sflag:s26] =	ssyncadd.s32 $0xFFFFCE00  }
0x51: {  	[spmem:s2] =	stream.indirect.scatter.add.f32 [tilespmem:s24], [sflag:$0x5], $0x80, s9, s23, $0xb8;
	[tilespmem:$0x1E800] =	vst v63  }
0x52: {  	_ =	swait.ge [sflag:s19], $0x3200  }
0x53: {  	[sflag:s19] =	ssyncset.done $0x0  }
0x54: {  	s6 =	sadd.s32 $0x100, s1;
	[sflag:s19] =	ssyncadd.s32 $0xFFFFCE00  }
0x55: {  	[tilespmem:s24], [sflag:$0x1] =	stream.indirect.gather [hbm4b:s4+s23], $0x80, s6, s23, $0xb8;
	[tilespmem:$0x1E800] =	vst v63  }
0x56: {  	_ =	swait.ge [sflag:s28], $0x3200  }
0x57: {  	[sflag:s28] =	ssyncset.done $0x0  }
0x58: {  	s7 =	sadd.s32 $0x2080, s1;
	[sflag:s28] =	ssyncadd.s32 $0xFFFFCE00  }
0x59: {  	[spmem:s2] =	stream.indirect.scatter.add.f32 [tilespmem:s25], [sflag:$0x5], $0x80, s7, s23, $0xb8;
	[tilespmem:$0x1E800] =	vst v63  }
0x5a: {  	_ =	swait.ge [sflag:s19], $0x3200  }
0x5b: {  	[sflag:s19] =	ssyncset.done $0x0  }
0x5c: {  	[sflag:s19] =	ssyncadd.s32 $0xFFFFCE00  }
0x5d: {  	_ =	swait.ge [sflag:s26], $0x3200  }
0x5e: {  	[sflag:s26] =	ssyncset.done $0x0  }
0x5f: {  	[sflag:s26] =	ssyncadd.s32 $0xFFFFCE00  }
0x60: {  	[spmem:s2] =	stream.indirect.scatter.add.f32 [tilespmem:s24], [sflag:$0x5], $0x80, s29, s23, $0xb8;
	[tilespmem:$0x1E800] =	vst v63  }
0x61: {  	_ =	swait.ge [sflag:s19], $0x3200  }
0x62: {  	[sflag:s19] =	ssyncset.done $0x0  }
0x63: {  	[sflag:s19] =	ssyncadd.s32 $0xFFFFCE00  }
0x64: {  	_ =	swait.ge [sflag:s30], $0xC80  }
0x65: {  	[sflag:s30] =	ssyncset.done $0x0  }
0x66: {  	[sflag:s30] =	ssyncadd.s32 $0xFFFFF380  }
0x67: {  	_ =	swait.ge [sflag:s30], $0xC80  }
0x68: {  	[sflag:s30] =	ssyncset.done $0x0  }
0x69: {  	s9 =	simm.s32 $0x0;
	[sflag:s30] =	ssyncadd.s32 $0xFFFFF380  }
0x6a: {  	[tilespmem:s9], [sflag:$0x3] =	stream.linear.gather [hbm4b:s11+s9], $0xC80, $0x38;
	[tilespmem:$0x1E800] =	vst v63  }
0x6b: {  	_ = 	snop  }
0x6c: {  	[tilespmem:s17], [sflag:$0x3] =	stream.linear.gather [hbm4b:s12+s9], $0xC80, $0x38;
	[tilespmem:$0x1E800] =	vst v63  }
0x6d: {  	_ = 	snop  }
0x6e: {  	[tilespmem:s24], [sflag:$0x1] =	stream.indirect.gather [hbm4b:s4+s23], $0x80, s21, s23, $0xb8;
	[tilespmem:$0x1E800] =	vst v63  }
0x6f: {  	s5 =	simm.s32 $0x1080  }
0x70: {  	[tilespmem:s25], [sflag:$0x2] =	stream.indirect.gather [hbm4b:s4+s23], $0x80, s5, s23, $0xb8;
	[tilespmem:$0x1E800] =	vst v63  }
0x71: {  	_ =	swait.ge [sflag:s26], $0x3200  }
0x72: {  	[sflag:s26] =	ssyncset.done $0x0  }
0x73: {  	s6 =	simm.s32 $0x3000;
	[sflag:s26] =	ssyncadd.s32 $0xFFFFCE00  }
0x74: {  	[spmem:s2] =	stream.indirect.scatter.add.f32 [tilespmem:s24], [sflag:$0x5], $0x80, s6, s23, $0xb8;
	[tilespmem:$0x1E800] =	vst v63  }
0x75: {  	_ =	swait.ge [sflag:s19], $0x3200  }
0x76: {  	[sflag:s19] =	ssyncset.done $0x0  }
0x77: {  	s7 =	simm.s32 $0x1100;
	[sflag:s19] =	ssyncadd.s32 $0xFFFFCE00  }
0x78: {  	[tilespmem:s24], [sflag:$0x1] =	stream.indirect.gather [hbm4b:s4+s23], $0x80, s7, s23, $0xb8;
	[tilespmem:$0x1E800] =	vst v63  }
0x79: {  	_ =	swait.ge [sflag:s28], $0x3200  }
0x7a: {  	[sflag:s28] =	ssyncset.done $0x0  }
0x7b: {  	s9 =	simm.s32 $0x3080;
	[sflag:s28] =	ssyncadd.s32 $0xFFFFCE00  }
0x7c: {  	[spmem:s2] =	stream.indirect.scatter.add.f32 [tilespmem:s25], [sflag:$0x5], $0x80, s9, s23, $0xb8;
	[tilespmem:$0x1E800] =	vst v63  }
0x7d: {  	_ =	swait.ge [sflag:s19], $0x3200  }
0x7e: {  	s1 =	simm.s32 $0x100;
	s5 =	simm.s32 $0x800;
	[sflag:s19] =	ssyncset.done $0x0  }
.LBB2_4:
0x7f: {  	s6 =	sadd.s32 $0x1080, s1  }
0x80: {  	[sflag:s19] =	ssyncadd.s32 $0xFFFFCE00;
	s7 =	smov.u32 s5;
	s9 =	sadd.s32 $0x400, s5  }
0x81: {  	[tilespmem:s25], [sflag:$0x2] =	stream.indirect.gather [hbm4b:s4+s23], $0x80, s6, s23, $0xb8;
	[tilespmem:$0x1E800] =	vst v63  }
0x82: {  	p0 =	sne.s32 s5, $0x2C00;
	_ =	swait.ge [sflag:s26], $0x3200  }
0x83: {  	[sflag:s26] =	ssyncset.done $0x0  }
0x84: {  	s5 =	sadd.s32 $0x3000, s1;
	[sflag:s26] =	ssyncadd.s32 $0xFFFFCE00  }
0x85: {  	[spmem:s2] =	stream.indirect.scatter.add.f32 [tilespmem:s24], [sflag:$0x5], $0x80, s5, s23, $0xb8;
	[tilespmem:$0x1E800] =	vst v63  }
0x86: {  	_ =	swait.ge [sflag:s19], $0x3200  }
0x87: {  	[sflag:s19] =	ssyncset.done $0x0  }
0x88: {  	s5 =	sadd.s32 $0x1100, s1;
	[sflag:s19] =	ssyncadd.s32 $0xFFFFCE00  }
0x89: {  	[tilespmem:s24], [sflag:$0x1] =	stream.indirect.gather [hbm4b:s4+s23], $0x80, s5, s23, $0xb8;
	[tilespmem:$0x1E800] =	vst v63  }
0x8a: {  	_ =	swait.ge [sflag:s28], $0x3200  }
.Ltmp1:
0x8b: {  	[sflag:s28] =	ssyncset.done $0x0;
	(pc) =	sbr.rel @p0 .LBB2_4-.Ltmp1, $4  }
0x8c: {  	s1 =	sadd.s32 $0x3080, s1;
	[sflag:s28] =	ssyncadd.s32 $0xFFFFCE00  }
0x8d: {  	[spmem:s2] =	stream.indirect.scatter.add.f32 [tilespmem:s25], [sflag:$0x5], $0x80, s1, s23, $0xb8;
	[tilespmem:$0x1E800] =	vst v63  }
0x8e: {  	_ =	swait.ge [sflag:s19], $0x3200  }
0x8f: {  	s5 =	smov.u32 s9;
	s1 =	sshra.s32 s7, $0x2;
	[sflag:s19] =	ssyncset.done $0x0  }
0x90: {  	s5 =	sadd.s32 $0x1080, s1;
	[sflag:s19] =	ssyncadd.s32 $0xFFFFCE00  }
0x91: {  	[tilespmem:s25], [sflag:$0x2] =	stream.indirect.gather [hbm4b:s4+s23], $0x80, s5, s23, $0xb8;
	[tilespmem:$0x1E800] =	vst v63  }
0x92: {  	_ =	swait.ge [sflag:s26], $0x3200  }
0x93: {  	[sflag:s26] =	ssyncset.done $0x0  }
0x94: {  	s9 =	sadd.s32 $0x3000, s1;
	[sflag:s26] =	ssyncadd.s32 $0xFFFFCE00  }
0x95: {  	[spmem:s2] =	stream.indirect.scatter.add.f32 [tilespmem:s24], [sflag:$0x5], $0x80, s9, s23, $0xb8;
	[tilespmem:$0x1E800] =	vst v63  }
0x96: {  	_ =	swait.ge [sflag:s19], $0x3200  }
0x97: {  	[sflag:s19] =	ssyncset.done $0x0  }
0x98: {  	s6 =	sadd.s32 $0x1100, s1;
	[sflag:s19] =	ssyncadd.s32 $0xFFFFCE00  }
0x99: {  	[tilespmem:s24], [sflag:$0x1] =	stream.indirect.gather [hbm4b:s4+s23], $0x80, s6, s23, $0xb8;
	[tilespmem:$0x1E800] =	vst v63  }
0x9a: {  	_ =	swait.ge [sflag:s28], $0x3200  }
0x9b: {  	[sflag:s28] =	ssyncset.done $0x0  }
0x9c: {  	s7 =	sadd.s32 $0x3080, s1;
	[sflag:s28] =	ssyncadd.s32 $0xFFFFCE00  }
0x9d: {  	[spmem:s2] =	stream.indirect.scatter.add.f32 [tilespmem:s25], [sflag:$0x5], $0x80, s7, s23, $0xb8;
	[tilespmem:$0x1E800] =	vst v63  }
0x9e: {  	_ =	swait.ge [sflag:s19], $0x3200  }
0x9f: {  	[sflag:s19] =	ssyncset.done $0x0  }
0xa0: {  	[sflag:s19] =	ssyncadd.s32 $0xFFFFCE00  }
0xa1: {  	_ =	swait.ge [sflag:s26], $0x3200  }
0xa2: {  	[sflag:s26] =	ssyncset.done $0x0  }
0xa3: {  	[sflag:s26] =	ssyncadd.s32 $0xFFFFCE00  }
0xa4: {  	[spmem:s2] =	stream.indirect.scatter.add.f32 [tilespmem:s24], [sflag:$0x5], $0x80, s31, s23, $0xb8;
	[tilespmem:$0x1E800] =	vst v63  }
0xa5: {  	_ =	swait.ge [sflag:s19], $0x3200  }
0xa6: {  	[sflag:s19] =	ssyncset.done $0x0  }
0xa7: {  	[sflag:s19] =	ssyncadd.s32 $0xFFFFCE00  }
0xa8: {  	_ =	swait.ge [sflag:s20], $0xC80  }
0xa9: {  	[sflag:s20] =	ssyncset.done $0x0  }
0xaa: {  	[sflag:s20] =	ssyncadd.s32 $0xFFFFF380  }
0xab: {  	_ =	swait.ge [sflag:s20], $0xC80  }
0xac: {  	[sflag:s20] =	ssyncset.done $0x0  }
0xad: {  	s9 =	simm.s32 $0x0;
	[sflag:s20] =	ssyncadd.s32 $0xFFFFF380  }
0xae: {  	[tilespmem:s21], [sflag:$0x4] =	stream.linear.gather [hbm4b:s13+s9], $0xC80, $0x38;
	[tilespmem:$0x1E800] =	vst v63  }
0xaf: {  	_ = 	snop  }
0xb0: {  	[tilespmem:s22], [sflag:$0x4] =	stream.linear.gather [hbm4b:s14+s9], $0xC80, $0x38;
	[tilespmem:$0x1E800] =	vst v63  }
0xb1: {  	_ = 	snop  }
0xb2: {  	[tilespmem:s24], [sflag:$0x1] =	stream.indirect.gather [hbm4b:s4+s23], $0x80, s9, s23, $0xb8;
	[tilespmem:$0x1E800] =	vst v63  }
0xb3: {  	s5 =	simm.s32 $0x80  }
0xb4: {  	[tilespmem:s25], [sflag:$0x2] =	stream.indirect.gather [hbm4b:s4+s23], $0x80, s5, s23, $0xb8;
	[tilespmem:$0x1E800] =	vst v63  }
0xb5: {  	_ =	swait.ge [sflag:s26], $0x3200  }
0xb6: {  	[sflag:s26] =	ssyncset.done $0x0  }
0xb7: {  	s6 =	simm.s32 $0x2000;
	[sflag:s26] =	ssyncadd.s32 $0xFFFFCE00  }
0xb8: {  	[spmem:s2] =	stream.indirect.scatter.add.f32 [tilespmem:s24], [sflag:$0x5], $0x80, s6, s23, $0xb8;
	[tilespmem:$0x1E800] =	vst v63  }
0xb9: {  	_ =	swait.ge [sflag:s19], $0x3200  }
0xba: {  	[sflag:s19] =	ssyncset.done $0x0  }
0xbb: {  	s7 =	simm.s32 $0x100;
	[sflag:s19] =	ssyncadd.s32 $0xFFFFCE00  }
0xbc: {  	[tilespmem:s24], [sflag:$0x1] =	stream.indirect.gather [hbm4b:s4+s23], $0x80, s7, s23, $0xb8;
	[tilespmem:$0x1E800] =	vst v63  }
0xbd: {  	_ =	swait.ge [sflag:s28], $0x3200  }
0xbe: {  	[sflag:s28] =	ssyncset.done $0x0  }
0xbf: {  	s9 =	simm.s32 $0x2080;
	[sflag:s28] =	ssyncadd.s32 $0xFFFFCE00  }
0xc0: {  	[spmem:s2] =	stream.indirect.scatter.add.f32 [tilespmem:s25], [sflag:$0x5], $0x80, s9, s23, $0xb8;
	[tilespmem:$0x1E800] =	vst v63  }
0xc1: {  	_ =	swait.ge [sflag:s19], $0x3200  }
0xc2: {  	s1 =	simm.s32 $0x100;
	s5 =	simm.s32 $0x800;
	[sflag:s19] =	ssyncset.done $0x0  }
.LBB2_6:
0xc3: {  	s6 =	sadd.s32 $0x80, s1  }
0xc4: {  	[sflag:s19] =	ssyncadd.s32 $0xFFFFCE00;
	s7 =	smov.u32 s5;
	s9 =	sadd.s32 $0x400, s5  }
0xc5: {  	[tilespmem:s25], [sflag:$0x2] =	stream.indirect.gather [hbm4b:s4+s23], $0x80, s6, s23, $0xb8;
	[tilespmem:$0x1E800] =	vst v63  }
0xc6: {  	p0 =	sne.s32 s5, $0x2C00;
	_ =	swait.ge [sflag:s26], $0x3200  }
0xc7: {  	[sflag:s26] =	ssyncset.done $0x0  }
0xc8: {  	s5 =	sadd.s32 $0x2000, s1;
	[sflag:s26] =	ssyncadd.s32 $0xFFFFCE00  }
0xc9: {  	[spmem:s2] =	stream.indirect.scatter.add.f32 [tilespmem:s24], [sflag:$0x5], $0x80, s5, s23, $0xb8;
	[tilespmem:$0x1E800] =	vst v63  }
0xca: {  	_ =	swait.ge [sflag:s19], $0x3200  }
0xcb: {  	[sflag:s19] =	ssyncset.done $0x0  }
0xcc: {  	s5 =	sadd.s32 $0x100, s1;
	[sflag:s19] =	ssyncadd.s32 $0xFFFFCE00  }
0xcd: {  	[tilespmem:s24], [sflag:$0x1] =	stream.indirect.gather [hbm4b:s4+s23], $0x80, s5, s23, $0xb8;
	[tilespmem:$0x1E800] =	vst v63  }
0xce: {  	_ =	swait.ge [sflag:s28], $0x3200  }
.Ltmp2:
0xcf: {  	[sflag:s28] =	ssyncset.done $0x0;
	(pc) =	sbr.rel @p0 .LBB2_6-.Ltmp2, $4  }
0xd0: {  	s1 =	sadd.s32 $0x2080, s1;
	[sflag:s28] =	ssyncadd.s32 $0xFFFFCE00  }
0xd1: {  	[spmem:s2] =	stream.indirect.scatter.add.f32 [tilespmem:s25], [sflag:$0x5], $0x80, s1, s23, $0xb8;
	[tilespmem:$0x1E800] =	vst v63  }
0xd2: {  	_ =	swait.ge [sflag:s19], $0x3200  }
0xd3: {  	s5 =	smov.u32 s9;
	s1 =	sshra.s32 s7, $0x2;
	[sflag:s19] =	ssyncset.done $0x0  }
0xd4: {  	s5 =	sadd.s32 $0x80, s1;
	[sflag:s19] =	ssyncadd.s32 $0xFFFFCE00  }
0xd5: {  	[tilespmem:s25], [sflag:$0x2] =	stream.indirect.gather [hbm4b:s4+s23], $0x80, s5, s23, $0xb8;
	[tilespmem:$0x1E800] =	vst v63  }
0xd6: {  	_ =	swait.ge [sflag:s26], $0x3200  }
0xd7: {  	[sflag:s26] =	ssyncset.done $0x0  }
0xd8: {  	s6 =	sadd.s32 $0x2000, s1;
	[sflag:s26] =	ssyncadd.s32 $0xFFFFCE00  }
0xd9: {  	[spmem:s2] =	stream.indirect.scatter.add.f32 [tilespmem:s24], [sflag:$0x5], $0x80, s6, s23, $0xb8;
	[tilespmem:$0x1E800] =	vst v63  }
0xda: {  	_ =	swait.ge [sflag:s19], $0x3200  }
0xdb: {  	[sflag:s19] =	ssyncset.done $0x0  }
0xdc: {  	s7 =	sadd.s32 $0x100, s1;
	[sflag:s19] =	ssyncadd.s32 $0xFFFFCE00  }
0xdd: {  	[tilespmem:s24], [sflag:$0x1] =	stream.indirect.gather [hbm4b:s4+s23], $0x80, s7, s23, $0xb8;
	[tilespmem:$0x1E800] =	vst v63  }
0xde: {  	_ =	swait.ge [sflag:s28], $0x3200  }
0xdf: {  	[sflag:s28] =	ssyncset.done $0x0  }
0xe0: {  	s9 =	sadd.s32 $0x2080, s1;
	[sflag:s28] =	ssyncadd.s32 $0xFFFFCE00  }
0xe1: {  	[spmem:s2] =	stream.indirect.scatter.add.f32 [tilespmem:s25], [sflag:$0x5], $0x80, s9, s23, $0xb8;
	[tilespmem:$0x1E800] =	vst v63  }
0xe2: {  	_ =	swait.ge [sflag:s19], $0x3200  }
0xe3: {  	[sflag:s19] =	ssyncset.done $0x0  }
0xe4: {  	[sflag:s19] =	ssyncadd.s32 $0xFFFFCE00  }
0xe5: {  	_ =	swait.ge [sflag:s26], $0x3200  }
0xe6: {  	[sflag:s26] =	ssyncset.done $0x0  }
0xe7: {  	[sflag:s26] =	ssyncadd.s32 $0xFFFFCE00  }
0xe8: {  	[spmem:s2] =	stream.indirect.scatter.add.f32 [tilespmem:s24], [sflag:$0x5], $0x80, s29, s23, $0xb8;
	[tilespmem:$0x1E800] =	vst v63  }
0xe9: {  	_ =	swait.ge [sflag:s19], $0x3200  }
0xea: {  	[sflag:s19] =	ssyncset.done $0x0  }
0xeb: {  	[sflag:s19] =	ssyncadd.s32 $0xFFFFCE00  }
0xec: {  	_ =	swait.ge [sflag:s30], $0xC80  }
0xed: {  	[sflag:s30] =	ssyncset.done $0x0  }
0xee: {  	[sflag:s30] =	ssyncadd.s32 $0xFFFFF380  }
0xef: {  	_ =	swait.ge [sflag:s30], $0xC80  }
0xf0: {  	[sflag:s30] =	ssyncset.done $0x0  }
0xf1: {  	[sflag:s30] =	ssyncadd.s32 $0xFFFFF380  }
0xf2: {  	[tilespmem:s24], [sflag:$0x1] =	stream.indirect.gather [hbm4b:s4+s23], $0x80, s21, s23, $0xb8;
	[tilespmem:$0x1E800] =	vst v63  }
0xf3: {  	s5 =	simm.s32 $0x1080  }
0xf4: {  	[tilespmem:s25], [sflag:$0x2] =	stream.indirect.gather [hbm4b:s4+s23], $0x80, s5, s23, $0xb8;
	[tilespmem:$0x1E800] =	vst v63  }
0xf5: {  	_ =	swait.ge [sflag:s26], $0x3200  }
0xf6: {  	[sflag:s26] =	ssyncset.done $0x0  }
0xf7: {  	s6 =	simm.s32 $0x3000;
	[sflag:s26] =	ssyncadd.s32 $0xFFFFCE00  }
0xf8: {  	[spmem:s2] =	stream.indirect.scatter.add.f32 [tilespmem:s24], [sflag:$0x5], $0x80, s6, s23, $0xb8;
	[tilespmem:$0x1E800] =	vst v63  }
0xf9: {  	_ =	swait.ge [sflag:s19], $0x3200  }
0xfa: {  	[sflag:s19] =	ssyncset.done $0x0  }
0xfb: {  	s7 =	simm.s32 $0x1100;
	[sflag:s19] =	ssyncadd.s32 $0xFFFFCE00  }
0xfc: {  	[tilespmem:s24], [sflag:$0x1] =	stream.indirect.gather [hbm4b:s4+s23], $0x80, s7, s23, $0xb8;
	[tilespmem:$0x1E800] =	vst v63  }
0xfd: {  	_ =	swait.ge [sflag:s28], $0x3200  }
0xfe: {  	[sflag:s28] =	ssyncset.done $0x0  }
0xff: {  	s9 =	simm.s32 $0x3080;
	[sflag:s28] =	ssyncadd.s32 $0xFFFFCE00  }
0x100: {  	[spmem:s2] =	stream.indirect.scatter.add.f32 [tilespmem:s25], [sflag:$0x5], $0x80, s9, s23, $0xb8;
	[tilespmem:$0x1E800] =	vst v63  }
0x101: {  	_ =	swait.ge [sflag:s19], $0x3200  }
0x102: {  	s1 =	simm.s32 $0x100;
	s5 =	simm.s32 $0x800;
	[sflag:s19] =	ssyncset.done $0x0  }
.LBB2_8:
0x103: {  	s6 =	sadd.s32 $0x1080, s1  }
0x104: {  	[sflag:s19] =	ssyncadd.s32 $0xFFFFCE00;
	s7 =	smov.u32 s5;
	s9 =	sadd.s32 $0x400, s5  }
0x105: {  	[tilespmem:s25], [sflag:$0x2] =	stream.indirect.gather [hbm4b:s4+s23], $0x80, s6, s23, $0xb8;
	[tilespmem:$0x1E800] =	vst v63  }
0x106: {  	p0 =	sne.s32 s5, $0x2C00;
	_ =	swait.ge [sflag:s26], $0x3200  }
0x107: {  	[sflag:s26] =	ssyncset.done $0x0  }
0x108: {  	s5 =	sadd.s32 $0x3000, s1;
	[sflag:s26] =	ssyncadd.s32 $0xFFFFCE00  }
0x109: {  	[spmem:s2] =	stream.indirect.scatter.add.f32 [tilespmem:s24], [sflag:$0x5], $0x80, s5, s23, $0xb8;
	[tilespmem:$0x1E800] =	vst v63  }
0x10a: {  	_ =	swait.ge [sflag:s19], $0x3200  }
0x10b: {  	[sflag:s19] =	ssyncset.done $0x0  }
0x10c: {  	s5 =	sadd.s32 $0x1100, s1;
	[sflag:s19] =	ssyncadd.s32 $0xFFFFCE00  }
0x10d: {  	[tilespmem:s24], [sflag:$0x1] =	stream.indirect.gather [hbm4b:s4+s23], $0x80, s5, s23, $0xb8;
	[tilespmem:$0x1E800] =	vst v63  }
0x10e: {  	_ =	swait.ge [sflag:s28], $0x3200  }
.Ltmp3:
0x10f: {  	[sflag:s28] =	ssyncset.done $0x0;
	(pc) =	sbr.rel @p0 .LBB2_8-.Ltmp3, $4  }
0x110: {  	s1 =	sadd.s32 $0x3080, s1;
	[sflag:s28] =	ssyncadd.s32 $0xFFFFCE00  }
0x111: {  	[spmem:s2] =	stream.indirect.scatter.add.f32 [tilespmem:s25], [sflag:$0x5], $0x80, s1, s23, $0xb8;
	[tilespmem:$0x1E800] =	vst v63  }
0x112: {  	_ =	swait.ge [sflag:s19], $0x3200  }
0x113: {  	s5 =	smov.u32 s9;
	s1 =	sshra.s32 s7, $0x2;
	[sflag:s19] =	ssyncset.done $0x0  }
0x114: {  	s5 =	sadd.s32 $0x1080, s1;
	[sflag:s19] =	ssyncadd.s32 $0xFFFFCE00  }
0x115: {  	[tilespmem:s25], [sflag:$0x2] =	stream.indirect.gather [hbm4b:s4+s23], $0x80, s5, s23, $0xb8;
	[tilespmem:$0x1E800] =	vst v63  }
0x116: {  	_ =	swait.ge [sflag:s26], $0x3200  }
0x117: {  	[sflag:s26] =	ssyncset.done $0x0  }
0x118: {  	s6 =	sadd.s32 $0x3000, s1;
	[sflag:s26] =	ssyncadd.s32 $0xFFFFCE00  }
0x119: {  	[spmem:s2] =	stream.indirect.scatter.add.f32 [tilespmem:s24], [sflag:$0x5], $0x80, s6, s23, $0xb8;
	[tilespmem:$0x1E800] =	vst v63  }
0x11a: {  	_ =	swait.ge [sflag:s19], $0x3200  }
0x11b: {  	[sflag:s19] =	ssyncset.done $0x0  }
0x11c: {  	s7 =	sadd.s32 $0x1100, s1;
	[sflag:s19] =	ssyncadd.s32 $0xFFFFCE00  }
0x11d: {  	[tilespmem:s24], [sflag:$0x1] =	stream.indirect.gather [hbm4b:s4+s23], $0x80, s7, s23, $0xb8;
	[tilespmem:$0x1E800] =	vst v63  }
0x11e: {  	_ =	swait.ge [sflag:s28], $0x3200  }
0x11f: {  	[sflag:s28] =	ssyncset.done $0x0  }
0x120: {  	s9 =	sadd.s32 $0x3080, s1;
	[sflag:s28] =	ssyncadd.s32 $0xFFFFCE00  }
0x121: {  	[spmem:s2] =	stream.indirect.scatter.add.f32 [tilespmem:s25], [sflag:$0x5], $0x80, s9, s23, $0xb8;
	[tilespmem:$0x1E800] =	vst v63  }
0x122: {  	_ =	swait.ge [sflag:s19], $0x3200  }
0x123: {  	[sflag:s19] =	ssyncset.done $0x0  }
0x124: {  	[sflag:s19] =	ssyncadd.s32 $0xFFFFCE00  }
0x125: {  	_ =	swait.ge [sflag:s26], $0x3200  }
0x126: {  	[sflag:s26] =	ssyncset.done $0x0  }
0x127: {  	[sflag:s26] =	ssyncadd.s32 $0xFFFFCE00  }
0x128: {  	[spmem:s2] =	stream.indirect.scatter.add.f32 [tilespmem:s24], [sflag:$0x5], $0x80, s31, s23, $0xb8;
	[tilespmem:$0x1E800] =	vst v63  }
0x129: {  	_ =	swait.ge [sflag:s19], $0x3200  }
0x12a: {  	s0 =	sadd.s32 $0x1, s0;
	[sflag:s19] =	ssyncset.done $0x0  }
0x12b: {  	p0 =	sne.s32 s0, s16;
	[sflag:s19] =	ssyncadd.s32 $0xFFFFCE00  }
.Ltmp4:
0x12c: {  	[bflag:$0x0] =	sbarrier.arrive $0xFFFF;
	(pc) =	sbr.rel @p0 .LBB2_1-.Ltmp4, $4  }
0x12d: {  	[hbm:s15], [sflag:s8] =	dma.local [spmem:s18], $0x2800  }
0x12e: {  	_ =	swait.ge [sflag:s19], $0x2800  }
0x12f: {  	[sflag:s19] =	ssyncset.done $0x0  }
0x130: {  	[sflag:s19] =	ssyncadd.s32 $0xFFFFD800  }
0x131: {  	_ =	sfence.sel $0x180000  }
0x132: {  	[bflag:$0x0] =	sbarrier.arrive $0xFFFF  }
0x133: {  	_ =	strace $0x90000047  }
0x134: {  	s0 =	stileid.u32;
	[bflag:$0x2] =	sbarrier.arrive $0xFFFF  }
0x135: {  	p0 =	sne.s32 s0, $0x0;
	s0 =	rddreg [dreg:$0x2]  }
0x136: {  	s0 =	sadd.s32 @!p0 $0x100000, s0  }
0x137: {  	[sflag:s0] =	ssyncadd.tile.s32 @!p0 $0x1;
	_ =	shalt  }
.Lfunc_end2:
_tile_overlayer_lowered:
.L_overlay_start_2:
0x138: {  	(tag) =	ssettag $0x2  }
0x139: {  	s0 =	rddreg [dreg:$0x0];
	s2 =	stileid.u32  }
0x13a: {  	s1 =	rddreg [dreg:$0x1];
	p0 =	sne.s32 s2, $0x0  }
0x13b: {  	s3 =	rddreg [dreg:$0x2];
	[bflag:$0x3] =	sbarrier.arrive $0xFFFF;
	s2 =	simm.s32 @!p0 $0x1C05  }
0x13c: {  	[timem:s3], [sflag:s2] =	dma.local @!p0 [hbm:s0], s1  }
0x13d: {  	s0 =	simm.s32 @!p0 $0x5  }
0x13e: {  	_ =	swait.ge @!p0 [sflag:s0], s1  }
0x13f: {  	s1 =	ssub.s32 @!p0 $0x0, s1;
	[sflag:s0] =	ssyncset.done @!p0 $0x0  }
0x140: {  	[sflag:s0] =	ssyncadd.s32 @!p0 s1  }
0x141: {  	[bflag:$0x3] =	sbarrier.arrive $0xFFFF  }
0x142: {  	_ =	shalt  }

</sc_bundles>
